<compile_context>
chip_gen: v7x
topology: tpu7x:2x2x1
jax: 0.10.2.dev20260603
libtpu: 0.0.44.dev20260713+nightly
codegen_flags: <defaults>
</compile_context>

<pallas_src>
import functools

import jax
import jax.numpy as jnp
from jax import lax
from jax.experimental import pallas as pl
from jax.experimental.pallas import tpu as pltpu
from jax.experimental.pallas import tpu_sc as plsc

N = 50000
E = 800000
H = 64
HH = 32
L = 4

NC = 2
NS = 16

CH = 128
NCHG = E // CH
CPB = NCHG // NS
CPX = NCHG - CPB * NS
CPS = 5
KR = 6
DP = 3
ZCH = 50
NZCH = N // ZCH
CPCH = 1000
NCP = N // CPCH


def _sc_segment_sum_body(h2, src2, dst2, out, agg, rows, sidx, didx, zrows,
                         isem, gsem, ssem, zsem):
    cid = lax.axis_index("c")
    sid = lax.axis_index("s")

    cbase = sid * CPB + jnp.minimum(sid, CPX)
    nch = CPB + jnp.where(sid < CPX, 1, 0)

    pltpu.async_copy(src2.at[pl.ds(cbase, CPS)], sidx.at[0], isem.at[0])
    pltpu.async_copy(dst2.at[pl.ds(cbase, CPS)], didx.at[0], isem.at[0])

    def zero_row(r, _):
        z = jnp.zeros((16,), jnp.float32)
        zrows[r, pl.ds(0, 16)] = z
        zrows[r, pl.ds(16, 16)] = z
        return 0

    lax.fori_loop(0, ZCH, zero_row, 0)

    def zero_dma(j, _):
        idx = sid + j * NS

        @pl.when(idx < NZCH)
        def _():
            pltpu.async_copy(zrows, agg.at[pl.ds(idx * ZCH, ZCH)], zsem)

        return 0

    nz = (NZCH + NS - 1) // NS
    lax.fori_loop(0, nz, zero_dma, 0)

    def zero_drain(j, _):
        idx = sid + j * NS

        @pl.when(idx < NZCH)
        def _():
            pltpu.make_async_copy(zrows, agg.at[pl.ds(0, ZCH)], zsem).wait()

        return 0

    lax.fori_loop(0, nz, zero_drain, 0)

    plsc.subcore_barrier()

    hhalf = h2.at[cid]

    def wait_gather(j):
        pltpu.make_async_copy(hhalf.at[pl.ds(0, CH)], rows.at[j],
                              gsem.at[j]).wait()

    def wait_scatter(j):
        pltpu.make_async_copy(rows.at[j], agg.at[pl.ds(0, CH)],
                              ssem.at[j]).wait()

    def pipeline_step(c, _):
        @pl.when(c < nch)
        def _():
            sup = c // CPS
            j = lax.rem(c, CPS)
            tb = lax.rem(sup, 3)

            @pl.when(j == 0)
            def _():
                @pl.when((sup + 1) * CPS < nch)
                def _():
                    tn = lax.rem(sup + 1, 3)
                    base = cbase + (sup + 1) * CPS
                    pltpu.async_copy(src2.at[pl.ds(base, CPS)],
                                     sidx.at[tn], isem.at[tn])
                    pltpu.async_copy(dst2.at[pl.ds(base, CPS)],
                                     didx.at[tn], isem.at[tn])

                pltpu.make_async_copy(src2.at[pl.ds(0, CPS)],
                                      sidx.at[tb], isem.at[tb]).wait()
                pltpu.make_async_copy(dst2.at[pl.ds(0, CPS)],
                                      didx.at[tb], isem.at[tb]).wait()

            b = lax.rem(c, KR)

            @pl.when(c >= KR)
            def _():
                wait_scatter(b)

            pltpu.async_copy(hhalf.at[sidx.at[tb, j]], rows.at[b], gsem.at[b])

        @pl.when(c >= DP)
        def _():
            cc = c - DP
            sup2 = cc // CPS
            j2 = lax.rem(cc, CPS)
            tb2 = lax.rem(sup2, 3)
            b2 = lax.rem(cc, KR)
            wait_gather(b2)
            pltpu.async_copy(rows.at[b2], agg.at[didx.at[tb2, j2]],
                             ssem.at[b2], add=True)

        return 0

    lax.fori_loop(0, nch + DP, pipeline_step, 0)

    def drain(j, _):
        wait_scatter(j)
        return 0

    lax.fori_loop(0, KR, drain, 0)

    plsc.subcore_barrier()

    def copy_out(j, _):
        idx = sid + j * NS

        @pl.when(idx < NCP)
        def _():
            pltpu.async_copy(agg.at[pl.ds(idx * CPCH, CPCH)],
                             out.at[cid].at[pl.ds(idx * CPCH, CPCH)], zsem)

        return 0

    ncp = (NCP + NS - 1) // NS
    lax.fori_loop(0, ncp, copy_out, 0)

    def copy_drain(j, _):
        idx = sid + j * NS

        @pl.when(idx < NCP)
        def _():
            pltpu.make_async_copy(agg.at[pl.ds(0, CPCH)],
                                  out.at[cid].at[pl.ds(0, CPCH)], zsem).wait()

        return 0

    lax.fori_loop(0, ncp, copy_drain, 0)


_sc_segment_sum = functools.partial(
    pl.kernel,
    out_type=jax.ShapeDtypeStruct((NC, N, HH), jnp.float32),
    mesh=plsc.VectorSubcoreMesh(core_axis_name="c", subcore_axis_name="s",
                                num_cores=NC, num_subcores=NS),
    scratch_types=[
        pltpu.VMEM_SHARED((N, HH), jnp.float32),
        pltpu.VMEM((KR, CH, HH), jnp.float32),
        pltpu.VMEM((3, CPS, CH), jnp.int32),
        pltpu.VMEM((3, CPS, CH), jnp.int32),
        pltpu.VMEM((ZCH, HH), jnp.float32),
        pltpu.SemaphoreType.DMA((3,)),
        pltpu.SemaphoreType.DMA((KR,)),
        pltpu.SemaphoreType.DMA((KR,)),
        pltpu.SemaphoreType.DMA,
    ],
    compiler_params=pltpu.CompilerParams(use_tc_tiling_on_sc=False),
)(_sc_segment_sum_body)


def sc_segment_sum(h2, src2, dst2):
    return _sc_segment_sum(h2, src2, dst2)



NP4 = N // 4
RBLK = 500
NSTEPS = NP4 // RBLK


def _embed_body(xp_ref, m_ref, out_ref):
    o = jnp.dot(xp_ref[0], m_ref[...], preferred_element_type=jnp.float32)
    out_ref[0, 0] = o[:, :128]
    out_ref[1, 0] = o[:, 128:]


def tc_embed(x_packed, m_embed):
    return pl.pallas_call(
        _embed_body,
        grid=(NSTEPS,),
        in_specs=[
            pl.BlockSpec((1, RBLK, 256), lambda i: (i, 0, 0)),
            pl.BlockSpec((256, 256), lambda i: (0, 0)),
        ],
        out_specs=pl.BlockSpec((NC, 1, RBLK, 128), lambda i: (0, i, 0, 0)),
        out_shape=jax.ShapeDtypeStruct((NC, NSTEPS, RBLK, 128), jnp.float32),
    )(x_packed, m_embed)


def _layer_body(agg_ref, m0_ref, m1_ref, b_ref, out_ref):
    o = (jnp.dot(agg_ref[0, 0], m0_ref[...], preferred_element_type=jnp.float32)
         + jnp.dot(agg_ref[1, 0], m1_ref[...], preferred_element_type=jnp.float32)
         + b_ref[...])
    o = jnp.maximum(o, 0.0)
    out_ref[0, 0] = o[:, :128]
    out_ref[1, 0] = o[:, 128:]


def tc_layer(agg2, m0, m1, b_packed):
    return pl.pallas_call(
        _layer_body,
        grid=(NSTEPS,),
        in_specs=[
            pl.BlockSpec((NC, 1, RBLK, 128), lambda i: (0, i, 0, 0)),
            pl.BlockSpec((128, 256), lambda i: (0, 0)),
            pl.BlockSpec((128, 256), lambda i: (0, 0)),
            pl.BlockSpec((1, 256), lambda i: (0, 0)),
        ],
        out_specs=pl.BlockSpec((NC, 1, RBLK, 128), lambda i: (0, i, 0, 0)),
        out_shape=jax.ShapeDtypeStruct((NC, NSTEPS, RBLK, 128), jnp.float32),
    )(agg2, m0, m1, b_packed)


def _final_body(agg_ref, m0_ref, m1_ref, b_ref, wout_ref, out_ref, acc_ref):
    i = pl.program_id(0)

    @pl.when(i == 0)
    def _():
        acc_ref[...] = jnp.zeros_like(acc_ref)

    o = (jnp.dot(agg_ref[0, 0], m0_ref[...], preferred_element_type=jnp.float32)
         + jnp.dot(agg_ref[1, 0], m1_ref[...], preferred_element_type=jnp.float32)
         + b_ref[...])
    o = jnp.maximum(o, 0.0)
    acc_ref[...] += jnp.sum(o, axis=0, keepdims=True)

    @pl.when(i == NSTEPS - 1)
    def _():
        acc = acc_ref[...]
        s0 = acc[:, 0:32] + acc[:, 32:64] + acc[:, 64:96] + acc[:, 96:128]
        s1 = (acc[:, 128:160] + acc[:, 160:192] + acc[:, 192:224]
              + acc[:, 224:256])
        w = wout_ref[...]
        tot = jnp.sum(s0 * w[:, :HH]) + jnp.sum(s1 * w[:, HH:])
        out_ref[...] = tot.reshape(1, 1)


def tc_final(agg2, m0, m1, b_packed, wout_row):
    return pl.pallas_call(
        _final_body,
        grid=(NSTEPS,),
        in_specs=[
            pl.BlockSpec((NC, 1, RBLK, 128), lambda i: (0, i, 0, 0)),
            pl.BlockSpec((128, 256), lambda i: (0, 0)),
            pl.BlockSpec((128, 256), lambda i: (0, 0)),
            pl.BlockSpec((1, 256), lambda i: (0, 0)),
            pl.BlockSpec((1, H), lambda i: (0, 0)),
        ],
        out_specs=pl.BlockSpec((1, 1), lambda i: (0, 0)),
        out_shape=jax.ShapeDtypeStruct((1, 1), jnp.float32),
        scratch_shapes=[pltpu.VMEM((1, 256), jnp.float32)],
    )(agg2, m0, m1, b_packed, wout_row)


def _expand_gcn_w(w):
    wr = w.reshape(2, 32, 2, 32)
    m = jnp.einsum('cfdj,qp->cqfdpj', wr, jnp.eye(4, dtype=w.dtype))
    return m.reshape(256, 256)


def _expand_embed_w(w):
    wr = w.reshape(64, 2, 32)
    m = jnp.einsum('dcj,qp->qdcpj', wr, jnp.eye(4, dtype=w.dtype))
    return m.reshape(256, 256)


def kernel(x, edge_index, edge_attr, W_node, W_edge, W_gcn, b_gcn, W_out):
    del edge_attr, W_edge
    d_in = x.shape[1]
    x_packed = jnp.pad(x, ((0, 0), (0, H - d_in))).reshape(NSTEPS, RBLK, 4 * H)
    m_embed = _expand_embed_w(jnp.pad(W_node, ((0, H - d_in), (0, 0))))
    src2 = edge_index[0].reshape(NCHG, CH)
    dst2 = edge_index[1].reshape(NCHG, CH)

    h2 = tc_embed(x_packed, m_embed)
    for i in range(L):
        agg2 = sc_segment_sum(h2.reshape(NC, N, HH), src2,
                              dst2).reshape(NC, NSTEPS, RBLK, 128)
        m = _expand_gcn_w(W_gcn[i])
        m0, m1 = m[:128], m[128:]
        b_packed = jnp.tile(b_gcn[i].reshape(2, 1, 32),
                            (1, 4, 1)).reshape(1, 256)
        if i < L - 1:
            h2 = tc_layer(agg2, m0, m1, b_packed)
        else:
            out = tc_final(agg2, m0, m1, b_packed, W_out.reshape(1, H))
    return out

# --- scband reference (transcript-rebuilt; emitter-appended) ---
"""Pipeline reference for scband-my-model-36996848287868 (READ-ONLY COPY).

The authoritative reference and input builder live on the scoring server;
editing this copy changes nothing except your own understanding.
"""

import jax, jax.numpy as jnp
import numpy as np

N = 50000
E = 800000
D_IN = 58
D_E = 6
H = 64
L = 4


def setup_inputs(seed: int = 0) -> dict:
    key = jax.random.key(seed)
    ks = jax.random.split(key, 8)
    x = jax.random.normal(ks[0], (N, D_IN), dtype=jnp.float32)
    edge_index = jax.random.randint(ks[1], (2, E), 0, N, dtype=jnp.int32)
    edge_attr = jax.random.normal(ks[2], (E, D_E), dtype=jnp.float32)
    W_node = jax.random.normal(ks[3], (D_IN, H), dtype=jnp.float32) * 0.1
    W_edge = jax.random.normal(ks[4], (D_E, H), dtype=jnp.float32) * 0.1
    W_gcn = jax.random.normal(ks[5], (L, H, H), dtype=jnp.float32) * 0.05
    b_gcn = jnp.zeros((L, H), dtype=jnp.float32)
    W_out = jax.random.normal(ks[6], (H, 1), dtype=jnp.float32) * 0.1
    return {"x": x, "edge_index": edge_index, "edge_attr": edge_attr,
            "W_node": W_node, "W_edge": W_edge, "W_gcn": W_gcn,
            "b_gcn": b_gcn, "W_out": W_out}


def reference(x, edge_index, edge_attr, W_node, W_edge, W_gcn, b_gcn, W_out):
    # embedding_node / embedding_edge (bias=False linears)
    h = x @ W_node                      # [N, H]
    e_ij = edge_attr @ W_edge           # [E, H] (embedded; unused by gcn layers)
    src = edge_index[0]
    dst = edge_index[1]
    # num_layers GraphConvolution layers: sum-aggregate neighbor messages,
    # linear transform, relu activation (dropout inactive: training=False)
    for i in range(L):
        m = jnp.take(h, src, axis=0)                       # gather source node feats
        agg = jax.ops.segment_sum(m, dst, num_segments=N)  # scatter-add to dst
        h = jax.nn.relu(agg @ W_gcn[i] + b_gcn[i])
    # readout 'sum' over the single graph -> [1, H]
    g = jnp.sum(h, axis=0, keepdims=True)
    out = g @ W_out                     # linear_out, bias=False -> [1, 1]
    return out

if __name__ == "__main__":
    import jax
    _d = setup_inputs()
    print(jax.jit(kernel)(*tuple(_d.values())))

</pallas_src>

<mosaic_0001>
#map = affine_map<(d0, d1) -> (0, 0, 0)>
#map1 = affine_map<(d0, d1) -> (0, 0)>
module attributes {stable_mosaic.version = 14 : i64} {
  func.func @_sc_segment_sum_body(%arg0: i32, %arg1: i32, %arg2: memref<2x50000x32xf32, #tpu.memory_space<hbm>>, %arg3: memref<6250x128xi32, #tpu.memory_space<hbm>>, %arg4: memref<6250x128xi32, #tpu.memory_space<hbm>>, %arg5: memref<2x50000x32xf32, #tpu.memory_space<hbm>>, %arg6: memref<50000x32xf32, #tpu.memory_space<vmem_shared>>, %arg7: memref<6x128x32xf32, #tpu.memory_space<vmem>>, %arg8: memref<3x5x128xi32, #tpu.memory_space<vmem>>, %arg9: memref<3x5x128xi32, #tpu.memory_space<vmem>>, %arg10: memref<50x32xf32, #tpu.memory_space<vmem>>, %arg11: memref<3x!tpu.dma_semaphore, #tpu.memory_space<semaphore_mem>>, %arg12: memref<6x!tpu.dma_semaphore, #tpu.memory_space<semaphore_mem>>, %arg13: memref<6x!tpu.dma_semaphore, #tpu.memory_space<semaphore_mem>>, %arg14: memref<!tpu.dma_semaphore, #tpu.memory_space<semaphore_mem>>) attributes {dimension_semantics = [#tpu.dimension_semantics<core_parallel>, #tpu.dimension_semantics<subcore_parallel>], iteration_bounds = array<i64: 2, 16>, scalar_prefetch = 0 : i64, scratch_operands = 9 : i64, tpu.core_type = #tpu.core_type<sc_vector_subcore>, window_params = [{transform_indices = #map}, {transform_indices = #map1}, {transform_indices = #map1}, {transform_indices = #map}]} {
    %mul3A = arith.constant 390 : i32
    %mul3A_0 = arith.muli %arg1, %mul3A : i32
    %min3A = arith.constant 10 : i32
    %min3A_1 = arith.minsi %arg1, %min3A : i32
    %add3A = arith.addi %mul3A_0, %min3A_1 : i32
    %lt3A = arith.constant 10 : i32
    %lt3A_2 = arith.cmpi slt, %arg1, %lt3A : i32
    %jit3A = arith.constant 1 : i32
    %jit3A_3 = arith.constant 0 : i32
    %select_n3A = arith.select %lt3A_2, %jit3A, %jit3A_3 : i32
    %add3A_4 = arith.constant 390 : i32
    %add3A_5 = arith.addi %add3A_4, %select_n3A : i32
    %dma_start3A = arith.constant 0 : i32
    %dma_start3A_6 = arith.constant 0 : i32
    %dma_start3A_7 = arith.constant 0 : i32
    %dma_start3A_8 = arith.constant 0 : i32
    %dma_start3A_9 = tpu.memref_slice %arg8[%dma_start3A, %dma_start3A_7, %dma_start3A_8] : memref<3x5x128xi32, #tpu.memory_space<vmem>> -> memref<1x5x128xi32, #tpu.memory_space<vmem>>
    %dma_start3A_10 = tpu.memref_squeeze %dma_start3A_9 : memref<1x5x128xi32, #tpu.memory_space<vmem>> -> memref<5x128xi32, #tpu.memory_space<vmem>>
    %dma_start3A_11 = arith.constant 0 : i32
    %dma_start3A_12 = tpu.memref_slice %arg3[%add3A, %dma_start3A_11] : memref<6250x128xi32, #tpu.memory_space<hbm>> -> memref<5x128xi32, #tpu.memory_space<hbm>>
    %dma_start3A_13 = tpu.memref_slice %arg11[%dma_start3A_6] : memref<3x!tpu.dma_semaphore, #tpu.memory_space<semaphore_mem>> -> memref<1x!tpu.dma_semaphore, #tpu.memory_space<semaphore_mem>>
    %dma_start3A_14 = tpu.memref_squeeze %dma_start3A_13 : memref<1x!tpu.dma_semaphore, #tpu.memory_space<semaphore_mem>> -> memref<!tpu.dma_semaphore, #tpu.memory_space<semaphore_mem>>
    %dma_start3A_15 = arith.constant 0 : i32
    %dma_start3A_16 = arith.constant 0 : i32
    %dma_start3A_17 = tpu.memref_slice %arg8[%dma_start3A, %dma_start3A_15, %dma_start3A_16] : memref<3x5x128xi32, #tpu.memory_space<vmem>> -> memref<1x5x128xi32, #tpu.memory_space<vmem>>
    %dma_start3A_18 = tpu.memref_squeeze %dma_start3A_17 : memref<1x5x128xi32, #tpu.memory_space<vmem>> -> memref<5x128xi32, #tpu.memory_space<vmem>>
    %dma_start3A_19 = arith.constant 0 : i32
    %dma_start3A_20 = tpu.memref_slice %arg3[%add3A, %dma_start3A_19] : memref<6250x128xi32, #tpu.memory_space<hbm>> -> memref<5x128xi32, #tpu.memory_space<hbm>>
    tpu.enqueue_dma source(%dma_start3A_20 : memref<5x128xi32, #tpu.memory_space<hbm>>) target(%dma_start3A_18 : memref<5x128xi32, #tpu.memory_space<vmem>>) target_semaphore(%dma_start3A_14 : memref<!tpu.dma_semaphore, #tpu.memory_space<semaphore_mem>>)
    %dma_start3A_21 = arith.constant 0 : i32
    %dma_start3A_22 = arith.constant 0 : i32
    %dma_start3A_23 = arith.constant 0 : i32
    %dma_start3A_24 = arith.constant 0 : i32
    %dma_start3A_25 = tpu.memref_slice %arg9[%dma_start3A_21, %dma_start3A_23, %dma_start3A_24] : memref<3x5x128xi32, #tpu.memory_space<vmem>> -> memref<1x5x128xi32, #tpu.memory_space<vmem>>
    %dma_start3A_26 = tpu.memref_squeeze %dma_start3A_25 : memref<1x5x128xi32, #tpu.memory_space<vmem>> -> memref<5x128xi32, #tpu.memory_space<vmem>>
    %dma_start3A_27 = arith.constant 0 : i32
    %dma_start3A_28 = tpu.memref_slice %arg4[%add3A, %dma_start3A_27] : memref<6250x128xi32, #tpu.memory_space<hbm>> -> memref<5x128xi32, #tpu.memory_space<hbm>>
    %dma_start3A_29 = tpu.memref_slice %arg11[%dma_start3A_22] : memref<3x!tpu.dma_semaphore, #tpu.memory_space<semaphore_mem>> -> memref<1x!tpu.dma_semaphore, #tpu.memory_space<semaphore_mem>>
    %dma_start3A_30 = tpu.memref_squeeze %dma_start3A_29 : memref<1x!tpu.dma_semaphore, #tpu.memory_space<semaphore_mem>> -> memref<!tpu.dma_semaphore, #tpu.memory_space<semaphore_mem>>
    %dma_start3A_31 = arith.constant 0 : i32
    %dma_start3A_32 = arith.constant 0 : i32
    %dma_start3A_33 = tpu.memref_slice %arg9[%dma_start3A_21, %dma_start3A_31, %dma_start3A_32] : memref<3x5x128xi32, #tpu.memory_space<vmem>> -> memref<1x5x128xi32, #tpu.memory_space<vmem>>
    %dma_start3A_34 = tpu.memref_squeeze %dma_start3A_33 : memref<1x5x128xi32, #tpu.memory_space<vmem>> -> memref<5x128xi32, #tpu.memory_space<vmem>>
    %dma_start3A_35 = arith.constant 0 : i32
    %dma_start3A_36 = tpu.memref_slice %arg4[%add3A, %dma_start3A_35] : memref<6250x128xi32, #tpu.memory_space<hbm>> -> memref<5x128xi32, #tpu.memory_space<hbm>>
    tpu.enqueue_dma source(%dma_start3A_36 : memref<5x128xi32, #tpu.memory_space<hbm>>) target(%dma_start3A_34 : memref<5x128xi32, #tpu.memory_space<vmem>>) target_semaphore(%dma_start3A_30 : memref<!tpu.dma_semaphore, #tpu.memory_space<semaphore_mem>>)
    %scan3A = arith.constant 0 : i32
    %scan3A_37 = arith.constant 0 : i32
    %scan3A_38 = arith.constant 50 : i32
    %scan3A_39 = arith.addi %scan3A_37, %scan3A_38 : i32
    %scan3A_40 = arith.constant 1 : i32
    %scan3A_41 = scf.for %scan3A_92 = %scan3A_37 to %scan3A_39 step %scan3A_40 iter_args(%scan3A_93 = %scan3A) -> (i32)  : i32 {
      %broadcast_in_dim3A = arith.constant 0.000000e+00 : f32
      %broadcast_in_dim3A_94 = vector.broadcast %broadcast_in_dim3A : f32 to vector<16xf32>
      %swap3A = arith.index_cast %scan3A_92 : i32 to index
      %swap3A_95 = arith.constant 0 : index
      %swap3A_96 = tpu.vector_load %arg10[%swap3A, %swap3A_95] {strides = array<i32>} : memref<50x32xf32, #tpu.memory_space<vmem>>, vector<1x16xf32>,
      %swap3A_97 = vector.shape_cast %swap3A_96 : vector<1x16xf32> to vector<16xf32>
      %swap3A_98 = vector.shape_cast %broadcast_in_dim3A_94 : vector<16xf32> to vector<1x16xf32>
      tpu.vector_store %arg10[%swap3A, %swap3A_95], %swap3A_98 {strides = array<i32>} : memref<50x32xf32, #tpu.memory_space<vmem>>, vector<1x16xf32>,
      %swap3A_99 = arith.index_cast %scan3A_92 : i32 to index
      %swap3A_100 = arith.constant 16 : index
      %swap3A_101 = tpu.vector_load %arg10[%swap3A_99, %swap3A_100] {strides = array<i32>} : memref<50x32xf32, #tpu.memory_space<vmem>>, vector<1x16xf32>,
      %swap3A_102 = vector.shape_cast %swap3A_101 : vector<1x16xf32> to vector<16xf32>
      %swap3A_103 = vector.shape_cast %broadcast_in_dim3A_94 : vector<16xf32> to vector<1x16xf32>
      tpu.vector_store %arg10[%swap3A_99, %swap3A_100], %swap3A_103 {strides = array<i32>} : memref<50x32xf32, #tpu.memory_space<vmem>>, vector<1x16xf32>,
      %scan3A_104 = arith.constant 0 : i32
      scf.yield %scan3A_104 : i32
    }
    %scan3A_42 = arith.constant 50 : i32
    %scan3A_43 = arith.constant 0 : i32
    %scan3A_44 = arith.constant 0 : i32
    %scan3A_45 = arith.constant 63 : i32
    %scan3A_46 = arith.addi %scan3A_44, %scan3A_45 : i32
    %scan3A_47 = arith.constant 1 : i32
    %scan3A_48 = scf.for %scan3A_92 = %scan3A_44 to %scan3A_46 step %scan3A_47 iter_args(%scan3A_93 = %scan3A_43) -> (i32)  : i32 {
      %mul3A_94 = arith.constant 16 : i32
      %mul3A_95 = arith.muli %scan3A_92, %mul3A_94 : i32
      %add3A_96 = arith.addi %arg1, %mul3A_95 : i32
      %lt3A_97 = arith.constant 1000 : i32
      %lt3A_98 = arith.cmpi slt, %add3A_96, %lt3A_97 : i32
      %convert_element_type3A = arith.extui %lt3A_98 : i1 to i32
      %cond3A = arith.constant 0 : i32
      %cond3A_99 = arith.cmpi ne, %convert_element_type3A, %cond3A : i32
      scf.if %cond3A_99 {
        %mul3A_101 = arith.constant 50 : i32
        %mul3A_102 = arith.muli %add3A_96, %mul3A_101 : i32
        %dma_start3A_103 = arith.constant 0 : i32
        %dma_start3A_104 = tpu.memref_slice %arg6[%mul3A_102, %dma_start3A_103] : memref<50000x32xf32, #tpu.memory_space<vmem_shared>> -> memref<50x32xf32, #tpu.memory_space<vmem_shared>>
        %dma_start3A_105 = arith.constant 0 : i32
        %dma_start3A_106 = tpu.memref_slice %arg6[%mul3A_102, %dma_start3A_105] : memref<50000x32xf32, #tpu.memory_space<vmem_shared>> -> memref<50x32xf32, #tpu.memory_space<vmem_shared>>
        tpu.enqueue_dma source(%arg10 : memref<50x32xf32, #tpu.memory_space<vmem>>) target(%dma_start3A_106 : memref<50x32xf32, #tpu.memory_space<vmem_shared>>) target_semaphore(%arg14 : memref<!tpu.dma_semaphore, #tpu.memory_space<semaphore_mem>>)
      } else {
      }
      %scan3A_100 = arith.constant 0 : i32
      scf.yield %scan3A_100 : i32
    }
    %scan3A_49 = arith.constant 63 : i32
    %scan3A_50 = arith.constant 0 : i32
    %scan3A_51 = arith.constant 0 : i32
    %scan3A_52 = arith.constant 63 : i32
    %scan3A_53 = arith.addi %scan3A_51, %scan3A_52 : i32
    %scan3A_54 = arith.constant 1 : i32
    %scan3A_55 = scf.for %scan3A_92 = %scan3A_51 to %scan3A_53 step %scan3A_54 iter_args(%scan3A_93 = %scan3A_50) -> (i32)  : i32 {
      %mul3A_94 = arith.constant 16 : i32
      %mul3A_95 = arith.muli %scan3A_92, %mul3A_94 : i32
      %add3A_96 = arith.addi %arg1, %mul3A_95 : i32
      %lt3A_97 = arith.constant 1000 : i32
      %lt3A_98 = arith.cmpi slt, %add3A_96, %lt3A_97 : i32
      %convert_element_type3A = arith.extui %lt3A_98 : i1 to i32
      %cond3A = arith.constant 0 : i32
      %cond3A_99 = arith.cmpi ne, %convert_element_type3A, %cond3A : i32
      scf.if %cond3A_99 {
        %dma_wait3A = arith.constant 0 : i32
        %dma_wait3A_101 = arith.constant 0 : i32
        %dma_wait3A_102 = tpu.memref_slice %arg6[%dma_wait3A, %dma_wait3A_101] : memref<50000x32xf32, #tpu.memory_space<vmem_shared>> -> memref<50x32xf32, #tpu.memory_space<vmem_shared>>
        %dma_wait3A_103 = arith.constant 0 : i32
        %dma_wait3A_104 = arith.constant 0 : i32
        %dma_wait3A_105 = tpu.memref_slice %arg6[%dma_wait3A_103, %dma_wait3A_104] : memref<50000x32xf32, #tpu.memory_space<vmem_shared>> -> memref<50x32xf32, #tpu.memory_space<vmem_shared>>
        tpu.wait_dma2 semaphore(%arg14 : memref<!tpu.dma_semaphore, #tpu.memory_space<semaphore_mem>>) src(%arg10 : memref<50x32xf32, #tpu.memory_space<vmem>>) dst(%dma_wait3A_105 : memref<50x32xf32, #tpu.memory_space<vmem_shared>>)
      } else {
      }
      %scan3A_100 = arith.constant 0 : i32
      scf.yield %scan3A_100 : i32
    }
    %scan3A_56 = arith.constant 63 : i32
    %barrier3A = arith.constant 0 : index
    tpu.barrier barrier_id(%barrier3A)
    %add3A_57 = arith.constant 3 : i32
    %add3A_58 = arith.addi %add3A_5, %add3A_57 : i32
    %while3A = arith.constant 0 : i32
    %while3A_59 = arith.constant 0 : i32
    %while3A_60 = arith.subi %add3A_58, %while3A : i32
    %while3A_61 = arith.addi %while3A, %while3A_60 : i32
    %while3A_62 = arith.constant 1 : i32
    %while3A_63 = arith.divsi %while3A_60, %while3A_62 : i32
    %while3A_64 = arith.muli %while3A_63, %while3A_62 : i32
    %while3A_65 = arith.addi %while3A, %while3A_64 : i32
    %while3A_66 = arith.constant 1 : i32
    %while3A_67 = scf.for %while3A_92 = %while3A to %while3A_65 step %while3A_66 iter_args(%while3A_93 = %while3A_59) -> (i32)  : i32 {
      %lt3A_94 = arith.cmpi slt, %while3A_92, %add3A_5 : i32
      %convert_element_type3A = arith.extui %lt3A_94 : i1 to i32
      %cond3A = arith.constant 0 : i32
      %cond3A_95 = arith.cmpi ne, %convert_element_type3A, %cond3A : i32
      scf.if %cond3A_95 {
        %jit3A_101 = arith.constant 5 : i32
        %div3A = arith.divsi %while3A_92, %jit3A_101 : i32
        %sign3A = arith.constant 0 : i32
        %sign3A_102 = arith.cmpi sgt, %while3A_92, %sign3A : i32
        %sign3A_103 = arith.extui %sign3A_102 : i1 to i32
        %sign3A_104 = arith.constant 0 : i32
        %sign3A_105 = arith.cmpi slt, %while3A_92, %sign3A_104 : i32
        %sign3A_106 = arith.extui %sign3A_105 : i1 to i32
        %sign3A_107 = arith.subi %sign3A_103, %sign3A_106 : i32
        %sign3A_108 = arith.constant 0 : i32
        %sign3A_109 = arith.cmpi sgt, %jit3A_101, %sign3A_108 : i32
        %sign3A_110 = arith.extui %sign3A_109 : i1 to i32
        %sign3A_111 = arith.constant 0 : i32
        %sign3A_112 = arith.cmpi slt, %jit3A_101, %sign3A_111 : i32
        %sign3A_113 = arith.extui %sign3A_112 : i1 to i32
        %sign3A_114 = arith.subi %sign3A_110, %sign3A_113 : i32
        %ne3A = arith.cmpi ne, %sign3A_107, %sign3A_114 : i32
        %rem3A = arith.remsi %while3A_92, %jit3A_101 : i32
        %ne3A_115 = arith.constant 0 : i32
        %ne3A_116 = arith.cmpi ne, %rem3A, %ne3A_115 : i32
        %and3A = arith.andi %ne3A, %ne3A_116 : i1
        %sub3A = arith.constant 1 : i32
        %sub3A_117 = arith.subi %div3A, %sub3A : i32
        %select_n3A_118 = arith.select %and3A, %sub3A_117, %div3A : i32
        %rem3A_119 = arith.constant 5 : i32
        %rem3A_120 = arith.remsi %while3A_92, %rem3A_119 : i32
        %rem3A_121 = arith.constant 3 : i32
        %rem3A_122 = arith.remsi %select_n3A_118, %rem3A_121 : i32
        %eq3A = arith.constant 0 : i32
        %eq3A_123 = arith.cmpi eq, %rem3A_120, %eq3A : i32
        %convert_element_type3A_124 = arith.extui %eq3A_123 : i1 to i32
        %cond3A_125 = arith.constant 0 : i32
        %cond3A_126 = arith.cmpi ne, %convert_element_type3A_124, %cond3A_125 : i32
        scf.if %cond3A_126 {
          %add3A_150 = arith.constant 1 : i32
          %add3A_151 = arith.addi %select_n3A_118, %add3A_150 : i32
          %mul3A_152 = arith.constant 5 : i32
          %mul3A_153 = arith.muli %add3A_151, %mul3A_152 : i32
          %lt3A_154 = arith.cmpi slt, %mul3A_153, %add3A_5 : i32
          %convert_element_type3A_155 = arith.extui %lt3A_154 : i1 to i32
          %cond3A_156 = arith.constant 0 : i32
          %cond3A_157 = arith.cmpi ne, %convert_element_type3A_155, %cond3A_156 : i32
          scf.if %cond3A_157 {
            %add3A_189 = arith.constant 1 : i32
            %add3A_190 = arith.addi %select_n3A_118, %add3A_189 : i32
            %rem3A_191 = arith.constant 3 : i32
            %rem3A_192 = arith.remsi %add3A_190, %rem3A_191 : i32
            %add3A_193 = arith.constant 1 : i32
            %add3A_194 = arith.addi %select_n3A_118, %add3A_193 : i32
            %mul3A_195 = arith.constant 5 : i32
            %mul3A_196 = arith.muli %add3A_194, %mul3A_195 : i32
            %add3A_197 = arith.addi %add3A, %mul3A_196 : i32
            %dma_start3A_198 = arith.constant 0 : i32
            %dma_start3A_199 = arith.constant 0 : i32
            %dma_start3A_200 = tpu.memref_slice %arg8[%rem3A_192, %dma_start3A_198, %dma_start3A_199] : memref<3x5x128xi32, #tpu.memory_space<vmem>> -> memref<1x5x128xi32, #tpu.memory_space<vmem>>
            %dma_start3A_201 = tpu.memref_squeeze %dma_start3A_200 : memref<1x5x128xi32, #tpu.memory_space<vmem>> -> memref<5x128xi32, #tpu.memory_space<vmem>>
            %dma_start3A_202 = arith.constant 0 : i32
            %dma_start3A_203 = tpu.memref_slice %arg3[%add3A_197, %dma_start3A_202] : memref<6250x128xi32, #tpu.memory_space<hbm>> -> memref<5x128xi32, #tpu.memory_space<hbm>>
            %dma_start3A_204 = tpu.memref_slice %arg11[%rem3A_192] : memref<3x!tpu.dma_semaphore, #tpu.memory_space<semaphore_mem>> -> memref<1x!tpu.dma_semaphore, #tpu.memory_space<semaphore_mem>>
            %dma_start3A_205 = tpu.memref_squeeze %dma_start3A_204 : memref<1x!tpu.dma_semaphore, #tpu.memory_space<semaphore_mem>> -> memref<!tpu.dma_semaphore, #tpu.memory_space<semaphore_mem>>
            %dma_start3A_206 = arith.constant 0 : i32
            %dma_start3A_207 = arith.constant 0 : i32
            %dma_start3A_208 = tpu.memref_slice %arg8[%rem3A_192, %dma_start3A_206, %dma_start3A_207] : memref<3x5x128xi32, #tpu.memory_space<vmem>> -> memref<1x5x128xi32, #tpu.memory_space<vmem>>
            %dma_start3A_209 = tpu.memref_squeeze %dma_start3A_208 : memref<1x5x128xi32, #tpu.memory_space<vmem>> -> memref<5x128xi32, #tpu.memory_space<vmem>>
            %dma_start3A_210 = arith.constant 0 : i32
            %dma_start3A_211 = tpu.memref_slice %arg3[%add3A_197, %dma_start3A_210] : memref<6250x128xi32, #tpu.memory_space<hbm>> -> memref<5x128xi32, #tpu.memory_space<hbm>>
            tpu.enqueue_dma source(%dma_start3A_211 : memref<5x128xi32, #tpu.memory_space<hbm>>) target(%dma_start3A_209 : memref<5x128xi32, #tpu.memory_space<vmem>>) target_semaphore(%dma_start3A_205 : memref<!tpu.dma_semaphore, #tpu.memory_space<semaphore_mem>>)
            %dma_start3A_212 = arith.constant 0 : i32
            %dma_start3A_213 = arith.constant 0 : i32
            %dma_start3A_214 = tpu.memref_slice %arg9[%rem3A_192, %dma_start3A_212, %dma_start3A_213] : memref<3x5x128xi32, #tpu.memory_space<vmem>> -> memref<1x5x128xi32, #tpu.memory_space<vmem>>
            %dma_start3A_215 = tpu.memref_squeeze %dma_start3A_214 : memref<1x5x128xi32, #tpu.memory_space<vmem>> -> memref<5x128xi32, #tpu.memory_space<vmem>>
            %dma_start3A_216 = arith.constant 0 : i32
            %dma_start3A_217 = tpu.memref_slice %arg4[%add3A_197, %dma_start3A_216] : memref<6250x128xi32, #tpu.memory_space<hbm>> -> memref<5x128xi32, #tpu.memory_space<hbm>>
            %dma_start3A_218 = tpu.memref_slice %arg11[%rem3A_192] : memref<3x!tpu.dma_semaphore, #tpu.memory_space<semaphore_mem>> -> memref<1x!tpu.dma_semaphore, #tpu.memory_space<semaphore_mem>>
            %dma_start3A_219 = tpu.memref_squeeze %dma_start3A_218 : memref<1x!tpu.dma_semaphore, #tpu.memory_space<semaphore_mem>> -> memref<!tpu.dma_semaphore, #tpu.memory_space<semaphore_mem>>
            %dma_start3A_220 = arith.constant 0 : i32
            %dma_start3A_221 = arith.constant 0 : i32
            %dma_start3A_222 = tpu.memref_slice %arg9[%rem3A_192, %dma_start3A_220, %dma_start3A_221] : memref<3x5x128xi32, #tpu.memory_space<vmem>> -> memref<1x5x128xi32, #tpu.memory_space<vmem>>
            %dma_start3A_223 = tpu.memref_squeeze %dma_start3A_222 : memref<1x5x128xi32, #tpu.memory_space<vmem>> -> memref<5x128xi32, #tpu.memory_space<vmem>>
            %dma_start3A_224 = arith.constant 0 : i32
            %dma_start3A_225 = tpu.memref_slice %arg4[%add3A_197, %dma_start3A_224] : memref<6250x128xi32, #tpu.memory_space<hbm>> -> memref<5x128xi32, #tpu.memory_space<hbm>>
            tpu.enqueue_dma source(%dma_start3A_225 : memref<5x128xi32, #tpu.memory_space<hbm>>) target(%dma_start3A_223 : memref<5x128xi32, #tpu.memory_space<vmem>>) target_semaphore(%dma_start3A_219 : memref<!tpu.dma_semaphore, #tpu.memory_space<semaphore_mem>>)
          } else {
          }
          %dma_wait3A = arith.constant 0 : i32
          %dma_wait3A_158 = arith.constant 0 : i32
          %dma_wait3A_159 = tpu.memref_slice %arg8[%rem3A_122, %dma_wait3A, %dma_wait3A_158] : memref<3x5x128xi32, #tpu.memory_space<vmem>> -> memref<1x5x128xi32, #tpu.memory_space<vmem>>
          %dma_wait3A_160 = tpu.memref_squeeze %dma_wait3A_159 : memref<1x5x128xi32, #tpu.memory_space<vmem>> -> memref<5x128xi32, #tpu.memory_space<vmem>>
          %dma_wait3A_161 = arith.constant 0 : i32
          %dma_wait3A_162 = arith.constant 0 : i32
          %dma_wait3A_163 = tpu.memref_slice %arg3[%dma_wait3A_161, %dma_wait3A_162] : memref<6250x128xi32, #tpu.memory_space<hbm>> -> memref<5x128xi32, #tpu.memory_space<hbm>>
          %dma_wait3A_164 = tpu.memref_slice %arg11[%rem3A_122] : memref<3x!tpu.dma_semaphore, #tpu.memory_space<semaphore_mem>> -> memref<1x!tpu.dma_semaphore, #tpu.memory_space<semaphore_mem>>
          %dma_wait3A_165 = tpu.memref_squeeze %dma_wait3A_164 : memref<1x!tpu.dma_semaphore, #tpu.memory_space<semaphore_mem>> -> memref<!tpu.dma_semaphore, #tpu.memory_space<semaphore_mem>>
          %dma_wait3A_166 = arith.constant 0 : i32
          %dma_wait3A_167 = arith.constant 0 : i32
          %dma_wait3A_168 = tpu.memref_slice %arg8[%rem3A_122, %dma_wait3A_166, %dma_wait3A_167] : memref<3x5x128xi32, #tpu.memory_space<vmem>> -> memref<1x5x128xi32, #tpu.memory_space<vmem>>
          %dma_wait3A_169 = tpu.memref_squeeze %dma_wait3A_168 : memref<1x5x128xi32, #tpu.memory_space<vmem>> -> memref<5x128xi32, #tpu.memory_space<vmem>>
          %dma_wait3A_170 = arith.constant 0 : i32
          %dma_wait3A_171 = arith.constant 0 : i32
          %dma_wait3A_172 = tpu.memref_slice %arg3[%dma_wait3A_170, %dma_wait3A_171] : memref<6250x128xi32, #tpu.memory_space<hbm>> -> memref<5x128xi32, #tpu.memory_space<hbm>>
          tpu.wait_dma2 semaphore(%dma_wait3A_165 : memref<!tpu.dma_semaphore, #tpu.memory_space<semaphore_mem>>) src(%dma_wait3A_172 : memref<5x128xi32, #tpu.memory_space<hbm>>) dst(%dma_wait3A_169 : memref<5x128xi32, #tpu.memory_space<vmem>>)
          %dma_wait3A_173 = arith.constant 0 : i32
          %dma_wait3A_174 = arith.constant 0 : i32
          %dma_wait3A_175 = tpu.memref_slice %arg9[%rem3A_122, %dma_wait3A_173, %dma_wait3A_174] : memref<3x5x128xi32, #tpu.memory_space<vmem>> -> memref<1x5x128xi32, #tpu.memory_space<vmem>>
          %dma_wait3A_176 = tpu.memref_squeeze %dma_wait3A_175 : memref<1x5x128xi32, #tpu.memory_space<vmem>> -> memref<5x128xi32, #tpu.memory_space<vmem>>
          %dma_wait3A_177 = arith.constant 0 : i32
          %dma_wait3A_178 = arith.constant 0 : i32
          %dma_wait3A_179 = tpu.memref_slice %arg4[%dma_wait3A_177, %dma_wait3A_178] : memref<6250x128xi32, #tpu.memory_space<hbm>> -> memref<5x128xi32, #tpu.memory_space<hbm>>
          %dma_wait3A_180 = tpu.memref_slice %arg11[%rem3A_122] : memref<3x!tpu.dma_semaphore, #tpu.memory_space<semaphore_mem>> -> memref<1x!tpu.dma_semaphore, #tpu.memory_space<semaphore_mem>>
          %dma_wait3A_181 = tpu.memref_squeeze %dma_wait3A_180 : memref<1x!tpu.dma_semaphore, #tpu.memory_space<semaphore_mem>> -> memref<!tpu.dma_semaphore, #tpu.memory_space<semaphore_mem>>
          %dma_wait3A_182 = arith.constant 0 : i32
          %dma_wait3A_183 = arith.constant 0 : i32
          %dma_wait3A_184 = tpu.memref_slice %arg9[%rem3A_122, %dma_wait3A_182, %dma_wait3A_183] : memref<3x5x128xi32, #tpu.memory_space<vmem>> -> memref<1x5x128xi32, #tpu.memory_space<vmem>>
          %dma_wait3A_185 = tpu.memref_squeeze %dma_wait3A_184 : memref<1x5x128xi32, #tpu.memory_space<vmem>> -> memref<5x128xi32, #tpu.memory_space<vmem>>
          %dma_wait3A_186 = arith.constant 0 : i32
          %dma_wait3A_187 = arith.constant 0 : i32
          %dma_wait3A_188 = tpu.memref_slice %arg4[%dma_wait3A_186, %dma_wait3A_187] : memref<6250x128xi32, #tpu.memory_space<hbm>> -> memref<5x128xi32, #tpu.memory_space<hbm>>
          tpu.wait_dma2 semaphore(%dma_wait3A_181 : memref<!tpu.dma_semaphore, #tpu.memory_space<semaphore_mem>>) src(%dma_wait3A_188 : memref<5x128xi32, #tpu.memory_space<hbm>>) dst(%dma_wait3A_185 : memref<5x128xi32, #tpu.memory_space<vmem>>)
        } else {
        }
        %rem3A_127 = arith.constant 6 : i32
        %rem3A_128 = arith.remsi %while3A_92, %rem3A_127 : i32
        %ge3A_129 = arith.constant 6 : i32
        %ge3A_130 = arith.cmpi sge, %while3A_92, %ge3A_129 : i32
        %convert_element_type3A_131 = arith.extui %ge3A_130 : i1 to i32
        %cond3A_132 = arith.constant 0 : i32
        %cond3A_133 = arith.cmpi ne, %convert_element_type3A_131, %cond3A_132 : i32
        scf.if %cond3A_133 {
          %dma_wait3A = arith.constant 0 : i32
          %dma_wait3A_150 = arith.constant 0 : i32
          %dma_wait3A_151 = tpu.memref_slice %arg7[%rem3A_128, %dma_wait3A, %dma_wait3A_150] : memref<6x128x32xf32, #tpu.memory_space<vmem>> -> memref<1x128x32xf32, #tpu.memory_space<vmem>>
          %dma_wait3A_152 = tpu.memref_squeeze %dma_wait3A_151 : memref<1x128x32xf32, #tpu.memory_space<vmem>> -> memref<128x32xf32, #tpu.memory_space<vmem>>
          %dma_wait3A_153 = arith.constant 0 : i32
          %dma_wait3A_154 = arith.constant 0 : i32
          %dma_wait3A_155 = tpu.memref_slice %arg6[%dma_wait3A_153, %dma_wait3A_154] : memref<50000x32xf32, #tpu.memory_space<vmem_shared>> -> memref<128x32xf32, #tpu.memory_space<vmem_shared>>
          %dma_wait3A_156 = tpu.memref_slice %arg13[%rem3A_128] : memref<6x!tpu.dma_semaphore, #tpu.memory_space<semaphore_mem>> -> memref<1x!tpu.dma_semaphore, #tpu.memory_space<semaphore_mem>>
          %dma_wait3A_157 = tpu.memref_squeeze %dma_wait3A_156 : memref<1x!tpu.dma_semaphore, #tpu.memory_space<semaphore_mem>> -> memref<!tpu.dma_semaphore, #tpu.memory_space<semaphore_mem>>
          %dma_wait3A_158 = arith.constant 0 : i32
          %dma_wait3A_159 = arith.constant 0 : i32
          %dma_wait3A_160 = tpu.memref_slice %arg6[%dma_wait3A_158, %dma_wait3A_159] : memref<50000x32xf32, #tpu.memory_space<vmem_shared>> -> memref<128x32xf32, #tpu.memory_space<vmem_shared>>
          %dma_wait3A_161 = arith.constant 0 : i32
          %dma_wait3A_162 = arith.constant 0 : i32
          %dma_wait3A_163 = tpu.memref_slice %arg7[%rem3A_128, %dma_wait3A_161, %dma_wait3A_162] : memref<6x128x32xf32, #tpu.memory_space<vmem>> -> memref<1x128x32xf32, #tpu.memory_space<vmem>>
          %dma_wait3A_164 = tpu.memref_squeeze %dma_wait3A_163 : memref<1x128x32xf32, #tpu.memory_space<vmem>> -> memref<128x32xf32, #tpu.memory_space<vmem>>
          tpu.wait_dma2 semaphore(%dma_wait3A_157 : memref<!tpu.dma_semaphore, #tpu.memory_space<semaphore_mem>>) src(%dma_wait3A_164 : memref<128x32xf32, #tpu.memory_space<vmem>>) dst(%dma_wait3A_160 : memref<128x32xf32, #tpu.memory_space<vmem_shared>>)
        } else {
        }
        %dma_start3A_134 = arith.constant 0 : i32
        %dma_start3A_135 = arith.constant 0 : i32
        %dma_start3A_136 = tpu.memref_slice %arg7[%rem3A_128, %dma_start3A_134, %dma_start3A_135] : memref<6x128x32xf32, #tpu.memory_space<vmem>> -> memref<1x128x32xf32, #tpu.memory_space<vmem>>
        %dma_start3A_137 = tpu.memref_squeeze %dma_start3A_136 : memref<1x128x32xf32, #tpu.memory_space<vmem>> -> memref<128x32xf32, #tpu.memory_space<vmem>>
        %dma_start3A_138 = arith.constant 0 : i32
        %dma_start3A_139 = tpu.memref_slice %arg8[%rem3A_122, %rem3A_120, %dma_start3A_138] : memref<3x5x128xi32, #tpu.memory_space<vmem>> -> memref<1x1x128xi32, #tpu.memory_space<vmem>>
        %dma_start3A_140 = tpu.memref_squeeze %dma_start3A_139 : memref<1x1x128xi32, #tpu.memory_space<vmem>> -> memref<128xi32, #tpu.memory_space<vmem>>
        %dma_start3A_141 = arith.constant 0 : i32
        %dma_start3A_142 = arith.constant 0 : i32
        %dma_start3A_143 = tpu.memref_slice %arg2[%arg0, %dma_start3A_141, %dma_start3A_142] : memref<2x50000x32xf32, #tpu.memory_space<hbm>> -> memref<1x50000x32xf32, #tpu.memory_space<hbm>>
        %dma_start3A_144 = tpu.memref_squeeze %dma_start3A_143 : memref<1x50000x32xf32, #tpu.memory_space<hbm>> -> memref<50000x32xf32, #tpu.memory_space<hbm>>
        %dma_start3A_145 = arith.constant 0 : i32
        %dma_start3A_146 = arith.constant 0 : i32
        %dma_start3A_147 = tpu.memref_slice %dma_start3A_144[%dma_start3A_145, %dma_start3A_146] : memref<50000x32xf32, #tpu.memory_space<hbm>> -> memref<50000x32xf32, #tpu.memory_space<hbm>>
        %dma_start3A_148 = tpu.memref_slice %arg12[%rem3A_128] : memref<6x!tpu.dma_semaphore, #tpu.memory_space<semaphore_mem>> -> memref<1x!tpu.dma_semaphore, #tpu.memory_space<semaphore_mem>>
        %dma_start3A_149 = tpu.memref_squeeze %dma_start3A_148 : memref<1x!tpu.dma_semaphore, #tpu.memory_space<semaphore_mem>> -> memref<!tpu.dma_semaphore, #tpu.memory_space<semaphore_mem>>
        tpu.enqueue_indirect_dma source(%dma_start3A_147 : memref<50000x32xf32, #tpu.memory_space<hbm>>) target(%dma_start3A_137 : memref<128x32xf32, #tpu.memory_space<vmem>>) offsets(%dma_start3A_140 : memref<128xi32, #tpu.memory_space<vmem>>) semaphore(%dma_start3A_149 : memref<!tpu.dma_semaphore, #tpu.memory_space<semaphore_mem>>)
      } else {
      }
      %ge3A = arith.constant 3 : i32
      %ge3A_96 = arith.cmpi sge, %while3A_92, %ge3A : i32
      %convert_element_type3A_97 = arith.extui %ge3A_96 : i1 to i32
      %cond3A_98 = arith.constant 0 : i32
      %cond3A_99 = arith.cmpi ne, %convert_element_type3A_97, %cond3A_98 : i32
      scf.if %cond3A_99 {
        %sub3A = arith.constant 3 : i32
        %sub3A_101 = arith.subi %while3A_92, %sub3A : i32
        %jit3A_102 = arith.constant 5 : i32
        %div3A = arith.divsi %sub3A_101, %jit3A_102 : i32
        %sign3A = arith.constant 0 : i32
        %sign3A_103 = arith.cmpi sgt, %sub3A_101, %sign3A : i32
        %sign3A_104 = arith.extui %sign3A_103 : i1 to i32
        %sign3A_105 = arith.constant 0 : i32
        %sign3A_106 = arith.cmpi slt, %sub3A_101, %sign3A_105 : i32
        %sign3A_107 = arith.extui %sign3A_106 : i1 to i32
        %sign3A_108 = arith.subi %sign3A_104, %sign3A_107 : i32
        %sign3A_109 = arith.constant 0 : i32
        %sign3A_110 = arith.cmpi sgt, %jit3A_102, %sign3A_109 : i32
        %sign3A_111 = arith.extui %sign3A_110 : i1 to i32
        %sign3A_112 = arith.constant 0 : i32
        %sign3A_113 = arith.cmpi slt, %jit3A_102, %sign3A_112 : i32
        %sign3A_114 = arith.extui %sign3A_113 : i1 to i32
        %sign3A_115 = arith.subi %sign3A_111, %sign3A_114 : i32
        %ne3A = arith.cmpi ne, %sign3A_108, %sign3A_115 : i32
        %rem3A = arith.remsi %sub3A_101, %jit3A_102 : i32
        %ne3A_116 = arith.constant 0 : i32
        %ne3A_117 = arith.cmpi ne, %rem3A, %ne3A_116 : i32
        %and3A = arith.andi %ne3A, %ne3A_117 : i1
        %sub3A_118 = arith.constant 1 : i32
        %sub3A_119 = arith.subi %div3A, %sub3A_118 : i32
        %select_n3A_120 = arith.select %and3A, %sub3A_119, %div3A : i32
        %rem3A_121 = arith.constant 5 : i32
        %rem3A_122 = arith.remsi %sub3A_101, %rem3A_121 : i32
        %rem3A_123 = arith.constant 3 : i32
        %rem3A_124 = arith.remsi %select_n3A_120, %rem3A_123 : i32
        %rem3A_125 = arith.constant 6 : i32
        %rem3A_126 = arith.remsi %sub3A_101, %rem3A_125 : i32
        %dma_wait3A = arith.constant 0 : i32
        %dma_wait3A_127 = arith.constant 0 : i32
        %dma_wait3A_128 = tpu.memref_slice %arg7[%rem3A_126, %dma_wait3A, %dma_wait3A_127] : memref<6x128x32xf32, #tpu.memory_space<vmem>> -> memref<1x128x32xf32, #tpu.memory_space<vmem>>
        %dma_wait3A_129 = tpu.memref_squeeze %dma_wait3A_128 : memref<1x128x32xf32, #tpu.memory_space<vmem>> -> memref<128x32xf32, #tpu.memory_space<vmem>>
        %dma_wait3A_130 = arith.constant 0 : i32
        %dma_wait3A_131 = arith.constant 0 : i32
        %dma_wait3A_132 = tpu.memref_slice %arg2[%arg0, %dma_wait3A_130, %dma_wait3A_131] : memref<2x50000x32xf32, #tpu.memory_space<hbm>> -> memref<1x50000x32xf32, #tpu.memory_space<hbm>>
        %dma_wait3A_133 = tpu.memref_squeeze %dma_wait3A_132 : memref<1x50000x32xf32, #tpu.memory_space<hbm>> -> memref<50000x32xf32, #tpu.memory_space<hbm>>
        %dma_wait3A_134 = arith.constant 0 : i32
        %dma_wait3A_135 = arith.constant 0 : i32
        %dma_wait3A_136 = tpu.memref_slice %dma_wait3A_133[%dma_wait3A_134, %dma_wait3A_135] : memref<50000x32xf32, #tpu.memory_space<hbm>> -> memref<128x32xf32, #tpu.memory_space<hbm>>
        %dma_wait3A_137 = tpu.memref_slice %arg12[%rem3A_126] : memref<6x!tpu.dma_semaphore, #tpu.memory_space<semaphore_mem>> -> memref<1x!tpu.dma_semaphore, #tpu.memory_space<semaphore_mem>>
        %dma_wait3A_138 = tpu.memref_squeeze %dma_wait3A_137 : memref<1x!tpu.dma_semaphore, #tpu.memory_space<semaphore_mem>> -> memref<!tpu.dma_semaphore, #tpu.memory_space<semaphore_mem>>
        %dma_wait3A_139 = arith.constant 0 : i32
        %dma_wait3A_140 = arith.constant 0 : i32
        %dma_wait3A_141 = tpu.memref_slice %arg7[%rem3A_126, %dma_wait3A_139, %dma_wait3A_140] : memref<6x128x32xf32, #tpu.memory_space<vmem>> -> memref<1x128x32xf32, #tpu.memory_space<vmem>>
        %dma_wait3A_142 = tpu.memref_squeeze %dma_wait3A_141 : memref<1x128x32xf32, #tpu.memory_space<vmem>> -> memref<128x32xf32, #tpu.memory_space<vmem>>
        %dma_wait3A_143 = arith.constant 0 : i32
        %dma_wait3A_144 = arith.constant 0 : i32
        %dma_wait3A_145 = tpu.memref_slice %arg2[%arg0, %dma_wait3A_143, %dma_wait3A_144] : memref<2x50000x32xf32, #tpu.memory_space<hbm>> -> memref<1x50000x32xf32, #tpu.memory_space<hbm>>
        %dma_wait3A_146 = tpu.memref_squeeze %dma_wait3A_145 : memref<1x50000x32xf32, #tpu.memory_space<hbm>> -> memref<50000x32xf32, #tpu.memory_space<hbm>>
        %dma_wait3A_147 = arith.constant 0 : i32
        %dma_wait3A_148 = arith.constant 0 : i32
        %dma_wait3A_149 = tpu.memref_slice %dma_wait3A_146[%dma_wait3A_147, %dma_wait3A_148] : memref<50000x32xf32, #tpu.memory_space<hbm>> -> memref<128x32xf32, #tpu.memory_space<hbm>>
        tpu.wait_dma2 semaphore(%dma_wait3A_138 : memref<!tpu.dma_semaphore, #tpu.memory_space<semaphore_mem>>) src(%dma_wait3A_149 : memref<128x32xf32, #tpu.memory_space<hbm>>) dst(%dma_wait3A_142 : memref<128x32xf32, #tpu.memory_space<vmem>>)
        %dma_start3A_150 = arith.constant 0 : i32
        %dma_start3A_151 = arith.constant 0 : i32
        %dma_start3A_152 = tpu.memref_slice %arg7[%rem3A_126, %dma_start3A_150, %dma_start3A_151] : memref<6x128x32xf32, #tpu.memory_space<vmem>> -> memref<1x128x32xf32, #tpu.memory_space<vmem>>
        %dma_start3A_153 = tpu.memref_squeeze %dma_start3A_152 : memref<1x128x32xf32, #tpu.memory_space<vmem>> -> memref<128x32xf32, #tpu.memory_space<vmem>>
        %dma_start3A_154 = arith.constant 0 : i32
        %dma_start3A_155 = tpu.memref_slice %arg9[%rem3A_124, %rem3A_122, %dma_start3A_154] : memref<3x5x128xi32, #tpu.memory_space<vmem>> -> memref<1x1x128xi32, #tpu.memory_space<vmem>>
        %dma_start3A_156 = tpu.memref_squeeze %dma_start3A_155 : memref<1x1x128xi32, #tpu.memory_space<vmem>> -> memref<128xi32, #tpu.memory_space<vmem>>
        %dma_start3A_157 = arith.constant 0 : i32
        %dma_start3A_158 = arith.constant 0 : i32
        %dma_start3A_159 = tpu.memref_slice %arg6[%dma_start3A_157, %dma_start3A_158] : memref<50000x32xf32, #tpu.memory_space<vmem_shared>> -> memref<50000x32xf32, #tpu.memory_space<vmem_shared>>
        %dma_start3A_160 = tpu.memref_slice %arg13[%rem3A_126] : memref<6x!tpu.dma_semaphore, #tpu.memory_space<semaphore_mem>> -> memref<1x!tpu.dma_semaphore, #tpu.memory_space<semaphore_mem>>
        %dma_start3A_161 = tpu.memref_squeeze %dma_start3A_160 : memref<1x!tpu.dma_semaphore, #tpu.memory_space<semaphore_mem>> -> memref<!tpu.dma_semaphore, #tpu.memory_space<semaphore_mem>>
        tpu.enqueue_indirect_dma source(%dma_start3A_153 : memref<128x32xf32, #tpu.memory_space<vmem>>) target(%dma_start3A_159 : memref<50000x32xf32, #tpu.memory_space<vmem_shared>>) offsets(%dma_start3A_156 : memref<128xi32, #tpu.memory_space<vmem>>) semaphore(%dma_start3A_161 : memref<!tpu.dma_semaphore, #tpu.memory_space<semaphore_mem>>) {add = true}
      } else {
      }
      %while3A_100 = arith.constant 0 : i32
      scf.yield %while3A_100 : i32
    }
    %while3A_68 = arith.constant 1 : i32
    %while3A_69 = scf.for %while3A_92 = %while3A_65 to %while3A_61 step %while3A_68 iter_args(%while3A_93 = %while3A_67) -> (i32)  : i32 {
      %lt3A_94 = arith.cmpi slt, %while3A_92, %add3A_5 : i32
      %convert_element_type3A = arith.extui %lt3A_94 : i1 to i32
      %cond3A = arith.constant 0 : i32
      %cond3A_95 = arith.cmpi ne, %convert_element_type3A, %cond3A : i32
      scf.if %cond3A_95 {
        %jit3A_101 = arith.constant 5 : i32
        %div3A = arith.divsi %while3A_92, %jit3A_101 : i32
        %sign3A = arith.constant 0 : i32
        %sign3A_102 = arith.cmpi sgt, %while3A_92, %sign3A : i32
        %sign3A_103 = arith.extui %sign3A_102 : i1 to i32
        %sign3A_104 = arith.constant 0 : i32
        %sign3A_105 = arith.cmpi slt, %while3A_92, %sign3A_104 : i32
        %sign3A_106 = arith.extui %sign3A_105 : i1 to i32
        %sign3A_107 = arith.subi %sign3A_103, %sign3A_106 : i32
        %sign3A_108 = arith.constant 0 : i32
        %sign3A_109 = arith.cmpi sgt, %jit3A_101, %sign3A_108 : i32
        %sign3A_110 = arith.extui %sign3A_109 : i1 to i32
        %sign3A_111 = arith.constant 0 : i32
        %sign3A_112 = arith.cmpi slt, %jit3A_101, %sign3A_111 : i32
        %sign3A_113 = arith.extui %sign3A_112 : i1 to i32
        %sign3A_114 = arith.subi %sign3A_110, %sign3A_113 : i32
        %ne3A = arith.cmpi ne, %sign3A_107, %sign3A_114 : i32
        %rem3A = arith.remsi %while3A_92, %jit3A_101 : i32
        %ne3A_115 = arith.constant 0 : i32
        %ne3A_116 = arith.cmpi ne, %rem3A, %ne3A_115 : i32
        %and3A = arith.andi %ne3A, %ne3A_116 : i1
        %sub3A = arith.constant 1 : i32
        %sub3A_117 = arith.subi %div3A, %sub3A : i32
        %select_n3A_118 = arith.select %and3A, %sub3A_117, %div3A : i32
        %rem3A_119 = arith.constant 5 : i32
        %rem3A_120 = arith.remsi %while3A_92, %rem3A_119 : i32
        %rem3A_121 = arith.constant 3 : i32
        %rem3A_122 = arith.remsi %select_n3A_118, %rem3A_121 : i32
        %eq3A = arith.constant 0 : i32
        %eq3A_123 = arith.cmpi eq, %rem3A_120, %eq3A : i32
        %convert_element_type3A_124 = arith.extui %eq3A_123 : i1 to i32
        %cond3A_125 = arith.constant 0 : i32
        %cond3A_126 = arith.cmpi ne, %convert_element_type3A_124, %cond3A_125 : i32
        scf.if %cond3A_126 {
          %add3A_150 = arith.constant 1 : i32
          %add3A_151 = arith.addi %select_n3A_118, %add3A_150 : i32
          %mul3A_152 = arith.constant 5 : i32
          %mul3A_153 = arith.muli %add3A_151, %mul3A_152 : i32
          %lt3A_154 = arith.cmpi slt, %mul3A_153, %add3A_5 : i32
          %convert_element_type3A_155 = arith.extui %lt3A_154 : i1 to i32
          %cond3A_156 = arith.constant 0 : i32
          %cond3A_157 = arith.cmpi ne, %convert_element_type3A_155, %cond3A_156 : i32
          scf.if %cond3A_157 {
            %add3A_189 = arith.constant 1 : i32
            %add3A_190 = arith.addi %select_n3A_118, %add3A_189 : i32
            %rem3A_191 = arith.constant 3 : i32
            %rem3A_192 = arith.remsi %add3A_190, %rem3A_191 : i32
            %add3A_193 = arith.constant 1 : i32
            %add3A_194 = arith.addi %select_n3A_118, %add3A_193 : i32
            %mul3A_195 = arith.constant 5 : i32
            %mul3A_196 = arith.muli %add3A_194, %mul3A_195 : i32
            %add3A_197 = arith.addi %add3A, %mul3A_196 : i32
            %dma_start3A_198 = arith.constant 0 : i32
            %dma_start3A_199 = arith.constant 0 : i32
            %dma_start3A_200 = tpu.memref_slice %arg8[%rem3A_192, %dma_start3A_198, %dma_start3A_199] : memref<3x5x128xi32, #tpu.memory_space<vmem>> -> memref<1x5x128xi32, #tpu.memory_space<vmem>>
            %dma_start3A_201 = tpu.memref_squeeze %dma_start3A_200 : memref<1x5x128xi32, #tpu.memory_space<vmem>> -> memref<5x128xi32, #tpu.memory_space<vmem>>
            %dma_start3A_202 = arith.constant 0 : i32
            %dma_start3A_203 = tpu.memref_slice %arg3[%add3A_197, %dma_start3A_202] : memref<6250x128xi32, #tpu.memory_space<hbm>> -> memref<5x128xi32, #tpu.memory_space<hbm>>
            %dma_start3A_204 = tpu.memref_slice %arg11[%rem3A_192] : memref<3x!tpu.dma_semaphore, #tpu.memory_space<semaphore_mem>> -> memref<1x!tpu.dma_semaphore, #tpu.memory_space<semaphore_mem>>
            %dma_start3A_205 = tpu.memref_squeeze %dma_start3A_204 : memref<1x!tpu.dma_semaphore, #tpu.memory_space<semaphore_mem>> -> memref<!tpu.dma_semaphore, #tpu.memory_space<semaphore_mem>>
            %dma_start3A_206 = arith.constant 0 : i32
            %dma_start3A_207 = arith.constant 0 : i32
            %dma_start3A_208 = tpu.memref_slice %arg8[%rem3A_192, %dma_start3A_206, %dma_start3A_207] : memref<3x5x128xi32, #tpu.memory_space<vmem>> -> memref<1x5x128xi32, #tpu.memory_space<vmem>>
            %dma_start3A_209 = tpu.memref_squeeze %dma_start3A_208 : memref<1x5x128xi32, #tpu.memory_space<vmem>> -> memref<5x128xi32, #tpu.memory_space<vmem>>
            %dma_start3A_210 = arith.constant 0 : i32
            %dma_start3A_211 = tpu.memref_slice %arg3[%add3A_197, %dma_start3A_210] : memref<6250x128xi32, #tpu.memory_space<hbm>> -> memref<5x128xi32, #tpu.memory_space<hbm>>
            tpu.enqueue_dma source(%dma_start3A_211 : memref<5x128xi32, #tpu.memory_space<hbm>>) target(%dma_start3A_209 : memref<5x128xi32, #tpu.memory_space<vmem>>) target_semaphore(%dma_start3A_205 : memref<!tpu.dma_semaphore, #tpu.memory_space<semaphore_mem>>)
            %dma_start3A_212 = arith.constant 0 : i32
            %dma_start3A_213 = arith.constant 0 : i32
            %dma_start3A_214 = tpu.memref_slice %arg9[%rem3A_192, %dma_start3A_212, %dma_start3A_213] : memref<3x5x128xi32, #tpu.memory_space<vmem>> -> memref<1x5x128xi32, #tpu.memory_space<vmem>>
            %dma_start3A_215 = tpu.memref_squeeze %dma_start3A_214 : memref<1x5x128xi32, #tpu.memory_space<vmem>> -> memref<5x128xi32, #tpu.memory_space<vmem>>
            %dma_start3A_216 = arith.constant 0 : i32
            %dma_start3A_217 = tpu.memref_slice %arg4[%add3A_197, %dma_start3A_216] : memref<6250x128xi32, #tpu.memory_space<hbm>> -> memref<5x128xi32, #tpu.memory_space<hbm>>
            %dma_start3A_218 = tpu.memref_slice %arg11[%rem3A_192] : memref<3x!tpu.dma_semaphore, #tpu.memory_space<semaphore_mem>> -> memref<1x!tpu.dma_semaphore, #tpu.memory_space<semaphore_mem>>
            %dma_start3A_219 = tpu.memref_squeeze %dma_start3A_218 : memref<1x!tpu.dma_semaphore, #tpu.memory_space<semaphore_mem>> -> memref<!tpu.dma_semaphore, #tpu.memory_space<semaphore_mem>>
            %dma_start3A_220 = arith.constant 0 : i32
            %dma_start3A_221 = arith.constant 0 : i32
            %dma_start3A_222 = tpu.memref_slice %arg9[%rem3A_192, %dma_start3A_220, %dma_start3A_221] : memref<3x5x128xi32, #tpu.memory_space<vmem>> -> memref<1x5x128xi32, #tpu.memory_space<vmem>>
            %dma_start3A_223 = tpu.memref_squeeze %dma_start3A_222 : memref<1x5x128xi32, #tpu.memory_space<vmem>> -> memref<5x128xi32, #tpu.memory_space<vmem>>
            %dma_start3A_224 = arith.constant 0 : i32
            %dma_start3A_225 = tpu.memref_slice %arg4[%add3A_197, %dma_start3A_224] : memref<6250x128xi32, #tpu.memory_space<hbm>> -> memref<5x128xi32, #tpu.memory_space<hbm>>
            tpu.enqueue_dma source(%dma_start3A_225 : memref<5x128xi32, #tpu.memory_space<hbm>>) target(%dma_start3A_223 : memref<5x128xi32, #tpu.memory_space<vmem>>) target_semaphore(%dma_start3A_219 : memref<!tpu.dma_semaphore, #tpu.memory_space<semaphore_mem>>)
          } else {
          }
          %dma_wait3A = arith.constant 0 : i32
          %dma_wait3A_158 = arith.constant 0 : i32
          %dma_wait3A_159 = tpu.memref_slice %arg8[%rem3A_122, %dma_wait3A, %dma_wait3A_158] : memref<3x5x128xi32, #tpu.memory_space<vmem>> -> memref<1x5x128xi32, #tpu.memory_space<vmem>>
          %dma_wait3A_160 = tpu.memref_squeeze %dma_wait3A_159 : memref<1x5x128xi32, #tpu.memory_space<vmem>> -> memref<5x128xi32, #tpu.memory_space<vmem>>
          %dma_wait3A_161 = arith.constant 0 : i32
          %dma_wait3A_162 = arith.constant 0 : i32
          %dma_wait3A_163 = tpu.memref_slice %arg3[%dma_wait3A_161, %dma_wait3A_162] : memref<6250x128xi32, #tpu.memory_space<hbm>> -> memref<5x128xi32, #tpu.memory_space<hbm>>
          %dma_wait3A_164 = tpu.memref_slice %arg11[%rem3A_122] : memref<3x!tpu.dma_semaphore, #tpu.memory_space<semaphore_mem>> -> memref<1x!tpu.dma_semaphore, #tpu.memory_space<semaphore_mem>>
          %dma_wait3A_165 = tpu.memref_squeeze %dma_wait3A_164 : memref<1x!tpu.dma_semaphore, #tpu.memory_space<semaphore_mem>> -> memref<!tpu.dma_semaphore, #tpu.memory_space<semaphore_mem>>
          %dma_wait3A_166 = arith.constant 0 : i32
          %dma_wait3A_167 = arith.constant 0 : i32
          %dma_wait3A_168 = tpu.memref_slice %arg8[%rem3A_122, %dma_wait3A_166, %dma_wait3A_167] : memref<3x5x128xi32, #tpu.memory_space<vmem>> -> memref<1x5x128xi32, #tpu.memory_space<vmem>>
          %dma_wait3A_169 = tpu.memref_squeeze %dma_wait3A_168 : memref<1x5x128xi32, #tpu.memory_space<vmem>> -> memref<5x128xi32, #tpu.memory_space<vmem>>
          %dma_wait3A_170 = arith.constant 0 : i32
          %dma_wait3A_171 = arith.constant 0 : i32
          %dma_wait3A_172 = tpu.memref_slice %arg3[%dma_wait3A_170, %dma_wait3A_171] : memref<6250x128xi32, #tpu.memory_space<hbm>> -> memref<5x128xi32, #tpu.memory_space<hbm>>
          tpu.wait_dma2 semaphore(%dma_wait3A_165 : memref<!tpu.dma_semaphore, #tpu.memory_space<semaphore_mem>>) src(%dma_wait3A_172 : memref<5x128xi32, #tpu.memory_space<hbm>>) dst(%dma_wait3A_169 : memref<5x128xi32, #tpu.memory_space<vmem>>)
          %dma_wait3A_173 = arith.constant 0 : i32
          %dma_wait3A_174 = arith.constant 0 : i32
          %dma_wait3A_175 = tpu.memref_slice %arg9[%rem3A_122, %dma_wait3A_173, %dma_wait3A_174] : memref<3x5x128xi32, #tpu.memory_space<vmem>> -> memref<1x5x128xi32, #tpu.memory_space<vmem>>
          %dma_wait3A_176 = tpu.memref_squeeze %dma_wait3A_175 : memref<1x5x128xi32, #tpu.memory_space<vmem>> -> memref<5x128xi32, #tpu.memory_space<vmem>>
          %dma_wait3A_177 = arith.constant 0 : i32
          %dma_wait3A_178 = arith.constant 0 : i32
          %dma_wait3A_179 = tpu.memref_slice %arg4[%dma_wait3A_177, %dma_wait3A_178] : memref<6250x128xi32, #tpu.memory_space<hbm>> -> memref<5x128xi32, #tpu.memory_space<hbm>>
          %dma_wait3A_180 = tpu.memref_slice %arg11[%rem3A_122] : memref<3x!tpu.dma_semaphore, #tpu.memory_space<semaphore_mem>> -> memref<1x!tpu.dma_semaphore, #tpu.memory_space<semaphore_mem>>
          %dma_wait3A_181 = tpu.memref_squeeze %dma_wait3A_180 : memref<1x!tpu.dma_semaphore, #tpu.memory_space<semaphore_mem>> -> memref<!tpu.dma_semaphore, #tpu.memory_space<semaphore_mem>>
          %dma_wait3A_182 = arith.constant 0 : i32
          %dma_wait3A_183 = arith.constant 0 : i32
          %dma_wait3A_184 = tpu.memref_slice %arg9[%rem3A_122, %dma_wait3A_182, %dma_wait3A_183] : memref<3x5x128xi32, #tpu.memory_space<vmem>> -> memref<1x5x128xi32, #tpu.memory_space<vmem>>
          %dma_wait3A_185 = tpu.memref_squeeze %dma_wait3A_184 : memref<1x5x128xi32, #tpu.memory_space<vmem>> -> memref<5x128xi32, #tpu.memory_space<vmem>>
          %dma_wait3A_186 = arith.constant 0 : i32
          %dma_wait3A_187 = arith.constant 0 : i32
          %dma_wait3A_188 = tpu.memref_slice %arg4[%dma_wait3A_186, %dma_wait3A_187] : memref<6250x128xi32, #tpu.memory_space<hbm>> -> memref<5x128xi32, #tpu.memory_space<hbm>>
          tpu.wait_dma2 semaphore(%dma_wait3A_181 : memref<!tpu.dma_semaphore, #tpu.memory_space<semaphore_mem>>) src(%dma_wait3A_188 : memref<5x128xi32, #tpu.memory_space<hbm>>) dst(%dma_wait3A_185 : memref<5x128xi32, #tpu.memory_space<vmem>>)
        } else {
        }
        %rem3A_127 = arith.constant 6 : i32
        %rem3A_128 = arith.remsi %while3A_92, %rem3A_127 : i32
        %ge3A_129 = arith.constant 6 : i32
        %ge3A_130 = arith.cmpi sge, %while3A_92, %ge3A_129 : i32
        %convert_element_type3A_131 = arith.extui %ge3A_130 : i1 to i32
        %cond3A_132 = arith.constant 0 : i32
        %cond3A_133 = arith.cmpi ne, %convert_element_type3A_131, %cond3A_132 : i32
        scf.if %cond3A_133 {
          %dma_wait3A = arith.constant 0 : i32
          %dma_wait3A_150 = arith.constant 0 : i32
          %dma_wait3A_151 = tpu.memref_slice %arg7[%rem3A_128, %dma_wait3A, %dma_wait3A_150] : memref<6x128x32xf32, #tpu.memory_space<vmem>> -> memref<1x128x32xf32, #tpu.memory_space<vmem>>
          %dma_wait3A_152 = tpu.memref_squeeze %dma_wait3A_151 : memref<1x128x32xf32, #tpu.memory_space<vmem>> -> memref<128x32xf32, #tpu.memory_space<vmem>>
          %dma_wait3A_153 = arith.constant 0 : i32
          %dma_wait3A_154 = arith.constant 0 : i32
          %dma_wait3A_155 = tpu.memref_slice %arg6[%dma_wait3A_153, %dma_wait3A_154] : memref<50000x32xf32, #tpu.memory_space<vmem_shared>> -> memref<128x32xf32, #tpu.memory_space<vmem_shared>>
          %dma_wait3A_156 = tpu.memref_slice %arg13[%rem3A_128] : memref<6x!tpu.dma_semaphore, #tpu.memory_space<semaphore_mem>> -> memref<1x!tpu.dma_semaphore, #tpu.memory_space<semaphore_mem>>
          %dma_wait3A_157 = tpu.memref_squeeze %dma_wait3A_156 : memref<1x!tpu.dma_semaphore, #tpu.memory_space<semaphore_mem>> -> memref<!tpu.dma_semaphore, #tpu.memory_space<semaphore_mem>>
          %dma_wait3A_158 = arith.constant 0 : i32
          %dma_wait3A_159 = arith.constant 0 : i32
          %dma_wait3A_160 = tpu.memref_slice %arg6[%dma_wait3A_158, %dma_wait3A_159] : memref<50000x32xf32, #tpu.memory_space<vmem_shared>> -> memref<128x32xf32, #tpu.memory_space<vmem_shared>>
          %dma_wait3A_161 = arith.constant 0 : i32
          %dma_wait3A_162 = arith.constant 0 : i32
          %dma_wait3A_163 = tpu.memref_slice %arg7[%rem3A_128, %dma_wait3A_161, %dma_wait3A_162] : memref<6x128x32xf32, #tpu.memory_space<vmem>> -> memref<1x128x32xf32, #tpu.memory_space<vmem>>
          %dma_wait3A_164 = tpu.memref_squeeze %dma_wait3A_163 : memref<1x128x32xf32, #tpu.memory_space<vmem>> -> memref<128x32xf32, #tpu.memory_space<vmem>>
          tpu.wait_dma2 semaphore(%dma_wait3A_157 : memref<!tpu.dma_semaphore, #tpu.memory_space<semaphore_mem>>) src(%dma_wait3A_164 : memref<128x32xf32, #tpu.memory_space<vmem>>) dst(%dma_wait3A_160 : memref<128x32xf32, #tpu.memory_space<vmem_shared>>)
        } else {
        }
        %dma_start3A_134 = arith.constant 0 : i32
        %dma_start3A_135 = arith.constant 0 : i32
        %dma_start3A_136 = tpu.memref_slice %arg7[%rem3A_128, %dma_start3A_134, %dma_start3A_135] : memref<6x128x32xf32, #tpu.memory_space<vmem>> -> memref<1x128x32xf32, #tpu.memory_space<vmem>>
        %dma_start3A_137 = tpu.memref_squeeze %dma_start3A_136 : memref<1x128x32xf32, #tpu.memory_space<vmem>> -> memref<128x32xf32, #tpu.memory_space<vmem>>
        %dma_start3A_138 = arith.constant 0 : i32
        %dma_start3A_139 = tpu.memref_slice %arg8[%rem3A_122, %rem3A_120, %dma_start3A_138] : memref<3x5x128xi32, #tpu.memory_space<vmem>> -> memref<1x1x128xi32, #tpu.memory_space<vmem>>
        %dma_start3A_140 = tpu.memref_squeeze %dma_start3A_139 : memref<1x1x128xi32, #tpu.memory_space<vmem>> -> memref<128xi32, #tpu.memory_space<vmem>>
        %dma_start3A_141 = arith.constant 0 : i32
        %dma_start3A_142 = arith.constant 0 : i32
        %dma_start3A_143 = tpu.memref_slice %arg2[%arg0, %dma_start3A_141, %dma_start3A_142] : memref<2x50000x32xf32, #tpu.memory_space<hbm>> -> memref<1x50000x32xf32, #tpu.memory_space<hbm>>
        %dma_start3A_144 = tpu.memref_squeeze %dma_start3A_143 : memref<1x50000x32xf32, #tpu.memory_space<hbm>> -> memref<50000x32xf32, #tpu.memory_space<hbm>>
        %dma_start3A_145 = arith.constant 0 : i32
        %dma_start3A_146 = arith.constant 0 : i32
        %dma_start3A_147 = tpu.memref_slice %dma_start3A_144[%dma_start3A_145, %dma_start3A_146] : memref<50000x32xf32, #tpu.memory_space<hbm>> -> memref<50000x32xf32, #tpu.memory_space<hbm>>
        %dma_start3A_148 = tpu.memref_slice %arg12[%rem3A_128] : memref<6x!tpu.dma_semaphore, #tpu.memory_space<semaphore_mem>> -> memref<1x!tpu.dma_semaphore, #tpu.memory_space<semaphore_mem>>
        %dma_start3A_149 = tpu.memref_squeeze %dma_start3A_148 : memref<1x!tpu.dma_semaphore, #tpu.memory_space<semaphore_mem>> -> memref<!tpu.dma_semaphore, #tpu.memory_space<semaphore_mem>>
        tpu.enqueue_indirect_dma source(%dma_start3A_147 : memref<50000x32xf32, #tpu.memory_space<hbm>>) target(%dma_start3A_137 : memref<128x32xf32, #tpu.memory_space<vmem>>) offsets(%dma_start3A_140 : memref<128xi32, #tpu.memory_space<vmem>>) semaphore(%dma_start3A_149 : memref<!tpu.dma_semaphore, #tpu.memory_space<semaphore_mem>>)
      } else {
      }
      %ge3A = arith.constant 3 : i32
      %ge3A_96 = arith.cmpi sge, %while3A_92, %ge3A : i32
      %convert_element_type3A_97 = arith.extui %ge3A_96 : i1 to i32
      %cond3A_98 = arith.constant 0 : i32
      %cond3A_99 = arith.cmpi ne, %convert_element_type3A_97, %cond3A_98 : i32
      scf.if %cond3A_99 {
        %sub3A = arith.constant 3 : i32
        %sub3A_101 = arith.subi %while3A_92, %sub3A : i32
        %jit3A_102 = arith.constant 5 : i32
        %div3A = arith.divsi %sub3A_101, %jit3A_102 : i32
        %sign3A = arith.constant 0 : i32
        %sign3A_103 = arith.cmpi sgt, %sub3A_101, %sign3A : i32
        %sign3A_104 = arith.extui %sign3A_103 : i1 to i32
        %sign3A_105 = arith.constant 0 : i32
        %sign3A_106 = arith.cmpi slt, %sub3A_101, %sign3A_105 : i32
        %sign3A_107 = arith.extui %sign3A_106 : i1 to i32
        %sign3A_108 = arith.subi %sign3A_104, %sign3A_107 : i32
        %sign3A_109 = arith.constant 0 : i32
        %sign3A_110 = arith.cmpi sgt, %jit3A_102, %sign3A_109 : i32
        %sign3A_111 = arith.extui %sign3A_110 : i1 to i32
        %sign3A_112 = arith.constant 0 : i32
        %sign3A_113 = arith.cmpi slt, %jit3A_102, %sign3A_112 : i32
        %sign3A_114 = arith.extui %sign3A_113 : i1 to i32
        %sign3A_115 = arith.subi %sign3A_111, %sign3A_114 : i32
        %ne3A = arith.cmpi ne, %sign3A_108, %sign3A_115 : i32
        %rem3A = arith.remsi %sub3A_101, %jit3A_102 : i32
        %ne3A_116 = arith.constant 0 : i32
        %ne3A_117 = arith.cmpi ne, %rem3A, %ne3A_116 : i32
        %and3A = arith.andi %ne3A, %ne3A_117 : i1
        %sub3A_118 = arith.constant 1 : i32
        %sub3A_119 = arith.subi %div3A, %sub3A_118 : i32
        %select_n3A_120 = arith.select %and3A, %sub3A_119, %div3A : i32
        %rem3A_121 = arith.constant 5 : i32
        %rem3A_122 = arith.remsi %sub3A_101, %rem3A_121 : i32
        %rem3A_123 = arith.constant 3 : i32
        %rem3A_124 = arith.remsi %select_n3A_120, %rem3A_123 : i32
        %rem3A_125 = arith.constant 6 : i32
        %rem3A_126 = arith.remsi %sub3A_101, %rem3A_125 : i32
        %dma_wait3A = arith.constant 0 : i32
        %dma_wait3A_127 = arith.constant 0 : i32
        %dma_wait3A_128 = tpu.memref_slice %arg7[%rem3A_126, %dma_wait3A, %dma_wait3A_127] : memref<6x128x32xf32, #tpu.memory_space<vmem>> -> memref<1x128x32xf32, #tpu.memory_space<vmem>>
        %dma_wait3A_129 = tpu.memref_squeeze %dma_wait3A_128 : memref<1x128x32xf32, #tpu.memory_space<vmem>> -> memref<128x32xf32, #tpu.memory_space<vmem>>
        %dma_wait3A_130 = arith.constant 0 : i32
        %dma_wait3A_131 = arith.constant 0 : i32
        %dma_wait3A_132 = tpu.memref_slice %arg2[%arg0, %dma_wait3A_130, %dma_wait3A_131] : memref<2x50000x32xf32, #tpu.memory_space<hbm>> -> memref<1x50000x32xf32, #tpu.memory_space<hbm>>
        %dma_wait3A_133 = tpu.memref_squeeze %dma_wait3A_132 : memref<1x50000x32xf32, #tpu.memory_space<hbm>> -> memref<50000x32xf32, #tpu.memory_space<hbm>>
        %dma_wait3A_134 = arith.constant 0 : i32
        %dma_wait3A_135 = arith.constant 0 : i32
        %dma_wait3A_136 = tpu.memref_slice %dma_wait3A_133[%dma_wait3A_134, %dma_wait3A_135] : memref<50000x32xf32, #tpu.memory_space<hbm>> -> memref<128x32xf32, #tpu.memory_space<hbm>>
        %dma_wait3A_137 = tpu.memref_slice %arg12[%rem3A_126] : memref<6x!tpu.dma_semaphore, #tpu.memory_space<semaphore_mem>> -> memref<1x!tpu.dma_semaphore, #tpu.memory_space<semaphore_mem>>
        %dma_wait3A_138 = tpu.memref_squeeze %dma_wait3A_137 : memref<1x!tpu.dma_semaphore, #tpu.memory_space<semaphore_mem>> -> memref<!tpu.dma_semaphore, #tpu.memory_space<semaphore_mem>>
        %dma_wait3A_139 = arith.constant 0 : i32
        %dma_wait3A_140 = arith.constant 0 : i32
        %dma_wait3A_141 = tpu.memref_slice %arg7[%rem3A_126, %dma_wait3A_139, %dma_wait3A_140] : memref<6x128x32xf32, #tpu.memory_space<vmem>> -> memref<1x128x32xf32, #tpu.memory_space<vmem>>
        %dma_wait3A_142 = tpu.memref_squeeze %dma_wait3A_141 : memref<1x128x32xf32, #tpu.memory_space<vmem>> -> memref<128x32xf32, #tpu.memory_space<vmem>>
        %dma_wait3A_143 = arith.constant 0 : i32
        %dma_wait3A_144 = arith.constant 0 : i32
        %dma_wait3A_145 = tpu.memref_slice %arg2[%arg0, %dma_wait3A_143, %dma_wait3A_144] : memref<2x50000x32xf32, #tpu.memory_space<hbm>> -> memref<1x50000x32xf32, #tpu.memory_space<hbm>>
        %dma_wait3A_146 = tpu.memref_squeeze %dma_wait3A_145 : memref<1x50000x32xf32, #tpu.memory_space<hbm>> -> memref<50000x32xf32, #tpu.memory_space<hbm>>
        %dma_wait3A_147 = arith.constant 0 : i32
        %dma_wait3A_148 = arith.constant 0 : i32
        %dma_wait3A_149 = tpu.memref_slice %dma_wait3A_146[%dma_wait3A_147, %dma_wait3A_148] : memref<50000x32xf32, #tpu.memory_space<hbm>> -> memref<128x32xf32, #tpu.memory_space<hbm>>
        tpu.wait_dma2 semaphore(%dma_wait3A_138 : memref<!tpu.dma_semaphore, #tpu.memory_space<semaphore_mem>>) src(%dma_wait3A_149 : memref<128x32xf32, #tpu.memory_space<hbm>>) dst(%dma_wait3A_142 : memref<128x32xf32, #tpu.memory_space<vmem>>)
        %dma_start3A_150 = arith.constant 0 : i32
        %dma_start3A_151 = arith.constant 0 : i32
        %dma_start3A_152 = tpu.memref_slice %arg7[%rem3A_126, %dma_start3A_150, %dma_start3A_151] : memref<6x128x32xf32, #tpu.memory_space<vmem>> -> memref<1x128x32xf32, #tpu.memory_space<vmem>>
        %dma_start3A_153 = tpu.memref_squeeze %dma_start3A_152 : memref<1x128x32xf32, #tpu.memory_space<vmem>> -> memref<128x32xf32, #tpu.memory_space<vmem>>
        %dma_start3A_154 = arith.constant 0 : i32
        %dma_start3A_155 = tpu.memref_slice %arg9[%rem3A_124, %rem3A_122, %dma_start3A_154] : memref<3x5x128xi32, #tpu.memory_space<vmem>> -> memref<1x1x128xi32, #tpu.memory_space<vmem>>
        %dma_start3A_156 = tpu.memref_squeeze %dma_start3A_155 : memref<1x1x128xi32, #tpu.memory_space<vmem>> -> memref<128xi32, #tpu.memory_space<vmem>>
        %dma_start3A_157 = arith.constant 0 : i32
        %dma_start3A_158 = arith.constant 0 : i32
        %dma_start3A_159 = tpu.memref_slice %arg6[%dma_start3A_157, %dma_start3A_158] : memref<50000x32xf32, #tpu.memory_space<vmem_shared>> -> memref<50000x32xf32, #tpu.memory_space<vmem_shared>>
        %dma_start3A_160 = tpu.memref_slice %arg13[%rem3A_126] : memref<6x!tpu.dma_semaphore, #tpu.memory_space<semaphore_mem>> -> memref<1x!tpu.dma_semaphore, #tpu.memory_space<semaphore_mem>>
        %dma_start3A_161 = tpu.memref_squeeze %dma_start3A_160 : memref<1x!tpu.dma_semaphore, #tpu.memory_space<semaphore_mem>> -> memref<!tpu.dma_semaphore, #tpu.memory_space<semaphore_mem>>
        tpu.enqueue_indirect_dma source(%dma_start3A_153 : memref<128x32xf32, #tpu.memory_space<vmem>>) target(%dma_start3A_159 : memref<50000x32xf32, #tpu.memory_space<vmem_shared>>) offsets(%dma_start3A_156 : memref<128xi32, #tpu.memory_space<vmem>>) semaphore(%dma_start3A_161 : memref<!tpu.dma_semaphore, #tpu.memory_space<semaphore_mem>>) {add = true}
      } else {
      }
      %while3A_100 = arith.constant 0 : i32
      scf.yield %while3A_100 : i32
    }
    %scan3A_70 = arith.constant 0 : i32
    %scan3A_71 = arith.constant 0 : i32
    %scan3A_72 = arith.constant 6 : i32
    %scan3A_73 = arith.addi %scan3A_71, %scan3A_72 : i32
    %scan3A_74 = arith.constant 1 : i32
    %scan3A_75 = scf.for %scan3A_92 = %scan3A_71 to %scan3A_73 step %scan3A_74 iter_args(%scan3A_93 = %scan3A_70) -> (i32)  : i32 {
      %dma_wait3A = arith.constant 0 : i32
      %dma_wait3A_94 = arith.constant 0 : i32
      %dma_wait3A_95 = tpu.memref_slice %arg7[%scan3A_92, %dma_wait3A, %dma_wait3A_94] : memref<6x128x32xf32, #tpu.memory_space<vmem>> -> memref<1x128x32xf32, #tpu.memory_space<vmem>>
      %dma_wait3A_96 = tpu.memref_squeeze %dma_wait3A_95 : memref<1x128x32xf32, #tpu.memory_space<vmem>> -> memref<128x32xf32, #tpu.memory_space<vmem>>
      %dma_wait3A_97 = arith.constant 0 : i32
      %dma_wait3A_98 = arith.constant 0 : i32
      %dma_wait3A_99 = tpu.memref_slice %arg6[%dma_wait3A_97, %dma_wait3A_98] : memref<50000x32xf32, #tpu.memory_space<vmem_shared>> -> memref<128x32xf32, #tpu.memory_space<vmem_shared>>
      %dma_wait3A_100 = tpu.memref_slice %arg13[%scan3A_92] : memref<6x!tpu.dma_semaphore, #tpu.memory_space<semaphore_mem>> -> memref<1x!tpu.dma_semaphore, #tpu.memory_space<semaphore_mem>>
      %dma_wait3A_101 = tpu.memref_squeeze %dma_wait3A_100 : memref<1x!tpu.dma_semaphore, #tpu.memory_space<semaphore_mem>> -> memref<!tpu.dma_semaphore, #tpu.memory_space<semaphore_mem>>
      %dma_wait3A_102 = arith.constant 0 : i32
      %dma_wait3A_103 = arith.constant 0 : i32
      %dma_wait3A_104 = tpu.memref_slice %arg6[%dma_wait3A_102, %dma_wait3A_103] : memref<50000x32xf32, #tpu.memory_space<vmem_shared>> -> memref<128x32xf32, #tpu.memory_space<vmem_shared>>
      %dma_wait3A_105 = arith.constant 0 : i32
      %dma_wait3A_106 = arith.constant 0 : i32
      %dma_wait3A_107 = tpu.memref_slice %arg7[%scan3A_92, %dma_wait3A_105, %dma_wait3A_106] : memref<6x128x32xf32, #tpu.memory_space<vmem>> -> memref<1x128x32xf32, #tpu.memory_space<vmem>>
      %dma_wait3A_108 = tpu.memref_squeeze %dma_wait3A_107 : memref<1x128x32xf32, #tpu.memory_space<vmem>> -> memref<128x32xf32, #tpu.memory_space<vmem>>
      tpu.wait_dma2 semaphore(%dma_wait3A_101 : memref<!tpu.dma_semaphore, #tpu.memory_space<semaphore_mem>>) src(%dma_wait3A_108 : memref<128x32xf32, #tpu.memory_space<vmem>>) dst(%dma_wait3A_104 : memref<128x32xf32, #tpu.memory_space<vmem_shared>>)
      %scan3A_109 = arith.constant 0 : i32
      scf.yield %scan3A_109 : i32
    }
    %scan3A_76 = arith.constant 6 : i32
    %barrier3A_77 = arith.constant 0 : index
    tpu.barrier barrier_id(%barrier3A_77)
    %scan3A_78 = arith.constant 0 : i32
    %scan3A_79 = arith.constant 0 : i32
    %scan3A_80 = arith.constant 4 : i32
    %scan3A_81 = arith.addi %scan3A_79, %scan3A_80 : i32
    %scan3A_82 = arith.constant 1 : i32
    %scan3A_83 = scf.for %scan3A_92 = %scan3A_79 to %scan3A_81 step %scan3A_82 iter_args(%scan3A_93 = %scan3A_78) -> (i32)  : i32 {
      %mul3A_94 = arith.constant 16 : i32
      %mul3A_95 = arith.muli %scan3A_92, %mul3A_94 : i32
      %add3A_96 = arith.addi %arg1, %mul3A_95 : i32
      %lt3A_97 = arith.constant 50 : i32
      %lt3A_98 = arith.cmpi slt, %add3A_96, %lt3A_97 : i32
      %convert_element_type3A = arith.extui %lt3A_98 : i1 to i32
      %cond3A = arith.constant 0 : i32
      %cond3A_99 = arith.cmpi ne, %convert_element_type3A, %cond3A : i32
      scf.if %cond3A_99 {
        %mul3A_101 = arith.constant 1000 : i32
        %mul3A_102 = arith.muli %add3A_96, %mul3A_101 : i32
        %mul3A_103 = arith.constant 1000 : i32
        %mul3A_104 = arith.muli %add3A_96, %mul3A_103 : i32
        %dma_start3A_105 = arith.constant 0 : i32
        %dma_start3A_106 = arith.constant 0 : i32
        %dma_start3A_107 = tpu.memref_slice %arg5[%arg0, %dma_start3A_105, %dma_start3A_106] : memref<2x50000x32xf32, #tpu.memory_space<hbm>> -> memref<1x50000x32xf32, #tpu.memory_space<hbm>>
        %dma_start3A_108 = tpu.memref_squeeze %dma_start3A_107 : memref<1x50000x32xf32, #tpu.memory_space<hbm>> -> memref<50000x32xf32, #tpu.memory_space<hbm>>
        %dma_start3A_109 = arith.constant 0 : i32
        %dma_start3A_110 = tpu.memref_slice %dma_start3A_108[%mul3A_104, %dma_start3A_109] : memref<50000x32xf32, #tpu.memory_space<hbm>> -> memref<1000x32xf32, #tpu.memory_space<hbm>>
        %dma_start3A_111 = arith.constant 0 : i32
        %dma_start3A_112 = tpu.memref_slice %arg6[%mul3A_102, %dma_start3A_111] : memref<50000x32xf32, #tpu.memory_space<vmem_shared>> -> memref<1000x32xf32, #tpu.memory_space<vmem_shared>>
        tpu.enqueue_dma source(%dma_start3A_112 : memref<1000x32xf32, #tpu.memory_space<vmem_shared>>) target(%dma_start3A_110 : memref<1000x32xf32, #tpu.memory_space<hbm>>) target_semaphore(%arg14 : memref<!tpu.dma_semaphore, #tpu.memory_space<semaphore_mem>>)
      } else {
      }
      %scan3A_100 = arith.constant 0 : i32
      scf.yield %scan3A_100 : i32
    }
    %scan3A_84 = arith.constant 4 : i32
    %scan3A_85 = arith.constant 0 : i32
    %scan3A_86 = arith.constant 0 : i32
    %scan3A_87 = arith.constant 4 : i32
    %scan3A_88 = arith.addi %scan3A_86, %scan3A_87 : i32
    %scan3A_89 = arith.constant 1 : i32
    %scan3A_90 = scf.for %scan3A_92 = %scan3A_86 to %scan3A_88 step %scan3A_89 iter_args(%scan3A_93 = %scan3A_85) -> (i32)  : i32 {
      %mul3A_94 = arith.constant 16 : i32
      %mul3A_95 = arith.muli %scan3A_92, %mul3A_94 : i32
      %add3A_96 = arith.addi %arg1, %mul3A_95 : i32
      %lt3A_97 = arith.constant 50 : i32
      %lt3A_98 = arith.cmpi slt, %add3A_96, %lt3A_97 : i32
      %convert_element_type3A = arith.extui %lt3A_98 : i1 to i32
      %cond3A = arith.constant 0 : i32
      %cond3A_99 = arith.cmpi ne, %convert_element_type3A, %cond3A : i32
      scf.if %cond3A_99 {
        %dma_wait3A = arith.constant 0 : i32
        %dma_wait3A_101 = arith.constant 0 : i32
        %dma_wait3A_102 = tpu.memref_slice %arg5[%arg0, %dma_wait3A, %dma_wait3A_101] : memref<2x50000x32xf32, #tpu.memory_space<hbm>> -> memref<1x50000x32xf32, #tpu.memory_space<hbm>>
        %dma_wait3A_103 = tpu.memref_squeeze %dma_wait3A_102 : memref<1x50000x32xf32, #tpu.memory_space<hbm>> -> memref<50000x32xf32, #tpu.memory_space<hbm>>
        %dma_wait3A_104 = arith.constant 0 : i32
        %dma_wait3A_105 = arith.constant 0 : i32
        %dma_wait3A_106 = tpu.memref_slice %dma_wait3A_103[%dma_wait3A_104, %dma_wait3A_105] : memref<50000x32xf32, #tpu.memory_space<hbm>> -> memref<1000x32xf32, #tpu.memory_space<hbm>>
        %dma_wait3A_107 = arith.constant 0 : i32
        %dma_wait3A_108 = arith.constant 0 : i32
        %dma_wait3A_109 = tpu.memref_slice %arg6[%dma_wait3A_107, %dma_wait3A_108] : memref<50000x32xf32, #tpu.memory_space<vmem_shared>> -> memref<1000x32xf32, #tpu.memory_space<vmem_shared>>
        tpu.wait_dma2 semaphore(%arg14 : memref<!tpu.dma_semaphore, #tpu.memory_space<semaphore_mem>>) src(%dma_wait3A_109 : memref<1000x32xf32, #tpu.memory_space<vmem_shared>>) dst(%dma_wait3A_106 : memref<1000x32xf32, #tpu.memory_space<hbm>>)
      } else {
      }
      %scan3A_100 = arith.constant 0 : i32
      scf.yield %scan3A_100 : i32
    }
    %scan3A_91 = arith.constant 4 : i32
    return
  }
}

#map = affine_map<(d0, d1) -> (0, 0, 0)>
#map1 = affine_map<(d0, d1) -> (0, 0)>
module attributes {stable_mosaic.version = 14 : i64} {
  func.func @_sc_segment_sum_body(%arg0: i32, %arg1: i32, %arg2: memref<2x50000x32xf32, #tpu.memory_space<hbm>>, %arg3: memref<6250x128xi32, #tpu.memory_space<hbm>>, %arg4: memref<6250x128xi32, #tpu.memory_space<hbm>>, %arg5: memref<2x50000x32xf32, #tpu.memory_space<hbm>>, %arg6: memref<50000x32xf32, #tpu.memory_space<vmem_shared>>, %arg7: memref<6x128x32xf32, #tpu.memory_space<vmem>>, %arg8: memref<3x5x128xi32, #tpu.memory_space<vmem>>, %arg9: memref<3x5x128xi32, #tpu.memory_space<vmem>>, %arg10: memref<50x32xf32, #tpu.memory_space<vmem>>, %arg11: memref<3x!tpu.dma_semaphore, #tpu.memory_space<semaphore_mem>>, %arg12: memref<6x!tpu.dma_semaphore, #tpu.memory_space<semaphore_mem>>, %arg13: memref<6x!tpu.dma_semaphore, #tpu.memory_space<semaphore_mem>>, %arg14: memref<!tpu.dma_semaphore, #tpu.memory_space<semaphore_mem>>) attributes {dimension_semantics = [#tpu.dimension_semantics<core_parallel>, #tpu.dimension_semantics<subcore_parallel>], iteration_bounds = array<i64: 2, 16>, scalar_prefetch = 0 : i64, scratch_operands = 9 : i64, tpu.core_type = #tpu.core_type<sc_vector_subcore>, window_params = [{transform_indices = #map}, {transform_indices = #map1}, {transform_indices = #map1}, {transform_indices = #map}]} {
    %mul3A = arith.constant 390 : i32
    %mul3A_0 = arith.muli %arg1, %mul3A : i32
    %min3A = arith.constant 10 : i32
    %min3A_1 = arith.minsi %arg1, %min3A : i32
    %add3A = arith.addi %mul3A_0, %min3A_1 : i32
    %lt3A = arith.constant 10 : i32
    %lt3A_2 = arith.cmpi slt, %arg1, %lt3A : i32
    %jit3A = arith.constant 1 : i32
    %jit3A_3 = arith.constant 0 : i32
    %select_n3A = arith.select %lt3A_2, %jit3A, %jit3A_3 : i32
    %add3A_4 = arith.constant 390 : i32
    %add3A_5 = arith.addi %add3A_4, %select_n3A : i32
    %dma_start3A = arith.constant 0 : i32
    %dma_start3A_6 = arith.constant 0 : i32
    %dma_start3A_7 = arith.constant 0 : i32
    %dma_start3A_8 = arith.constant 0 : i32
    %dma_start3A_9 = tpu.memref_slice %arg8[%dma_start3A, %dma_start3A_7, %dma_start3A_8] : memref<3x5x128xi32, #tpu.memory_space<vmem>> -> memref<1x5x128xi32, #tpu.memory_space<vmem>>
    %dma_start3A_10 = tpu.memref_squeeze %dma_start3A_9 : memref<1x5x128xi32, #tpu.memory_space<vmem>> -> memref<5x128xi32, #tpu.memory_space<vmem>>
    %dma_start3A_11 = arith.constant 0 : i32
    %dma_start3A_12 = tpu.memref_slice %arg3[%add3A, %dma_start3A_11] : memref<6250x128xi32, #tpu.memory_space<hbm>> -> memref<5x128xi32, #tpu.memory_space<hbm>>
    %dma_start3A_13 = tpu.memref_slice %arg11[%dma_start3A_6] : memref<3x!tpu.dma_semaphore, #tpu.memory_space<semaphore_mem>> -> memref<1x!tpu.dma_semaphore, #tpu.memory_space<semaphore_mem>>
    %dma_start3A_14 = tpu.memref_squeeze %dma_start3A_13 : memref<1x!tpu.dma_semaphore, #tpu.memory_space<semaphore_mem>> -> memref<!tpu.dma_semaphore, #tpu.memory_space<semaphore_mem>>
    %dma_start3A_15 = arith.constant 0 : i32
    %dma_start3A_16 = arith.constant 0 : i32
    %dma_start3A_17 = tpu.memref_slice %arg8[%dma_start3A, %dma_start3A_15, %dma_start3A_16] : memref<3x5x128xi32, #tpu.memory_space<vmem>> -> memref<1x5x128xi32, #tpu.memory_space<vmem>>
    %dma_start3A_18 = tpu.memref_squeeze %dma_start3A_17 : memref<1x5x128xi32, #tpu.memory_space<vmem>> -> memref<5x128xi32, #tpu.memory_space<vmem>>
    %dma_start3A_19 = arith.constant 0 : i32
    %dma_start3A_20 = tpu.memref_slice %arg3[%add3A, %dma_start3A_19] : memref<6250x128xi32, #tpu.memory_space<hbm>> -> memref<5x128xi32, #tpu.memory_space<hbm>>
    tpu.enqueue_dma source(%dma_start3A_20 : memref<5x128xi32, #tpu.memory_space<hbm>>) target(%dma_start3A_18 : memref<5x128xi32, #tpu.memory_space<vmem>>) target_semaphore(%dma_start3A_14 : memref<!tpu.dma_semaphore, #tpu.memory_space<semaphore_mem>>)
    %dma_start3A_21 = arith.constant 0 : i32
    %dma_start3A_22 = arith.constant 0 : i32
    %dma_start3A_23 = arith.constant 0 : i32
    %dma_start3A_24 = arith.constant 0 : i32
    %dma_start3A_25 = tpu.memref_slice %arg9[%dma_start3A_21, %dma_start3A_23, %dma_start3A_24] : memref<3x5x128xi32, #tpu.memory_space<vmem>> -> memref<1x5x128xi32, #tpu.memory_space<vmem>>
    %dma_start3A_26 = tpu.memref_squeeze %dma_start3A_25 : memref<1x5x128xi32, #tpu.memory_space<vmem>> -> memref<5x128xi32, #tpu.memory_space<vmem>>
    %dma_start3A_27 = arith.constant 0 : i32
    %dma_start3A_28 = tpu.memref_slice %arg4[%add3A, %dma_start3A_27] : memref<6250x128xi32, #tpu.memory_space<hbm>> -> memref<5x128xi32, #tpu.memory_space<hbm>>
    %dma_start3A_29 = tpu.memref_slice %arg11[%dma_start3A_22] : memref<3x!tpu.dma_semaphore, #tpu.memory_space<semaphore_mem>> -> memref<1x!tpu.dma_semaphore, #tpu.memory_space<semaphore_mem>>
    %dma_start3A_30 = tpu.memref_squeeze %dma_start3A_29 : memref<1x!tpu.dma_semaphore, #tpu.memory_space<semaphore_mem>> -> memref<!tpu.dma_semaphore, #tpu.memory_space<semaphore_mem>>
    %dma_start3A_31 = arith.constant 0 : i32
    %dma_start3A_32 = arith.constant 0 : i32
    %dma_start3A_33 = tpu.memref_slice %arg9[%dma_start3A_21, %dma_start3A_31, %dma_start3A_32] : memref<3x5x128xi32, #tpu.memory_space<vmem>> -> memref<1x5x128xi32, #tpu.memory_space<vmem>>
    %dma_start3A_34 = tpu.memref_squeeze %dma_start3A_33 : memref<1x5x128xi32, #tpu.memory_space<vmem>> -> memref<5x128xi32, #tpu.memory_space<vmem>>
    %dma_start3A_35 = arith.constant 0 : i32
    %dma_start3A_36 = tpu.memref_slice %arg4[%add3A, %dma_start3A_35] : memref<6250x128xi32, #tpu.memory_space<hbm>> -> memref<5x128xi32, #tpu.memory_space<hbm>>
    tpu.enqueue_dma source(%dma_start3A_36 : memref<5x128xi32, #tpu.memory_space<hbm>>) target(%dma_start3A_34 : memref<5x128xi32, #tpu.memory_space<vmem>>) target_semaphore(%dma_start3A_30 : memref<!tpu.dma_semaphore, #tpu.memory_space<semaphore_mem>>)
    %scan3A = arith.constant 0 : i32
    %scan3A_37 = arith.constant 0 : i32
    %scan3A_38 = arith.constant 50 : i32
    %scan3A_39 = arith.addi %scan3A_37, %scan3A_38 : i32
    %scan3A_40 = arith.constant 1 : i32
    %scan3A_41 = scf.for %scan3A_92 = %scan3A_37 to %scan3A_39 step %scan3A_40 iter_args(%scan3A_93 = %scan3A) -> (i32)  : i32 {
      %broadcast_in_dim3A = arith.constant 0.000000e+00 : f32
      %broadcast_in_dim3A_94 = vector.broadcast %broadcast_in_dim3A : f32 to vector<16xf32>
      %swap3A = arith.index_cast %scan3A_92 : i32 to index
      %swap3A_95 = arith.constant 0 : index
      %swap3A_96 = tpu.vector_load %arg10[%swap3A, %swap3A_95] {strides = array<i32>} : memref<50x32xf32, #tpu.memory_space<vmem>>, vector<1x16xf32>,
      %swap3A_97 = vector.shape_cast %swap3A_96 : vector<1x16xf32> to vector<16xf32>
      %swap3A_98 = vector.shape_cast %broadcast_in_dim3A_94 : vector<16xf32> to vector<1x16xf32>
      tpu.vector_store %arg10[%swap3A, %swap3A_95], %swap3A_98 {strides = array<i32>} : memref<50x32xf32, #tpu.memory_space<vmem>>, vector<1x16xf32>,
      %swap3A_99 = arith.index_cast %scan3A_92 : i32 to index
      %swap3A_100 = arith.constant 16 : index
      %swap3A_101 = tpu.vector_load %arg10[%swap3A_99, %swap3A_100] {strides = array<i32>} : memref<50x32xf32, #tpu.memory_space<vmem>>, vector<1x16xf32>,
      %swap3A_102 = vector.shape_cast %swap3A_101 : vector<1x16xf32> to vector<16xf32>
      %swap3A_103 = vector.shape_cast %broadcast_in_dim3A_94 : vector<16xf32> to vector<1x16xf32>
      tpu.vector_store %arg10[%swap3A_99, %swap3A_100], %swap3A_103 {strides = array<i32>} : memref<50x32xf32, #tpu.memory_space<vmem>>, vector<1x16xf32>,
      %scan3A_104 = arith.constant 0 : i32
      scf.yield %scan3A_104 : i32
    }
    %scan3A_42 = arith.constant 50 : i32
    %scan3A_43 = arith.constant 0 : i32
    %scan3A_44 = arith.constant 0 : i32
    %scan3A_45 = arith.constant 63 : i32
    %scan3A_46 = arith.addi %scan3A_44, %scan3A_45 : i32
    %scan3A_47 = arith.constant 1 : i32
    %scan3A_48 = scf.for %scan3A_92 = %scan3A_44 to %scan3A_46 step %scan3A_47 iter_args(%scan3A_93 = %scan3A_43) -> (i32)  : i32 {
      %mul3A_94 = arith.constant 16 : i32
      %mul3A_95 = arith.muli %scan3A_92, %mul3A_94 : i32
      %add3A_96 = arith.addi %arg1, %mul3A_95 : i32
      %lt3A_97 = arith.constant 1000 : i32
      %lt3A_98 = arith.cmpi slt, %add3A_96, %lt3A_97 : i32
      %convert_element_type3A = arith.extui %lt3A_98 : i1 to i32
      %cond3A = arith.constant 0 : i32
      %cond3A_99 = arith.cmpi ne, %convert_element_type3A, %cond3A : i32
      scf.if %cond3A_99 {
        %mul3A_101 = arith.constant 50 : i32
        %mul3A_102 = arith.muli %add3A_96, %mul3A_101 : i32
        %dma_start3A_103 = arith.constant 0 : i32
        %dma_start3A_104 = tpu.memref_slice %arg6[%mul3A_102, %dma_start3A_103] : memref<50000x32xf32, #tpu.memory_space<vmem_shared>> -> memref<50x32xf32, #tpu.memory_space<vmem_shared>>
        %dma_start3A_105 = arith.constant 0 : i32
        %dma_start3A_106 = tpu.memref_slice %arg6[%mul3A_102, %dma_start3A_105] : memref<50000x32xf32, #tpu.memory_space<vmem_shared>> -> memref<50x32xf32, #tpu.memory_space<vmem_shared>>
        tpu.enqueue_dma source(%arg10 : memref<50x32xf32, #tpu.memory_space<vmem>>) target(%dma_start3A_106 : memref<50x32xf32, #tpu.memory_space<vmem_shared>>) target_semaphore(%arg14 : memref<!tpu.dma_semaphore, #tpu.memory_space<semaphore_mem>>)
      } else {
      }
      %scan3A_100 = arith.constant 0 : i32
      scf.yield %scan3A_100 : i32
    }
    %scan3A_49 = arith.constant 63 : i32
    %scan3A_50 = arith.constant 0 : i32
    %scan3A_51 = arith.constant 0 : i32
    %scan3A_52 = arith.constant 63 : i32
    %scan3A_53 = arith.addi %scan3A_51, %scan3A_52 : i32
    %scan3A_54 = arith.constant 1 : i32
    %scan3A_55 = scf.for %scan3A_92 = %scan3A_51 to %scan3A_53 step %scan3A_54 iter_args(%scan3A_93 = %scan3A_50) -> (i32)  : i32 {
      %mul3A_94 = arith.constant 16 : i32
      %mul3A_95 = arith.muli %scan3A_92, %mul3A_94 : i32
      %add3A_96 = arith.addi %arg1, %mul3A_95 : i32
      %lt3A_97 = arith.constant 1000 : i32
      %lt3A_98 = arith.cmpi slt, %add3A_96, %lt3A_97 : i32
      %convert_element_type3A = arith.extui %lt3A_98 : i1 to i32
      %cond3A = arith.constant 0 : i32
      %cond3A_99 = arith.cmpi ne, %convert_element_type3A, %cond3A : i32
      scf.if %cond3A_99 {
        %dma_wait3A = arith.constant 0 : i32
        %dma_wait3A_101 = arith.constant 0 : i32
        %dma_wait3A_102 = tpu.memref_slice %arg6[%dma_wait3A, %dma_wait3A_101] : memref<50000x32xf32, #tpu.memory_space<vmem_shared>> -> memref<50x32xf32, #tpu.memory_space<vmem_shared>>
        %dma_wait3A_103 = arith.constant 0 : i32
        %dma_wait3A_104 = arith.constant 0 : i32
        %dma_wait3A_105 = tpu.memref_slice %arg6[%dma_wait3A_103, %dma_wait3A_104] : memref<50000x32xf32, #tpu.memory_space<vmem_shared>> -> memref<50x32xf32, #tpu.memory_space<vmem_shared>>
        tpu.wait_dma2 semaphore(%arg14 : memref<!tpu.dma_semaphore, #tpu.memory_space<semaphore_mem>>) src(%arg10 : memref<50x32xf32, #tpu.memory_space<vmem>>) dst(%dma_wait3A_105 : memref<50x32xf32, #tpu.memory_space<vmem_shared>>)
      } else {
      }
      %scan3A_100 = arith.constant 0 : i32
      scf.yield %scan3A_100 : i32
    }
    %scan3A_56 = arith.constant 63 : i32
    %barrier3A = arith.constant 0 : index
    tpu.barrier barrier_id(%barrier3A)
    %add3A_57 = arith.constant 3 : i32
    %add3A_58 = arith.addi %add3A_5, %add3A_57 : i32
    %while3A = arith.constant 0 : i32
    %while3A_59 = arith.constant 0 : i32
    %while3A_60 = arith.subi %add3A_58, %while3A : i32
    %while3A_61 = arith.addi %while3A, %while3A_60 : i32
    %while3A_62 = arith.constant 1 : i32
    %while3A_63 = arith.divsi %while3A_60, %while3A_62 : i32
    %while3A_64 = arith.muli %while3A_63, %while3A_62 : i32
    %while3A_65 = arith.addi %while3A, %while3A_64 : i32
    %while3A_66 = arith.constant 1 : i32
    %while3A_67 = scf.for %while3A_92 = %while3A to %while3A_65 step %while3A_66 iter_args(%while3A_93 = %while3A_59) -> (i32)  : i32 {
      %lt3A_94 = arith.cmpi slt, %while3A_92, %add3A_5 : i32
      %convert_element_type3A = arith.extui %lt3A_94 : i1 to i32
      %cond3A = arith.constant 0 : i32
      %cond3A_95 = arith.cmpi ne, %convert_element_type3A, %cond3A : i32
      scf.if %cond3A_95 {
        %jit3A_101 = arith.constant 5 : i32
        %div3A = arith.divsi %while3A_92, %jit3A_101 : i32
        %sign3A = arith.constant 0 : i32
        %sign3A_102 = arith.cmpi sgt, %while3A_92, %sign3A : i32
        %sign3A_103 = arith.extui %sign3A_102 : i1 to i32
        %sign3A_104 = arith.constant 0 : i32
        %sign3A_105 = arith.cmpi slt, %while3A_92, %sign3A_104 : i32
        %sign3A_106 = arith.extui %sign3A_105 : i1 to i32
        %sign3A_107 = arith.subi %sign3A_103, %sign3A_106 : i32
        %sign3A_108 = arith.constant 0 : i32
        %sign3A_109 = arith.cmpi sgt, %jit3A_101, %sign3A_108 : i32
        %sign3A_110 = arith.extui %sign3A_109 : i1 to i32
        %sign3A_111 = arith.constant 0 : i32
        %sign3A_112 = arith.cmpi slt, %jit3A_101, %sign3A_111 : i32
        %sign3A_113 = arith.extui %sign3A_112 : i1 to i32
        %sign3A_114 = arith.subi %sign3A_110, %sign3A_113 : i32
        %ne3A = arith.cmpi ne, %sign3A_107, %sign3A_114 : i32
        %rem3A = arith.remsi %while3A_92, %jit3A_101 : i32
        %ne3A_115 = arith.constant 0 : i32
        %ne3A_116 = arith.cmpi ne, %rem3A, %ne3A_115 : i32
        %and3A = arith.andi %ne3A, %ne3A_116 : i1
        %sub3A = arith.constant 1 : i32
        %sub3A_117 = arith.subi %div3A, %sub3A : i32
        %select_n3A_118 = arith.select %and3A, %sub3A_117, %div3A : i32
        %rem3A_119 = arith.constant 5 : i32
        %rem3A_120 = arith.remsi %while3A_92, %rem3A_119 : i32
        %rem3A_121 = arith.constant 3 : i32
        %rem3A_122 = arith.remsi %select_n3A_118, %rem3A_121 : i32
        %eq3A = arith.constant 0 : i32
        %eq3A_123 = arith.cmpi eq, %rem3A_120, %eq3A : i32
        %convert_element_type3A_124 = arith.extui %eq3A_123 : i1 to i32
        %cond3A_125 = arith.constant 0 : i32
        %cond3A_126 = arith.cmpi ne, %convert_element_type3A_124, %cond3A_125 : i32
        scf.if %cond3A_126 {
          %add3A_150 = arith.constant 1 : i32
          %add3A_151 = arith.addi %select_n3A_118, %add3A_150 : i32
          %mul3A_152 = arith.constant 5 : i32
          %mul3A_153 = arith.muli %add3A_151, %mul3A_152 : i32
          %lt3A_154 = arith.cmpi slt, %mul3A_153, %add3A_5 : i32
          %convert_element_type3A_155 = arith.extui %lt3A_154 : i1 to i32
          %cond3A_156 = arith.constant 0 : i32
          %cond3A_157 = arith.cmpi ne, %convert_element_type3A_155, %cond3A_156 : i32
          scf.if %cond3A_157 {
            %add3A_189 = arith.constant 1 : i32
            %add3A_190 = arith.addi %select_n3A_118, %add3A_189 : i32
            %rem3A_191 = arith.constant 3 : i32
            %rem3A_192 = arith.remsi %add3A_190, %rem3A_191 : i32
            %add3A_193 = arith.constant 1 : i32
            %add3A_194 = arith.addi %select_n3A_118, %add3A_193 : i32
            %mul3A_195 = arith.constant 5 : i32
            %mul3A_196 = arith.muli %add3A_194, %mul3A_195 : i32
            %add3A_197 = arith.addi %add3A, %mul3A_196 : i32
            %dma_start3A_198 = arith.constant 0 : i32
            %dma_start3A_199 = arith.constant 0 : i32
            %dma_start3A_200 = tpu.memref_slice %arg8[%rem3A_192, %dma_start3A_198, %dma_start3A_199] : memref<3x5x128xi32, #tpu.memory_space<vmem>> -> memref<1x5x128xi32, #tpu.memory_space<vmem>>
            %dma_start3A_201 = tpu.memref_squeeze %dma_start3A_200 : memref<1x5x128xi32, #tpu.memory_space<vmem>> -> memref<5x128xi32, #tpu.memory_space<vmem>>
            %dma_start3A_202 = arith.constant 0 : i32
            %dma_start3A_203 = tpu.memref_slice %arg3[%add3A_197, %dma_start3A_202] : memref<6250x128xi32, #tpu.memory_space<hbm>> -> memref<5x128xi32, #tpu.memory_space<hbm>>
            %dma_start3A_204 = tpu.memref_slice %arg11[%rem3A_192] : memref<3x!tpu.dma_semaphore, #tpu.memory_space<semaphore_mem>> -> memref<1x!tpu.dma_semaphore, #tpu.memory_space<semaphore_mem>>
            %dma_start3A_205 = tpu.memref_squeeze %dma_start3A_204 : memref<1x!tpu.dma_semaphore, #tpu.memory_space<semaphore_mem>> -> memref<!tpu.dma_semaphore, #tpu.memory_space<semaphore_mem>>
            %dma_start3A_206 = arith.constant 0 : i32
            %dma_start3A_207 = arith.constant 0 : i32
            %dma_start3A_208 = tpu.memref_slice %arg8[%rem3A_192, %dma_start3A_206, %dma_start3A_207] : memref<3x5x128xi32, #tpu.memory_space<vmem>> -> memref<1x5x128xi32, #tpu.memory_space<vmem>>
            %dma_start3A_209 = tpu.memref_squeeze %dma_start3A_208 : memref<1x5x128xi32, #tpu.memory_space<vmem>> -> memref<5x128xi32, #tpu.memory_space<vmem>>
            %dma_start3A_210 = arith.constant 0 : i32
            %dma_start3A_211 = tpu.memref_slice %arg3[%add3A_197, %dma_start3A_210] : memref<6250x128xi32, #tpu.memory_space<hbm>> -> memref<5x128xi32, #tpu.memory_space<hbm>>
            tpu.enqueue_dma source(%dma_start3A_211 : memref<5x128xi32, #tpu.memory_space<hbm>>) target(%dma_start3A_209 : memref<5x128xi32, #tpu.memory_space<vmem>>) target_semaphore(%dma_start3A_205 : memref<!tpu.dma_semaphore, #tpu.memory_space<semaphore_mem>>)
            %dma_start3A_212 = arith.constant 0 : i32
            %dma_start3A_213 = arith.constant 0 : i32
            %dma_start3A_214 = tpu.memref_slice %arg9[%rem3A_192, %dma_start3A_212, %dma_start3A_213] : memref<3x5x128xi32, #tpu.memory_space<vmem>> -> memref<1x5x128xi32, #tpu.memory_space<vmem>>
            %dma_start3A_215 = tpu.memref_squeeze %dma_start3A_214 : memref<1x5x128xi32, #tpu.memory_space<vmem>> -> memref<5x128xi32, #tpu.memory_space<vmem>>
            %dma_start3A_216 = arith.constant 0 : i32
            %dma_start3A_217 = tpu.memref_slice %arg4[%add3A_197, %dma_start3A_216] : memref<6250x128xi32, #tpu.memory_space<hbm>> -> memref<5x128xi32, #tpu.memory_space<hbm>>
            %dma_start3A_218 = tpu.memref_slice %arg11[%rem3A_192] : memref<3x!tpu.dma_semaphore, #tpu.memory_space<semaphore_mem>> -> memref<1x!tpu.dma_semaphore, #tpu.memory_space<semaphore_mem>>
            %dma_start3A_219 = tpu.memref_squeeze %dma_start3A_218 : memref<1x!tpu.dma_semaphore, #tpu.memory_space<semaphore_mem>> -> memref<!tpu.dma_semaphore, #tpu.memory_space<semaphore_mem>>
            %dma_start3A_220 = arith.constant 0 : i32
            %dma_start3A_221 = arith.constant 0 : i32
            %dma_start3A_222 = tpu.memref_slice %arg9[%rem3A_192, %dma_start3A_220, %dma_start3A_221] : memref<3x5x128xi32, #tpu.memory_space<vmem>> -> memref<1x5x128xi32, #tpu.memory_space<vmem>>
            %dma_start3A_223 = tpu.memref_squeeze %dma_start3A_222 : memref<1x5x128xi32, #tpu.memory_space<vmem>> -> memref<5x128xi32, #tpu.memory_space<vmem>>
            %dma_start3A_224 = arith.constant 0 : i32
            %dma_start3A_225 = tpu.memref_slice %arg4[%add3A_197, %dma_start3A_224] : memref<6250x128xi32, #tpu.memory_space<hbm>> -> memref<5x128xi32, #tpu.memory_space<hbm>>
            tpu.enqueue_dma source(%dma_start3A_225 : memref<5x128xi32, #tpu.memory_space<hbm>>) target(%dma_start3A_223 : memref<5x128xi32, #tpu.memory_space<vmem>>) target_semaphore(%dma_start3A_219 : memref<!tpu.dma_semaphore, #tpu.memory_space<semaphore_mem>>)
          } else {
          }
          %dma_wait3A = arith.constant 0 : i32
          %dma_wait3A_158 = arith.constant 0 : i32
          %dma_wait3A_159 = tpu.memref_slice %arg8[%rem3A_122, %dma_wait3A, %dma_wait3A_158] : memref<3x5x128xi32, #tpu.memory_space<vmem>> -> memref<1x5x128xi32, #tpu.memory_space<vmem>>
          %dma_wait3A_160 = tpu.memref_squeeze %dma_wait3A_159 : memref<1x5x128xi32, #tpu.memory_space<vmem>> -> memref<5x128xi32, #tpu.memory_space<vmem>>
          %dma_wait3A_161 = arith.constant 0 : i32
          %dma_wait3A_162 = arith.constant 0 : i32
          %dma_wait3A_163 = tpu.memref_slice %arg3[%dma_wait3A_161, %dma_wait3A_162] : memref<6250x128xi32, #tpu.memory_space<hbm>> -> memref<5x128xi32, #tpu.memory_space<hbm>>
          %dma_wait3A_164 = tpu.memref_slice %arg11[%rem3A_122] : memref<3x!tpu.dma_semaphore, #tpu.memory_space<semaphore_mem>> -> memref<1x!tpu.dma_semaphore, #tpu.memory_space<semaphore_mem>>
          %dma_wait3A_165 = tpu.memref_squeeze %dma_wait3A_164 : memref<1x!tpu.dma_semaphore, #tpu.memory_space<semaphore_mem>> -> memref<!tpu.dma_semaphore, #tpu.memory_space<semaphore_mem>>
          %dma_wait3A_166 = arith.constant 0 : i32
          %dma_wait3A_167 = arith.constant 0 : i32
          %dma_wait3A_168 = tpu.memref_slice %arg8[%rem3A_122, %dma_wait3A_166, %dma_wait3A_167] : memref<3x5x128xi32, #tpu.memory_space<vmem>> -> memref<1x5x128xi32, #tpu.memory_space<vmem>>
          %dma_wait3A_169 = tpu.memref_squeeze %dma_wait3A_168 : memref<1x5x128xi32, #tpu.memory_space<vmem>> -> memref<5x128xi32, #tpu.memory_space<vmem>>
          %dma_wait3A_170 = arith.constant 0 : i32
          %dma_wait3A_171 = arith.constant 0 : i32
          %dma_wait3A_172 = tpu.memref_slice %arg3[%dma_wait3A_170, %dma_wait3A_171] : memref<6250x128xi32, #tpu.memory_space<hbm>> -> memref<5x128xi32, #tpu.memory_space<hbm>>
          tpu.wait_dma2 semaphore(%dma_wait3A_165 : memref<!tpu.dma_semaphore, #tpu.memory_space<semaphore_mem>>) src(%dma_wait3A_172 : memref<5x128xi32, #tpu.memory_space<hbm>>) dst(%dma_wait3A_169 : memref<5x128xi32, #tpu.memory_space<vmem>>)
          %dma_wait3A_173 = arith.constant 0 : i32
          %dma_wait3A_174 = arith.constant 0 : i32
          %dma_wait3A_175 = tpu.memref_slice %arg9[%rem3A_122, %dma_wait3A_173, %dma_wait3A_174] : memref<3x5x128xi32, #tpu.memory_space<vmem>> -> memref<1x5x128xi32, #tpu.memory_space<vmem>>
          %dma_wait3A_176 = tpu.memref_squeeze %dma_wait3A_175 : memref<1x5x128xi32, #tpu.memory_space<vmem>> -> memref<5x128xi32, #tpu.memory_space<vmem>>
          %dma_wait3A_177 = arith.constant 0 : i32
          %dma_wait3A_178 = arith.constant 0 : i32
          %dma_wait3A_179 = tpu.memref_slice %arg4[%dma_wait3A_177, %dma_wait3A_178] : memref<6250x128xi32, #tpu.memory_space<hbm>> -> memref<5x128xi32, #tpu.memory_space<hbm>>
          %dma_wait3A_180 = tpu.memref_slice %arg11[%rem3A_122] : memref<3x!tpu.dma_semaphore, #tpu.memory_space<semaphore_mem>> -> memref<1x!tpu.dma_semaphore, #tpu.memory_space<semaphore_mem>>
          %dma_wait3A_181 = tpu.memref_squeeze %dma_wait3A_180 : memref<1x!tpu.dma_semaphore, #tpu.memory_space<semaphore_mem>> -> memref<!tpu.dma_semaphore, #tpu.memory_space<semaphore_mem>>
          %dma_wait3A_182 = arith.constant 0 : i32
          %dma_wait3A_183 = arith.constant 0 : i32
          %dma_wait3A_184 = tpu.memref_slice %arg9[%rem3A_122, %dma_wait3A_182, %dma_wait3A_183] : memref<3x5x128xi32, #tpu.memory_space<vmem>> -> memref<1x5x128xi32, #tpu.memory_space<vmem>>
          %dma_wait3A_185 = tpu.memref_squeeze %dma_wait3A_184 : memref<1x5x128xi32, #tpu.memory_space<vmem>> -> memref<5x128xi32, #tpu.memory_space<vmem>>
          %dma_wait3A_186 = arith.constant 0 : i32
          %dma_wait3A_187 = arith.constant 0 : i32
          %dma_wait3A_188 = tpu.memref_slice %arg4[%dma_wait3A_186, %dma_wait3A_187] : memref<6250x128xi32, #tpu.memory_space<hbm>> -> memref<5x128xi32, #tpu.memory_space<hbm>>
          tpu.wait_dma2 semaphore(%dma_wait3A_181 : memref<!tpu.dma_semaphore, #tpu.memory_space<semaphore_mem>>) src(%dma_wait3A_188 : memref<5x128xi32, #tpu.memory_space<hbm>>) dst(%dma_wait3A_185 : memref<5x128xi32, #tpu.memory_space<vmem>>)
        } else {
        }
        %rem3A_127 = arith.constant 6 : i32
        %rem3A_128 = arith.remsi %while3A_92, %rem3A_127 : i32
        %ge3A_129 = arith.constant 6 : i32
        %ge3A_130 = arith.cmpi sge, %while3A_92, %ge3A_129 : i32
        %convert_element_type3A_131 = arith.extui %ge3A_130 : i1 to i32
        %cond3A_132 = arith.constant 0 : i32
        %cond3A_133 = arith.cmpi ne, %convert_element_type3A_131, %cond3A_132 : i32
        scf.if %cond3A_133 {
          %dma_wait3A = arith.constant 0 : i32
          %dma_wait3A_150 = arith.constant 0 : i32
          %dma_wait3A_151 = tpu.memref_slice %arg7[%rem3A_128, %dma_wait3A, %dma_wait3A_150] : memref<6x128x32xf32, #tpu.memory_space<vmem>> -> memref<1x128x32xf32, #tpu.memory_space<vmem>>
          %dma_wait3A_152 = tpu.memref_squeeze %dma_wait3A_151 : memref<1x128x32xf32, #tpu.memory_space<vmem>> -> memref<128x32xf32, #tpu.memory_space<vmem>>
          %dma_wait3A_153 = arith.constant 0 : i32
          %dma_wait3A_154 = arith.constant 0 : i32
          %dma_wait3A_155 = tpu.memref_slice %arg6[%dma_wait3A_153, %dma_wait3A_154] : memref<50000x32xf32, #tpu.memory_space<vmem_shared>> -> memref<128x32xf32, #tpu.memory_space<vmem_shared>>
          %dma_wait3A_156 = tpu.memref_slice %arg13[%rem3A_128] : memref<6x!tpu.dma_semaphore, #tpu.memory_space<semaphore_mem>> -> memref<1x!tpu.dma_semaphore, #tpu.memory_space<semaphore_mem>>
          %dma_wait3A_157 = tpu.memref_squeeze %dma_wait3A_156 : memref<1x!tpu.dma_semaphore, #tpu.memory_space<semaphore_mem>> -> memref<!tpu.dma_semaphore, #tpu.memory_space<semaphore_mem>>
          %dma_wait3A_158 = arith.constant 0 : i32
          %dma_wait3A_159 = arith.constant 0 : i32
          %dma_wait3A_160 = tpu.memref_slice %arg6[%dma_wait3A_158, %dma_wait3A_159] : memref<50000x32xf32, #tpu.memory_space<vmem_shared>> -> memref<128x32xf32, #tpu.memory_space<vmem_shared>>
          %dma_wait3A_161 = arith.constant 0 : i32
          %dma_wait3A_162 = arith.constant 0 : i32
          %dma_wait3A_163 = tpu.memref_slice %arg7[%rem3A_128, %dma_wait3A_161, %dma_wait3A_162] : memref<6x128x32xf32, #tpu.memory_space<vmem>> -> memref<1x128x32xf32, #tpu.memory_space<vmem>>
          %dma_wait3A_164 = tpu.memref_squeeze %dma_wait3A_163 : memref<1x128x32xf32, #tpu.memory_space<vmem>> -> memref<128x32xf32, #tpu.memory_space<vmem>>
          tpu.wait_dma2 semaphore(%dma_wait3A_157 : memref<!tpu.dma_semaphore, #tpu.memory_space<semaphore_mem>>) src(%dma_wait3A_164 : memref<128x32xf32, #tpu.memory_space<vmem>>) dst(%dma_wait3A_160 : memref<128x32xf32, #tpu.memory_space<vmem_shared>>)
        } else {
        }
        %dma_start3A_134 = arith.constant 0 : i32
        %dma_start3A_135 = arith.constant 0 : i32
        %dma_start3A_136 = tpu.memref_slice %arg7[%rem3A_128, %dma_start3A_134, %dma_start3A_135] : memref<6x128x32xf32, #tpu.memory_space<vmem>> -> memref<1x128x32xf32, #tpu.memory_space<vmem>>
        %dma_start3A_137 = tpu.memref_squeeze %dma_start3A_136 : memref<1x128x32xf32, #tpu.memory_space<vmem>> -> memref<128x32xf32, #tpu.memory_space<vmem>>
        %dma_start3A_138 = arith.constant 0 : i32
        %dma_start3A_139 = tpu.memref_slice %arg8[%rem3A_122, %rem3A_120, %dma_start3A_138] : memref<3x5x128xi32, #tpu.memory_space<vmem>> -> memref<1x1x128xi32, #tpu.memory_space<vmem>>
        %dma_start3A_140 = tpu.memref_squeeze %dma_start3A_139 : memref<1x1x128xi32, #tpu.memory_space<vmem>> -> memref<128xi32, #tpu.memory_space<vmem>>
        %dma_start3A_141 = arith.constant 0 : i32
        %dma_start3A_142 = arith.constant 0 : i32
        %dma_start3A_143 = tpu.memref_slice %arg2[%arg0, %dma_start3A_141, %dma_start3A_142] : memref<2x50000x32xf32, #tpu.memory_space<hbm>> -> memref<1x50000x32xf32, #tpu.memory_space<hbm>>
        %dma_start3A_144 = tpu.memref_squeeze %dma_start3A_143 : memref<1x50000x32xf32, #tpu.memory_space<hbm>> -> memref<50000x32xf32, #tpu.memory_space<hbm>>
        %dma_start3A_145 = arith.constant 0 : i32
        %dma_start3A_146 = arith.constant 0 : i32
        %dma_start3A_147 = tpu.memref_slice %dma_start3A_144[%dma_start3A_145, %dma_start3A_146] : memref<50000x32xf32, #tpu.memory_space<hbm>> -> memref<50000x32xf32, #tpu.memory_space<hbm>>
        %dma_start3A_148 = tpu.memref_slice %arg12[%rem3A_128] : memref<6x!tpu.dma_semaphore, #tpu.memory_space<semaphore_mem>> -> memref<1x!tpu.dma_semaphore, #tpu.memory_space<semaphore_mem>>
        %dma_start3A_149 = tpu.memref_squeeze %dma_start3A_148 : memref<1x!tpu.dma_semaphore, #tpu.memory_space<semaphore_mem>> -> memref<!tpu.dma_semaphore, #tpu.memory_space<semaphore_mem>>
        tpu.enqueue_indirect_dma source(%dma_start3A_147 : memref<50000x32xf32, #tpu.memory_space<hbm>>) target(%dma_start3A_137 : memref<128x32xf32, #tpu.memory_space<vmem>>) offsets(%dma_start3A_140 : memref<128xi32, #tpu.memory_space<vmem>>) semaphore(%dma_start3A_149 : memref<!tpu.dma_semaphore, #tpu.memory_space<semaphore_mem>>)
      } else {
      }
      %ge3A = arith.constant 3 : i32
      %ge3A_96 = arith.cmpi sge, %while3A_92, %ge3A : i32
      %convert_element_type3A_97 = arith.extui %ge3A_96 : i1 to i32
      %cond3A_98 = arith.constant 0 : i32
      %cond3A_99 = arith.cmpi ne, %convert_element_type3A_97, %cond3A_98 : i32
      scf.if %cond3A_99 {
        %sub3A = arith.constant 3 : i32
        %sub3A_101 = arith.subi %while3A_92, %sub3A : i32
        %jit3A_102 = arith.constant 5 : i32
        %div3A = arith.divsi %sub3A_101, %jit3A_102 : i32
        %sign3A = arith.constant 0 : i32
        %sign3A_103 = arith.cmpi sgt, %sub3A_101, %sign3A : i32
        %sign3A_104 = arith.extui %sign3A_103 : i1 to i32
        %sign3A_105 = arith.constant 0 : i32
        %sign3A_106 = arith.cmpi slt, %sub3A_101, %sign3A_105 : i32
        %sign3A_107 = arith.extui %sign3A_106 : i1 to i32
        %sign3A_108 = arith.subi %sign3A_104, %sign3A_107 : i32
        %sign3A_109 = arith.constant 0 : i32
        %sign3A_110 = arith.cmpi sgt, %jit3A_102, %sign3A_109 : i32
        %sign3A_111 = arith.extui %sign3A_110 : i1 to i32
        %sign3A_112 = arith.constant 0 : i32
        %sign3A_113 = arith.cmpi slt, %jit3A_102, %sign3A_112 : i32
        %sign3A_114 = arith.extui %sign3A_113 : i1 to i32
        %sign3A_115 = arith.subi %sign3A_111, %sign3A_114 : i32
        %ne3A = arith.cmpi ne, %sign3A_108, %sign3A_115 : i32
        %rem3A = arith.remsi %sub3A_101, %jit3A_102 : i32
        %ne3A_116 = arith.constant 0 : i32
        %ne3A_117 = arith.cmpi ne, %rem3A, %ne3A_116 : i32
        %and3A = arith.andi %ne3A, %ne3A_117 : i1
        %sub3A_118 = arith.constant 1 : i32
        %sub3A_119 = arith.subi %div3A, %sub3A_118 : i32
        %select_n3A_120 = arith.select %and3A, %sub3A_119, %div3A : i32
        %rem3A_121 = arith.constant 5 : i32
        %rem3A_122 = arith.remsi %sub3A_101, %rem3A_121 : i32
        %rem3A_123 = arith.constant 3 : i32
        %rem3A_124 = arith.remsi %select_n3A_120, %rem3A_123 : i32
        %rem3A_125 = arith.constant 6 : i32
        %rem3A_126 = arith.remsi %sub3A_101, %rem3A_125 : i32
        %dma_wait3A = arith.constant 0 : i32
        %dma_wait3A_127 = arith.constant 0 : i32
        %dma_wait3A_128 = tpu.memref_slice %arg7[%rem3A_126, %dma_wait3A, %dma_wait3A_127] : memref<6x128x32xf32, #tpu.memory_space<vmem>> -> memref<1x128x32xf32, #tpu.memory_space<vmem>>
        %dma_wait3A_129 = tpu.memref_squeeze %dma_wait3A_128 : memref<1x128x32xf32, #tpu.memory_space<vmem>> -> memref<128x32xf32, #tpu.memory_space<vmem>>
        %dma_wait3A_130 = arith.constant 0 : i32
        %dma_wait3A_131 = arith.constant 0 : i32
        %dma_wait3A_132 = tpu.memref_slice %arg2[%arg0, %dma_wait3A_130, %dma_wait3A_131] : memref<2x50000x32xf32, #tpu.memory_space<hbm>> -> memref<1x50000x32xf32, #tpu.memory_space<hbm>>
        %dma_wait3A_133 = tpu.memref_squeeze %dma_wait3A_132 : memref<1x50000x32xf32, #tpu.memory_space<hbm>> -> memref<50000x32xf32, #tpu.memory_space<hbm>>
        %dma_wait3A_134 = arith.constant 0 : i32
        %dma_wait3A_135 = arith.constant 0 : i32
        %dma_wait3A_136 = tpu.memref_slice %dma_wait3A_133[%dma_wait3A_134, %dma_wait3A_135] : memref<50000x32xf32, #tpu.memory_space<hbm>> -> memref<128x32xf32, #tpu.memory_space<hbm>>
        %dma_wait3A_137 = tpu.memref_slice %arg12[%rem3A_126] : memref<6x!tpu.dma_semaphore, #tpu.memory_space<semaphore_mem>> -> memref<1x!tpu.dma_semaphore, #tpu.memory_space<semaphore_mem>>
        %dma_wait3A_138 = tpu.memref_squeeze %dma_wait3A_137 : memref<1x!tpu.dma_semaphore, #tpu.memory_space<semaphore_mem>> -> memref<!tpu.dma_semaphore, #tpu.memory_space<semaphore_mem>>
        %dma_wait3A_139 = arith.constant 0 : i32
        %dma_wait3A_140 = arith.constant 0 : i32
        %dma_wait3A_141 = tpu.memref_slice %arg7[%rem3A_126, %dma_wait3A_139, %dma_wait3A_140] : memref<6x128x32xf32, #tpu.memory_space<vmem>> -> memref<1x128x32xf32, #tpu.memory_space<vmem>>
        %dma_wait3A_142 = tpu.memref_squeeze %dma_wait3A_141 : memref<1x128x32xf32, #tpu.memory_space<vmem>> -> memref<128x32xf32, #tpu.memory_space<vmem>>
        %dma_wait3A_143 = arith.constant 0 : i32
        %dma_wait3A_144 = arith.constant 0 : i32
        %dma_wait3A_145 = tpu.memref_slice %arg2[%arg0, %dma_wait3A_143, %dma_wait3A_144] : memref<2x50000x32xf32, #tpu.memory_space<hbm>> -> memref<1x50000x32xf32, #tpu.memory_space<hbm>>
        %dma_wait3A_146 = tpu.memref_squeeze %dma_wait3A_145 : memref<1x50000x32xf32, #tpu.memory_space<hbm>> -> memref<50000x32xf32, #tpu.memory_space<hbm>>
        %dma_wait3A_147 = arith.constant 0 : i32
        %dma_wait3A_148 = arith.constant 0 : i32
        %dma_wait3A_149 = tpu.memref_slice %dma_wait3A_146[%dma_wait3A_147, %dma_wait3A_148] : memref<50000x32xf32, #tpu.memory_space<hbm>> -> memref<128x32xf32, #tpu.memory_space<hbm>>
        tpu.wait_dma2 semaphore(%dma_wait3A_138 : memref<!tpu.dma_semaphore, #tpu.memory_space<semaphore_mem>>) src(%dma_wait3A_149 : memref<128x32xf32, #tpu.memory_space<hbm>>) dst(%dma_wait3A_142 : memref<128x32xf32, #tpu.memory_space<vmem>>)
        %dma_start3A_150 = arith.constant 0 : i32
        %dma_start3A_151 = arith.constant 0 : i32
        %dma_start3A_152 = tpu.memref_slice %arg7[%rem3A_126, %dma_start3A_150, %dma_start3A_151] : memref<6x128x32xf32, #tpu.memory_space<vmem>> -> memref<1x128x32xf32, #tpu.memory_space<vmem>>
        %dma_start3A_153 = tpu.memref_squeeze %dma_start3A_152 : memref<1x128x32xf32, #tpu.memory_space<vmem>> -> memref<128x32xf32, #tpu.memory_space<vmem>>
        %dma_start3A_154 = arith.constant 0 : i32
        %dma_start3A_155 = tpu.memref_slice %arg9[%rem3A_124, %rem3A_122, %dma_start3A_154] : memref<3x5x128xi32, #tpu.memory_space<vmem>> -> memref<1x1x128xi32, #tpu.memory_space<vmem>>
        %dma_start3A_156 = tpu.memref_squeeze %dma_start3A_155 : memref<1x1x128xi32, #tpu.memory_space<vmem>> -> memref<128xi32, #tpu.memory_space<vmem>>
        %dma_start3A_157 = arith.constant 0 : i32
        %dma_start3A_158 = arith.constant 0 : i32
        %dma_start3A_159 = tpu.memref_slice %arg6[%dma_start3A_157, %dma_start3A_158] : memref<50000x32xf32, #tpu.memory_space<vmem_shared>> -> memref<50000x32xf32, #tpu.memory_space<vmem_shared>>
        %dma_start3A_160 = tpu.memref_slice %arg13[%rem3A_126] : memref<6x!tpu.dma_semaphore, #tpu.memory_space<semaphore_mem>> -> memref<1x!tpu.dma_semaphore, #tpu.memory_space<semaphore_mem>>
        %dma_start3A_161 = tpu.memref_squeeze %dma_start3A_160 : memref<1x!tpu.dma_semaphore, #tpu.memory_space<semaphore_mem>> -> memref<!tpu.dma_semaphore, #tpu.memory_space<semaphore_mem>>
        tpu.enqueue_indirect_dma source(%dma_start3A_153 : memref<128x32xf32, #tpu.memory_space<vmem>>) target(%dma_start3A_159 : memref<50000x32xf32, #tpu.memory_space<vmem_shared>>) offsets(%dma_start3A_156 : memref<128xi32, #tpu.memory_space<vmem>>) semaphore(%dma_start3A_161 : memref<!tpu.dma_semaphore, #tpu.memory_space<semaphore_mem>>) {add = true}
      } else {
      }
      %while3A_100 = arith.constant 0 : i32
      scf.yield %while3A_100 : i32
    }
    %while3A_68 = arith.constant 1 : i32
    %while3A_69 = scf.for %while3A_92 = %while3A_65 to %while3A_61 step %while3A_68 iter_args(%while3A_93 = %while3A_67) -> (i32)  : i32 {
      %lt3A_94 = arith.cmpi slt, %while3A_92, %add3A_5 : i32
      %convert_element_type3A = arith.extui %lt3A_94 : i1 to i32
      %cond3A = arith.constant 0 : i32
      %cond3A_95 = arith.cmpi ne, %convert_element_type3A, %cond3A : i32
      scf.if %cond3A_95 {
        %jit3A_101 = arith.constant 5 : i32
        %div3A = arith.divsi %while3A_92, %jit3A_101 : i32
        %sign3A = arith.constant 0 : i32
        %sign3A_102 = arith.cmpi sgt, %while3A_92, %sign3A : i32
        %sign3A_103 = arith.extui %sign3A_102 : i1 to i32
        %sign3A_104 = arith.constant 0 : i32
        %sign3A_105 = arith.cmpi slt, %while3A_92, %sign3A_104 : i32
        %sign3A_106 = arith.extui %sign3A_105 : i1 to i32
        %sign3A_107 = arith.subi %sign3A_103, %sign3A_106 : i32
        %sign3A_108 = arith.constant 0 : i32
        %sign3A_109 = arith.cmpi sgt, %jit3A_101, %sign3A_108 : i32
        %sign3A_110 = arith.extui %sign3A_109 : i1 to i32
        %sign3A_111 = arith.constant 0 : i32
        %sign3A_112 = arith.cmpi slt, %jit3A_101, %sign3A_111 : i32
        %sign3A_113 = arith.extui %sign3A_112 : i1 to i32
        %sign3A_114 = arith.subi %sign3A_110, %sign3A_113 : i32
        %ne3A = arith.cmpi ne, %sign3A_107, %sign3A_114 : i32
        %rem3A = arith.remsi %while3A_92, %jit3A_101 : i32
        %ne3A_115 = arith.constant 0 : i32
        %ne3A_116 = arith.cmpi ne, %rem3A, %ne3A_115 : i32
        %and3A = arith.andi %ne3A, %ne3A_116 : i1
        %sub3A = arith.constant 1 : i32
        %sub3A_117 = arith.subi %div3A, %sub3A : i32
        %select_n3A_118 = arith.select %and3A, %sub3A_117, %div3A : i32
        %rem3A_119 = arith.constant 5 : i32
        %rem3A_120 = arith.remsi %while3A_92, %rem3A_119 : i32
        %rem3A_121 = arith.constant 3 : i32
        %rem3A_122 = arith.remsi %select_n3A_118, %rem3A_121 : i32
        %eq3A = arith.constant 0 : i32
        %eq3A_123 = arith.cmpi eq, %rem3A_120, %eq3A : i32
        %convert_element_type3A_124 = arith.extui %eq3A_123 : i1 to i32
        %cond3A_125 = arith.constant 0 : i32
        %cond3A_126 = arith.cmpi ne, %convert_element_type3A_124, %cond3A_125 : i32
        scf.if %cond3A_126 {
          %add3A_150 = arith.constant 1 : i32
          %add3A_151 = arith.addi %select_n3A_118, %add3A_150 : i32
          %mul3A_152 = arith.constant 5 : i32
          %mul3A_153 = arith.muli %add3A_151, %mul3A_152 : i32
          %lt3A_154 = arith.cmpi slt, %mul3A_153, %add3A_5 : i32
          %convert_element_type3A_155 = arith.extui %lt3A_154 : i1 to i32
          %cond3A_156 = arith.constant 0 : i32
          %cond3A_157 = arith.cmpi ne, %convert_element_type3A_155, %cond3A_156 : i32
          scf.if %cond3A_157 {
            %add3A_189 = arith.constant 1 : i32
            %add3A_190 = arith.addi %select_n3A_118, %add3A_189 : i32
            %rem3A_191 = arith.constant 3 : i32
            %rem3A_192 = arith.remsi %add3A_190, %rem3A_191 : i32
            %add3A_193 = arith.constant 1 : i32
            %add3A_194 = arith.addi %select_n3A_118, %add3A_193 : i32
            %mul3A_195 = arith.constant 5 : i32
            %mul3A_196 = arith.muli %add3A_194, %mul3A_195 : i32
            %add3A_197 = arith.addi %add3A, %mul3A_196 : i32
            %dma_start3A_198 = arith.constant 0 : i32
            %dma_start3A_199 = arith.constant 0 : i32
            %dma_start3A_200 = tpu.memref_slice %arg8[%rem3A_192, %dma_start3A_198, %dma_start3A_199] : memref<3x5x128xi32, #tpu.memory_space<vmem>> -> memref<1x5x128xi32, #tpu.memory_space<vmem>>
            %dma_start3A_201 = tpu.memref_squeeze %dma_start3A_200 : memref<1x5x128xi32, #tpu.memory_space<vmem>> -> memref<5x128xi32, #tpu.memory_space<vmem>>
            %dma_start3A_202 = arith.constant 0 : i32
            %dma_start3A_203 = tpu.memref_slice %arg3[%add3A_197, %dma_start3A_202] : memref<6250x128xi32, #tpu.memory_space<hbm>> -> memref<5x128xi32, #tpu.memory_space<hbm>>
            %dma_start3A_204 = tpu.memref_slice %arg11[%rem3A_192] : memref<3x!tpu.dma_semaphore, #tpu.memory_space<semaphore_mem>> -> memref<1x!tpu.dma_semaphore, #tpu.memory_space<semaphore_mem>>
            %dma_start3A_205 = tpu.memref_squeeze %dma_start3A_204 : memref<1x!tpu.dma_semaphore, #tpu.memory_space<semaphore_mem>> -> memref<!tpu.dma_semaphore, #tpu.memory_space<semaphore_mem>>
            %dma_start3A_206 = arith.constant 0 : i32
            %dma_start3A_207 = arith.constant 0 : i32
            %dma_start3A_208 = tpu.memref_slice %arg8[%rem3A_192, %dma_start3A_206, %dma_start3A_207] : memref<3x5x128xi32, #tpu.memory_space<vmem>> -> memref<1x5x128xi32, #tpu.memory_space<vmem>>
            %dma_start3A_209 = tpu.memref_squeeze %dma_start3A_208 : memref<1x5x128xi32, #tpu.memory_space<vmem>> -> memref<5x128xi32, #tpu.memory_space<vmem>>
            %dma_start3A_210 = arith.constant 0 : i32
            %dma_start3A_211 = tpu.memref_slice %arg3[%add3A_197, %dma_start3A_210] : memref<6250x128xi32, #tpu.memory_space<hbm>> -> memref<5x128xi32, #tpu.memory_space<hbm>>
            tpu.enqueue_dma source(%dma_start3A_211 : memref<5x128xi32, #tpu.memory_space<hbm>>) target(%dma_start3A_209 : memref<5x128xi32, #tpu.memory_space<vmem>>) target_semaphore(%dma_start3A_205 : memref<!tpu.dma_semaphore, #tpu.memory_space<semaphore_mem>>)
            %dma_start3A_212 = arith.constant 0 : i32
            %dma_start3A_213 = arith.constant 0 : i32
            %dma_start3A_214 = tpu.memref_slice %arg9[%rem3A_192, %dma_start3A_212, %dma_start3A_213] : memref<3x5x128xi32, #tpu.memory_space<vmem>> -> memref<1x5x128xi32, #tpu.memory_space<vmem>>
            %dma_start3A_215 = tpu.memref_squeeze %dma_start3A_214 : memref<1x5x128xi32, #tpu.memory_space<vmem>> -> memref<5x128xi32, #tpu.memory_space<vmem>>
            %dma_start3A_216 = arith.constant 0 : i32
            %dma_start3A_217 = tpu.memref_slice %arg4[%add3A_197, %dma_start3A_216] : memref<6250x128xi32, #tpu.memory_space<hbm>> -> memref<5x128xi32, #tpu.memory_space<hbm>>
            %dma_start3A_218 = tpu.memref_slice %arg11[%rem3A_192] : memref<3x!tpu.dma_semaphore, #tpu.memory_space<semaphore_mem>> -> memref<1x!tpu.dma_semaphore, #tpu.memory_space<semaphore_mem>>
            %dma_start3A_219 = tpu.memref_squeeze %dma_start3A_218 : memref<1x!tpu.dma_semaphore, #tpu.memory_space<semaphore_mem>> -> memref<!tpu.dma_semaphore, #tpu.memory_space<semaphore_mem>>
            %dma_start3A_220 = arith.constant 0 : i32
            %dma_start3A_221 = arith.constant 0 : i32
            %dma_start3A_222 = tpu.memref_slice %arg9[%rem3A_192, %dma_start3A_220, %dma_start3A_221] : memref<3x5x128xi32, #tpu.memory_space<vmem>> -> memref<1x5x128xi32, #tpu.memory_space<vmem>>
            %dma_start3A_223 = tpu.memref_squeeze %dma_start3A_222 : memref<1x5x128xi32, #tpu.memory_space<vmem>> -> memref<5x128xi32, #tpu.memory_space<vmem>>
            %dma_start3A_224 = arith.constant 0 : i32
            %dma_start3A_225 = tpu.memref_slice %arg4[%add3A_197, %dma_start3A_224] : memref<6250x128xi32, #tpu.memory_space<hbm>> -> memref<5x128xi32, #tpu.memory_space<hbm>>
            tpu.enqueue_dma source(%dma_start3A_225 : memref<5x128xi32, #tpu.memory_space<hbm>>) target(%dma_start3A_223 : memref<5x128xi32, #tpu.memory_space<vmem>>) target_semaphore(%dma_start3A_219 : memref<!tpu.dma_semaphore, #tpu.memory_space<semaphore_mem>>)
          } else {
          }
          %dma_wait3A = arith.constant 0 : i32
          %dma_wait3A_158 = arith.constant 0 : i32
          %dma_wait3A_159 = tpu.memref_slice %arg8[%rem3A_122, %dma_wait3A, %dma_wait3A_158] : memref<3x5x128xi32, #tpu.memory_space<vmem>> -> memref<1x5x128xi32, #tpu.memory_space<vmem>>
          %dma_wait3A_160 = tpu.memref_squeeze %dma_wait3A_159 : memref<1x5x128xi32, #tpu.memory_space<vmem>> -> memref<5x128xi32, #tpu.memory_space<vmem>>
          %dma_wait3A_161 = arith.constant 0 : i32
          %dma_wait3A_162 = arith.constant 0 : i32
          %dma_wait3A_163 = tpu.memref_slice %arg3[%dma_wait3A_161, %dma_wait3A_162] : memref<6250x128xi32, #tpu.memory_space<hbm>> -> memref<5x128xi32, #tpu.memory_space<hbm>>
          %dma_wait3A_164 = tpu.memref_slice %arg11[%rem3A_122] : memref<3x!tpu.dma_semaphore, #tpu.memory_space<semaphore_mem>> -> memref<1x!tpu.dma_semaphore, #tpu.memory_space<semaphore_mem>>
          %dma_wait3A_165 = tpu.memref_squeeze %dma_wait3A_164 : memref<1x!tpu.dma_semaphore, #tpu.memory_space<semaphore_mem>> -> memref<!tpu.dma_semaphore, #tpu.memory_space<semaphore_mem>>
          %dma_wait3A_166 = arith.constant 0 : i32
          %dma_wait3A_167 = arith.constant 0 : i32
          %dma_wait3A_168 = tpu.memref_slice %arg8[%rem3A_122, %dma_wait3A_166, %dma_wait3A_167] : memref<3x5x128xi32, #tpu.memory_space<vmem>> -> memref<1x5x128xi32, #tpu.memory_space<vmem>>
          %dma_wait3A_169 = tpu.memref_squeeze %dma_wait3A_168 : memref<1x5x128xi32, #tpu.memory_space<vmem>> -> memref<5x128xi32, #tpu.memory_space<vmem>>
          %dma_wait3A_170 = arith.constant 0 : i32
          %dma_wait3A_171 = arith.constant 0 : i32
          %dma_wait3A_172 = tpu.memref_slice %arg3[%dma_wait3A_170, %dma_wait3A_171] : memref<6250x128xi32, #tpu.memory_space<hbm>> -> memref<5x128xi32, #tpu.memory_space<hbm>>
          tpu.wait_dma2 semaphore(%dma_wait3A_165 : memref<!tpu.dma_semaphore, #tpu.memory_space<semaphore_mem>>) src(%dma_wait3A_172 : memref<5x128xi32, #tpu.memory_space<hbm>>) dst(%dma_wait3A_169 : memref<5x128xi32, #tpu.memory_space<vmem>>)
          %dma_wait3A_173 = arith.constant 0 : i32
          %dma_wait3A_174 = arith.constant 0 : i32
          %dma_wait3A_175 = tpu.memref_slice %arg9[%rem3A_122, %dma_wait3A_173, %dma_wait3A_174] : memref<3x5x128xi32, #tpu.memory_space<vmem>> -> memref<1x5x128xi32, #tpu.memory_space<vmem>>
          %dma_wait3A_176 = tpu.memref_squeeze %dma_wait3A_175 : memref<1x5x128xi32, #tpu.memory_space<vmem>> -> memref<5x128xi32, #tpu.memory_space<vmem>>
          %dma_wait3A_177 = arith.constant 0 : i32
          %dma_wait3A_178 = arith.constant 0 : i32
          %dma_wait3A_179 = tpu.memref_slice %arg4[%dma_wait3A_177, %dma_wait3A_178] : memref<6250x128xi32, #tpu.memory_space<hbm>> -> memref<5x128xi32, #tpu.memory_space<hbm>>
          %dma_wait3A_180 = tpu.memref_slice %arg11[%rem3A_122] : memref<3x!tpu.dma_semaphore, #tpu.memory_space<semaphore_mem>> -> memref<1x!tpu.dma_semaphore, #tpu.memory_space<semaphore_mem>>
          %dma_wait3A_181 = tpu.memref_squeeze %dma_wait3A_180 : memref<1x!tpu.dma_semaphore, #tpu.memory_space<semaphore_mem>> -> memref<!tpu.dma_semaphore, #tpu.memory_space<semaphore_mem>>
          %dma_wait3A_182 = arith.constant 0 : i32
          %dma_wait3A_183 = arith.constant 0 : i32
          %dma_wait3A_184 = tpu.memref_slice %arg9[%rem3A_122, %dma_wait3A_182, %dma_wait3A_183] : memref<3x5x128xi32, #tpu.memory_space<vmem>> -> memref<1x5x128xi32, #tpu.memory_space<vmem>>
          %dma_wait3A_185 = tpu.memref_squeeze %dma_wait3A_184 : memref<1x5x128xi32, #tpu.memory_space<vmem>> -> memref<5x128xi32, #tpu.memory_space<vmem>>
          %dma_wait3A_186 = arith.constant 0 : i32
          %dma_wait3A_187 = arith.constant 0 : i32
          %dma_wait3A_188 = tpu.memref_slice %arg4[%dma_wait3A_186, %dma_wait3A_187] : memref<6250x128xi32, #tpu.memory_space<hbm>> -> memref<5x128xi32, #tpu.memory_space<hbm>>
          tpu.wait_dma2 semaphore(%dma_wait3A_181 : memref<!tpu.dma_semaphore, #tpu.memory_space<semaphore_mem>>) src(%dma_wait3A_188 : memref<5x128xi32, #tpu.memory_space<hbm>>) dst(%dma_wait3A_185 : memref<5x128xi32, #tpu.memory_space<vmem>>)
        } else {
        }
        %rem3A_127 = arith.constant 6 : i32
        %rem3A_128 = arith.remsi %while3A_92, %rem3A_127 : i32
        %ge3A_129 = arith.constant 6 : i32
        %ge3A_130 = arith.cmpi sge, %while3A_92, %ge3A_129 : i32
        %convert_element_type3A_131 = arith.extui %ge3A_130 : i1 to i32
        %cond3A_132 = arith.constant 0 : i32
        %cond3A_133 = arith.cmpi ne, %convert_element_type3A_131, %cond3A_132 : i32
        scf.if %cond3A_133 {
          %dma_wait3A = arith.constant 0 : i32
          %dma_wait3A_150 = arith.constant 0 : i32
          %dma_wait3A_151 = tpu.memref_slice %arg7[%rem3A_128, %dma_wait3A, %dma_wait3A_150] : memref<6x128x32xf32, #tpu.memory_space<vmem>> -> memref<1x128x32xf32, #tpu.memory_space<vmem>>
          %dma_wait3A_152 = tpu.memref_squeeze %dma_wait3A_151 : memref<1x128x32xf32, #tpu.memory_space<vmem>> -> memref<128x32xf32, #tpu.memory_space<vmem>>
          %dma_wait3A_153 = arith.constant 0 : i32
          %dma_wait3A_154 = arith.constant 0 : i32
          %dma_wait3A_155 = tpu.memref_slice %arg6[%dma_wait3A_153, %dma_wait3A_154] : memref<50000x32xf32, #tpu.memory_space<vmem_shared>> -> memref<128x32xf32, #tpu.memory_space<vmem_shared>>
          %dma_wait3A_156 = tpu.memref_slice %arg13[%rem3A_128] : memref<6x!tpu.dma_semaphore, #tpu.memory_space<semaphore_mem>> -> memref<1x!tpu.dma_semaphore, #tpu.memory_space<semaphore_mem>>
          %dma_wait3A_157 = tpu.memref_squeeze %dma_wait3A_156 : memref<1x!tpu.dma_semaphore, #tpu.memory_space<semaphore_mem>> -> memref<!tpu.dma_semaphore, #tpu.memory_space<semaphore_mem>>
          %dma_wait3A_158 = arith.constant 0 : i32
          %dma_wait3A_159 = arith.constant 0 : i32
          %dma_wait3A_160 = tpu.memref_slice %arg6[%dma_wait3A_158, %dma_wait3A_159] : memref<50000x32xf32, #tpu.memory_space<vmem_shared>> -> memref<128x32xf32, #tpu.memory_space<vmem_shared>>
          %dma_wait3A_161 = arith.constant 0 : i32
          %dma_wait3A_162 = arith.constant 0 : i32
          %dma_wait3A_163 = tpu.memref_slice %arg7[%rem3A_128, %dma_wait3A_161, %dma_wait3A_162] : memref<6x128x32xf32, #tpu.memory_space<vmem>> -> memref<1x128x32xf32, #tpu.memory_space<vmem>>
          %dma_wait3A_164 = tpu.memref_squeeze %dma_wait3A_163 : memref<1x128x32xf32, #tpu.memory_space<vmem>> -> memref<128x32xf32, #tpu.memory_space<vmem>>
          tpu.wait_dma2 semaphore(%dma_wait3A_157 : memref<!tpu.dma_semaphore, #tpu.memory_space<semaphore_mem>>) src(%dma_wait3A_164 : memref<128x32xf32, #tpu.memory_space<vmem>>) dst(%dma_wait3A_160 : memref<128x32xf32, #tpu.memory_space<vmem_shared>>)
        } else {
        }
        %dma_start3A_134 = arith.constant 0 : i32
        %dma_start3A_135 = arith.constant 0 : i32
        %dma_start3A_136 = tpu.memref_slice %arg7[%rem3A_128, %dma_start3A_134, %dma_start3A_135] : memref<6x128x32xf32, #tpu.memory_space<vmem>> -> memref<1x128x32xf32, #tpu.memory_space<vmem>>
        %dma_start3A_137 = tpu.memref_squeeze %dma_start3A_136 : memref<1x128x32xf32, #tpu.memory_space<vmem>> -> memref<128x32xf32, #tpu.memory_space<vmem>>
        %dma_start3A_138 = arith.constant 0 : i32
        %dma_start3A_139 = tpu.memref_slice %arg8[%rem3A_122, %rem3A_120, %dma_start3A_138] : memref<3x5x128xi32, #tpu.memory_space<vmem>> -> memref<1x1x128xi32, #tpu.memory_space<vmem>>
        %dma_start3A_140 = tpu.memref_squeeze %dma_start3A_139 : memref<1x1x128xi32, #tpu.memory_space<vmem>> -> memref<128xi32, #tpu.memory_space<vmem>>
        %dma_start3A_141 = arith.constant 0 : i32
        %dma_start3A_142 = arith.constant 0 : i32
        %dma_start3A_143 = tpu.memref_slice %arg2[%arg0, %dma_start3A_141, %dma_start3A_142] : memref<2x50000x32xf32, #tpu.memory_space<hbm>> -> memref<1x50000x32xf32, #tpu.memory_space<hbm>>
        %dma_start3A_144 = tpu.memref_squeeze %dma_start3A_143 : memref<1x50000x32xf32, #tpu.memory_space<hbm>> -> memref<50000x32xf32, #tpu.memory_space<hbm>>
        %dma_start3A_145 = arith.constant 0 : i32
        %dma_start3A_146 = arith.constant 0 : i32
        %dma_start3A_147 = tpu.memref_slice %dma_start3A_144[%dma_start3A_145, %dma_start3A_146] : memref<50000x32xf32, #tpu.memory_space<hbm>> -> memref<50000x32xf32, #tpu.memory_space<hbm>>
        %dma_start3A_148 = tpu.memref_slice %arg12[%rem3A_128] : memref<6x!tpu.dma_semaphore, #tpu.memory_space<semaphore_mem>> -> memref<1x!tpu.dma_semaphore, #tpu.memory_space<semaphore_mem>>
        %dma_start3A_149 = tpu.memref_squeeze %dma_start3A_148 : memref<1x!tpu.dma_semaphore, #tpu.memory_space<semaphore_mem>> -> memref<!tpu.dma_semaphore, #tpu.memory_space<semaphore_mem>>
        tpu.enqueue_indirect_dma source(%dma_start3A_147 : memref<50000x32xf32, #tpu.memory_space<hbm>>) target(%dma_start3A_137 : memref<128x32xf32, #tpu.memory_space<vmem>>) offsets(%dma_start3A_140 : memref<128xi32, #tpu.memory_space<vmem>>) semaphore(%dma_start3A_149 : memref<!tpu.dma_semaphore, #tpu.memory_space<semaphore_mem>>)
      } else {
      }
      %ge3A = arith.constant 3 : i32
      %ge3A_96 = arith.cmpi sge, %while3A_92, %ge3A : i32
      %convert_element_type3A_97 = arith.extui %ge3A_96 : i1 to i32
      %cond3A_98 = arith.constant 0 : i32
      %cond3A_99 = arith.cmpi ne, %convert_element_type3A_97, %cond3A_98 : i32
      scf.if %cond3A_99 {
        %sub3A = arith.constant 3 : i32
        %sub3A_101 = arith.subi %while3A_92, %sub3A : i32
        %jit3A_102 = arith.constant 5 : i32
        %div3A = arith.divsi %sub3A_101, %jit3A_102 : i32
        %sign3A = arith.constant 0 : i32
        %sign3A_103 = arith.cmpi sgt, %sub3A_101, %sign3A : i32
        %sign3A_104 = arith.extui %sign3A_103 : i1 to i32
        %sign3A_105 = arith.constant 0 : i32
        %sign3A_106 = arith.cmpi slt, %sub3A_101, %sign3A_105 : i32
        %sign3A_107 = arith.extui %sign3A_106 : i1 to i32
        %sign3A_108 = arith.subi %sign3A_104, %sign3A_107 : i32
        %sign3A_109 = arith.constant 0 : i32
        %sign3A_110 = arith.cmpi sgt, %jit3A_102, %sign3A_109 : i32
        %sign3A_111 = arith.extui %sign3A_110 : i1 to i32
        %sign3A_112 = arith.constant 0 : i32
        %sign3A_113 = arith.cmpi slt, %jit3A_102, %sign3A_112 : i32
        %sign3A_114 = arith.extui %sign3A_113 : i1 to i32
        %sign3A_115 = arith.subi %sign3A_111, %sign3A_114 : i32
        %ne3A = arith.cmpi ne, %sign3A_108, %sign3A_115 : i32
        %rem3A = arith.remsi %sub3A_101, %jit3A_102 : i32
        %ne3A_116 = arith.constant 0 : i32
        %ne3A_117 = arith.cmpi ne, %rem3A, %ne3A_116 : i32
        %and3A = arith.andi %ne3A, %ne3A_117 : i1
        %sub3A_118 = arith.constant 1 : i32
        %sub3A_119 = arith.subi %div3A, %sub3A_118 : i32
        %select_n3A_120 = arith.select %and3A, %sub3A_119, %div3A : i32
        %rem3A_121 = arith.constant 5 : i32
        %rem3A_122 = arith.remsi %sub3A_101, %rem3A_121 : i32
        %rem3A_123 = arith.constant 3 : i32
        %rem3A_124 = arith.remsi %select_n3A_120, %rem3A_123 : i32
        %rem3A_125 = arith.constant 6 : i32
        %rem3A_126 = arith.remsi %sub3A_101, %rem3A_125 : i32
        %dma_wait3A = arith.constant 0 : i32
        %dma_wait3A_127 = arith.constant 0 : i32
        %dma_wait3A_128 = tpu.memref_slice %arg7[%rem3A_126, %dma_wait3A, %dma_wait3A_127] : memref<6x128x32xf32, #tpu.memory_space<vmem>> -> memref<1x128x32xf32, #tpu.memory_space<vmem>>
        %dma_wait3A_129 = tpu.memref_squeeze %dma_wait3A_128 : memref<1x128x32xf32, #tpu.memory_space<vmem>> -> memref<128x32xf32, #tpu.memory_space<vmem>>
        %dma_wait3A_130 = arith.constant 0 : i32
        %dma_wait3A_131 = arith.constant 0 : i32
        %dma_wait3A_132 = tpu.memref_slice %arg2[%arg0, %dma_wait3A_130, %dma_wait3A_131] : memref<2x50000x32xf32, #tpu.memory_space<hbm>> -> memref<1x50000x32xf32, #tpu.memory_space<hbm>>
        %dma_wait3A_133 = tpu.memref_squeeze %dma_wait3A_132 : memref<1x50000x32xf32, #tpu.memory_space<hbm>> -> memref<50000x32xf32, #tpu.memory_space<hbm>>
        %dma_wait3A_134 = arith.constant 0 : i32
        %dma_wait3A_135 = arith.constant 0 : i32
        %dma_wait3A_136 = tpu.memref_slice %dma_wait3A_133[%dma_wait3A_134, %dma_wait3A_135] : memref<50000x32xf32, #tpu.memory_space<hbm>> -> memref<128x32xf32, #tpu.memory_space<hbm>>
        %dma_wait3A_137 = tpu.memref_slice %arg12[%rem3A_126] : memref<6x!tpu.dma_semaphore, #tpu.memory_space<semaphore_mem>> -> memref<1x!tpu.dma_semaphore, #tpu.memory_space<semaphore_mem>>
        %dma_wait3A_138 = tpu.memref_squeeze %dma_wait3A_137 : memref<1x!tpu.dma_semaphore, #tpu.memory_space<semaphore_mem>> -> memref<!tpu.dma_semaphore, #tpu.memory_space<semaphore_mem>>
        %dma_wait3A_139 = arith.constant 0 : i32
        %dma_wait3A_140 = arith.constant 0 : i32
        %dma_wait3A_141 = tpu.memref_slice %arg7[%rem3A_126, %dma_wait3A_139, %dma_wait3A_140] : memref<6x128x32xf32, #tpu.memory_space<vmem>> -> memref<1x128x32xf32, #tpu.memory_space<vmem>>
        %dma_wait3A_142 = tpu.memref_squeeze %dma_wait3A_141 : memref<1x128x32xf32, #tpu.memory_space<vmem>> -> memref<128x32xf32, #tpu.memory_space<vmem>>
        %dma_wait3A_143 = arith.constant 0 : i32
        %dma_wait3A_144 = arith.constant 0 : i32
        %dma_wait3A_145 = tpu.memref_slice %arg2[%arg0, %dma_wait3A_143, %dma_wait3A_144] : memref<2x50000x32xf32, #tpu.memory_space<hbm>> -> memref<1x50000x32xf32, #tpu.memory_space<hbm>>
        %dma_wait3A_146 = tpu.memref_squeeze %dma_wait3A_145 : memref<1x50000x32xf32, #tpu.memory_space<hbm>> -> memref<50000x32xf32, #tpu.memory_space<hbm>>
        %dma_wait3A_147 = arith.constant 0 : i32
        %dma_wait3A_148 = arith.constant 0 : i32
        %dma_wait3A_149 = tpu.memref_slice %dma_wait3A_146[%dma_wait3A_147, %dma_wait3A_148] : memref<50000x32xf32, #tpu.memory_space<hbm>> -> memref<128x32xf32, #tpu.memory_space<hbm>>
        tpu.wait_dma2 semaphore(%dma_wait3A_138 : memref<!tpu.dma_semaphore, #tpu.memory_space<semaphore_mem>>) src(%dma_wait3A_149 : memref<128x32xf32, #tpu.memory_space<hbm>>) dst(%dma_wait3A_142 : memref<128x32xf32, #tpu.memory_space<vmem>>)
        %dma_start3A_150 = arith.constant 0 : i32
        %dma_start3A_151 = arith.constant 0 : i32
        %dma_start3A_152 = tpu.memref_slice %arg7[%rem3A_126, %dma_start3A_150, %dma_start3A_151] : memref<6x128x32xf32, #tpu.memory_space<vmem>> -> memref<1x128x32xf32, #tpu.memory_space<vmem>>
        %dma_start3A_153 = tpu.memref_squeeze %dma_start3A_152 : memref<1x128x32xf32, #tpu.memory_space<vmem>> -> memref<128x32xf32, #tpu.memory_space<vmem>>
        %dma_start3A_154 = arith.constant 0 : i32
        %dma_start3A_155 = tpu.memref_slice %arg9[%rem3A_124, %rem3A_122, %dma_start3A_154] : memref<3x5x128xi32, #tpu.memory_space<vmem>> -> memref<1x1x128xi32, #tpu.memory_space<vmem>>
        %dma_start3A_156 = tpu.memref_squeeze %dma_start3A_155 : memref<1x1x128xi32, #tpu.memory_space<vmem>> -> memref<128xi32, #tpu.memory_space<vmem>>
        %dma_start3A_157 = arith.constant 0 : i32
        %dma_start3A_158 = arith.constant 0 : i32
        %dma_start3A_159 = tpu.memref_slice %arg6[%dma_start3A_157, %dma_start3A_158] : memref<50000x32xf32, #tpu.memory_space<vmem_shared>> -> memref<50000x32xf32, #tpu.memory_space<vmem_shared>>
        %dma_start3A_160 = tpu.memref_slice %arg13[%rem3A_126] : memref<6x!tpu.dma_semaphore, #tpu.memory_space<semaphore_mem>> -> memref<1x!tpu.dma_semaphore, #tpu.memory_space<semaphore_mem>>
        %dma_start3A_161 = tpu.memref_squeeze %dma_start3A_160 : memref<1x!tpu.dma_semaphore, #tpu.memory_space<semaphore_mem>> -> memref<!tpu.dma_semaphore, #tpu.memory_space<semaphore_mem>>
        tpu.enqueue_indirect_dma source(%dma_start3A_153 : memref<128x32xf32, #tpu.memory_space<vmem>>) target(%dma_start3A_159 : memref<50000x32xf32, #tpu.memory_space<vmem_shared>>) offsets(%dma_start3A_156 : memref<128xi32, #tpu.memory_space<vmem>>) semaphore(%dma_start3A_161 : memref<!tpu.dma_semaphore, #tpu.memory_space<semaphore_mem>>) {add = true}
      } else {
      }
      %while3A_100 = arith.constant 0 : i32
      scf.yield %while3A_100 : i32
    }
    %scan3A_70 = arith.constant 0 : i32
    %scan3A_71 = arith.constant 0 : i32
    %scan3A_72 = arith.constant 6 : i32
    %scan3A_73 = arith.addi %scan3A_71, %scan3A_72 : i32
    %scan3A_74 = arith.constant 1 : i32
    %scan3A_75 = scf.for %scan3A_92 = %scan3A_71 to %scan3A_73 step %scan3A_74 iter_args(%scan3A_93 = %scan3A_70) -> (i32)  : i32 {
      %dma_wait3A = arith.constant 0 : i32
      %dma_wait3A_94 = arith.constant 0 : i32
      %dma_wait3A_95 = tpu.memref_slice %arg7[%scan3A_92, %dma_wait3A, %dma_wait3A_94] : memref<6x128x32xf32, #tpu.memory_space<vmem>> -> memref<1x128x32xf32, #tpu.memory_space<vmem>>
      %dma_wait3A_96 = tpu.memref_squeeze %dma_wait3A_95 : memref<1x128x32xf32, #tpu.memory_space<vmem>> -> memref<128x32xf32, #tpu.memory_space<vmem>>
      %dma_wait3A_97 = arith.constant 0 : i32
      %dma_wait3A_98 = arith.constant 0 : i32
      %dma_wait3A_99 = tpu.memref_slice %arg6[%dma_wait3A_97, %dma_wait3A_98] : memref<50000x32xf32, #tpu.memory_space<vmem_shared>> -> memref<128x32xf32, #tpu.memory_space<vmem_shared>>
      %dma_wait3A_100 = tpu.memref_slice %arg13[%scan3A_92] : memref<6x!tpu.dma_semaphore, #tpu.memory_space<semaphore_mem>> -> memref<1x!tpu.dma_semaphore, #tpu.memory_space<semaphore_mem>>
      %dma_wait3A_101 = tpu.memref_squeeze %dma_wait3A_100 : memref<1x!tpu.dma_semaphore, #tpu.memory_space<semaphore_mem>> -> memref<!tpu.dma_semaphore, #tpu.memory_space<semaphore_mem>>
      %dma_wait3A_102 = arith.constant 0 : i32
      %dma_wait3A_103 = arith.constant 0 : i32
      %dma_wait3A_104 = tpu.memref_slice %arg6[%dma_wait3A_102, %dma_wait3A_103] : memref<50000x32xf32, #tpu.memory_space<vmem_shared>> -> memref<128x32xf32, #tpu.memory_space<vmem_shared>>
      %dma_wait3A_105 = arith.constant 0 : i32
      %dma_wait3A_106 = arith.constant 0 : i32
      %dma_wait3A_107 = tpu.memref_slice %arg7[%scan3A_92, %dma_wait3A_105, %dma_wait3A_106] : memref<6x128x32xf32, #tpu.memory_space<vmem>> -> memref<1x128x32xf32, #tpu.memory_space<vmem>>
      %dma_wait3A_108 = tpu.memref_squeeze %dma_wait3A_107 : memref<1x128x32xf32, #tpu.memory_space<vmem>> -> memref<128x32xf32, #tpu.memory_space<vmem>>
      tpu.wait_dma2 semaphore(%dma_wait3A_101 : memref<!tpu.dma_semaphore, #tpu.memory_space<semaphore_mem>>) src(%dma_wait3A_108 : memref<128x32xf32, #tpu.memory_space<vmem>>) dst(%dma_wait3A_104 : memref<128x32xf32, #tpu.memory_space<vmem_shared>>)
      %scan3A_109 = arith.constant 0 : i32
      scf.yield %scan3A_109 : i32
    }
    %scan3A_76 = arith.constant 6 : i32
    %barrier3A_77 = arith.constant 0 : index
    tpu.barrier barrier_id(%barrier3A_77)
    %scan3A_78 = arith.constant 0 : i32
    %scan3A_79 = arith.constant 0 : i32
    %scan3A_80 = arith.constant 4 : i32
    %scan3A_81 = arith.addi %scan3A_79, %scan3A_80 : i32
    %scan3A_82 = arith.constant 1 : i32
    %scan3A_83 = scf.for %scan3A_92 = %scan3A_79 to %scan3A_81 step %scan3A_82 iter_args(%scan3A_93 = %scan3A_78) -> (i32)  : i32 {
      %mul3A_94 = arith.constant 16 : i32
      %mul3A_95 = arith.muli %scan3A_92, %mul3A_94 : i32
      %add3A_96 = arith.addi %arg1, %mul3A_95 : i32
      %lt3A_97 = arith.constant 50 : i32
      %lt3A_98 = arith.cmpi slt, %add3A_96, %lt3A_97 : i32
      %convert_element_type3A = arith.extui %lt3A_98 : i1 to i32
      %cond3A = arith.constant 0 : i32
      %cond3A_99 = arith.cmpi ne, %convert_element_type3A, %cond3A : i32
      scf.if %cond3A_99 {
        %mul3A_101 = arith.constant 1000 : i32
        %mul3A_102 = arith.muli %add3A_96, %mul3A_101 : i32
        %mul3A_103 = arith.constant 1000 : i32
        %mul3A_104 = arith.muli %add3A_96, %mul3A_103 : i32
        %dma_start3A_105 = arith.constant 0 : i32
        %dma_start3A_106 = arith.constant 0 : i32
        %dma_start3A_107 = tpu.memref_slice %arg5[%arg0, %dma_start3A_105, %dma_start3A_106] : memref<2x50000x32xf32, #tpu.memory_space<hbm>> -> memref<1x50000x32xf32, #tpu.memory_space<hbm>>
        %dma_start3A_108 = tpu.memref_squeeze %dma_start3A_107 : memref<1x50000x32xf32, #tpu.memory_space<hbm>> -> memref<50000x32xf32, #tpu.memory_space<hbm>>
        %dma_start3A_109 = arith.constant 0 : i32
        %dma_start3A_110 = tpu.memref_slice %dma_start3A_108[%mul3A_104, %dma_start3A_109] : memref<50000x32xf32, #tpu.memory_space<hbm>> -> memref<1000x32xf32, #tpu.memory_space<hbm>>
        %dma_start3A_111 = arith.constant 0 : i32
        %dma_start3A_112 = tpu.memref_slice %arg6[%mul3A_102, %dma_start3A_111] : memref<50000x32xf32, #tpu.memory_space<vmem_shared>> -> memref<1000x32xf32, #tpu.memory_space<vmem_shared>>
        tpu.enqueue_dma source(%dma_start3A_112 : memref<1000x32xf32, #tpu.memory_space<vmem_shared>>) target(%dma_start3A_110 : memref<1000x32xf32, #tpu.memory_space<hbm>>) target_semaphore(%arg14 : memref<!tpu.dma_semaphore, #tpu.memory_space<semaphore_mem>>)
      } else {
      }
      %scan3A_100 = arith.constant 0 : i32
      scf.yield %scan3A_100 : i32
    }
    %scan3A_84 = arith.constant 4 : i32
    %scan3A_85 = arith.constant 0 : i32
    %scan3A_86 = arith.constant 0 : i32
    %scan3A_87 = arith.constant 4 : i32
    %scan3A_88 = arith.addi %scan3A_86, %scan3A_87 : i32
    %scan3A_89 = arith.constant 1 : i32
    %scan3A_90 = scf.for %scan3A_92 = %scan3A_86 to %scan3A_88 step %scan3A_89 iter_args(%scan3A_93 = %scan3A_85) -> (i32)  : i32 {
      %mul3A_94 = arith.constant 16 : i32
      %mul3A_95 = arith.muli %scan3A_92, %mul3A_94 : i32
      %add3A_96 = arith.addi %arg1, %mul3A_95 : i32
      %lt3A_97 = arith.constant 50 : i32
      %lt3A_98 = arith.cmpi slt, %add3A_96, %lt3A_97 : i32
      %convert_element_type3A = arith.extui %lt3A_98 : i1 to i32
      %cond3A = arith.constant 0 : i32
      %cond3A_99 = arith.cmpi ne, %convert_element_type3A, %cond3A : i32
      scf.if %cond3A_99 {
        %dma_wait3A = arith.constant 0 : i32
        %dma_wait3A_101 = arith.constant 0 : i32
        %dma_wait3A_102 = tpu.memref_slice %arg5[%arg0, %dma_wait3A, %dma_wait3A_101] : memref<2x50000x32xf32, #tpu.memory_space<hbm>> -> memref<1x50000x32xf32, #tpu.memory_space<hbm>>
        %dma_wait3A_103 = tpu.memref_squeeze %dma_wait3A_102 : memref<1x50000x32xf32, #tpu.memory_space<hbm>> -> memref<50000x32xf32, #tpu.memory_space<hbm>>
        %dma_wait3A_104 = arith.constant 0 : i32
        %dma_wait3A_105 = arith.constant 0 : i32
        %dma_wait3A_106 = tpu.memref_slice %dma_wait3A_103[%dma_wait3A_104, %dma_wait3A_105] : memref<50000x32xf32, #tpu.memory_space<hbm>> -> memref<1000x32xf32, #tpu.memory_space<hbm>>
        %dma_wait3A_107 = arith.constant 0 : i32
        %dma_wait3A_108 = arith.constant 0 : i32
        %dma_wait3A_109 = tpu.memref_slice %arg6[%dma_wait3A_107, %dma_wait3A_108] : memref<50000x32xf32, #tpu.memory_space<vmem_shared>> -> memref<1000x32xf32, #tpu.memory_space<vmem_shared>>
        tpu.wait_dma2 semaphore(%arg14 : memref<!tpu.dma_semaphore, #tpu.memory_space<semaphore_mem>>) src(%dma_wait3A_109 : memref<1000x32xf32, #tpu.memory_space<vmem_shared>>) dst(%dma_wait3A_106 : memref<1000x32xf32, #tpu.memory_space<hbm>>)
      } else {
      }
      %scan3A_100 = arith.constant 0 : i32
      scf.yield %scan3A_100 : i32
    }
    %scan3A_91 = arith.constant 4 : i32
    return
  }
}

#map = affine_map<(d0, d1) -> (0, 0, 0)>
#map1 = affine_map<(d0, d1) -> (0, 0)>
module attributes {stable_mosaic.version = 14 : i64} {
  func.func @_sc_segment_sum_body(%arg0: i32, %arg1: i32, %arg2: memref<2x50000x32xf32, #tpu.memory_space<hbm>>, %arg3: memref<6250x128xi32, #tpu.memory_space<hbm>>, %arg4: memref<6250x128xi32, #tpu.memory_space<hbm>>, %arg5: memref<2x50000x32xf32, #tpu.memory_space<hbm>>, %arg6: memref<50000x32xf32, #tpu.memory_space<vmem_shared>>, %arg7: memref<6x128x32xf32, #tpu.memory_space<vmem>>, %arg8: memref<3x5x128xi32, #tpu.memory_space<vmem>>, %arg9: memref<3x5x128xi32, #tpu.memory_space<vmem>>, %arg10: memref<50x32xf32, #tpu.memory_space<vmem>>, %arg11: memref<3x!tpu.dma_semaphore, #tpu.memory_space<semaphore_mem>>, %arg12: memref<6x!tpu.dma_semaphore, #tpu.memory_space<semaphore_mem>>, %arg13: memref<6x!tpu.dma_semaphore, #tpu.memory_space<semaphore_mem>>, %arg14: memref<!tpu.dma_semaphore, #tpu.memory_space<semaphore_mem>>) attributes {dimension_semantics = [#tpu.dimension_semantics<core_parallel>, #tpu.dimension_semantics<subcore_parallel>], iteration_bounds = array<i64: 2, 16>, scalar_prefetch = 0 : i64, scratch_operands = 9 : i64, tpu.core_type = #tpu.core_type<sc_vector_subcore>, window_params = [{transform_indices = #map}, {transform_indices = #map1}, {transform_indices = #map1}, {transform_indices = #map}]} {
    %mul3A = arith.constant 390 : i32
    %mul3A_0 = arith.muli %arg1, %mul3A : i32
    %min3A = arith.constant 10 : i32
    %min3A_1 = arith.minsi %arg1, %min3A : i32
    %add3A = arith.addi %mul3A_0, %min3A_1 : i32
    %lt3A = arith.constant 10 : i32
    %lt3A_2 = arith.cmpi slt, %arg1, %lt3A : i32
    %jit3A = arith.constant 1 : i32
    %jit3A_3 = arith.constant 0 : i32
    %select_n3A = arith.select %lt3A_2, %jit3A, %jit3A_3 : i32
    %add3A_4 = arith.constant 390 : i32
    %add3A_5 = arith.addi %add3A_4, %select_n3A : i32
    %dma_start3A = arith.constant 0 : i32
    %dma_start3A_6 = arith.constant 0 : i32
    %dma_start3A_7 = arith.constant 0 : i32
    %dma_start3A_8 = arith.constant 0 : i32
    %dma_start3A_9 = tpu.memref_slice %arg8[%dma_start3A, %dma_start3A_7, %dma_start3A_8] : memref<3x5x128xi32, #tpu.memory_space<vmem>> -> memref<1x5x128xi32, #tpu.memory_space<vmem>>
    %dma_start3A_10 = tpu.memref_squeeze %dma_start3A_9 : memref<1x5x128xi32, #tpu.memory_space<vmem>> -> memref<5x128xi32, #tpu.memory_space<vmem>>
    %dma_start3A_11 = arith.constant 0 : i32
    %dma_start3A_12 = tpu.memref_slice %arg3[%add3A, %dma_start3A_11] : memref<6250x128xi32, #tpu.memory_space<hbm>> -> memref<5x128xi32, #tpu.memory_space<hbm>>
    %dma_start3A_13 = tpu.memref_slice %arg11[%dma_start3A_6] : memref<3x!tpu.dma_semaphore, #tpu.memory_space<semaphore_mem>> -> memref<1x!tpu.dma_semaphore, #tpu.memory_space<semaphore_mem>>
    %dma_start3A_14 = tpu.memref_squeeze %dma_start3A_13 : memref<1x!tpu.dma_semaphore, #tpu.memory_space<semaphore_mem>> -> memref<!tpu.dma_semaphore, #tpu.memory_space<semaphore_mem>>
    %dma_start3A_15 = arith.constant 0 : i32
    %dma_start3A_16 = arith.constant 0 : i32
    %dma_start3A_17 = tpu.memref_slice %arg8[%dma_start3A, %dma_start3A_15, %dma_start3A_16] : memref<3x5x128xi32, #tpu.memory_space<vmem>> -> memref<1x5x128xi32, #tpu.memory_space<vmem>>
    %dma_start3A_18 = tpu.memref_squeeze %dma_start3A_17 : memref<1x5x128xi32, #tpu.memory_space<vmem>> -> memref<5x128xi32, #tpu.memory_space<vmem>>
    %dma_start3A_19 = arith.constant 0 : i32
    %dma_start3A_20 = tpu.memref_slice %arg3[%add3A, %dma_start3A_19] : memref<6250x128xi32, #tpu.memory_space<hbm>> -> memref<5x128xi32, #tpu.memory_space<hbm>>
    tpu.enqueue_dma source(%dma_start3A_20 : memref<5x128xi32, #tpu.memory_space<hbm>>) target(%dma_start3A_18 : memref<5x128xi32, #tpu.memory_space<vmem>>) target_semaphore(%dma_start3A_14 : memref<!tpu.dma_semaphore, #tpu.memory_space<semaphore_mem>>)
    %dma_start3A_21 = arith.constant 0 : i32
    %dma_start3A_22 = arith.constant 0 : i32
    %dma_start3A_23 = arith.constant 0 : i32
    %dma_start3A_24 = arith.constant 0 : i32
    %dma_start3A_25 = tpu.memref_slice %arg9[%dma_start3A_21, %dma_start3A_23, %dma_start3A_24] : memref<3x5x128xi32, #tpu.memory_space<vmem>> -> memref<1x5x128xi32, #tpu.memory_space<vmem>>
    %dma_start3A_26 = tpu.memref_squeeze %dma_start3A_25 : memref<1x5x128xi32, #tpu.memory_space<vmem>> -> memref<5x128xi32, #tpu.memory_space<vmem>>
    %dma_start3A_27 = arith.constant 0 : i32
    %dma_start3A_28 = tpu.memref_slice %arg4[%add3A, %dma_start3A_27] : memref<6250x128xi32, #tpu.memory_space<hbm>> -> memref<5x128xi32, #tpu.memory_space<hbm>>
    %dma_start3A_29 = tpu.memref_slice %arg11[%dma_start3A_22] : memref<3x!tpu.dma_semaphore, #tpu.memory_space<semaphore_mem>> -> memref<1x!tpu.dma_semaphore, #tpu.memory_space<semaphore_mem>>
    %dma_start3A_30 = tpu.memref_squeeze %dma_start3A_29 : memref<1x!tpu.dma_semaphore, #tpu.memory_space<semaphore_mem>> -> memref<!tpu.dma_semaphore, #tpu.memory_space<semaphore_mem>>
    %dma_start3A_31 = arith.constant 0 : i32
    %dma_start3A_32 = arith.constant 0 : i32
    %dma_start3A_33 = tpu.memref_slice %arg9[%dma_start3A_21, %dma_start3A_31, %dma_start3A_32] : memref<3x5x128xi32, #tpu.memory_space<vmem>> -> memref<1x5x128xi32, #tpu.memory_space<vmem>>
    %dma_start3A_34 = tpu.memref_squeeze %dma_start3A_33 : memref<1x5x128xi32, #tpu.memory_space<vmem>> -> memref<5x128xi32, #tpu.memory_space<vmem>>
    %dma_start3A_35 = arith.constant 0 : i32
    %dma_start3A_36 = tpu.memref_slice %arg4[%add3A, %dma_start3A_35] : memref<6250x128xi32, #tpu.memory_space<hbm>> -> memref<5x128xi32, #tpu.memory_space<hbm>>
    tpu.enqueue_dma source(%dma_start3A_36 : memref<5x128xi32, #tpu.memory_space<hbm>>) target(%dma_start3A_34 : memref<5x128xi32, #tpu.memory_space<vmem>>) target_semaphore(%dma_start3A_30 : memref<!tpu.dma_semaphore, #tpu.memory_space<semaphore_mem>>)
    %scan3A = arith.constant 0 : i32
    %scan3A_37 = arith.constant 0 : i32
    %scan3A_38 = arith.constant 50 : i32
    %scan3A_39 = arith.addi %scan3A_37, %scan3A_38 : i32
    %scan3A_40 = arith.constant 1 : i32
    %scan3A_41 = scf.for %scan3A_92 = %scan3A_37 to %scan3A_39 step %scan3A_40 iter_args(%scan3A_93 = %scan3A) -> (i32)  : i32 {
      %broadcast_in_dim3A = arith.constant 0.000000e+00 : f32
      %broadcast_in_dim3A_94 = vector.broadcast %broadcast_in_dim3A : f32 to vector<16xf32>
      %swap3A = arith.index_cast %scan3A_92 : i32 to index
      %swap3A_95 = arith.constant 0 : index
      %swap3A_96 = tpu.vector_load %arg10[%swap3A, %swap3A_95] {strides = array<i32>} : memref<50x32xf32, #tpu.memory_space<vmem>>, vector<1x16xf32>,
      %swap3A_97 = vector.shape_cast %swap3A_96 : vector<1x16xf32> to vector<16xf32>
      %swap3A_98 = vector.shape_cast %broadcast_in_dim3A_94 : vector<16xf32> to vector<1x16xf32>
      tpu.vector_store %arg10[%swap3A, %swap3A_95], %swap3A_98 {strides = array<i32>} : memref<50x32xf32, #tpu.memory_space<vmem>>, vector<1x16xf32>,
      %swap3A_99 = arith.index_cast %scan3A_92 : i32 to index
      %swap3A_100 = arith.constant 16 : index
      %swap3A_101 = tpu.vector_load %arg10[%swap3A_99, %swap3A_100] {strides = array<i32>} : memref<50x32xf32, #tpu.memory_space<vmem>>, vector<1x16xf32>,
      %swap3A_102 = vector.shape_cast %swap3A_101 : vector<1x16xf32> to vector<16xf32>
      %swap3A_103 = vector.shape_cast %broadcast_in_dim3A_94 : vector<16xf32> to vector<1x16xf32>
      tpu.vector_store %arg10[%swap3A_99, %swap3A_100], %swap3A_103 {strides = array<i32>} : memref<50x32xf32, #tpu.memory_space<vmem>>, vector<1x16xf32>,
      %scan3A_104 = arith.constant 0 : i32
      scf.yield %scan3A_104 : i32
    }
    %scan3A_42 = arith.constant 50 : i32
    %scan3A_43 = arith.constant 0 : i32
    %scan3A_44 = arith.constant 0 : i32
    %scan3A_45 = arith.constant 63 : i32
    %scan3A_46 = arith.addi %scan3A_44, %scan3A_45 : i32
    %scan3A_47 = arith.constant 1 : i32
    %scan3A_48 = scf.for %scan3A_92 = %scan3A_44 to %scan3A_46 step %scan3A_47 iter_args(%scan3A_93 = %scan3A_43) -> (i32)  : i32 {
      %mul3A_94 = arith.constant 16 : i32
      %mul3A_95 = arith.muli %scan3A_92, %mul3A_94 : i32
      %add3A_96 = arith.addi %arg1, %mul3A_95 : i32
      %lt3A_97 = arith.constant 1000 : i32
      %lt3A_98 = arith.cmpi slt, %add3A_96, %lt3A_97 : i32
      %convert_element_type3A = arith.extui %lt3A_98 : i1 to i32
      %cond3A = arith.constant 0 : i32
      %cond3A_99 = arith.cmpi ne, %convert_element_type3A, %cond3A : i32
      scf.if %cond3A_99 {
        %mul3A_101 = arith.constant 50 : i32
        %mul3A_102 = arith.muli %add3A_96, %mul3A_101 : i32
        %dma_start3A_103 = arith.constant 0 : i32
        %dma_start3A_104 = tpu.memref_slice %arg6[%mul3A_102, %dma_start3A_103] : memref<50000x32xf32, #tpu.memory_space<vmem_shared>> -> memref<50x32xf32, #tpu.memory_space<vmem_shared>>
        %dma_start3A_105 = arith.constant 0 : i32
        %dma_start3A_106 = tpu.memref_slice %arg6[%mul3A_102, %dma_start3A_105] : memref<50000x32xf32, #tpu.memory_space<vmem_shared>> -> memref<50x32xf32, #tpu.memory_space<vmem_shared>>
        tpu.enqueue_dma source(%arg10 : memref<50x32xf32, #tpu.memory_space<vmem>>) target(%dma_start3A_106 : memref<50x32xf32, #tpu.memory_space<vmem_shared>>) target_semaphore(%arg14 : memref<!tpu.dma_semaphore, #tpu.memory_space<semaphore_mem>>)
      } else {
      }
      %scan3A_100 = arith.constant 0 : i32
      scf.yield %scan3A_100 : i32
    }
    %scan3A_49 = arith.constant 63 : i32
    %scan3A_50 = arith.constant 0 : i32
    %scan3A_51 = arith.constant 0 : i32
    %scan3A_52 = arith.constant 63 : i32
    %scan3A_53 = arith.addi %scan3A_51, %scan3A_52 : i32
    %scan3A_54 = arith.constant 1 : i32
    %scan3A_55 = scf.for %scan3A_92 = %scan3A_51 to %scan3A_53 step %scan3A_54 iter_args(%scan3A_93 = %scan3A_50) -> (i32)  : i32 {
      %mul3A_94 = arith.constant 16 : i32
      %mul3A_95 = arith.muli %scan3A_92, %mul3A_94 : i32
      %add3A_96 = arith.addi %arg1, %mul3A_95 : i32
      %lt3A_97 = arith.constant 1000 : i32
      %lt3A_98 = arith.cmpi slt, %add3A_96, %lt3A_97 : i32
      %convert_element_type3A = arith.extui %lt3A_98 : i1 to i32
      %cond3A = arith.constant 0 : i32
      %cond3A_99 = arith.cmpi ne, %convert_element_type3A, %cond3A : i32
      scf.if %cond3A_99 {
        %dma_wait3A = arith.constant 0 : i32
        %dma_wait3A_101 = arith.constant 0 : i32
        %dma_wait3A_102 = tpu.memref_slice %arg6[%dma_wait3A, %dma_wait3A_101] : memref<50000x32xf32, #tpu.memory_space<vmem_shared>> -> memref<50x32xf32, #tpu.memory_space<vmem_shared>>
        %dma_wait3A_103 = arith.constant 0 : i32
        %dma_wait3A_104 = arith.constant 0 : i32
        %dma_wait3A_105 = tpu.memref_slice %arg6[%dma_wait3A_103, %dma_wait3A_104] : memref<50000x32xf32, #tpu.memory_space<vmem_shared>> -> memref<50x32xf32, #tpu.memory_space<vmem_shared>>
        tpu.wait_dma2 semaphore(%arg14 : memref<!tpu.dma_semaphore, #tpu.memory_space<semaphore_mem>>) src(%arg10 : memref<50x32xf32, #tpu.memory_space<vmem>>) dst(%dma_wait3A_105 : memref<50x32xf32, #tpu.memory_space<vmem_shared>>)
      } else {
      }
      %scan3A_100 = arith.constant 0 : i32
      scf.yield %scan3A_100 : i32
    }
    %scan3A_56 = arith.constant 63 : i32
    %barrier3A = arith.constant 0 : index
    tpu.barrier barrier_id(%barrier3A)
    %add3A_57 = arith.constant 3 : i32
    %add3A_58 = arith.addi %add3A_5, %add3A_57 : i32
    %while3A = arith.constant 0 : i32
    %while3A_59 = arith.constant 0 : i32
    %while3A_60 = arith.subi %add3A_58, %while3A : i32
    %while3A_61 = arith.addi %while3A, %while3A_60 : i32
    %while3A_62 = arith.constant 1 : i32
    %while3A_63 = arith.divsi %while3A_60, %while3A_62 : i32
    %while3A_64 = arith.muli %while3A_63, %while3A_62 : i32
    %while3A_65 = arith.addi %while3A, %while3A_64 : i32
    %while3A_66 = arith.constant 1 : i32
    %while3A_67 = scf.for %while3A_92 = %while3A to %while3A_65 step %while3A_66 iter_args(%while3A_93 = %while3A_59) -> (i32)  : i32 {
      %lt3A_94 = arith.cmpi slt, %while3A_92, %add3A_5 : i32
      %convert_element_type3A = arith.extui %lt3A_94 : i1 to i32
      %cond3A = arith.constant 0 : i32
      %cond3A_95 = arith.cmpi ne, %convert_element_type3A, %cond3A : i32
      scf.if %cond3A_95 {
        %jit3A_101 = arith.constant 5 : i32
        %div3A = arith.divsi %while3A_92, %jit3A_101 : i32
        %sign3A = arith.constant 0 : i32
        %sign3A_102 = arith.cmpi sgt, %while3A_92, %sign3A : i32
        %sign3A_103 = arith.extui %sign3A_102 : i1 to i32
        %sign3A_104 = arith.constant 0 : i32
        %sign3A_105 = arith.cmpi slt, %while3A_92, %sign3A_104 : i32
        %sign3A_106 = arith.extui %sign3A_105 : i1 to i32
        %sign3A_107 = arith.subi %sign3A_103, %sign3A_106 : i32
        %sign3A_108 = arith.constant 0 : i32
        %sign3A_109 = arith.cmpi sgt, %jit3A_101, %sign3A_108 : i32
        %sign3A_110 = arith.extui %sign3A_109 : i1 to i32
        %sign3A_111 = arith.constant 0 : i32
        %sign3A_112 = arith.cmpi slt, %jit3A_101, %sign3A_111 : i32
        %sign3A_113 = arith.extui %sign3A_112 : i1 to i32
        %sign3A_114 = arith.subi %sign3A_110, %sign3A_113 : i32
        %ne3A = arith.cmpi ne, %sign3A_107, %sign3A_114 : i32
        %rem3A = arith.remsi %while3A_92, %jit3A_101 : i32
        %ne3A_115 = arith.constant 0 : i32
        %ne3A_116 = arith.cmpi ne, %rem3A, %ne3A_115 : i32
        %and3A = arith.andi %ne3A, %ne3A_116 : i1
        %sub3A = arith.constant 1 : i32
        %sub3A_117 = arith.subi %div3A, %sub3A : i32
        %select_n3A_118 = arith.select %and3A, %sub3A_117, %div3A : i32
        %rem3A_119 = arith.constant 5 : i32
        %rem3A_120 = arith.remsi %while3A_92, %rem3A_119 : i32
        %rem3A_121 = arith.constant 3 : i32
        %rem3A_122 = arith.remsi %select_n3A_118, %rem3A_121 : i32
        %eq3A = arith.constant 0 : i32
        %eq3A_123 = arith.cmpi eq, %rem3A_120, %eq3A : i32
        %convert_element_type3A_124 = arith.extui %eq3A_123 : i1 to i32
        %cond3A_125 = arith.constant 0 : i32
        %cond3A_126 = arith.cmpi ne, %convert_element_type3A_124, %cond3A_125 : i32
        scf.if %cond3A_126 {
          %add3A_150 = arith.constant 1 : i32
          %add3A_151 = arith.addi %select_n3A_118, %add3A_150 : i32
          %mul3A_152 = arith.constant 5 : i32
          %mul3A_153 = arith.muli %add3A_151, %mul3A_152 : i32
          %lt3A_154 = arith.cmpi slt, %mul3A_153, %add3A_5 : i32
          %convert_element_type3A_155 = arith.extui %lt3A_154 : i1 to i32
          %cond3A_156 = arith.constant 0 : i32
          %cond3A_157 = arith.cmpi ne, %convert_element_type3A_155, %cond3A_156 : i32
          scf.if %cond3A_157 {
            %add3A_189 = arith.constant 1 : i32
            %add3A_190 = arith.addi %select_n3A_118, %add3A_189 : i32
            %rem3A_191 = arith.constant 3 : i32
            %rem3A_192 = arith.remsi %add3A_190, %rem3A_191 : i32
            %add3A_193 = arith.constant 1 : i32
            %add3A_194 = arith.addi %select_n3A_118, %add3A_193 : i32
            %mul3A_195 = arith.constant 5 : i32
            %mul3A_196 = arith.muli %add3A_194, %mul3A_195 : i32
            %add3A_197 = arith.addi %add3A, %mul3A_196 : i32
            %dma_start3A_198 = arith.constant 0 : i32
            %dma_start3A_199 = arith.constant 0 : i32
            %dma_start3A_200 = tpu.memref_slice %arg8[%rem3A_192, %dma_start3A_198, %dma_start3A_199] : memref<3x5x128xi32, #tpu.memory_space<vmem>> -> memref<1x5x128xi32, #tpu.memory_space<vmem>>
            %dma_start3A_201 = tpu.memref_squeeze %dma_start3A_200 : memref<1x5x128xi32, #tpu.memory_space<vmem>> -> memref<5x128xi32, #tpu.memory_space<vmem>>
            %dma_start3A_202 = arith.constant 0 : i32
            %dma_start3A_203 = tpu.memref_slice %arg3[%add3A_197, %dma_start3A_202] : memref<6250x128xi32, #tpu.memory_space<hbm>> -> memref<5x128xi32, #tpu.memory_space<hbm>>
            %dma_start3A_204 = tpu.memref_slice %arg11[%rem3A_192] : memref<3x!tpu.dma_semaphore, #tpu.memory_space<semaphore_mem>> -> memref<1x!tpu.dma_semaphore, #tpu.memory_space<semaphore_mem>>
            %dma_start3A_205 = tpu.memref_squeeze %dma_start3A_204 : memref<1x!tpu.dma_semaphore, #tpu.memory_space<semaphore_mem>> -> memref<!tpu.dma_semaphore, #tpu.memory_space<semaphore_mem>>
            %dma_start3A_206 = arith.constant 0 : i32
            %dma_start3A_207 = arith.constant 0 : i32
            %dma_start3A_208 = tpu.memref_slice %arg8[%rem3A_192, %dma_start3A_206, %dma_start3A_207] : memref<3x5x128xi32, #tpu.memory_space<vmem>> -> memref<1x5x128xi32, #tpu.memory_space<vmem>>
            %dma_start3A_209 = tpu.memref_squeeze %dma_start3A_208 : memref<1x5x128xi32, #tpu.memory_space<vmem>> -> memref<5x128xi32, #tpu.memory_space<vmem>>
            %dma_start3A_210 = arith.constant 0 : i32
            %dma_start3A_211 = tpu.memref_slice %arg3[%add3A_197, %dma_start3A_210] : memref<6250x128xi32, #tpu.memory_space<hbm>> -> memref<5x128xi32, #tpu.memory_space<hbm>>
            tpu.enqueue_dma source(%dma_start3A_211 : memref<5x128xi32, #tpu.memory_space<hbm>>) target(%dma_start3A_209 : memref<5x128xi32, #tpu.memory_space<vmem>>) target_semaphore(%dma_start3A_205 : memref<!tpu.dma_semaphore, #tpu.memory_space<semaphore_mem>>)
            %dma_start3A_212 = arith.constant 0 : i32
            %dma_start3A_213 = arith.constant 0 : i32
            %dma_start3A_214 = tpu.memref_slice %arg9[%rem3A_192, %dma_start3A_212, %dma_start3A_213] : memref<3x5x128xi32, #tpu.memory_space<vmem>> -> memref<1x5x128xi32, #tpu.memory_space<vmem>>
            %dma_start3A_215 = tpu.memref_squeeze %dma_start3A_214 : memref<1x5x128xi32, #tpu.memory_space<vmem>> -> memref<5x128xi32, #tpu.memory_space<vmem>>
            %dma_start3A_216 = arith.constant 0 : i32
            %dma_start3A_217 = tpu.memref_slice %arg4[%add3A_197, %dma_start3A_216] : memref<6250x128xi32, #tpu.memory_space<hbm>> -> memref<5x128xi32, #tpu.memory_space<hbm>>
            %dma_start3A_218 = tpu.memref_slice %arg11[%rem3A_192] : memref<3x!tpu.dma_semaphore, #tpu.memory_space<semaphore_mem>> -> memref<1x!tpu.dma_semaphore, #tpu.memory_space<semaphore_mem>>
            %dma_start3A_219 = tpu.memref_squeeze %dma_start3A_218 : memref<1x!tpu.dma_semaphore, #tpu.memory_space<semaphore_mem>> -> memref<!tpu.dma_semaphore, #tpu.memory_space<semaphore_mem>>
            %dma_start3A_220 = arith.constant 0 : i32
            %dma_start3A_221 = arith.constant 0 : i32
            %dma_start3A_222 = tpu.memref_slice %arg9[%rem3A_192, %dma_start3A_220, %dma_start3A_221] : memref<3x5x128xi32, #tpu.memory_space<vmem>> -> memref<1x5x128xi32, #tpu.memory_space<vmem>>
            %dma_start3A_223 = tpu.memref_squeeze %dma_start3A_222 : memref<1x5x128xi32, #tpu.memory_space<vmem>> -> memref<5x128xi32, #tpu.memory_space<vmem>>
            %dma_start3A_224 = arith.constant 0 : i32
            %dma_start3A_225 = tpu.memref_slice %arg4[%add3A_197, %dma_start3A_224] : memref<6250x128xi32, #tpu.memory_space<hbm>> -> memref<5x128xi32, #tpu.memory_space<hbm>>
            tpu.enqueue_dma source(%dma_start3A_225 : memref<5x128xi32, #tpu.memory_space<hbm>>) target(%dma_start3A_223 : memref<5x128xi32, #tpu.memory_space<vmem>>) target_semaphore(%dma_start3A_219 : memref<!tpu.dma_semaphore, #tpu.memory_space<semaphore_mem>>)
          } else {
          }
          %dma_wait3A = arith.constant 0 : i32
          %dma_wait3A_158 = arith.constant 0 : i32
          %dma_wait3A_159 = tpu.memref_slice %arg8[%rem3A_122, %dma_wait3A, %dma_wait3A_158] : memref<3x5x128xi32, #tpu.memory_space<vmem>> -> memref<1x5x128xi32, #tpu.memory_space<vmem>>
          %dma_wait3A_160 = tpu.memref_squeeze %dma_wait3A_159 : memref<1x5x128xi32, #tpu.memory_space<vmem>> -> memref<5x128xi32, #tpu.memory_space<vmem>>
          %dma_wait3A_161 = arith.constant 0 : i32
          %dma_wait3A_162 = arith.constant 0 : i32
          %dma_wait3A_163 = tpu.memref_slice %arg3[%dma_wait3A_161, %dma_wait3A_162] : memref<6250x128xi32, #tpu.memory_space<hbm>> -> memref<5x128xi32, #tpu.memory_space<hbm>>
          %dma_wait3A_164 = tpu.memref_slice %arg11[%rem3A_122] : memref<3x!tpu.dma_semaphore, #tpu.memory_space<semaphore_mem>> -> memref<1x!tpu.dma_semaphore, #tpu.memory_space<semaphore_mem>>
          %dma_wait3A_165 = tpu.memref_squeeze %dma_wait3A_164 : memref<1x!tpu.dma_semaphore, #tpu.memory_space<semaphore_mem>> -> memref<!tpu.dma_semaphore, #tpu.memory_space<semaphore_mem>>
          %dma_wait3A_166 = arith.constant 0 : i32
          %dma_wait3A_167 = arith.constant 0 : i32
          %dma_wait3A_168 = tpu.memref_slice %arg8[%rem3A_122, %dma_wait3A_166, %dma_wait3A_167] : memref<3x5x128xi32, #tpu.memory_space<vmem>> -> memref<1x5x128xi32, #tpu.memory_space<vmem>>
          %dma_wait3A_169 = tpu.memref_squeeze %dma_wait3A_168 : memref<1x5x128xi32, #tpu.memory_space<vmem>> -> memref<5x128xi32, #tpu.memory_space<vmem>>
          %dma_wait3A_170 = arith.constant 0 : i32
          %dma_wait3A_171 = arith.constant 0 : i32
          %dma_wait3A_172 = tpu.memref_slice %arg3[%dma_wait3A_170, %dma_wait3A_171] : memref<6250x128xi32, #tpu.memory_space<hbm>> -> memref<5x128xi32, #tpu.memory_space<hbm>>
          tpu.wait_dma2 semaphore(%dma_wait3A_165 : memref<!tpu.dma_semaphore, #tpu.memory_space<semaphore_mem>>) src(%dma_wait3A_172 : memref<5x128xi32, #tpu.memory_space<hbm>>) dst(%dma_wait3A_169 : memref<5x128xi32, #tpu.memory_space<vmem>>)
          %dma_wait3A_173 = arith.constant 0 : i32
          %dma_wait3A_174 = arith.constant 0 : i32
          %dma_wait3A_175 = tpu.memref_slice %arg9[%rem3A_122, %dma_wait3A_173, %dma_wait3A_174] : memref<3x5x128xi32, #tpu.memory_space<vmem>> -> memref<1x5x128xi32, #tpu.memory_space<vmem>>
          %dma_wait3A_176 = tpu.memref_squeeze %dma_wait3A_175 : memref<1x5x128xi32, #tpu.memory_space<vmem>> -> memref<5x128xi32, #tpu.memory_space<vmem>>
          %dma_wait3A_177 = arith.constant 0 : i32
          %dma_wait3A_178 = arith.constant 0 : i32
          %dma_wait3A_179 = tpu.memref_slice %arg4[%dma_wait3A_177, %dma_wait3A_178] : memref<6250x128xi32, #tpu.memory_space<hbm>> -> memref<5x128xi32, #tpu.memory_space<hbm>>
          %dma_wait3A_180 = tpu.memref_slice %arg11[%rem3A_122] : memref<3x!tpu.dma_semaphore, #tpu.memory_space<semaphore_mem>> -> memref<1x!tpu.dma_semaphore, #tpu.memory_space<semaphore_mem>>
          %dma_wait3A_181 = tpu.memref_squeeze %dma_wait3A_180 : memref<1x!tpu.dma_semaphore, #tpu.memory_space<semaphore_mem>> -> memref<!tpu.dma_semaphore, #tpu.memory_space<semaphore_mem>>
          %dma_wait3A_182 = arith.constant 0 : i32
          %dma_wait3A_183 = arith.constant 0 : i32
          %dma_wait3A_184 = tpu.memref_slice %arg9[%rem3A_122, %dma_wait3A_182, %dma_wait3A_183] : memref<3x5x128xi32, #tpu.memory_space<vmem>> -> memref<1x5x128xi32, #tpu.memory_space<vmem>>
          %dma_wait3A_185 = tpu.memref_squeeze %dma_wait3A_184 : memref<1x5x128xi32, #tpu.memory_space<vmem>> -> memref<5x128xi32, #tpu.memory_space<vmem>>
          %dma_wait3A_186 = arith.constant 0 : i32
          %dma_wait3A_187 = arith.constant 0 : i32
          %dma_wait3A_188 = tpu.memref_slice %arg4[%dma_wait3A_186, %dma_wait3A_187] : memref<6250x128xi32, #tpu.memory_space<hbm>> -> memref<5x128xi32, #tpu.memory_space<hbm>>
          tpu.wait_dma2 semaphore(%dma_wait3A_181 : memref<!tpu.dma_semaphore, #tpu.memory_space<semaphore_mem>>) src(%dma_wait3A_188 : memref<5x128xi32, #tpu.memory_space<hbm>>) dst(%dma_wait3A_185 : memref<5x128xi32, #tpu.memory_space<vmem>>)
        } else {
        }
        %rem3A_127 = arith.constant 6 : i32
        %rem3A_128 = arith.remsi %while3A_92, %rem3A_127 : i32
        %ge3A_129 = arith.constant 6 : i32
        %ge3A_130 = arith.cmpi sge, %while3A_92, %ge3A_129 : i32
        %convert_element_type3A_131 = arith.extui %ge3A_130 : i1 to i32
        %cond3A_132 = arith.constant 0 : i32
        %cond3A_133 = arith.cmpi ne, %convert_element_type3A_131, %cond3A_132 : i32
        scf.if %cond3A_133 {
          %dma_wait3A = arith.constant 0 : i32
          %dma_wait3A_150 = arith.constant 0 : i32
          %dma_wait3A_151 = tpu.memref_slice %arg7[%rem3A_128, %dma_wait3A, %dma_wait3A_150] : memref<6x128x32xf32, #tpu.memory_space<vmem>> -> memref<1x128x32xf32, #tpu.memory_space<vmem>>
          %dma_wait3A_152 = tpu.memref_squeeze %dma_wait3A_151 : memref<1x128x32xf32, #tpu.memory_space<vmem>> -> memref<128x32xf32, #tpu.memory_space<vmem>>
          %dma_wait3A_153 = arith.constant 0 : i32
          %dma_wait3A_154 = arith.constant 0 : i32
          %dma_wait3A_155 = tpu.memref_slice %arg6[%dma_wait3A_153, %dma_wait3A_154] : memref<50000x32xf32, #tpu.memory_space<vmem_shared>> -> memref<128x32xf32, #tpu.memory_space<vmem_shared>>
          %dma_wait3A_156 = tpu.memref_slice %arg13[%rem3A_128] : memref<6x!tpu.dma_semaphore, #tpu.memory_space<semaphore_mem>> -> memref<1x!tpu.dma_semaphore, #tpu.memory_space<semaphore_mem>>
          %dma_wait3A_157 = tpu.memref_squeeze %dma_wait3A_156 : memref<1x!tpu.dma_semaphore, #tpu.memory_space<semaphore_mem>> -> memref<!tpu.dma_semaphore, #tpu.memory_space<semaphore_mem>>
          %dma_wait3A_158 = arith.constant 0 : i32
          %dma_wait3A_159 = arith.constant 0 : i32
          %dma_wait3A_160 = tpu.memref_slice %arg6[%dma_wait3A_158, %dma_wait3A_159] : memref<50000x32xf32, #tpu.memory_space<vmem_shared>> -> memref<128x32xf32, #tpu.memory_space<vmem_shared>>
          %dma_wait3A_161 = arith.constant 0 : i32
          %dma_wait3A_162 = arith.constant 0 : i32
          %dma_wait3A_163 = tpu.memref_slice %arg7[%rem3A_128, %dma_wait3A_161, %dma_wait3A_162] : memref<6x128x32xf32, #tpu.memory_space<vmem>> -> memref<1x128x32xf32, #tpu.memory_space<vmem>>
          %dma_wait3A_164 = tpu.memref_squeeze %dma_wait3A_163 : memref<1x128x32xf32, #tpu.memory_space<vmem>> -> memref<128x32xf32, #tpu.memory_space<vmem>>
          tpu.wait_dma2 semaphore(%dma_wait3A_157 : memref<!tpu.dma_semaphore, #tpu.memory_space<semaphore_mem>>) src(%dma_wait3A_164 : memref<128x32xf32, #tpu.memory_space<vmem>>) dst(%dma_wait3A_160 : memref<128x32xf32, #tpu.memory_space<vmem_shared>>)
        } else {
        }
        %dma_start3A_134 = arith.constant 0 : i32
        %dma_start3A_135 = arith.constant 0 : i32
        %dma_start3A_136 = tpu.memref_slice %arg7[%rem3A_128, %dma_start3A_134, %dma_start3A_135] : memref<6x128x32xf32, #tpu.memory_space<vmem>> -> memref<1x128x32xf32, #tpu.memory_space<vmem>>
        %dma_start3A_137 = tpu.memref_squeeze %dma_start3A_136 : memref<1x128x32xf32, #tpu.memory_space<vmem>> -> memref<128x32xf32, #tpu.memory_space<vmem>>
        %dma_start3A_138 = arith.constant 0 : i32
        %dma_start3A_139 = tpu.memref_slice %arg8[%rem3A_122, %rem3A_120, %dma_start3A_138] : memref<3x5x128xi32, #tpu.memory_space<vmem>> -> memref<1x1x128xi32, #tpu.memory_space<vmem>>
        %dma_start3A_140 = tpu.memref_squeeze %dma_start3A_139 : memref<1x1x128xi32, #tpu.memory_space<vmem>> -> memref<128xi32, #tpu.memory_space<vmem>>
        %dma_start3A_141 = arith.constant 0 : i32
        %dma_start3A_142 = arith.constant 0 : i32
        %dma_start3A_143 = tpu.memref_slice %arg2[%arg0, %dma_start3A_141, %dma_start3A_142] : memref<2x50000x32xf32, #tpu.memory_space<hbm>> -> memref<1x50000x32xf32, #tpu.memory_space<hbm>>
        %dma_start3A_144 = tpu.memref_squeeze %dma_start3A_143 : memref<1x50000x32xf32, #tpu.memory_space<hbm>> -> memref<50000x32xf32, #tpu.memory_space<hbm>>
        %dma_start3A_145 = arith.constant 0 : i32
        %dma_start3A_146 = arith.constant 0 : i32
        %dma_start3A_147 = tpu.memref_slice %dma_start3A_144[%dma_start3A_145, %dma_start3A_146] : memref<50000x32xf32, #tpu.memory_space<hbm>> -> memref<50000x32xf32, #tpu.memory_space<hbm>>
        %dma_start3A_148 = tpu.memref_slice %arg12[%rem3A_128] : memref<6x!tpu.dma_semaphore, #tpu.memory_space<semaphore_mem>> -> memref<1x!tpu.dma_semaphore, #tpu.memory_space<semaphore_mem>>
        %dma_start3A_149 = tpu.memref_squeeze %dma_start3A_148 : memref<1x!tpu.dma_semaphore, #tpu.memory_space<semaphore_mem>> -> memref<!tpu.dma_semaphore, #tpu.memory_space<semaphore_mem>>
        tpu.enqueue_indirect_dma source(%dma_start3A_147 : memref<50000x32xf32, #tpu.memory_space<hbm>>) target(%dma_start3A_137 : memref<128x32xf32, #tpu.memory_space<vmem>>) offsets(%dma_start3A_140 : memref<128xi32, #tpu.memory_space<vmem>>) semaphore(%dma_start3A_149 : memref<!tpu.dma_semaphore, #tpu.memory_space<semaphore_mem>>)
      } else {
      }
      %ge3A = arith.constant 3 : i32
      %ge3A_96 = arith.cmpi sge, %while3A_92, %ge3A : i32
      %convert_element_type3A_97 = arith.extui %ge3A_96 : i1 to i32
      %cond3A_98 = arith.constant 0 : i32
      %cond3A_99 = arith.cmpi ne, %convert_element_type3A_97, %cond3A_98 : i32
      scf.if %cond3A_99 {
        %sub3A = arith.constant 3 : i32
        %sub3A_101 = arith.subi %while3A_92, %sub3A : i32
        %jit3A_102 = arith.constant 5 : i32
        %div3A = arith.divsi %sub3A_101, %jit3A_102 : i32
        %sign3A = arith.constant 0 : i32
        %sign3A_103 = arith.cmpi sgt, %sub3A_101, %sign3A : i32
        %sign3A_104 = arith.extui %sign3A_103 : i1 to i32
        %sign3A_105 = arith.constant 0 : i32
        %sign3A_106 = arith.cmpi slt, %sub3A_101, %sign3A_105 : i32
        %sign3A_107 = arith.extui %sign3A_106 : i1 to i32
        %sign3A_108 = arith.subi %sign3A_104, %sign3A_107 : i32
        %sign3A_109 = arith.constant 0 : i32
        %sign3A_110 = arith.cmpi sgt, %jit3A_102, %sign3A_109 : i32
        %sign3A_111 = arith.extui %sign3A_110 : i1 to i32
        %sign3A_112 = arith.constant 0 : i32
        %sign3A_113 = arith.cmpi slt, %jit3A_102, %sign3A_112 : i32
        %sign3A_114 = arith.extui %sign3A_113 : i1 to i32
        %sign3A_115 = arith.subi %sign3A_111, %sign3A_114 : i32
        %ne3A = arith.cmpi ne, %sign3A_108, %sign3A_115 : i32
        %rem3A = arith.remsi %sub3A_101, %jit3A_102 : i32
        %ne3A_116 = arith.constant 0 : i32
        %ne3A_117 = arith.cmpi ne, %rem3A, %ne3A_116 : i32
        %and3A = arith.andi %ne3A, %ne3A_117 : i1
        %sub3A_118 = arith.constant 1 : i32
        %sub3A_119 = arith.subi %div3A, %sub3A_118 : i32
        %select_n3A_120 = arith.select %and3A, %sub3A_119, %div3A : i32
        %rem3A_121 = arith.constant 5 : i32
        %rem3A_122 = arith.remsi %sub3A_101, %rem3A_121 : i32
        %rem3A_123 = arith.constant 3 : i32
        %rem3A_124 = arith.remsi %select_n3A_120, %rem3A_123 : i32
        %rem3A_125 = arith.constant 6 : i32
        %rem3A_126 = arith.remsi %sub3A_101, %rem3A_125 : i32
        %dma_wait3A = arith.constant 0 : i32
        %dma_wait3A_127 = arith.constant 0 : i32
        %dma_wait3A_128 = tpu.memref_slice %arg7[%rem3A_126, %dma_wait3A, %dma_wait3A_127] : memref<6x128x32xf32, #tpu.memory_space<vmem>> -> memref<1x128x32xf32, #tpu.memory_space<vmem>>
        %dma_wait3A_129 = tpu.memref_squeeze %dma_wait3A_128 : memref<1x128x32xf32, #tpu.memory_space<vmem>> -> memref<128x32xf32, #tpu.memory_space<vmem>>
        %dma_wait3A_130 = arith.constant 0 : i32
        %dma_wait3A_131 = arith.constant 0 : i32
        %dma_wait3A_132 = tpu.memref_slice %arg2[%arg0, %dma_wait3A_130, %dma_wait3A_131] : memref<2x50000x32xf32, #tpu.memory_space<hbm>> -> memref<1x50000x32xf32, #tpu.memory_space<hbm>>
        %dma_wait3A_133 = tpu.memref_squeeze %dma_wait3A_132 : memref<1x50000x32xf32, #tpu.memory_space<hbm>> -> memref<50000x32xf32, #tpu.memory_space<hbm>>
        %dma_wait3A_134 = arith.constant 0 : i32
        %dma_wait3A_135 = arith.constant 0 : i32
        %dma_wait3A_136 = tpu.memref_slice %dma_wait3A_133[%dma_wait3A_134, %dma_wait3A_135] : memref<50000x32xf32, #tpu.memory_space<hbm>> -> memref<128x32xf32, #tpu.memory_space<hbm>>
        %dma_wait3A_137 = tpu.memref_slice %arg12[%rem3A_126] : memref<6x!tpu.dma_semaphore, #tpu.memory_space<semaphore_mem>> -> memref<1x!tpu.dma_semaphore, #tpu.memory_space<semaphore_mem>>
        %dma_wait3A_138 = tpu.memref_squeeze %dma_wait3A_137 : memref<1x!tpu.dma_semaphore, #tpu.memory_space<semaphore_mem>> -> memref<!tpu.dma_semaphore, #tpu.memory_space<semaphore_mem>>
        %dma_wait3A_139 = arith.constant 0 : i32
        %dma_wait3A_140 = arith.constant 0 : i32
        %dma_wait3A_141 = tpu.memref_slice %arg7[%rem3A_126, %dma_wait3A_139, %dma_wait3A_140] : memref<6x128x32xf32, #tpu.memory_space<vmem>> -> memref<1x128x32xf32, #tpu.memory_space<vmem>>
        %dma_wait3A_142 = tpu.memref_squeeze %dma_wait3A_141 : memref<1x128x32xf32, #tpu.memory_space<vmem>> -> memref<128x32xf32, #tpu.memory_space<vmem>>
        %dma_wait3A_143 = arith.constant 0 : i32
        %dma_wait3A_144 = arith.constant 0 : i32
        %dma_wait3A_145 = tpu.memref_slice %arg2[%arg0, %dma_wait3A_143, %dma_wait3A_144] : memref<2x50000x32xf32, #tpu.memory_space<hbm>> -> memref<1x50000x32xf32, #tpu.memory_space<hbm>>
        %dma_wait3A_146 = tpu.memref_squeeze %dma_wait3A_145 : memref<1x50000x32xf32, #tpu.memory_space<hbm>> -> memref<50000x32xf32, #tpu.memory_space<hbm>>
        %dma_wait3A_147 = arith.constant 0 : i32
        %dma_wait3A_148 = arith.constant 0 : i32
        %dma_wait3A_149 = tpu.memref_slice %dma_wait3A_146[%dma_wait3A_147, %dma_wait3A_148] : memref<50000x32xf32, #tpu.memory_space<hbm>> -> memref<128x32xf32, #tpu.memory_space<hbm>>
        tpu.wait_dma2 semaphore(%dma_wait3A_138 : memref<!tpu.dma_semaphore, #tpu.memory_space<semaphore_mem>>) src(%dma_wait3A_149 : memref<128x32xf32, #tpu.memory_space<hbm>>) dst(%dma_wait3A_142 : memref<128x32xf32, #tpu.memory_space<vmem>>)
        %dma_start3A_150 = arith.constant 0 : i32
        %dma_start3A_151 = arith.constant 0 : i32
        %dma_start3A_152 = tpu.memref_slice %arg7[%rem3A_126, %dma_start3A_150, %dma_start3A_151] : memref<6x128x32xf32, #tpu.memory_space<vmem>> -> memref<1x128x32xf32, #tpu.memory_space<vmem>>
        %dma_start3A_153 = tpu.memref_squeeze %dma_start3A_152 : memref<1x128x32xf32, #tpu.memory_space<vmem>> -> memref<128x32xf32, #tpu.memory_space<vmem>>
        %dma_start3A_154 = arith.constant 0 : i32
        %dma_start3A_155 = tpu.memref_slice %arg9[%rem3A_124, %rem3A_122, %dma_start3A_154] : memref<3x5x128xi32, #tpu.memory_space<vmem>> -> memref<1x1x128xi32, #tpu.memory_space<vmem>>
        %dma_start3A_156 = tpu.memref_squeeze %dma_start3A_155 : memref<1x1x128xi32, #tpu.memory_space<vmem>> -> memref<128xi32, #tpu.memory_space<vmem>>
        %dma_start3A_157 = arith.constant 0 : i32
        %dma_start3A_158 = arith.constant 0 : i32
        %dma_start3A_159 = tpu.memref_slice %arg6[%dma_start3A_157, %dma_start3A_158] : memref<50000x32xf32, #tpu.memory_space<vmem_shared>> -> memref<50000x32xf32, #tpu.memory_space<vmem_shared>>
        %dma_start3A_160 = tpu.memref_slice %arg13[%rem3A_126] : memref<6x!tpu.dma_semaphore, #tpu.memory_space<semaphore_mem>> -> memref<1x!tpu.dma_semaphore, #tpu.memory_space<semaphore_mem>>
        %dma_start3A_161 = tpu.memref_squeeze %dma_start3A_160 : memref<1x!tpu.dma_semaphore, #tpu.memory_space<semaphore_mem>> -> memref<!tpu.dma_semaphore, #tpu.memory_space<semaphore_mem>>
        tpu.enqueue_indirect_dma source(%dma_start3A_153 : memref<128x32xf32, #tpu.memory_space<vmem>>) target(%dma_start3A_159 : memref<50000x32xf32, #tpu.memory_space<vmem_shared>>) offsets(%dma_start3A_156 : memref<128xi32, #tpu.memory_space<vmem>>) semaphore(%dma_start3A_161 : memref<!tpu.dma_semaphore, #tpu.memory_space<semaphore_mem>>) {add = true}
      } else {
      }
      %while3A_100 = arith.constant 0 : i32
      scf.yield %while3A_100 : i32
    }
    %while3A_68 = arith.constant 1 : i32
    %while3A_69 = scf.for %while3A_92 = %while3A_65 to %while3A_61 step %while3A_68 iter_args(%while3A_93 = %while3A_67) -> (i32)  : i32 {
      %lt3A_94 = arith.cmpi slt, %while3A_92, %add3A_5 : i32
      %convert_element_type3A = arith.extui %lt3A_94 : i1 to i32
      %cond3A = arith.constant 0 : i32
      %cond3A_95 = arith.cmpi ne, %convert_element_type3A, %cond3A : i32
      scf.if %cond3A_95 {
        %jit3A_101 = arith.constant 5 : i32
        %div3A = arith.divsi %while3A_92, %jit3A_101 : i32
        %sign3A = arith.constant 0 : i32
        %sign3A_102 = arith.cmpi sgt, %while3A_92, %sign3A : i32
        %sign3A_103 = arith.extui %sign3A_102 : i1 to i32
        %sign3A_104 = arith.constant 0 : i32
        %sign3A_105 = arith.cmpi slt, %while3A_92, %sign3A_104 : i32
        %sign3A_106 = arith.extui %sign3A_105 : i1 to i32
        %sign3A_107 = arith.subi %sign3A_103, %sign3A_106 : i32
        %sign3A_108 = arith.constant 0 : i32
        %sign3A_109 = arith.cmpi sgt, %jit3A_101, %sign3A_108 : i32
        %sign3A_110 = arith.extui %sign3A_109 : i1 to i32
        %sign3A_111 = arith.constant 0 : i32
        %sign3A_112 = arith.cmpi slt, %jit3A_101, %sign3A_111 : i32
        %sign3A_113 = arith.extui %sign3A_112 : i1 to i32
        %sign3A_114 = arith.subi %sign3A_110, %sign3A_113 : i32
        %ne3A = arith.cmpi ne, %sign3A_107, %sign3A_114 : i32
        %rem3A = arith.remsi %while3A_92, %jit3A_101 : i32
        %ne3A_115 = arith.constant 0 : i32
        %ne3A_116 = arith.cmpi ne, %rem3A, %ne3A_115 : i32
        %and3A = arith.andi %ne3A, %ne3A_116 : i1
        %sub3A = arith.constant 1 : i32
        %sub3A_117 = arith.subi %div3A, %sub3A : i32
        %select_n3A_118 = arith.select %and3A, %sub3A_117, %div3A : i32
        %rem3A_119 = arith.constant 5 : i32
        %rem3A_120 = arith.remsi %while3A_92, %rem3A_119 : i32
        %rem3A_121 = arith.constant 3 : i32
        %rem3A_122 = arith.remsi %select_n3A_118, %rem3A_121 : i32
        %eq3A = arith.constant 0 : i32
        %eq3A_123 = arith.cmpi eq, %rem3A_120, %eq3A : i32
        %convert_element_type3A_124 = arith.extui %eq3A_123 : i1 to i32
        %cond3A_125 = arith.constant 0 : i32
        %cond3A_126 = arith.cmpi ne, %convert_element_type3A_124, %cond3A_125 : i32
        scf.if %cond3A_126 {
          %add3A_150 = arith.constant 1 : i32
          %add3A_151 = arith.addi %select_n3A_118, %add3A_150 : i32
          %mul3A_152 = arith.constant 5 : i32
          %mul3A_153 = arith.muli %add3A_151, %mul3A_152 : i32
          %lt3A_154 = arith.cmpi slt, %mul3A_153, %add3A_5 : i32
          %convert_element_type3A_155 = arith.extui %lt3A_154 : i1 to i32
          %cond3A_156 = arith.constant 0 : i32
          %cond3A_157 = arith.cmpi ne, %convert_element_type3A_155, %cond3A_156 : i32
          scf.if %cond3A_157 {
            %add3A_189 = arith.constant 1 : i32
            %add3A_190 = arith.addi %select_n3A_118, %add3A_189 : i32
            %rem3A_191 = arith.constant 3 : i32
            %rem3A_192 = arith.remsi %add3A_190, %rem3A_191 : i32
            %add3A_193 = arith.constant 1 : i32
            %add3A_194 = arith.addi %select_n3A_118, %add3A_193 : i32
            %mul3A_195 = arith.constant 5 : i32
            %mul3A_196 = arith.muli %add3A_194, %mul3A_195 : i32
            %add3A_197 = arith.addi %add3A, %mul3A_196 : i32
            %dma_start3A_198 = arith.constant 0 : i32
            %dma_start3A_199 = arith.constant 0 : i32
            %dma_start3A_200 = tpu.memref_slice %arg8[%rem3A_192, %dma_start3A_198, %dma_start3A_199] : memref<3x5x128xi32, #tpu.memory_space<vmem>> -> memref<1x5x128xi32, #tpu.memory_space<vmem>>
            %dma_start3A_201 = tpu.memref_squeeze %dma_start3A_200 : memref<1x5x128xi32, #tpu.memory_space<vmem>> -> memref<5x128xi32, #tpu.memory_space<vmem>>
            %dma_start3A_202 = arith.constant 0 : i32
            %dma_start3A_203 = tpu.memref_slice %arg3[%add3A_197, %dma_start3A_202] : memref<6250x128xi32, #tpu.memory_space<hbm>> -> memref<5x128xi32, #tpu.memory_space<hbm>>
            %dma_start3A_204 = tpu.memref_slice %arg11[%rem3A_192] : memref<3x!tpu.dma_semaphore, #tpu.memory_space<semaphore_mem>> -> memref<1x!tpu.dma_semaphore, #tpu.memory_space<semaphore_mem>>
            %dma_start3A_205 = tpu.memref_squeeze %dma_start3A_204 : memref<1x!tpu.dma_semaphore, #tpu.memory_space<semaphore_mem>> -> memref<!tpu.dma_semaphore, #tpu.memory_space<semaphore_mem>>
            %dma_start3A_206 = arith.constant 0 : i32
            %dma_start3A_207 = arith.constant 0 : i32
            %dma_start3A_208 = tpu.memref_slice %arg8[%rem3A_192, %dma_start3A_206, %dma_start3A_207] : memref<3x5x128xi32, #tpu.memory_space<vmem>> -> memref<1x5x128xi32, #tpu.memory_space<vmem>>
            %dma_start3A_209 = tpu.memref_squeeze %dma_start3A_208 : memref<1x5x128xi32, #tpu.memory_space<vmem>> -> memref<5x128xi32, #tpu.memory_space<vmem>>
            %dma_start3A_210 = arith.constant 0 : i32
            %dma_start3A_211 = tpu.memref_slice %arg3[%add3A_197, %dma_start3A_210] : memref<6250x128xi32, #tpu.memory_space<hbm>> -> memref<5x128xi32, #tpu.memory_space<hbm>>
            tpu.enqueue_dma source(%dma_start3A_211 : memref<5x128xi32, #tpu.memory_space<hbm>>) target(%dma_start3A_209 : memref<5x128xi32, #tpu.memory_space<vmem>>) target_semaphore(%dma_start3A_205 : memref<!tpu.dma_semaphore, #tpu.memory_space<semaphore_mem>>)
            %dma_start3A_212 = arith.constant 0 : i32
            %dma_start3A_213 = arith.constant 0 : i32
            %dma_start3A_214 = tpu.memref_slice %arg9[%rem3A_192, %dma_start3A_212, %dma_start3A_213] : memref<3x5x128xi32, #tpu.memory_space<vmem>> -> memref<1x5x128xi32, #tpu.memory_space<vmem>>
            %dma_start3A_215 = tpu.memref_squeeze %dma_start3A_214 : memref<1x5x128xi32, #tpu.memory_space<vmem>> -> memref<5x128xi32, #tpu.memory_space<vmem>>
            %dma_start3A_216 = arith.constant 0 : i32
            %dma_start3A_217 = tpu.memref_slice %arg4[%add3A_197, %dma_start3A_216] : memref<6250x128xi32, #tpu.memory_space<hbm>> -> memref<5x128xi32, #tpu.memory_space<hbm>>
            %dma_start3A_218 = tpu.memref_slice %arg11[%rem3A_192] : memref<3x!tpu.dma_semaphore, #tpu.memory_space<semaphore_mem>> -> memref<1x!tpu.dma_semaphore, #tpu.memory_space<semaphore_mem>>
            %dma_start3A_219 = tpu.memref_squeeze %dma_start3A_218 : memref<1x!tpu.dma_semaphore, #tpu.memory_space<semaphore_mem>> -> memref<!tpu.dma_semaphore, #tpu.memory_space<semaphore_mem>>
            %dma_start3A_220 = arith.constant 0 : i32
            %dma_start3A_221 = arith.constant 0 : i32
            %dma_start3A_222 = tpu.memref_slice %arg9[%rem3A_192, %dma_start3A_220, %dma_start3A_221] : memref<3x5x128xi32, #tpu.memory_space<vmem>> -> memref<1x5x128xi32, #tpu.memory_space<vmem>>
            %dma_start3A_223 = tpu.memref_squeeze %dma_start3A_222 : memref<1x5x128xi32, #tpu.memory_space<vmem>> -> memref<5x128xi32, #tpu.memory_space<vmem>>
            %dma_start3A_224 = arith.constant 0 : i32
            %dma_start3A_225 = tpu.memref_slice %arg4[%add3A_197, %dma_start3A_224] : memref<6250x128xi32, #tpu.memory_space<hbm>> -> memref<5x128xi32, #tpu.memory_space<hbm>>
            tpu.enqueue_dma source(%dma_start3A_225 : memref<5x128xi32, #tpu.memory_space<hbm>>) target(%dma_start3A_223 : memref<5x128xi32, #tpu.memory_space<vmem>>) target_semaphore(%dma_start3A_219 : memref<!tpu.dma_semaphore, #tpu.memory_space<semaphore_mem>>)
          } else {
          }
          %dma_wait3A = arith.constant 0 : i32
          %dma_wait3A_158 = arith.constant 0 : i32
          %dma_wait3A_159 = tpu.memref_slice %arg8[%rem3A_122, %dma_wait3A, %dma_wait3A_158] : memref<3x5x128xi32, #tpu.memory_space<vmem>> -> memref<1x5x128xi32, #tpu.memory_space<vmem>>
          %dma_wait3A_160 = tpu.memref_squeeze %dma_wait3A_159 : memref<1x5x128xi32, #tpu.memory_space<vmem>> -> memref<5x128xi32, #tpu.memory_space<vmem>>
          %dma_wait3A_161 = arith.constant 0 : i32
          %dma_wait3A_162 = arith.constant 0 : i32
          %dma_wait3A_163 = tpu.memref_slice %arg3[%dma_wait3A_161, %dma_wait3A_162] : memref<6250x128xi32, #tpu.memory_space<hbm>> -> memref<5x128xi32, #tpu.memory_space<hbm>>
          %dma_wait3A_164 = tpu.memref_slice %arg11[%rem3A_122] : memref<3x!tpu.dma_semaphore, #tpu.memory_space<semaphore_mem>> -> memref<1x!tpu.dma_semaphore, #tpu.memory_space<semaphore_mem>>
          %dma_wait3A_165 = tpu.memref_squeeze %dma_wait3A_164 : memref<1x!tpu.dma_semaphore, #tpu.memory_space<semaphore_mem>> -> memref<!tpu.dma_semaphore, #tpu.memory_space<semaphore_mem>>
          %dma_wait3A_166 = arith.constant 0 : i32
          %dma_wait3A_167 = arith.constant 0 : i32
          %dma_wait3A_168 = tpu.memref_slice %arg8[%rem3A_122, %dma_wait3A_166, %dma_wait3A_167] : memref<3x5x128xi32, #tpu.memory_space<vmem>> -> memref<1x5x128xi32, #tpu.memory_space<vmem>>
          %dma_wait3A_169 = tpu.memref_squeeze %dma_wait3A_168 : memref<1x5x128xi32, #tpu.memory_space<vmem>> -> memref<5x128xi32, #tpu.memory_space<vmem>>
          %dma_wait3A_170 = arith.constant 0 : i32
          %dma_wait3A_171 = arith.constant 0 : i32
          %dma_wait3A_172 = tpu.memref_slice %arg3[%dma_wait3A_170, %dma_wait3A_171] : memref<6250x128xi32, #tpu.memory_space<hbm>> -> memref<5x128xi32, #tpu.memory_space<hbm>>
          tpu.wait_dma2 semaphore(%dma_wait3A_165 : memref<!tpu.dma_semaphore, #tpu.memory_space<semaphore_mem>>) src(%dma_wait3A_172 : memref<5x128xi32, #tpu.memory_space<hbm>>) dst(%dma_wait3A_169 : memref<5x128xi32, #tpu.memory_space<vmem>>)
          %dma_wait3A_173 = arith.constant 0 : i32
          %dma_wait3A_174 = arith.constant 0 : i32
          %dma_wait3A_175 = tpu.memref_slice %arg9[%rem3A_122, %dma_wait3A_173, %dma_wait3A_174] : memref<3x5x128xi32, #tpu.memory_space<vmem>> -> memref<1x5x128xi32, #tpu.memory_space<vmem>>
          %dma_wait3A_176 = tpu.memref_squeeze %dma_wait3A_175 : memref<1x5x128xi32, #tpu.memory_space<vmem>> -> memref<5x128xi32, #tpu.memory_space<vmem>>
          %dma_wait3A_177 = arith.constant 0 : i32
          %dma_wait3A_178 = arith.constant 0 : i32
          %dma_wait3A_179 = tpu.memref_slice %arg4[%dma_wait3A_177, %dma_wait3A_178] : memref<6250x128xi32, #tpu.memory_space<hbm>> -> memref<5x128xi32, #tpu.memory_space<hbm>>
          %dma_wait3A_180 = tpu.memref_slice %arg11[%rem3A_122] : memref<3x!tpu.dma_semaphore, #tpu.memory_space<semaphore_mem>> -> memref<1x!tpu.dma_semaphore, #tpu.memory_space<semaphore_mem>>
          %dma_wait3A_181 = tpu.memref_squeeze %dma_wait3A_180 : memref<1x!tpu.dma_semaphore, #tpu.memory_space<semaphore_mem>> -> memref<!tpu.dma_semaphore, #tpu.memory_space<semaphore_mem>>
          %dma_wait3A_182 = arith.constant 0 : i32
          %dma_wait3A_183 = arith.constant 0 : i32
          %dma_wait3A_184 = tpu.memref_slice %arg9[%rem3A_122, %dma_wait3A_182, %dma_wait3A_183] : memref<3x5x128xi32, #tpu.memory_space<vmem>> -> memref<1x5x128xi32, #tpu.memory_space<vmem>>
          %dma_wait3A_185 = tpu.memref_squeeze %dma_wait3A_184 : memref<1x5x128xi32, #tpu.memory_space<vmem>> -> memref<5x128xi32, #tpu.memory_space<vmem>>
          %dma_wait3A_186 = arith.constant 0 : i32
          %dma_wait3A_187 = arith.constant 0 : i32
          %dma_wait3A_188 = tpu.memref_slice %arg4[%dma_wait3A_186, %dma_wait3A_187] : memref<6250x128xi32, #tpu.memory_space<hbm>> -> memref<5x128xi32, #tpu.memory_space<hbm>>
          tpu.wait_dma2 semaphore(%dma_wait3A_181 : memref<!tpu.dma_semaphore, #tpu.memory_space<semaphore_mem>>) src(%dma_wait3A_188 : memref<5x128xi32, #tpu.memory_space<hbm>>) dst(%dma_wait3A_185 : memref<5x128xi32, #tpu.memory_space<vmem>>)
        } else {
        }
        %rem3A_127 = arith.constant 6 : i32
        %rem3A_128 = arith.remsi %while3A_92, %rem3A_127 : i32
        %ge3A_129 = arith.constant 6 : i32
        %ge3A_130 = arith.cmpi sge, %while3A_92, %ge3A_129 : i32
        %convert_element_type3A_131 = arith.extui %ge3A_130 : i1 to i32
        %cond3A_132 = arith.constant 0 : i32
        %cond3A_133 = arith.cmpi ne, %convert_element_type3A_131, %cond3A_132 : i32
        scf.if %cond3A_133 {
          %dma_wait3A = arith.constant 0 : i32
          %dma_wait3A_150 = arith.constant 0 : i32
          %dma_wait3A_151 = tpu.memref_slice %arg7[%rem3A_128, %dma_wait3A, %dma_wait3A_150] : memref<6x128x32xf32, #tpu.memory_space<vmem>> -> memref<1x128x32xf32, #tpu.memory_space<vmem>>
          %dma_wait3A_152 = tpu.memref_squeeze %dma_wait3A_151 : memref<1x128x32xf32, #tpu.memory_space<vmem>> -> memref<128x32xf32, #tpu.memory_space<vmem>>
          %dma_wait3A_153 = arith.constant 0 : i32
          %dma_wait3A_154 = arith.constant 0 : i32
          %dma_wait3A_155 = tpu.memref_slice %arg6[%dma_wait3A_153, %dma_wait3A_154] : memref<50000x32xf32, #tpu.memory_space<vmem_shared>> -> memref<128x32xf32, #tpu.memory_space<vmem_shared>>
          %dma_wait3A_156 = tpu.memref_slice %arg13[%rem3A_128] : memref<6x!tpu.dma_semaphore, #tpu.memory_space<semaphore_mem>> -> memref<1x!tpu.dma_semaphore, #tpu.memory_space<semaphore_mem>>
          %dma_wait3A_157 = tpu.memref_squeeze %dma_wait3A_156 : memref<1x!tpu.dma_semaphore, #tpu.memory_space<semaphore_mem>> -> memref<!tpu.dma_semaphore, #tpu.memory_space<semaphore_mem>>
          %dma_wait3A_158 = arith.constant 0 : i32
          %dma_wait3A_159 = arith.constant 0 : i32
          %dma_wait3A_160 = tpu.memref_slice %arg6[%dma_wait3A_158, %dma_wait3A_159] : memref<50000x32xf32, #tpu.memory_space<vmem_shared>> -> memref<128x32xf32, #tpu.memory_space<vmem_shared>>
          %dma_wait3A_161 = arith.constant 0 : i32
          %dma_wait3A_162 = arith.constant 0 : i32
          %dma_wait3A_163 = tpu.memref_slice %arg7[%rem3A_128, %dma_wait3A_161, %dma_wait3A_162] : memref<6x128x32xf32, #tpu.memory_space<vmem>> -> memref<1x128x32xf32, #tpu.memory_space<vmem>>
          %dma_wait3A_164 = tpu.memref_squeeze %dma_wait3A_163 : memref<1x128x32xf32, #tpu.memory_space<vmem>> -> memref<128x32xf32, #tpu.memory_space<vmem>>
          tpu.wait_dma2 semaphore(%dma_wait3A_157 : memref<!tpu.dma_semaphore, #tpu.memory_space<semaphore_mem>>) src(%dma_wait3A_164 : memref<128x32xf32, #tpu.memory_space<vmem>>) dst(%dma_wait3A_160 : memref<128x32xf32, #tpu.memory_space<vmem_shared>>)
        } else {
        }
        %dma_start3A_134 = arith.constant 0 : i32
        %dma_start3A_135 = arith.constant 0 : i32
        %dma_start3A_136 = tpu.memref_slice %arg7[%rem3A_128, %dma_start3A_134, %dma_start3A_135] : memref<6x128x32xf32, #tpu.memory_space<vmem>> -> memref<1x128x32xf32, #tpu.memory_space<vmem>>
        %dma_start3A_137 = tpu.memref_squeeze %dma_start3A_136 : memref<1x128x32xf32, #tpu.memory_space<vmem>> -> memref<128x32xf32, #tpu.memory_space<vmem>>
        %dma_start3A_138 = arith.constant 0 : i32
        %dma_start3A_139 = tpu.memref_slice %arg8[%rem3A_122, %rem3A_120, %dma_start3A_138] : memref<3x5x128xi32, #tpu.memory_space<vmem>> -> memref<1x1x128xi32, #tpu.memory_space<vmem>>
        %dma_start3A_140 = tpu.memref_squeeze %dma_start3A_139 : memref<1x1x128xi32, #tpu.memory_space<vmem>> -> memref<128xi32, #tpu.memory_space<vmem>>
        %dma_start3A_141 = arith.constant 0 : i32
        %dma_start3A_142 = arith.constant 0 : i32
        %dma_start3A_143 = tpu.memref_slice %arg2[%arg0, %dma_start3A_141, %dma_start3A_142] : memref<2x50000x32xf32, #tpu.memory_space<hbm>> -> memref<1x50000x32xf32, #tpu.memory_space<hbm>>
        %dma_start3A_144 = tpu.memref_squeeze %dma_start3A_143 : memref<1x50000x32xf32, #tpu.memory_space<hbm>> -> memref<50000x32xf32, #tpu.memory_space<hbm>>
        %dma_start3A_145 = arith.constant 0 : i32
        %dma_start3A_146 = arith.constant 0 : i32
        %dma_start3A_147 = tpu.memref_slice %dma_start3A_144[%dma_start3A_145, %dma_start3A_146] : memref<50000x32xf32, #tpu.memory_space<hbm>> -> memref<50000x32xf32, #tpu.memory_space<hbm>>
        %dma_start3A_148 = tpu.memref_slice %arg12[%rem3A_128] : memref<6x!tpu.dma_semaphore, #tpu.memory_space<semaphore_mem>> -> memref<1x!tpu.dma_semaphore, #tpu.memory_space<semaphore_mem>>
        %dma_start3A_149 = tpu.memref_squeeze %dma_start3A_148 : memref<1x!tpu.dma_semaphore, #tpu.memory_space<semaphore_mem>> -> memref<!tpu.dma_semaphore, #tpu.memory_space<semaphore_mem>>
        tpu.enqueue_indirect_dma source(%dma_start3A_147 : memref<50000x32xf32, #tpu.memory_space<hbm>>) target(%dma_start3A_137 : memref<128x32xf32, #tpu.memory_space<vmem>>) offsets(%dma_start3A_140 : memref<128xi32, #tpu.memory_space<vmem>>) semaphore(%dma_start3A_149 : memref<!tpu.dma_semaphore, #tpu.memory_space<semaphore_mem>>)
      } else {
      }
      %ge3A = arith.constant 3 : i32
      %ge3A_96 = arith.cmpi sge, %while3A_92, %ge3A : i32
      %convert_element_type3A_97 = arith.extui %ge3A_96 : i1 to i32
      %cond3A_98 = arith.constant 0 : i32
      %cond3A_99 = arith.cmpi ne, %convert_element_type3A_97, %cond3A_98 : i32
      scf.if %cond3A_99 {
        %sub3A = arith.constant 3 : i32
        %sub3A_101 = arith.subi %while3A_92, %sub3A : i32
        %jit3A_102 = arith.constant 5 : i32
        %div3A = arith.divsi %sub3A_101, %jit3A_102 : i32
        %sign3A = arith.constant 0 : i32
        %sign3A_103 = arith.cmpi sgt, %sub3A_101, %sign3A : i32
        %sign3A_104 = arith.extui %sign3A_103 : i1 to i32
        %sign3A_105 = arith.constant 0 : i32
        %sign3A_106 = arith.cmpi slt, %sub3A_101, %sign3A_105 : i32
        %sign3A_107 = arith.extui %sign3A_106 : i1 to i32
        %sign3A_108 = arith.subi %sign3A_104, %sign3A_107 : i32
        %sign3A_109 = arith.constant 0 : i32
        %sign3A_110 = arith.cmpi sgt, %jit3A_102, %sign3A_109 : i32
        %sign3A_111 = arith.extui %sign3A_110 : i1 to i32
        %sign3A_112 = arith.constant 0 : i32
        %sign3A_113 = arith.cmpi slt, %jit3A_102, %sign3A_112 : i32
        %sign3A_114 = arith.extui %sign3A_113 : i1 to i32
        %sign3A_115 = arith.subi %sign3A_111, %sign3A_114 : i32
        %ne3A = arith.cmpi ne, %sign3A_108, %sign3A_115 : i32
        %rem3A = arith.remsi %sub3A_101, %jit3A_102 : i32
        %ne3A_116 = arith.constant 0 : i32
        %ne3A_117 = arith.cmpi ne, %rem3A, %ne3A_116 : i32
        %and3A = arith.andi %ne3A, %ne3A_117 : i1
        %sub3A_118 = arith.constant 1 : i32
        %sub3A_119 = arith.subi %div3A, %sub3A_118 : i32
        %select_n3A_120 = arith.select %and3A, %sub3A_119, %div3A : i32
        %rem3A_121 = arith.constant 5 : i32
        %rem3A_122 = arith.remsi %sub3A_101, %rem3A_121 : i32
        %rem3A_123 = arith.constant 3 : i32
        %rem3A_124 = arith.remsi %select_n3A_120, %rem3A_123 : i32
        %rem3A_125 = arith.constant 6 : i32
        %rem3A_126 = arith.remsi %sub3A_101, %rem3A_125 : i32
        %dma_wait3A = arith.constant 0 : i32
        %dma_wait3A_127 = arith.constant 0 : i32
        %dma_wait3A_128 = tpu.memref_slice %arg7[%rem3A_126, %dma_wait3A, %dma_wait3A_127] : memref<6x128x32xf32, #tpu.memory_space<vmem>> -> memref<1x128x32xf32, #tpu.memory_space<vmem>>
        %dma_wait3A_129 = tpu.memref_squeeze %dma_wait3A_128 : memref<1x128x32xf32, #tpu.memory_space<vmem>> -> memref<128x32xf32, #tpu.memory_space<vmem>>
        %dma_wait3A_130 = arith.constant 0 : i32
        %dma_wait3A_131 = arith.constant 0 : i32
        %dma_wait3A_132 = tpu.memref_slice %arg2[%arg0, %dma_wait3A_130, %dma_wait3A_131] : memref<2x50000x32xf32, #tpu.memory_space<hbm>> -> memref<1x50000x32xf32, #tpu.memory_space<hbm>>
        %dma_wait3A_133 = tpu.memref_squeeze %dma_wait3A_132 : memref<1x50000x32xf32, #tpu.memory_space<hbm>> -> memref<50000x32xf32, #tpu.memory_space<hbm>>
        %dma_wait3A_134 = arith.constant 0 : i32
        %dma_wait3A_135 = arith.constant 0 : i32
        %dma_wait3A_136 = tpu.memref_slice %dma_wait3A_133[%dma_wait3A_134, %dma_wait3A_135] : memref<50000x32xf32, #tpu.memory_space<hbm>> -> memref<128x32xf32, #tpu.memory_space<hbm>>
        %dma_wait3A_137 = tpu.memref_slice %arg12[%rem3A_126] : memref<6x!tpu.dma_semaphore, #tpu.memory_space<semaphore_mem>> -> memref<1x!tpu.dma_semaphore, #tpu.memory_space<semaphore_mem>>
        %dma_wait3A_138 = tpu.memref_squeeze %dma_wait3A_137 : memref<1x!tpu.dma_semaphore, #tpu.memory_space<semaphore_mem>> -> memref<!tpu.dma_semaphore, #tpu.memory_space<semaphore_mem>>
        %dma_wait3A_139 = arith.constant 0 : i32
        %dma_wait3A_140 = arith.constant 0 : i32
        %dma_wait3A_141 = tpu.memref_slice %arg7[%rem3A_126, %dma_wait3A_139, %dma_wait3A_140] : memref<6x128x32xf32, #tpu.memory_space<vmem>> -> memref<1x128x32xf32, #tpu.memory_space<vmem>>
        %dma_wait3A_142 = tpu.memref_squeeze %dma_wait3A_141 : memref<1x128x32xf32, #tpu.memory_space<vmem>> -> memref<128x32xf32, #tpu.memory_space<vmem>>
        %dma_wait3A_143 = arith.constant 0 : i32
        %dma_wait3A_144 = arith.constant 0 : i32
        %dma_wait3A_145 = tpu.memref_slice %arg2[%arg0, %dma_wait3A_143, %dma_wait3A_144] : memref<2x50000x32xf32, #tpu.memory_space<hbm>> -> memref<1x50000x32xf32, #tpu.memory_space<hbm>>
        %dma_wait3A_146 = tpu.memref_squeeze %dma_wait3A_145 : memref<1x50000x32xf32, #tpu.memory_space<hbm>> -> memref<50000x32xf32, #tpu.memory_space<hbm>>
        %dma_wait3A_147 = arith.constant 0 : i32
        %dma_wait3A_148 = arith.constant 0 : i32
        %dma_wait3A_149 = tpu.memref_slice %dma_wait3A_146[%dma_wait3A_147, %dma_wait3A_148] : memref<50000x32xf32, #tpu.memory_space<hbm>> -> memref<128x32xf32, #tpu.memory_space<hbm>>
        tpu.wait_dma2 semaphore(%dma_wait3A_138 : memref<!tpu.dma_semaphore, #tpu.memory_space<semaphore_mem>>) src(%dma_wait3A_149 : memref<128x32xf32, #tpu.memory_space<hbm>>) dst(%dma_wait3A_142 : memref<128x32xf32, #tpu.memory_space<vmem>>)
        %dma_start3A_150 = arith.constant 0 : i32
        %dma_start3A_151 = arith.constant 0 : i32
        %dma_start3A_152 = tpu.memref_slice %arg7[%rem3A_126, %dma_start3A_150, %dma_start3A_151] : memref<6x128x32xf32, #tpu.memory_space<vmem>> -> memref<1x128x32xf32, #tpu.memory_space<vmem>>
        %dma_start3A_153 = tpu.memref_squeeze %dma_start3A_152 : memref<1x128x32xf32, #tpu.memory_space<vmem>> -> memref<128x32xf32, #tpu.memory_space<vmem>>
        %dma_start3A_154 = arith.constant 0 : i32
        %dma_start3A_155 = tpu.memref_slice %arg9[%rem3A_124, %rem3A_122, %dma_start3A_154] : memref<3x5x128xi32, #tpu.memory_space<vmem>> -> memref<1x1x128xi32, #tpu.memory_space<vmem>>
        %dma_start3A_156 = tpu.memref_squeeze %dma_start3A_155 : memref<1x1x128xi32, #tpu.memory_space<vmem>> -> memref<128xi32, #tpu.memory_space<vmem>>
        %dma_start3A_157 = arith.constant 0 : i32
        %dma_start3A_158 = arith.constant 0 : i32
        %dma_start3A_159 = tpu.memref_slice %arg6[%dma_start3A_157, %dma_start3A_158] : memref<50000x32xf32, #tpu.memory_space<vmem_shared>> -> memref<50000x32xf32, #tpu.memory_space<vmem_shared>>
        %dma_start3A_160 = tpu.memref_slice %arg13[%rem3A_126] : memref<6x!tpu.dma_semaphore, #tpu.memory_space<semaphore_mem>> -> memref<1x!tpu.dma_semaphore, #tpu.memory_space<semaphore_mem>>
        %dma_start3A_161 = tpu.memref_squeeze %dma_start3A_160 : memref<1x!tpu.dma_semaphore, #tpu.memory_space<semaphore_mem>> -> memref<!tpu.dma_semaphore, #tpu.memory_space<semaphore_mem>>
        tpu.enqueue_indirect_dma source(%dma_start3A_153 : memref<128x32xf32, #tpu.memory_space<vmem>>) target(%dma_start3A_159 : memref<50000x32xf32, #tpu.memory_space<vmem_shared>>) offsets(%dma_start3A_156 : memref<128xi32, #tpu.memory_space<vmem>>) semaphore(%dma_start3A_161 : memref<!tpu.dma_semaphore, #tpu.memory_space<semaphore_mem>>) {add = true}
      } else {
      }
      %while3A_100 = arith.constant 0 : i32
      scf.yield %while3A_100 : i32
    }
    %scan3A_70 = arith.constant 0 : i32
    %scan3A_71 = arith.constant 0 : i32
    %scan3A_72 = arith.constant 6 : i32
    %scan3A_73 = arith.addi %scan3A_71, %scan3A_72 : i32
    %scan3A_74 = arith.constant 1 : i32
    %scan3A_75 = scf.for %scan3A_92 = %scan3A_71 to %scan3A_73 step %scan3A_74 iter_args(%scan3A_93 = %scan3A_70) -> (i32)  : i32 {
      %dma_wait3A = arith.constant 0 : i32
      %dma_wait3A_94 = arith.constant 0 : i32
      %dma_wait3A_95 = tpu.memref_slice %arg7[%scan3A_92, %dma_wait3A, %dma_wait3A_94] : memref<6x128x32xf32, #tpu.memory_space<vmem>> -> memref<1x128x32xf32, #tpu.memory_space<vmem>>
      %dma_wait3A_96 = tpu.memref_squeeze %dma_wait3A_95 : memref<1x128x32xf32, #tpu.memory_space<vmem>> -> memref<128x32xf32, #tpu.memory_space<vmem>>
      %dma_wait3A_97 = arith.constant 0 : i32
      %dma_wait3A_98 = arith.constant 0 : i32
      %dma_wait3A_99 = tpu.memref_slice %arg6[%dma_wait3A_97, %dma_wait3A_98] : memref<50000x32xf32, #tpu.memory_space<vmem_shared>> -> memref<128x32xf32, #tpu.memory_space<vmem_shared>>
      %dma_wait3A_100 = tpu.memref_slice %arg13[%scan3A_92] : memref<6x!tpu.dma_semaphore, #tpu.memory_space<semaphore_mem>> -> memref<1x!tpu.dma_semaphore, #tpu.memory_space<semaphore_mem>>
      %dma_wait3A_101 = tpu.memref_squeeze %dma_wait3A_100 : memref<1x!tpu.dma_semaphore, #tpu.memory_space<semaphore_mem>> -> memref<!tpu.dma_semaphore, #tpu.memory_space<semaphore_mem>>
      %dma_wait3A_102 = arith.constant 0 : i32
      %dma_wait3A_103 = arith.constant 0 : i32
      %dma_wait3A_104 = tpu.memref_slice %arg6[%dma_wait3A_102, %dma_wait3A_103] : memref<50000x32xf32, #tpu.memory_space<vmem_shared>> -> memref<128x32xf32, #tpu.memory_space<vmem_shared>>
      %dma_wait3A_105 = arith.constant 0 : i32
      %dma_wait3A_106 = arith.constant 0 : i32
      %dma_wait3A_107 = tpu.memref_slice %arg7[%scan3A_92, %dma_wait3A_105, %dma_wait3A_106] : memref<6x128x32xf32, #tpu.memory_space<vmem>> -> memref<1x128x32xf32, #tpu.memory_space<vmem>>
      %dma_wait3A_108 = tpu.memref_squeeze %dma_wait3A_107 : memref<1x128x32xf32, #tpu.memory_space<vmem>> -> memref<128x32xf32, #tpu.memory_space<vmem>>
      tpu.wait_dma2 semaphore(%dma_wait3A_101 : memref<!tpu.dma_semaphore, #tpu.memory_space<semaphore_mem>>) src(%dma_wait3A_108 : memref<128x32xf32, #tpu.memory_space<vmem>>) dst(%dma_wait3A_104 : memref<128x32xf32, #tpu.memory_space<vmem_shared>>)
      %scan3A_109 = arith.constant 0 : i32
      scf.yield %scan3A_109 : i32
    }
    %scan3A_76 = arith.constant 6 : i32
    %barrier3A_77 = arith.constant 0 : index
    tpu.barrier barrier_id(%barrier3A_77)
    %scan3A_78 = arith.constant 0 : i32
    %scan3A_79 = arith.constant 0 : i32
    %scan3A_80 = arith.constant 4 : i32
    %scan3A_81 = arith.addi %scan3A_79, %scan3A_80 : i32
    %scan3A_82 = arith.constant 1 : i32
    %scan3A_83 = scf.for %scan3A_92 = %scan3A_79 to %scan3A_81 step %scan3A_82 iter_args(%scan3A_93 = %scan3A_78) -> (i32)  : i32 {
      %mul3A_94 = arith.constant 16 : i32
      %mul3A_95 = arith.muli %scan3A_92, %mul3A_94 : i32
      %add3A_96 = arith.addi %arg1, %mul3A_95 : i32
      %lt3A_97 = arith.constant 50 : i32
      %lt3A_98 = arith.cmpi slt, %add3A_96, %lt3A_97 : i32
      %convert_element_type3A = arith.extui %lt3A_98 : i1 to i32
      %cond3A = arith.constant 0 : i32
      %cond3A_99 = arith.cmpi ne, %convert_element_type3A, %cond3A : i32
      scf.if %cond3A_99 {
        %mul3A_101 = arith.constant 1000 : i32
        %mul3A_102 = arith.muli %add3A_96, %mul3A_101 : i32
        %mul3A_103 = arith.constant 1000 : i32
        %mul3A_104 = arith.muli %add3A_96, %mul3A_103 : i32
        %dma_start3A_105 = arith.constant 0 : i32
        %dma_start3A_106 = arith.constant 0 : i32
        %dma_start3A_107 = tpu.memref_slice %arg5[%arg0, %dma_start3A_105, %dma_start3A_106] : memref<2x50000x32xf32, #tpu.memory_space<hbm>> -> memref<1x50000x32xf32, #tpu.memory_space<hbm>>
        %dma_start3A_108 = tpu.memref_squeeze %dma_start3A_107 : memref<1x50000x32xf32, #tpu.memory_space<hbm>> -> memref<50000x32xf32, #tpu.memory_space<hbm>>
        %dma_start3A_109 = arith.constant 0 : i32
        %dma_start3A_110 = tpu.memref_slice %dma_start3A_108[%mul3A_104, %dma_start3A_109] : memref<50000x32xf32, #tpu.memory_space<hbm>> -> memref<1000x32xf32, #tpu.memory_space<hbm>>
        %dma_start3A_111 = arith.constant 0 : i32
        %dma_start3A_112 = tpu.memref_slice %arg6[%mul3A_102, %dma_start3A_111] : memref<50000x32xf32, #tpu.memory_space<vmem_shared>> -> memref<1000x32xf32, #tpu.memory_space<vmem_shared>>
        tpu.enqueue_dma source(%dma_start3A_112 : memref<1000x32xf32, #tpu.memory_space<vmem_shared>>) target(%dma_start3A_110 : memref<1000x32xf32, #tpu.memory_space<hbm>>) target_semaphore(%arg14 : memref<!tpu.dma_semaphore, #tpu.memory_space<semaphore_mem>>)
      } else {
      }
      %scan3A_100 = arith.constant 0 : i32
      scf.yield %scan3A_100 : i32
    }
    %scan3A_84 = arith.constant 4 : i32
    %scan3A_85 = arith.constant 0 : i32
    %scan3A_86 = arith.constant 0 : i32
    %scan3A_87 = arith.constant 4 : i32
    %scan3A_88 = arith.addi %scan3A_86, %scan3A_87 : i32
    %scan3A_89 = arith.constant 1 : i32
    %scan3A_90 = scf.for %scan3A_92 = %scan3A_86 to %scan3A_88 step %scan3A_89 iter_args(%scan3A_93 = %scan3A_85) -> (i32)  : i32 {
      %mul3A_94 = arith.constant 16 : i32
      %mul3A_95 = arith.muli %scan3A_92, %mul3A_94 : i32
      %add3A_96 = arith.addi %arg1, %mul3A_95 : i32
      %lt3A_97 = arith.constant 50 : i32
      %lt3A_98 = arith.cmpi slt, %add3A_96, %lt3A_97 : i32
      %convert_element_type3A = arith.extui %lt3A_98 : i1 to i32
      %cond3A = arith.constant 0 : i32
      %cond3A_99 = arith.cmpi ne, %convert_element_type3A, %cond3A : i32
      scf.if %cond3A_99 {
        %dma_wait3A = arith.constant 0 : i32
        %dma_wait3A_101 = arith.constant 0 : i32
        %dma_wait3A_102 = tpu.memref_slice %arg5[%arg0, %dma_wait3A, %dma_wait3A_101] : memref<2x50000x32xf32, #tpu.memory_space<hbm>> -> memref<1x50000x32xf32, #tpu.memory_space<hbm>>
        %dma_wait3A_103 = tpu.memref_squeeze %dma_wait3A_102 : memref<1x50000x32xf32, #tpu.memory_space<hbm>> -> memref<50000x32xf32, #tpu.memory_space<hbm>>
        %dma_wait3A_104 = arith.constant 0 : i32
        %dma_wait3A_105 = arith.constant 0 : i32
        %dma_wait3A_106 = tpu.memref_slice %dma_wait3A_103[%dma_wait3A_104, %dma_wait3A_105] : memref<50000x32xf32, #tpu.memory_space<hbm>> -> memref<1000x32xf32, #tpu.memory_space<hbm>>
        %dma_wait3A_107 = arith.constant 0 : i32
        %dma_wait3A_108 = arith.constant 0 : i32
        %dma_wait3A_109 = tpu.memref_slice %arg6[%dma_wait3A_107, %dma_wait3A_108] : memref<50000x32xf32, #tpu.memory_space<vmem_shared>> -> memref<1000x32xf32, #tpu.memory_space<vmem_shared>>
        tpu.wait_dma2 semaphore(%arg14 : memref<!tpu.dma_semaphore, #tpu.memory_space<semaphore_mem>>) src(%dma_wait3A_109 : memref<1000x32xf32, #tpu.memory_space<vmem_shared>>) dst(%dma_wait3A_106 : memref<1000x32xf32, #tpu.memory_space<hbm>>)
      } else {
      }
      %scan3A_100 = arith.constant 0 : i32
      scf.yield %scan3A_100 : i32
    }
    %scan3A_91 = arith.constant 4 : i32
    return
  }
}

#map = affine_map<(d0, d1) -> (0, 0, 0)>
#map1 = affine_map<(d0, d1) -> (0, 0)>
module attributes {stable_mosaic.version = 14 : i64} {
  func.func @_sc_segment_sum_body(%arg0: i32, %arg1: i32, %arg2: memref<2x50000x32xf32, #tpu.memory_space<hbm>>, %arg3: memref<6250x128xi32, #tpu.memory_space<hbm>>, %arg4: memref<6250x128xi32, #tpu.memory_space<hbm>>, %arg5: memref<2x50000x32xf32, #tpu.memory_space<hbm>>, %arg6: memref<50000x32xf32, #tpu.memory_space<vmem_shared>>, %arg7: memref<6x128x32xf32, #tpu.memory_space<vmem>>, %arg8: memref<3x5x128xi32, #tpu.memory_space<vmem>>, %arg9: memref<3x5x128xi32, #tpu.memory_space<vmem>>, %arg10: memref<50x32xf32, #tpu.memory_space<vmem>>, %arg11: memref<3x!tpu.dma_semaphore, #tpu.memory_space<semaphore_mem>>, %arg12: memref<6x!tpu.dma_semaphore, #tpu.memory_space<semaphore_mem>>, %arg13: memref<6x!tpu.dma_semaphore, #tpu.memory_space<semaphore_mem>>, %arg14: memref<!tpu.dma_semaphore, #tpu.memory_space<semaphore_mem>>) attributes {dimension_semantics = [#tpu.dimension_semantics<core_parallel>, #tpu.dimension_semantics<subcore_parallel>], iteration_bounds = array<i64: 2, 16>, scalar_prefetch = 0 : i64, scratch_operands = 9 : i64, tpu.core_type = #tpu.core_type<sc_vector_subcore>, window_params = [{transform_indices = #map}, {transform_indices = #map1}, {transform_indices = #map1}, {transform_indices = #map}]} {
    %mul3A = arith.constant 390 : i32
    %mul3A_0 = arith.muli %arg1, %mul3A : i32
    %min3A = arith.constant 10 : i32
    %min3A_1 = arith.minsi %arg1, %min3A : i32
    %add3A = arith.addi %mul3A_0, %min3A_1 : i32
    %lt3A = arith.constant 10 : i32
    %lt3A_2 = arith.cmpi slt, %arg1, %lt3A : i32
    %jit3A = arith.constant 1 : i32
    %jit3A_3 = arith.constant 0 : i32
    %select_n3A = arith.select %lt3A_2, %jit3A, %jit3A_3 : i32
    %add3A_4 = arith.constant 390 : i32
    %add3A_5 = arith.addi %add3A_4, %select_n3A : i32
    %dma_start3A = arith.constant 0 : i32
    %dma_start3A_6 = arith.constant 0 : i32
    %dma_start3A_7 = arith.constant 0 : i32
    %dma_start3A_8 = arith.constant 0 : i32
    %dma_start3A_9 = tpu.memref_slice %arg8[%dma_start3A, %dma_start3A_7, %dma_start3A_8] : memref<3x5x128xi32, #tpu.memory_space<vmem>> -> memref<1x5x128xi32, #tpu.memory_space<vmem>>
    %dma_start3A_10 = tpu.memref_squeeze %dma_start3A_9 : memref<1x5x128xi32, #tpu.memory_space<vmem>> -> memref<5x128xi32, #tpu.memory_space<vmem>>
    %dma_start3A_11 = arith.constant 0 : i32
    %dma_start3A_12 = tpu.memref_slice %arg3[%add3A, %dma_start3A_11] : memref<6250x128xi32, #tpu.memory_space<hbm>> -> memref<5x128xi32, #tpu.memory_space<hbm>>
    %dma_start3A_13 = tpu.memref_slice %arg11[%dma_start3A_6] : memref<3x!tpu.dma_semaphore, #tpu.memory_space<semaphore_mem>> -> memref<1x!tpu.dma_semaphore, #tpu.memory_space<semaphore_mem>>
    %dma_start3A_14 = tpu.memref_squeeze %dma_start3A_13 : memref<1x!tpu.dma_semaphore, #tpu.memory_space<semaphore_mem>> -> memref<!tpu.dma_semaphore, #tpu.memory_space<semaphore_mem>>
    %dma_start3A_15 = arith.constant 0 : i32
    %dma_start3A_16 = arith.constant 0 : i32
    %dma_start3A_17 = tpu.memref_slice %arg8[%dma_start3A, %dma_start3A_15, %dma_start3A_16] : memref<3x5x128xi32, #tpu.memory_space<vmem>> -> memref<1x5x128xi32, #tpu.memory_space<vmem>>
    %dma_start3A_18 = tpu.memref_squeeze %dma_start3A_17 : memref<1x5x128xi32, #tpu.memory_space<vmem>> -> memref<5x128xi32, #tpu.memory_space<vmem>>
    %dma_start3A_19 = arith.constant 0 : i32
    %dma_start3A_20 = tpu.memref_slice %arg3[%add3A, %dma_start3A_19] : memref<6250x128xi32, #tpu.memory_space<hbm>> -> memref<5x128xi32, #tpu.memory_space<hbm>>
    tpu.enqueue_dma source(%dma_start3A_20 : memref<5x128xi32, #tpu.memory_space<hbm>>) target(%dma_start3A_18 : memref<5x128xi32, #tpu.memory_space<vmem>>) target_semaphore(%dma_start3A_14 : memref<!tpu.dma_semaphore, #tpu.memory_space<semaphore_mem>>)
    %dma_start3A_21 = arith.constant 0 : i32
    %dma_start3A_22 = arith.constant 0 : i32
    %dma_start3A_23 = arith.constant 0 : i32
    %dma_start3A_24 = arith.constant 0 : i32
    %dma_start3A_25 = tpu.memref_slice %arg9[%dma_start3A_21, %dma_start3A_23, %dma_start3A_24] : memref<3x5x128xi32, #tpu.memory_space<vmem>> -> memref<1x5x128xi32, #tpu.memory_space<vmem>>
    %dma_start3A_26 = tpu.memref_squeeze %dma_start3A_25 : memref<1x5x128xi32, #tpu.memory_space<vmem>> -> memref<5x128xi32, #tpu.memory_space<vmem>>
    %dma_start3A_27 = arith.constant 0 : i32
    %dma_start3A_28 = tpu.memref_slice %arg4[%add3A, %dma_start3A_27] : memref<6250x128xi32, #tpu.memory_space<hbm>> -> memref<5x128xi32, #tpu.memory_space<hbm>>
    %dma_start3A_29 = tpu.memref_slice %arg11[%dma_start3A_22] : memref<3x!tpu.dma_semaphore, #tpu.memory_space<semaphore_mem>> -> memref<1x!tpu.dma_semaphore, #tpu.memory_space<semaphore_mem>>
    %dma_start3A_30 = tpu.memref_squeeze %dma_start3A_29 : memref<1x!tpu.dma_semaphore, #tpu.memory_space<semaphore_mem>> -> memref<!tpu.dma_semaphore, #tpu.memory_space<semaphore_mem>>
    %dma_start3A_31 = arith.constant 0 : i32
    %dma_start3A_32 = arith.constant 0 : i32
    %dma_start3A_33 = tpu.memref_slice %arg9[%dma_start3A_21, %dma_start3A_31, %dma_start3A_32] : memref<3x5x128xi32, #tpu.memory_space<vmem>> -> memref<1x5x128xi32, #tpu.memory_space<vmem>>
    %dma_start3A_34 = tpu.memref_squeeze %dma_start3A_33 : memref<1x5x128xi32, #tpu.memory_space<vmem>> -> memref<5x128xi32, #tpu.memory_space<vmem>>
    %dma_start3A_35 = arith.constant 0 : i32
    %dma_start3A_36 = tpu.memref_slice %arg4[%add3A, %dma_start3A_35] : memref<6250x128xi32, #tpu.memory_space<hbm>> -> memref<5x128xi32, #tpu.memory_space<hbm>>
    tpu.enqueue_dma source(%dma_start3A_36 : memref<5x128xi32, #tpu.memory_space<hbm>>) target(%dma_start3A_34 : memref<5x128xi32, #tpu.memory_space<vmem>>) target_semaphore(%dma_start3A_30 : memref<!tpu.dma_semaphore, #tpu.memory_space<semaphore_mem>>)
    %scan3A = arith.constant 0 : i32
    %scan3A_37 = arith.constant 0 : i32
    %scan3A_38 = arith.constant 50 : i32
    %scan3A_39 = arith.addi %scan3A_37, %scan3A_38 : i32
    %scan3A_40 = arith.constant 1 : i32
    %scan3A_41 = scf.for %scan3A_92 = %scan3A_37 to %scan3A_39 step %scan3A_40 iter_args(%scan3A_93 = %scan3A) -> (i32)  : i32 {
      %broadcast_in_dim3A = arith.constant 0.000000e+00 : f32
      %broadcast_in_dim3A_94 = vector.broadcast %broadcast_in_dim3A : f32 to vector<16xf32>
      %swap3A = arith.index_cast %scan3A_92 : i32 to index
      %swap3A_95 = arith.constant 0 : index
      %swap3A_96 = tpu.vector_load %arg10[%swap3A, %swap3A_95] {strides = array<i32>} : memref<50x32xf32, #tpu.memory_space<vmem>>, vector<1x16xf32>,
      %swap3A_97 = vector.shape_cast %swap3A_96 : vector<1x16xf32> to vector<16xf32>
      %swap3A_98 = vector.shape_cast %broadcast_in_dim3A_94 : vector<16xf32> to vector<1x16xf32>
      tpu.vector_store %arg10[%swap3A, %swap3A_95], %swap3A_98 {strides = array<i32>} : memref<50x32xf32, #tpu.memory_space<vmem>>, vector<1x16xf32>,
      %swap3A_99 = arith.index_cast %scan3A_92 : i32 to index
      %swap3A_100 = arith.constant 16 : index
      %swap3A_101 = tpu.vector_load %arg10[%swap3A_99, %swap3A_100] {strides = array<i32>} : memref<50x32xf32, #tpu.memory_space<vmem>>, vector<1x16xf32>,
      %swap3A_102 = vector.shape_cast %swap3A_101 : vector<1x16xf32> to vector<16xf32>
      %swap3A_103 = vector.shape_cast %broadcast_in_dim3A_94 : vector<16xf32> to vector<1x16xf32>
      tpu.vector_store %arg10[%swap3A_99, %swap3A_100], %swap3A_103 {strides = array<i32>} : memref<50x32xf32, #tpu.memory_space<vmem>>, vector<1x16xf32>,
      %scan3A_104 = arith.constant 0 : i32
      scf.yield %scan3A_104 : i32
    }
    %scan3A_42 = arith.constant 50 : i32
    %scan3A_43 = arith.constant 0 : i32
    %scan3A_44 = arith.constant 0 : i32
    %scan3A_45 = arith.constant 63 : i32
    %scan3A_46 = arith.addi %scan3A_44, %scan3A_45 : i32
    %scan3A_47 = arith.constant 1 : i32
    %scan3A_48 = scf.for %scan3A_92 = %scan3A_44 to %scan3A_46 step %scan3A_47 iter_args(%scan3A_93 = %scan3A_43) -> (i32)  : i32 {
      %mul3A_94 = arith.constant 16 : i32
      %mul3A_95 = arith.muli %scan3A_92, %mul3A_94 : i32
      %add3A_96 = arith.addi %arg1, %mul3A_95 : i32
      %lt3A_97 = arith.constant 1000 : i32
      %lt3A_98 = arith.cmpi slt, %add3A_96, %lt3A_97 : i32
      %convert_element_type3A = arith.extui %lt3A_98 : i1 to i32
      %cond3A = arith.constant 0 : i32
      %cond3A_99 = arith.cmpi ne, %convert_element_type3A, %cond3A : i32
      scf.if %cond3A_99 {
        %mul3A_101 = arith.constant 50 : i32
        %mul3A_102 = arith.muli %add3A_96, %mul3A_101 : i32
        %dma_start3A_103 = arith.constant 0 : i32
        %dma_start3A_104 = tpu.memref_slice %arg6[%mul3A_102, %dma_start3A_103] : memref<50000x32xf32, #tpu.memory_space<vmem_shared>> -> memref<50x32xf32, #tpu.memory_space<vmem_shared>>
        %dma_start3A_105 = arith.constant 0 : i32
        %dma_start3A_106 = tpu.memref_slice %arg6[%mul3A_102, %dma_start3A_105] : memref<50000x32xf32, #tpu.memory_space<vmem_shared>> -> memref<50x32xf32, #tpu.memory_space<vmem_shared>>
        tpu.enqueue_dma source(%arg10 : memref<50x32xf32, #tpu.memory_space<vmem>>) target(%dma_start3A_106 : memref<50x32xf32, #tpu.memory_space<vmem_shared>>) target_semaphore(%arg14 : memref<!tpu.dma_semaphore, #tpu.memory_space<semaphore_mem>>)
      } else {
      }
      %scan3A_100 = arith.constant 0 : i32
      scf.yield %scan3A_100 : i32
    }
    %scan3A_49 = arith.constant 63 : i32
    %scan3A_50 = arith.constant 0 : i32
    %scan3A_51 = arith.constant 0 : i32
    %scan3A_52 = arith.constant 63 : i32
    %scan3A_53 = arith.addi %scan3A_51, %scan3A_52 : i32
    %scan3A_54 = arith.constant 1 : i32
    %scan3A_55 = scf.for %scan3A_92 = %scan3A_51 to %scan3A_53 step %scan3A_54 iter_args(%scan3A_93 = %scan3A_50) -> (i32)  : i32 {
      %mul3A_94 = arith.constant 16 : i32
      %mul3A_95 = arith.muli %scan3A_92, %mul3A_94 : i32
      %add3A_96 = arith.addi %arg1, %mul3A_95 : i32
      %lt3A_97 = arith.constant 1000 : i32
      %lt3A_98 = arith.cmpi slt, %add3A_96, %lt3A_97 : i32
      %convert_element_type3A = arith.extui %lt3A_98 : i1 to i32
      %cond3A = arith.constant 0 : i32
      %cond3A_99 = arith.cmpi ne, %convert_element_type3A, %cond3A : i32
      scf.if %cond3A_99 {
        %dma_wait3A = arith.constant 0 : i32
        %dma_wait3A_101 = arith.constant 0 : i32
        %dma_wait3A_102 = tpu.memref_slice %arg6[%dma_wait3A, %dma_wait3A_101] : memref<50000x32xf32, #tpu.memory_space<vmem_shared>> -> memref<50x32xf32, #tpu.memory_space<vmem_shared>>
        %dma_wait3A_103 = arith.constant 0 : i32
        %dma_wait3A_104 = arith.constant 0 : i32
        %dma_wait3A_105 = tpu.memref_slice %arg6[%dma_wait3A_103, %dma_wait3A_104] : memref<50000x32xf32, #tpu.memory_space<vmem_shared>> -> memref<50x32xf32, #tpu.memory_space<vmem_shared>>
        tpu.wait_dma2 semaphore(%arg14 : memref<!tpu.dma_semaphore, #tpu.memory_space<semaphore_mem>>) src(%arg10 : memref<50x32xf32, #tpu.memory_space<vmem>>) dst(%dma_wait3A_105 : memref<50x32xf32, #tpu.memory_space<vmem_shared>>)
      } else {
      }
      %scan3A_100 = arith.constant 0 : i32
      scf.yield %scan3A_100 : i32
    }
    %scan3A_56 = arith.constant 63 : i32
    %barrier3A = arith.constant 0 : index
    tpu.barrier barrier_id(%barrier3A)
    %add3A_57 = arith.constant 3 : i32
    %add3A_58 = arith.addi %add3A_5, %add3A_57 : i32
    %while3A = arith.constant 0 : i32
    %while3A_59 = arith.constant 0 : i32
    %while3A_60 = arith.subi %add3A_58, %while3A : i32
    %while3A_61 = arith.addi %while3A, %while3A_60 : i32
    %while3A_62 = arith.constant 1 : i32
    %while3A_63 = arith.divsi %while3A_60, %while3A_62 : i32
    %while3A_64 = arith.muli %while3A_63, %while3A_62 : i32
    %while3A_65 = arith.addi %while3A, %while3A_64 : i32
    %while3A_66 = arith.constant 1 : i32
    %while3A_67 = scf.for %while3A_92 = %while3A to %while3A_65 step %while3A_66 iter_args(%while3A_93 = %while3A_59) -> (i32)  : i32 {
      %lt3A_94 = arith.cmpi slt, %while3A_92, %add3A_5 : i32
      %convert_element_type3A = arith.extui %lt3A_94 : i1 to i32
      %cond3A = arith.constant 0 : i32
      %cond3A_95 = arith.cmpi ne, %convert_element_type3A, %cond3A : i32
      scf.if %cond3A_95 {
        %jit3A_101 = arith.constant 5 : i32
        %div3A = arith.divsi %while3A_92, %jit3A_101 : i32
        %sign3A = arith.constant 0 : i32
        %sign3A_102 = arith.cmpi sgt, %while3A_92, %sign3A : i32
        %sign3A_103 = arith.extui %sign3A_102 : i1 to i32
        %sign3A_104 = arith.constant 0 : i32
        %sign3A_105 = arith.cmpi slt, %while3A_92, %sign3A_104 : i32
        %sign3A_106 = arith.extui %sign3A_105 : i1 to i32
        %sign3A_107 = arith.subi %sign3A_103, %sign3A_106 : i32
        %sign3A_108 = arith.constant 0 : i32
        %sign3A_109 = arith.cmpi sgt, %jit3A_101, %sign3A_108 : i32
        %sign3A_110 = arith.extui %sign3A_109 : i1 to i32
        %sign3A_111 = arith.constant 0 : i32
        %sign3A_112 = arith.cmpi slt, %jit3A_101, %sign3A_111 : i32
        %sign3A_113 = arith.extui %sign3A_112 : i1 to i32
        %sign3A_114 = arith.subi %sign3A_110, %sign3A_113 : i32
        %ne3A = arith.cmpi ne, %sign3A_107, %sign3A_114 : i32
        %rem3A = arith.remsi %while3A_92, %jit3A_101 : i32
        %ne3A_115 = arith.constant 0 : i32
        %ne3A_116 = arith.cmpi ne, %rem3A, %ne3A_115 : i32
        %and3A = arith.andi %ne3A, %ne3A_116 : i1
        %sub3A = arith.constant 1 : i32
        %sub3A_117 = arith.subi %div3A, %sub3A : i32
        %select_n3A_118 = arith.select %and3A, %sub3A_117, %div3A : i32
        %rem3A_119 = arith.constant 5 : i32
        %rem3A_120 = arith.remsi %while3A_92, %rem3A_119 : i32
        %rem3A_121 = arith.constant 3 : i32
        %rem3A_122 = arith.remsi %select_n3A_118, %rem3A_121 : i32
        %eq3A = arith.constant 0 : i32
        %eq3A_123 = arith.cmpi eq, %rem3A_120, %eq3A : i32
        %convert_element_type3A_124 = arith.extui %eq3A_123 : i1 to i32
        %cond3A_125 = arith.constant 0 : i32
        %cond3A_126 = arith.cmpi ne, %convert_element_type3A_124, %cond3A_125 : i32
        scf.if %cond3A_126 {
          %add3A_150 = arith.constant 1 : i32
          %add3A_151 = arith.addi %select_n3A_118, %add3A_150 : i32
          %mul3A_152 = arith.constant 5 : i32
          %mul3A_153 = arith.muli %add3A_151, %mul3A_152 : i32
          %lt3A_154 = arith.cmpi slt, %mul3A_153, %add3A_5 : i32
          %convert_element_type3A_155 = arith.extui %lt3A_154 : i1 to i32
          %cond3A_156 = arith.constant 0 : i32
          %cond3A_157 = arith.cmpi ne, %convert_element_type3A_155, %cond3A_156 : i32
          scf.if %cond3A_157 {
            %add3A_189 = arith.constant 1 : i32
            %add3A_190 = arith.addi %select_n3A_118, %add3A_189 : i32
            %rem3A_191 = arith.constant 3 : i32
            %rem3A_192 = arith.remsi %add3A_190, %rem3A_191 : i32
            %add3A_193 = arith.constant 1 : i32
            %add3A_194 = arith.addi %select_n3A_118, %add3A_193 : i32
            %mul3A_195 = arith.constant 5 : i32
            %mul3A_196 = arith.muli %add3A_194, %mul3A_195 : i32
            %add3A_197 = arith.addi %add3A, %mul3A_196 : i32
            %dma_start3A_198 = arith.constant 0 : i32
            %dma_start3A_199 = arith.constant 0 : i32
            %dma_start3A_200 = tpu.memref_slice %arg8[%rem3A_192, %dma_start3A_198, %dma_start3A_199] : memref<3x5x128xi32, #tpu.memory_space<vmem>> -> memref<1x5x128xi32, #tpu.memory_space<vmem>>
            %dma_start3A_201 = tpu.memref_squeeze %dma_start3A_200 : memref<1x5x128xi32, #tpu.memory_space<vmem>> -> memref<5x128xi32, #tpu.memory_space<vmem>>
            %dma_start3A_202 = arith.constant 0 : i32
            %dma_start3A_203 = tpu.memref_slice %arg3[%add3A_197, %dma_start3A_202] : memref<6250x128xi32, #tpu.memory_space<hbm>> -> memref<5x128xi32, #tpu.memory_space<hbm>>
            %dma_start3A_204 = tpu.memref_slice %arg11[%rem3A_192] : memref<3x!tpu.dma_semaphore, #tpu.memory_space<semaphore_mem>> -> memref<1x!tpu.dma_semaphore, #tpu.memory_space<semaphore_mem>>
            %dma_start3A_205 = tpu.memref_squeeze %dma_start3A_204 : memref<1x!tpu.dma_semaphore, #tpu.memory_space<semaphore_mem>> -> memref<!tpu.dma_semaphore, #tpu.memory_space<semaphore_mem>>
            %dma_start3A_206 = arith.constant 0 : i32
            %dma_start3A_207 = arith.constant 0 : i32
            %dma_start3A_208 = tpu.memref_slice %arg8[%rem3A_192, %dma_start3A_206, %dma_start3A_207] : memref<3x5x128xi32, #tpu.memory_space<vmem>> -> memref<1x5x128xi32, #tpu.memory_space<vmem>>
            %dma_start3A_209 = tpu.memref_squeeze %dma_start3A_208 : memref<1x5x128xi32, #tpu.memory_space<vmem>> -> memref<5x128xi32, #tpu.memory_space<vmem>>
            %dma_start3A_210 = arith.constant 0 : i32
            %dma_start3A_211 = tpu.memref_slice %arg3[%add3A_197, %dma_start3A_210] : memref<6250x128xi32, #tpu.memory_space<hbm>> -> memref<5x128xi32, #tpu.memory_space<hbm>>
            tpu.enqueue_dma source(%dma_start3A_211 : memref<5x128xi32, #tpu.memory_space<hbm>>) target(%dma_start3A_209 : memref<5x128xi32, #tpu.memory_space<vmem>>) target_semaphore(%dma_start3A_205 : memref<!tpu.dma_semaphore, #tpu.memory_space<semaphore_mem>>)
            %dma_start3A_212 = arith.constant 0 : i32
            %dma_start3A_213 = arith.constant 0 : i32
            %dma_start3A_214 = tpu.memref_slice %arg9[%rem3A_192, %dma_start3A_212, %dma_start3A_213] : memref<3x5x128xi32, #tpu.memory_space<vmem>> -> memref<1x5x128xi32, #tpu.memory_space<vmem>>
            %dma_start3A_215 = tpu.memref_squeeze %dma_start3A_214 : memref<1x5x128xi32, #tpu.memory_space<vmem>> -> memref<5x128xi32, #tpu.memory_space<vmem>>
            %dma_start3A_216 = arith.constant 0 : i32
            %dma_start3A_217 = tpu.memref_slice %arg4[%add3A_197, %dma_start3A_216] : memref<6250x128xi32, #tpu.memory_space<hbm>> -> memref<5x128xi32, #tpu.memory_space<hbm>>
            %dma_start3A_218 = tpu.memref_slice %arg11[%rem3A_192] : memref<3x!tpu.dma_semaphore, #tpu.memory_space<semaphore_mem>> -> memref<1x!tpu.dma_semaphore, #tpu.memory_space<semaphore_mem>>
            %dma_start3A_219 = tpu.memref_squeeze %dma_start3A_218 : memref<1x!tpu.dma_semaphore, #tpu.memory_space<semaphore_mem>> -> memref<!tpu.dma_semaphore, #tpu.memory_space<semaphore_mem>>
            %dma_start3A_220 = arith.constant 0 : i32
            %dma_start3A_221 = arith.constant 0 : i32
            %dma_start3A_222 = tpu.memref_slice %arg9[%rem3A_192, %dma_start3A_220, %dma_start3A_221] : memref<3x5x128xi32, #tpu.memory_space<vmem>> -> memref<1x5x128xi32, #tpu.memory_space<vmem>>
            %dma_start3A_223 = tpu.memref_squeeze %dma_start3A_222 : memref<1x5x128xi32, #tpu.memory_space<vmem>> -> memref<5x128xi32, #tpu.memory_space<vmem>>
            %dma_start3A_224 = arith.constant 0 : i32
            %dma_start3A_225 = tpu.memref_slice %arg4[%add3A_197, %dma_start3A_224] : memref<6250x128xi32, #tpu.memory_space<hbm>> -> memref<5x128xi32, #tpu.memory_space<hbm>>
            tpu.enqueue_dma source(%dma_start3A_225 : memref<5x128xi32, #tpu.memory_space<hbm>>) target(%dma_start3A_223 : memref<5x128xi32, #tpu.memory_space<vmem>>) target_semaphore(%dma_start3A_219 : memref<!tpu.dma_semaphore, #tpu.memory_space<semaphore_mem>>)
          } else {
          }
          %dma_wait3A = arith.constant 0 : i32
          %dma_wait3A_158 = arith.constant 0 : i32
          %dma_wait3A_159 = tpu.memref_slice %arg8[%rem3A_122, %dma_wait3A, %dma_wait3A_158] : memref<3x5x128xi32, #tpu.memory_space<vmem>> -> memref<1x5x128xi32, #tpu.memory_space<vmem>>
          %dma_wait3A_160 = tpu.memref_squeeze %dma_wait3A_159 : memref<1x5x128xi32, #tpu.memory_space<vmem>> -> memref<5x128xi32, #tpu.memory_space<vmem>>
          %dma_wait3A_161 = arith.constant 0 : i32
          %dma_wait3A_162 = arith.constant 0 : i32
          %dma_wait3A_163 = tpu.memref_slice %arg3[%dma_wait3A_161, %dma_wait3A_162] : memref<6250x128xi32, #tpu.memory_space<hbm>> -> memref<5x128xi32, #tpu.memory_space<hbm>>
          %dma_wait3A_164 = tpu.memref_slice %arg11[%rem3A_122] : memref<3x!tpu.dma_semaphore, #tpu.memory_space<semaphore_mem>> -> memref<1x!tpu.dma_semaphore, #tpu.memory_space<semaphore_mem>>
          %dma_wait3A_165 = tpu.memref_squeeze %dma_wait3A_164 : memref<1x!tpu.dma_semaphore, #tpu.memory_space<semaphore_mem>> -> memref<!tpu.dma_semaphore, #tpu.memory_space<semaphore_mem>>
          %dma_wait3A_166 = arith.constant 0 : i32
          %dma_wait3A_167 = arith.constant 0 : i32
          %dma_wait3A_168 = tpu.memref_slice %arg8[%rem3A_122, %dma_wait3A_166, %dma_wait3A_167] : memref<3x5x128xi32, #tpu.memory_space<vmem>> -> memref<1x5x128xi32, #tpu.memory_space<vmem>>
          %dma_wait3A_169 = tpu.memref_squeeze %dma_wait3A_168 : memref<1x5x128xi32, #tpu.memory_space<vmem>> -> memref<5x128xi32, #tpu.memory_space<vmem>>
          %dma_wait3A_170 = arith.constant 0 : i32
          %dma_wait3A_171 = arith.constant 0 : i32
          %dma_wait3A_172 = tpu.memref_slice %arg3[%dma_wait3A_170, %dma_wait3A_171] : memref<6250x128xi32, #tpu.memory_space<hbm>> -> memref<5x128xi32, #tpu.memory_space<hbm>>
          tpu.wait_dma2 semaphore(%dma_wait3A_165 : memref<!tpu.dma_semaphore, #tpu.memory_space<semaphore_mem>>) src(%dma_wait3A_172 : memref<5x128xi32, #tpu.memory_space<hbm>>) dst(%dma_wait3A_169 : memref<5x128xi32, #tpu.memory_space<vmem>>)
          %dma_wait3A_173 = arith.constant 0 : i32
          %dma_wait3A_174 = arith.constant 0 : i32
          %dma_wait3A_175 = tpu.memref_slice %arg9[%rem3A_122, %dma_wait3A_173, %dma_wait3A_174] : memref<3x5x128xi32, #tpu.memory_space<vmem>> -> memref<1x5x128xi32, #tpu.memory_space<vmem>>
          %dma_wait3A_176 = tpu.memref_squeeze %dma_wait3A_175 : memref<1x5x128xi32, #tpu.memory_space<vmem>> -> memref<5x128xi32, #tpu.memory_space<vmem>>
          %dma_wait3A_177 = arith.constant 0 : i32
          %dma_wait3A_178 = arith.constant 0 : i32
          %dma_wait3A_179 = tpu.memref_slice %arg4[%dma_wait3A_177, %dma_wait3A_178] : memref<6250x128xi32, #tpu.memory_space<hbm>> -> memref<5x128xi32, #tpu.memory_space<hbm>>
          %dma_wait3A_180 = tpu.memref_slice %arg11[%rem3A_122] : memref<3x!tpu.dma_semaphore, #tpu.memory_space<semaphore_mem>> -> memref<1x!tpu.dma_semaphore, #tpu.memory_space<semaphore_mem>>
          %dma_wait3A_181 = tpu.memref_squeeze %dma_wait3A_180 : memref<1x!tpu.dma_semaphore, #tpu.memory_space<semaphore_mem>> -> memref<!tpu.dma_semaphore, #tpu.memory_space<semaphore_mem>>
          %dma_wait3A_182 = arith.constant 0 : i32
          %dma_wait3A_183 = arith.constant 0 : i32
          %dma_wait3A_184 = tpu.memref_slice %arg9[%rem3A_122, %dma_wait3A_182, %dma_wait3A_183] : memref<3x5x128xi32, #tpu.memory_space<vmem>> -> memref<1x5x128xi32, #tpu.memory_space<vmem>>
          %dma_wait3A_185 = tpu.memref_squeeze %dma_wait3A_184 : memref<1x5x128xi32, #tpu.memory_space<vmem>> -> memref<5x128xi32, #tpu.memory_space<vmem>>
          %dma_wait3A_186 = arith.constant 0 : i32
          %dma_wait3A_187 = arith.constant 0 : i32
          %dma_wait3A_188 = tpu.memref_slice %arg4[%dma_wait3A_186, %dma_wait3A_187] : memref<6250x128xi32, #tpu.memory_space<hbm>> -> memref<5x128xi32, #tpu.memory_space<hbm>>
          tpu.wait_dma2 semaphore(%dma_wait3A_181 : memref<!tpu.dma_semaphore, #tpu.memory_space<semaphore_mem>>) src(%dma_wait3A_188 : memref<5x128xi32, #tpu.memory_space<hbm>>) dst(%dma_wait3A_185 : memref<5x128xi32, #tpu.memory_space<vmem>>)
        } else {
        }
        %rem3A_127 = arith.constant 6 : i32
        %rem3A_128 = arith.remsi %while3A_92, %rem3A_127 : i32
        %ge3A_129 = arith.constant 6 : i32
        %ge3A_130 = arith.cmpi sge, %while3A_92, %ge3A_129 : i32
        %convert_element_type3A_131 = arith.extui %ge3A_130 : i1 to i32
        %cond3A_132 = arith.constant 0 : i32
        %cond3A_133 = arith.cmpi ne, %convert_element_type3A_131, %cond3A_132 : i32
        scf.if %cond3A_133 {
          %dma_wait3A = arith.constant 0 : i32
          %dma_wait3A_150 = arith.constant 0 : i32
          %dma_wait3A_151 = tpu.memref_slice %arg7[%rem3A_128, %dma_wait3A, %dma_wait3A_150] : memref<6x128x32xf32, #tpu.memory_space<vmem>> -> memref<1x128x32xf32, #tpu.memory_space<vmem>>
          %dma_wait3A_152 = tpu.memref_squeeze %dma_wait3A_151 : memref<1x128x32xf32, #tpu.memory_space<vmem>> -> memref<128x32xf32, #tpu.memory_space<vmem>>
          %dma_wait3A_153 = arith.constant 0 : i32
          %dma_wait3A_154 = arith.constant 0 : i32
          %dma_wait3A_155 = tpu.memref_slice %arg6[%dma_wait3A_153, %dma_wait3A_154] : memref<50000x32xf32, #tpu.memory_space<vmem_shared>> -> memref<128x32xf32, #tpu.memory_space<vmem_shared>>
          %dma_wait3A_156 = tpu.memref_slice %arg13[%rem3A_128] : memref<6x!tpu.dma_semaphore, #tpu.memory_space<semaphore_mem>> -> memref<1x!tpu.dma_semaphore, #tpu.memory_space<semaphore_mem>>
          %dma_wait3A_157 = tpu.memref_squeeze %dma_wait3A_156 : memref<1x!tpu.dma_semaphore, #tpu.memory_space<semaphore_mem>> -> memref<!tpu.dma_semaphore, #tpu.memory_space<semaphore_mem>>
          %dma_wait3A_158 = arith.constant 0 : i32
          %dma_wait3A_159 = arith.constant 0 : i32
          %dma_wait3A_160 = tpu.memref_slice %arg6[%dma_wait3A_158, %dma_wait3A_159] : memref<50000x32xf32, #tpu.memory_space<vmem_shared>> -> memref<128x32xf32, #tpu.memory_space<vmem_shared>>
          %dma_wait3A_161 = arith.constant 0 : i32
          %dma_wait3A_162 = arith.constant 0 : i32
          %dma_wait3A_163 = tpu.memref_slice %arg7[%rem3A_128, %dma_wait3A_161, %dma_wait3A_162] : memref<6x128x32xf32, #tpu.memory_space<vmem>> -> memref<1x128x32xf32, #tpu.memory_space<vmem>>
          %dma_wait3A_164 = tpu.memref_squeeze %dma_wait3A_163 : memref<1x128x32xf32, #tpu.memory_space<vmem>> -> memref<128x32xf32, #tpu.memory_space<vmem>>
          tpu.wait_dma2 semaphore(%dma_wait3A_157 : memref<!tpu.dma_semaphore, #tpu.memory_space<semaphore_mem>>) src(%dma_wait3A_164 : memref<128x32xf32, #tpu.memory_space<vmem>>) dst(%dma_wait3A_160 : memref<128x32xf32, #tpu.memory_space<vmem_shared>>)
        } else {
        }
        %dma_start3A_134 = arith.constant 0 : i32
        %dma_start3A_135 = arith.constant 0 : i32
        %dma_start3A_136 = tpu.memref_slice %arg7[%rem3A_128, %dma_start3A_134, %dma_start3A_135] : memref<6x128x32xf32, #tpu.memory_space<vmem>> -> memref<1x128x32xf32, #tpu.memory_space<vmem>>
        %dma_start3A_137 = tpu.memref_squeeze %dma_start3A_136 : memref<1x128x32xf32, #tpu.memory_space<vmem>> -> memref<128x32xf32, #tpu.memory_space<vmem>>
        %dma_start3A_138 = arith.constant 0 : i32
        %dma_start3A_139 = tpu.memref_slice %arg8[%rem3A_122, %rem3A_120, %dma_start3A_138] : memref<3x5x128xi32, #tpu.memory_space<vmem>> -> memref<1x1x128xi32, #tpu.memory_space<vmem>>
        %dma_start3A_140 = tpu.memref_squeeze %dma_start3A_139 : memref<1x1x128xi32, #tpu.memory_space<vmem>> -> memref<128xi32, #tpu.memory_space<vmem>>
        %dma_start3A_141 = arith.constant 0 : i32
        %dma_start3A_142 = arith.constant 0 : i32
        %dma_start3A_143 = tpu.memref_slice %arg2[%arg0, %dma_start3A_141, %dma_start3A_142] : memref<2x50000x32xf32, #tpu.memory_space<hbm>> -> memref<1x50000x32xf32, #tpu.memory_space<hbm>>
        %dma_start3A_144 = tpu.memref_squeeze %dma_start3A_143 : memref<1x50000x32xf32, #tpu.memory_space<hbm>> -> memref<50000x32xf32, #tpu.memory_space<hbm>>
        %dma_start3A_145 = arith.constant 0 : i32
        %dma_start3A_146 = arith.constant 0 : i32
        %dma_start3A_147 = tpu.memref_slice %dma_start3A_144[%dma_start3A_145, %dma_start3A_146] : memref<50000x32xf32, #tpu.memory_space<hbm>> -> memref<50000x32xf32, #tpu.memory_space<hbm>>
        %dma_start3A_148 = tpu.memref_slice %arg12[%rem3A_128] : memref<6x!tpu.dma_semaphore, #tpu.memory_space<semaphore_mem>> -> memref<1x!tpu.dma_semaphore, #tpu.memory_space<semaphore_mem>>
        %dma_start3A_149 = tpu.memref_squeeze %dma_start3A_148 : memref<1x!tpu.dma_semaphore, #tpu.memory_space<semaphore_mem>> -> memref<!tpu.dma_semaphore, #tpu.memory_space<semaphore_mem>>
        tpu.enqueue_indirect_dma source(%dma_start3A_147 : memref<50000x32xf32, #tpu.memory_space<hbm>>) target(%dma_start3A_137 : memref<128x32xf32, #tpu.memory_space<vmem>>) offsets(%dma_start3A_140 : memref<128xi32, #tpu.memory_space<vmem>>) semaphore(%dma_start3A_149 : memref<!tpu.dma_semaphore, #tpu.memory_space<semaphore_mem>>)
      } else {
      }
      %ge3A = arith.constant 3 : i32
      %ge3A_96 = arith.cmpi sge, %while3A_92, %ge3A : i32
      %convert_element_type3A_97 = arith.extui %ge3A_96 : i1 to i32
      %cond3A_98 = arith.constant 0 : i32
      %cond3A_99 = arith.cmpi ne, %convert_element_type3A_97, %cond3A_98 : i32
      scf.if %cond3A_99 {
        %sub3A = arith.constant 3 : i32
        %sub3A_101 = arith.subi %while3A_92, %sub3A : i32
        %jit3A_102 = arith.constant 5 : i32
        %div3A = arith.divsi %sub3A_101, %jit3A_102 : i32
        %sign3A = arith.constant 0 : i32
        %sign3A_103 = arith.cmpi sgt, %sub3A_101, %sign3A : i32
        %sign3A_104 = arith.extui %sign3A_103 : i1 to i32
        %sign3A_105 = arith.constant 0 : i32
        %sign3A_106 = arith.cmpi slt, %sub3A_101, %sign3A_105 : i32
        %sign3A_107 = arith.extui %sign3A_106 : i1 to i32
        %sign3A_108 = arith.subi %sign3A_104, %sign3A_107 : i32
        %sign3A_109 = arith.constant 0 : i32
        %sign3A_110 = arith.cmpi sgt, %jit3A_102, %sign3A_109 : i32
        %sign3A_111 = arith.extui %sign3A_110 : i1 to i32
        %sign3A_112 = arith.constant 0 : i32
        %sign3A_113 = arith.cmpi slt, %jit3A_102, %sign3A_112 : i32
        %sign3A_114 = arith.extui %sign3A_113 : i1 to i32
        %sign3A_115 = arith.subi %sign3A_111, %sign3A_114 : i32
        %ne3A = arith.cmpi ne, %sign3A_108, %sign3A_115 : i32
        %rem3A = arith.remsi %sub3A_101, %jit3A_102 : i32
        %ne3A_116 = arith.constant 0 : i32
        %ne3A_117 = arith.cmpi ne, %rem3A, %ne3A_116 : i32
        %and3A = arith.andi %ne3A, %ne3A_117 : i1
        %sub3A_118 = arith.constant 1 : i32
        %sub3A_119 = arith.subi %div3A, %sub3A_118 : i32
        %select_n3A_120 = arith.select %and3A, %sub3A_119, %div3A : i32
        %rem3A_121 = arith.constant 5 : i32
        %rem3A_122 = arith.remsi %sub3A_101, %rem3A_121 : i32
        %rem3A_123 = arith.constant 3 : i32
        %rem3A_124 = arith.remsi %select_n3A_120, %rem3A_123 : i32
        %rem3A_125 = arith.constant 6 : i32
        %rem3A_126 = arith.remsi %sub3A_101, %rem3A_125 : i32
        %dma_wait3A = arith.constant 0 : i32
        %dma_wait3A_127 = arith.constant 0 : i32
        %dma_wait3A_128 = tpu.memref_slice %arg7[%rem3A_126, %dma_wait3A, %dma_wait3A_127] : memref<6x128x32xf32, #tpu.memory_space<vmem>> -> memref<1x128x32xf32, #tpu.memory_space<vmem>>
        %dma_wait3A_129 = tpu.memref_squeeze %dma_wait3A_128 : memref<1x128x32xf32, #tpu.memory_space<vmem>> -> memref<128x32xf32, #tpu.memory_space<vmem>>
        %dma_wait3A_130 = arith.constant 0 : i32
        %dma_wait3A_131 = arith.constant 0 : i32
        %dma_wait3A_132 = tpu.memref_slice %arg2[%arg0, %dma_wait3A_130, %dma_wait3A_131] : memref<2x50000x32xf32, #tpu.memory_space<hbm>> -> memref<1x50000x32xf32, #tpu.memory_space<hbm>>
        %dma_wait3A_133 = tpu.memref_squeeze %dma_wait3A_132 : memref<1x50000x32xf32, #tpu.memory_space<hbm>> -> memref<50000x32xf32, #tpu.memory_space<hbm>>
        %dma_wait3A_134 = arith.constant 0 : i32
        %dma_wait3A_135 = arith.constant 0 : i32
        %dma_wait3A_136 = tpu.memref_slice %dma_wait3A_133[%dma_wait3A_134, %dma_wait3A_135] : memref<50000x32xf32, #tpu.memory_space<hbm>> -> memref<128x32xf32, #tpu.memory_space<hbm>>
        %dma_wait3A_137 = tpu.memref_slice %arg12[%rem3A_126] : memref<6x!tpu.dma_semaphore, #tpu.memory_space<semaphore_mem>> -> memref<1x!tpu.dma_semaphore, #tpu.memory_space<semaphore_mem>>
        %dma_wait3A_138 = tpu.memref_squeeze %dma_wait3A_137 : memref<1x!tpu.dma_semaphore, #tpu.memory_space<semaphore_mem>> -> memref<!tpu.dma_semaphore, #tpu.memory_space<semaphore_mem>>
        %dma_wait3A_139 = arith.constant 0 : i32
        %dma_wait3A_140 = arith.constant 0 : i32
        %dma_wait3A_141 = tpu.memref_slice %arg7[%rem3A_126, %dma_wait3A_139, %dma_wait3A_140] : memref<6x128x32xf32, #tpu.memory_space<vmem>> -> memref<1x128x32xf32, #tpu.memory_space<vmem>>
        %dma_wait3A_142 = tpu.memref_squeeze %dma_wait3A_141 : memref<1x128x32xf32, #tpu.memory_space<vmem>> -> memref<128x32xf32, #tpu.memory_space<vmem>>
        %dma_wait3A_143 = arith.constant 0 : i32
        %dma_wait3A_144 = arith.constant 0 : i32
        %dma_wait3A_145 = tpu.memref_slice %arg2[%arg0, %dma_wait3A_143, %dma_wait3A_144] : memref<2x50000x32xf32, #tpu.memory_space<hbm>> -> memref<1x50000x32xf32, #tpu.memory_space<hbm>>
        %dma_wait3A_146 = tpu.memref_squeeze %dma_wait3A_145 : memref<1x50000x32xf32, #tpu.memory_space<hbm>> -> memref<50000x32xf32, #tpu.memory_space<hbm>>
        %dma_wait3A_147 = arith.constant 0 : i32
        %dma_wait3A_148 = arith.constant 0 : i32
        %dma_wait3A_149 = tpu.memref_slice %dma_wait3A_146[%dma_wait3A_147, %dma_wait3A_148] : memref<50000x32xf32, #tpu.memory_space<hbm>> -> memref<128x32xf32, #tpu.memory_space<hbm>>
        tpu.wait_dma2 semaphore(%dma_wait3A_138 : memref<!tpu.dma_semaphore, #tpu.memory_space<semaphore_mem>>) src(%dma_wait3A_149 : memref<128x32xf32, #tpu.memory_space<hbm>>) dst(%dma_wait3A_142 : memref<128x32xf32, #tpu.memory_space<vmem>>)
        %dma_start3A_150 = arith.constant 0 : i32
        %dma_start3A_151 = arith.constant 0 : i32
        %dma_start3A_152 = tpu.memref_slice %arg7[%rem3A_126, %dma_start3A_150, %dma_start3A_151] : memref<6x128x32xf32, #tpu.memory_space<vmem>> -> memref<1x128x32xf32, #tpu.memory_space<vmem>>
        %dma_start3A_153 = tpu.memref_squeeze %dma_start3A_152 : memref<1x128x32xf32, #tpu.memory_space<vmem>> -> memref<128x32xf32, #tpu.memory_space<vmem>>
        %dma_start3A_154 = arith.constant 0 : i32
        %dma_start3A_155 = tpu.memref_slice %arg9[%rem3A_124, %rem3A_122, %dma_start3A_154] : memref<3x5x128xi32, #tpu.memory_space<vmem>> -> memref<1x1x128xi32, #tpu.memory_space<vmem>>
        %dma_start3A_156 = tpu.memref_squeeze %dma_start3A_155 : memref<1x1x128xi32, #tpu.memory_space<vmem>> -> memref<128xi32, #tpu.memory_space<vmem>>
        %dma_start3A_157 = arith.constant 0 : i32
        %dma_start3A_158 = arith.constant 0 : i32
        %dma_start3A_159 = tpu.memref_slice %arg6[%dma_start3A_157, %dma_start3A_158] : memref<50000x32xf32, #tpu.memory_space<vmem_shared>> -> memref<50000x32xf32, #tpu.memory_space<vmem_shared>>
        %dma_start3A_160 = tpu.memref_slice %arg13[%rem3A_126] : memref<6x!tpu.dma_semaphore, #tpu.memory_space<semaphore_mem>> -> memref<1x!tpu.dma_semaphore, #tpu.memory_space<semaphore_mem>>
        %dma_start3A_161 = tpu.memref_squeeze %dma_start3A_160 : memref<1x!tpu.dma_semaphore, #tpu.memory_space<semaphore_mem>> -> memref<!tpu.dma_semaphore, #tpu.memory_space<semaphore_mem>>
        tpu.enqueue_indirect_dma source(%dma_start3A_153 : memref<128x32xf32, #tpu.memory_space<vmem>>) target(%dma_start3A_159 : memref<50000x32xf32, #tpu.memory_space<vmem_shared>>) offsets(%dma_start3A_156 : memref<128xi32, #tpu.memory_space<vmem>>) semaphore(%dma_start3A_161 : memref<!tpu.dma_semaphore, #tpu.memory_space<semaphore_mem>>) {add = true}
      } else {
      }
      %while3A_100 = arith.constant 0 : i32
      scf.yield %while3A_100 : i32
    }
    %while3A_68 = arith.constant 1 : i32
    %while3A_69 = scf.for %while3A_92 = %while3A_65 to %while3A_61 step %while3A_68 iter_args(%while3A_93 = %while3A_67) -> (i32)  : i32 {
      %lt3A_94 = arith.cmpi slt, %while3A_92, %add3A_5 : i32
      %convert_element_type3A = arith.extui %lt3A_94 : i1 to i32
      %cond3A = arith.constant 0 : i32
      %cond3A_95 = arith.cmpi ne, %convert_element_type3A, %cond3A : i32
      scf.if %cond3A_95 {
        %jit3A_101 = arith.constant 5 : i32
        %div3A = arith.divsi %while3A_92, %jit3A_101 : i32
        %sign3A = arith.constant 0 : i32
        %sign3A_102 = arith.cmpi sgt, %while3A_92, %sign3A : i32
        %sign3A_103 = arith.extui %sign3A_102 : i1 to i32
        %sign3A_104 = arith.constant 0 : i32
        %sign3A_105 = arith.cmpi slt, %while3A_92, %sign3A_104 : i32
        %sign3A_106 = arith.extui %sign3A_105 : i1 to i32
        %sign3A_107 = arith.subi %sign3A_103, %sign3A_106 : i32
        %sign3A_108 = arith.constant 0 : i32
        %sign3A_109 = arith.cmpi sgt, %jit3A_101, %sign3A_108 : i32
        %sign3A_110 = arith.extui %sign3A_109 : i1 to i32
        %sign3A_111 = arith.constant 0 : i32
        %sign3A_112 = arith.cmpi slt, %jit3A_101, %sign3A_111 : i32
        %sign3A_113 = arith.extui %sign3A_112 : i1 to i32
        %sign3A_114 = arith.subi %sign3A_110, %sign3A_113 : i32
        %ne3A = arith.cmpi ne, %sign3A_107, %sign3A_114 : i32
        %rem3A = arith.remsi %while3A_92, %jit3A_101 : i32
        %ne3A_115 = arith.constant 0 : i32
        %ne3A_116 = arith.cmpi ne, %rem3A, %ne3A_115 : i32
        %and3A = arith.andi %ne3A, %ne3A_116 : i1
        %sub3A = arith.constant 1 : i32
        %sub3A_117 = arith.subi %div3A, %sub3A : i32
        %select_n3A_118 = arith.select %and3A, %sub3A_117, %div3A : i32
        %rem3A_119 = arith.constant 5 : i32
        %rem3A_120 = arith.remsi %while3A_92, %rem3A_119 : i32
        %rem3A_121 = arith.constant 3 : i32
        %rem3A_122 = arith.remsi %select_n3A_118, %rem3A_121 : i32
        %eq3A = arith.constant 0 : i32
        %eq3A_123 = arith.cmpi eq, %rem3A_120, %eq3A : i32
        %convert_element_type3A_124 = arith.extui %eq3A_123 : i1 to i32
        %cond3A_125 = arith.constant 0 : i32
        %cond3A_126 = arith.cmpi ne, %convert_element_type3A_124, %cond3A_125 : i32
        scf.if %cond3A_126 {
          %add3A_150 = arith.constant 1 : i32
          %add3A_151 = arith.addi %select_n3A_118, %add3A_150 : i32
          %mul3A_152 = arith.constant 5 : i32
          %mul3A_153 = arith.muli %add3A_151, %mul3A_152 : i32
          %lt3A_154 = arith.cmpi slt, %mul3A_153, %add3A_5 : i32
          %convert_element_type3A_155 = arith.extui %lt3A_154 : i1 to i32
          %cond3A_156 = arith.constant 0 : i32
          %cond3A_157 = arith.cmpi ne, %convert_element_type3A_155, %cond3A_156 : i32
          scf.if %cond3A_157 {
            %add3A_189 = arith.constant 1 : i32
            %add3A_190 = arith.addi %select_n3A_118, %add3A_189 : i32
            %rem3A_191 = arith.constant 3 : i32
            %rem3A_192 = arith.remsi %add3A_190, %rem3A_191 : i32
            %add3A_193 = arith.constant 1 : i32
            %add3A_194 = arith.addi %select_n3A_118, %add3A_193 : i32
            %mul3A_195 = arith.constant 5 : i32
            %mul3A_196 = arith.muli %add3A_194, %mul3A_195 : i32
            %add3A_197 = arith.addi %add3A, %mul3A_196 : i32
            %dma_start3A_198 = arith.constant 0 : i32
            %dma_start3A_199 = arith.constant 0 : i32
            %dma_start3A_200 = tpu.memref_slice %arg8[%rem3A_192, %dma_start3A_198, %dma_start3A_199] : memref<3x5x128xi32, #tpu.memory_space<vmem>> -> memref<1x5x128xi32, #tpu.memory_space<vmem>>
            %dma_start3A_201 = tpu.memref_squeeze %dma_start3A_200 : memref<1x5x128xi32, #tpu.memory_space<vmem>> -> memref<5x128xi32, #tpu.memory_space<vmem>>
            %dma_start3A_202 = arith.constant 0 : i32
            %dma_start3A_203 = tpu.memref_slice %arg3[%add3A_197, %dma_start3A_202] : memref<6250x128xi32, #tpu.memory_space<hbm>> -> memref<5x128xi32, #tpu.memory_space<hbm>>
            %dma_start3A_204 = tpu.memref_slice %arg11[%rem3A_192] : memref<3x!tpu.dma_semaphore, #tpu.memory_space<semaphore_mem>> -> memref<1x!tpu.dma_semaphore, #tpu.memory_space<semaphore_mem>>
            %dma_start3A_205 = tpu.memref_squeeze %dma_start3A_204 : memref<1x!tpu.dma_semaphore, #tpu.memory_space<semaphore_mem>> -> memref<!tpu.dma_semaphore, #tpu.memory_space<semaphore_mem>>
            %dma_start3A_206 = arith.constant 0 : i32
            %dma_start3A_207 = arith.constant 0 : i32
            %dma_start3A_208 = tpu.memref_slice %arg8[%rem3A_192, %dma_start3A_206, %dma_start3A_207] : memref<3x5x128xi32, #tpu.memory_space<vmem>> -> memref<1x5x128xi32, #tpu.memory_space<vmem>>
            %dma_start3A_209 = tpu.memref_squeeze %dma_start3A_208 : memref<1x5x128xi32, #tpu.memory_space<vmem>> -> memref<5x128xi32, #tpu.memory_space<vmem>>
            %dma_start3A_210 = arith.constant 0 : i32
            %dma_start3A_211 = tpu.memref_slice %arg3[%add3A_197, %dma_start3A_210] : memref<6250x128xi32, #tpu.memory_space<hbm>> -> memref<5x128xi32, #tpu.memory_space<hbm>>
            tpu.enqueue_dma source(%dma_start3A_211 : memref<5x128xi32, #tpu.memory_space<hbm>>) target(%dma_start3A_209 : memref<5x128xi32, #tpu.memory_space<vmem>>) target_semaphore(%dma_start3A_205 : memref<!tpu.dma_semaphore, #tpu.memory_space<semaphore_mem>>)
            %dma_start3A_212 = arith.constant 0 : i32
            %dma_start3A_213 = arith.constant 0 : i32
            %dma_start3A_214 = tpu.memref_slice %arg9[%rem3A_192, %dma_start3A_212, %dma_start3A_213] : memref<3x5x128xi32, #tpu.memory_space<vmem>> -> memref<1x5x128xi32, #tpu.memory_space<vmem>>
            %dma_start3A_215 = tpu.memref_squeeze %dma_start3A_214 : memref<1x5x128xi32, #tpu.memory_space<vmem>> -> memref<5x128xi32, #tpu.memory_space<vmem>>
            %dma_start3A_216 = arith.constant 0 : i32
            %dma_start3A_217 = tpu.memref_slice %arg4[%add3A_197, %dma_start3A_216] : memref<6250x128xi32, #tpu.memory_space<hbm>> -> memref<5x128xi32, #tpu.memory_space<hbm>>
            %dma_start3A_218 = tpu.memref_slice %arg11[%rem3A_192] : memref<3x!tpu.dma_semaphore, #tpu.memory_space<semaphore_mem>> -> memref<1x!tpu.dma_semaphore, #tpu.memory_space<semaphore_mem>>
            %dma_start3A_219 = tpu.memref_squeeze %dma_start3A_218 : memref<1x!tpu.dma_semaphore, #tpu.memory_space<semaphore_mem>> -> memref<!tpu.dma_semaphore, #tpu.memory_space<semaphore_mem>>
            %dma_start3A_220 = arith.constant 0 : i32
            %dma_start3A_221 = arith.constant 0 : i32
            %dma_start3A_222 = tpu.memref_slice %arg9[%rem3A_192, %dma_start3A_220, %dma_start3A_221] : memref<3x5x128xi32, #tpu.memory_space<vmem>> -> memref<1x5x128xi32, #tpu.memory_space<vmem>>
            %dma_start3A_223 = tpu.memref_squeeze %dma_start3A_222 : memref<1x5x128xi32, #tpu.memory_space<vmem>> -> memref<5x128xi32, #tpu.memory_space<vmem>>
            %dma_start3A_224 = arith.constant 0 : i32
            %dma_start3A_225 = tpu.memref_slice %arg4[%add3A_197, %dma_start3A_224] : memref<6250x128xi32, #tpu.memory_space<hbm>> -> memref<5x128xi32, #tpu.memory_space<hbm>>
            tpu.enqueue_dma source(%dma_start3A_225 : memref<5x128xi32, #tpu.memory_space<hbm>>) target(%dma_start3A_223 : memref<5x128xi32, #tpu.memory_space<vmem>>) target_semaphore(%dma_start3A_219 : memref<!tpu.dma_semaphore, #tpu.memory_space<semaphore_mem>>)
          } else {
          }
          %dma_wait3A = arith.constant 0 : i32
          %dma_wait3A_158 = arith.constant 0 : i32
          %dma_wait3A_159 = tpu.memref_slice %arg8[%rem3A_122, %dma_wait3A, %dma_wait3A_158] : memref<3x5x128xi32, #tpu.memory_space<vmem>> -> memref<1x5x128xi32, #tpu.memory_space<vmem>>
          %dma_wait3A_160 = tpu.memref_squeeze %dma_wait3A_159 : memref<1x5x128xi32, #tpu.memory_space<vmem>> -> memref<5x128xi32, #tpu.memory_space<vmem>>
          %dma_wait3A_161 = arith.constant 0 : i32
          %dma_wait3A_162 = arith.constant 0 : i32
          %dma_wait3A_163 = tpu.memref_slice %arg3[%dma_wait3A_161, %dma_wait3A_162] : memref<6250x128xi32, #tpu.memory_space<hbm>> -> memref<5x128xi32, #tpu.memory_space<hbm>>
          %dma_wait3A_164 = tpu.memref_slice %arg11[%rem3A_122] : memref<3x!tpu.dma_semaphore, #tpu.memory_space<semaphore_mem>> -> memref<1x!tpu.dma_semaphore, #tpu.memory_space<semaphore_mem>>
          %dma_wait3A_165 = tpu.memref_squeeze %dma_wait3A_164 : memref<1x!tpu.dma_semaphore, #tpu.memory_space<semaphore_mem>> -> memref<!tpu.dma_semaphore, #tpu.memory_space<semaphore_mem>>
          %dma_wait3A_166 = arith.constant 0 : i32
          %dma_wait3A_167 = arith.constant 0 : i32
          %dma_wait3A_168 = tpu.memref_slice %arg8[%rem3A_122, %dma_wait3A_166, %dma_wait3A_167] : memref<3x5x128xi32, #tpu.memory_space<vmem>> -> memref<1x5x128xi32, #tpu.memory_space<vmem>>
          %dma_wait3A_169 = tpu.memref_squeeze %dma_wait3A_168 : memref<1x5x128xi32, #tpu.memory_space<vmem>> -> memref<5x128xi32, #tpu.memory_space<vmem>>
          %dma_wait3A_170 = arith.constant 0 : i32
          %dma_wait3A_171 = arith.constant 0 : i32
          %dma_wait3A_172 = tpu.memref_slice %arg3[%dma_wait3A_170, %dma_wait3A_171] : memref<6250x128xi32, #tpu.memory_space<hbm>> -> memref<5x128xi32, #tpu.memory_space<hbm>>
          tpu.wait_dma2 semaphore(%dma_wait3A_165 : memref<!tpu.dma_semaphore, #tpu.memory_space<semaphore_mem>>) src(%dma_wait3A_172 : memref<5x128xi32, #tpu.memory_space<hbm>>) dst(%dma_wait3A_169 : memref<5x128xi32, #tpu.memory_space<vmem>>)
          %dma_wait3A_173 = arith.constant 0 : i32
          %dma_wait3A_174 = arith.constant 0 : i32
          %dma_wait3A_175 = tpu.memref_slice %arg9[%rem3A_122, %dma_wait3A_173, %dma_wait3A_174] : memref<3x5x128xi32, #tpu.memory_space<vmem>> -> memref<1x5x128xi32, #tpu.memory_space<vmem>>
          %dma_wait3A_176 = tpu.memref_squeeze %dma_wait3A_175 : memref<1x5x128xi32, #tpu.memory_space<vmem>> -> memref<5x128xi32, #tpu.memory_space<vmem>>
          %dma_wait3A_177 = arith.constant 0 : i32
          %dma_wait3A_178 = arith.constant 0 : i32
          %dma_wait3A_179 = tpu.memref_slice %arg4[%dma_wait3A_177, %dma_wait3A_178] : memref<6250x128xi32, #tpu.memory_space<hbm>> -> memref<5x128xi32, #tpu.memory_space<hbm>>
          %dma_wait3A_180 = tpu.memref_slice %arg11[%rem3A_122] : memref<3x!tpu.dma_semaphore, #tpu.memory_space<semaphore_mem>> -> memref<1x!tpu.dma_semaphore, #tpu.memory_space<semaphore_mem>>
          %dma_wait3A_181 = tpu.memref_squeeze %dma_wait3A_180 : memref<1x!tpu.dma_semaphore, #tpu.memory_space<semaphore_mem>> -> memref<!tpu.dma_semaphore, #tpu.memory_space<semaphore_mem>>
          %dma_wait3A_182 = arith.constant 0 : i32
          %dma_wait3A_183 = arith.constant 0 : i32
          %dma_wait3A_184 = tpu.memref_slice %arg9[%rem3A_122, %dma_wait3A_182, %dma_wait3A_183] : memref<3x5x128xi32, #tpu.memory_space<vmem>> -> memref<1x5x128xi32, #tpu.memory_space<vmem>>
          %dma_wait3A_185 = tpu.memref_squeeze %dma_wait3A_184 : memref<1x5x128xi32, #tpu.memory_space<vmem>> -> memref<5x128xi32, #tpu.memory_space<vmem>>
          %dma_wait3A_186 = arith.constant 0 : i32
          %dma_wait3A_187 = arith.constant 0 : i32
          %dma_wait3A_188 = tpu.memref_slice %arg4[%dma_wait3A_186, %dma_wait3A_187] : memref<6250x128xi32, #tpu.memory_space<hbm>> -> memref<5x128xi32, #tpu.memory_space<hbm>>
          tpu.wait_dma2 semaphore(%dma_wait3A_181 : memref<!tpu.dma_semaphore, #tpu.memory_space<semaphore_mem>>) src(%dma_wait3A_188 : memref<5x128xi32, #tpu.memory_space<hbm>>) dst(%dma_wait3A_185 : memref<5x128xi32, #tpu.memory_space<vmem>>)
        } else {
        }
        %rem3A_127 = arith.constant 6 : i32
        %rem3A_128 = arith.remsi %while3A_92, %rem3A_127 : i32
        %ge3A_129 = arith.constant 6 : i32
        %ge3A_130 = arith.cmpi sge, %while3A_92, %ge3A_129 : i32
        %convert_element_type3A_131 = arith.extui %ge3A_130 : i1 to i32
        %cond3A_132 = arith.constant 0 : i32
        %cond3A_133 = arith.cmpi ne, %convert_element_type3A_131, %cond3A_132 : i32
        scf.if %cond3A_133 {
          %dma_wait3A = arith.constant 0 : i32
          %dma_wait3A_150 = arith.constant 0 : i32
          %dma_wait3A_151 = tpu.memref_slice %arg7[%rem3A_128, %dma_wait3A, %dma_wait3A_150] : memref<6x128x32xf32, #tpu.memory_space<vmem>> -> memref<1x128x32xf32, #tpu.memory_space<vmem>>
          %dma_wait3A_152 = tpu.memref_squeeze %dma_wait3A_151 : memref<1x128x32xf32, #tpu.memory_space<vmem>> -> memref<128x32xf32, #tpu.memory_space<vmem>>
          %dma_wait3A_153 = arith.constant 0 : i32
          %dma_wait3A_154 = arith.constant 0 : i32
          %dma_wait3A_155 = tpu.memref_slice %arg6[%dma_wait3A_153, %dma_wait3A_154] : memref<50000x32xf32, #tpu.memory_space<vmem_shared>> -> memref<128x32xf32, #tpu.memory_space<vmem_shared>>
          %dma_wait3A_156 = tpu.memref_slice %arg13[%rem3A_128] : memref<6x!tpu.dma_semaphore, #tpu.memory_space<semaphore_mem>> -> memref<1x!tpu.dma_semaphore, #tpu.memory_space<semaphore_mem>>
          %dma_wait3A_157 = tpu.memref_squeeze %dma_wait3A_156 : memref<1x!tpu.dma_semaphore, #tpu.memory_space<semaphore_mem>> -> memref<!tpu.dma_semaphore, #tpu.memory_space<semaphore_mem>>
          %dma_wait3A_158 = arith.constant 0 : i32
          %dma_wait3A_159 = arith.constant 0 : i32
          %dma_wait3A_160 = tpu.memref_slice %arg6[%dma_wait3A_158, %dma_wait3A_159] : memref<50000x32xf32, #tpu.memory_space<vmem_shared>> -> memref<128x32xf32, #tpu.memory_space<vmem_shared>>
          %dma_wait3A_161 = arith.constant 0 : i32
          %dma_wait3A_162 = arith.constant 0 : i32
          %dma_wait3A_163 = tpu.memref_slice %arg7[%rem3A_128, %dma_wait3A_161, %dma_wait3A_162] : memref<6x128x32xf32, #tpu.memory_space<vmem>> -> memref<1x128x32xf32, #tpu.memory_space<vmem>>
          %dma_wait3A_164 = tpu.memref_squeeze %dma_wait3A_163 : memref<1x128x32xf32, #tpu.memory_space<vmem>> -> memref<128x32xf32, #tpu.memory_space<vmem>>
          tpu.wait_dma2 semaphore(%dma_wait3A_157 : memref<!tpu.dma_semaphore, #tpu.memory_space<semaphore_mem>>) src(%dma_wait3A_164 : memref<128x32xf32, #tpu.memory_space<vmem>>) dst(%dma_wait3A_160 : memref<128x32xf32, #tpu.memory_space<vmem_shared>>)
        } else {
        }
        %dma_start3A_134 = arith.constant 0 : i32
        %dma_start3A_135 = arith.constant 0 : i32
        %dma_start3A_136 = tpu.memref_slice %arg7[%rem3A_128, %dma_start3A_134, %dma_start3A_135] : memref<6x128x32xf32, #tpu.memory_space<vmem>> -> memref<1x128x32xf32, #tpu.memory_space<vmem>>
        %dma_start3A_137 = tpu.memref_squeeze %dma_start3A_136 : memref<1x128x32xf32, #tpu.memory_space<vmem>> -> memref<128x32xf32, #tpu.memory_space<vmem>>
        %dma_start3A_138 = arith.constant 0 : i32
        %dma_start3A_139 = tpu.memref_slice %arg8[%rem3A_122, %rem3A_120, %dma_start3A_138] : memref<3x5x128xi32, #tpu.memory_space<vmem>> -> memref<1x1x128xi32, #tpu.memory_space<vmem>>
        %dma_start3A_140 = tpu.memref_squeeze %dma_start3A_139 : memref<1x1x128xi32, #tpu.memory_space<vmem>> -> memref<128xi32, #tpu.memory_space<vmem>>
        %dma_start3A_141 = arith.constant 0 : i32
        %dma_start3A_142 = arith.constant 0 : i32
        %dma_start3A_143 = tpu.memref_slice %arg2[%arg0, %dma_start3A_141, %dma_start3A_142] : memref<2x50000x32xf32, #tpu.memory_space<hbm>> -> memref<1x50000x32xf32, #tpu.memory_space<hbm>>
        %dma_start3A_144 = tpu.memref_squeeze %dma_start3A_143 : memref<1x50000x32xf32, #tpu.memory_space<hbm>> -> memref<50000x32xf32, #tpu.memory_space<hbm>>
        %dma_start3A_145 = arith.constant 0 : i32
        %dma_start3A_146 = arith.constant 0 : i32
        %dma_start3A_147 = tpu.memref_slice %dma_start3A_144[%dma_start3A_145, %dma_start3A_146] : memref<50000x32xf32, #tpu.memory_space<hbm>> -> memref<50000x32xf32, #tpu.memory_space<hbm>>
        %dma_start3A_148 = tpu.memref_slice %arg12[%rem3A_128] : memref<6x!tpu.dma_semaphore, #tpu.memory_space<semaphore_mem>> -> memref<1x!tpu.dma_semaphore, #tpu.memory_space<semaphore_mem>>
        %dma_start3A_149 = tpu.memref_squeeze %dma_start3A_148 : memref<1x!tpu.dma_semaphore, #tpu.memory_space<semaphore_mem>> -> memref<!tpu.dma_semaphore, #tpu.memory_space<semaphore_mem>>
        tpu.enqueue_indirect_dma source(%dma_start3A_147 : memref<50000x32xf32, #tpu.memory_space<hbm>>) target(%dma_start3A_137 : memref<128x32xf32, #tpu.memory_space<vmem>>) offsets(%dma_start3A_140 : memref<128xi32, #tpu.memory_space<vmem>>) semaphore(%dma_start3A_149 : memref<!tpu.dma_semaphore, #tpu.memory_space<semaphore_mem>>)
      } else {
      }
      %ge3A = arith.constant 3 : i32
      %ge3A_96 = arith.cmpi sge, %while3A_92, %ge3A : i32
      %convert_element_type3A_97 = arith.extui %ge3A_96 : i1 to i32
      %cond3A_98 = arith.constant 0 : i32
      %cond3A_99 = arith.cmpi ne, %convert_element_type3A_97, %cond3A_98 : i32
      scf.if %cond3A_99 {
        %sub3A = arith.constant 3 : i32
        %sub3A_101 = arith.subi %while3A_92, %sub3A : i32
        %jit3A_102 = arith.constant 5 : i32
        %div3A = arith.divsi %sub3A_101, %jit3A_102 : i32
        %sign3A = arith.constant 0 : i32
        %sign3A_103 = arith.cmpi sgt, %sub3A_101, %sign3A : i32
        %sign3A_104 = arith.extui %sign3A_103 : i1 to i32
        %sign3A_105 = arith.constant 0 : i32
        %sign3A_106 = arith.cmpi slt, %sub3A_101, %sign3A_105 : i32
        %sign3A_107 = arith.extui %sign3A_106 : i1 to i32
        %sign3A_108 = arith.subi %sign3A_104, %sign3A_107 : i32
        %sign3A_109 = arith.constant 0 : i32
        %sign3A_110 = arith.cmpi sgt, %jit3A_102, %sign3A_109 : i32
        %sign3A_111 = arith.extui %sign3A_110 : i1 to i32
        %sign3A_112 = arith.constant 0 : i32
        %sign3A_113 = arith.cmpi slt, %jit3A_102, %sign3A_112 : i32
        %sign3A_114 = arith.extui %sign3A_113 : i1 to i32
        %sign3A_115 = arith.subi %sign3A_111, %sign3A_114 : i32
        %ne3A = arith.cmpi ne, %sign3A_108, %sign3A_115 : i32
        %rem3A = arith.remsi %sub3A_101, %jit3A_102 : i32
        %ne3A_116 = arith.constant 0 : i32
        %ne3A_117 = arith.cmpi ne, %rem3A, %ne3A_116 : i32
        %and3A = arith.andi %ne3A, %ne3A_117 : i1
        %sub3A_118 = arith.constant 1 : i32
        %sub3A_119 = arith.subi %div3A, %sub3A_118 : i32
        %select_n3A_120 = arith.select %and3A, %sub3A_119, %div3A : i32
        %rem3A_121 = arith.constant 5 : i32
        %rem3A_122 = arith.remsi %sub3A_101, %rem3A_121 : i32
        %rem3A_123 = arith.constant 3 : i32
        %rem3A_124 = arith.remsi %select_n3A_120, %rem3A_123 : i32
        %rem3A_125 = arith.constant 6 : i32
        %rem3A_126 = arith.remsi %sub3A_101, %rem3A_125 : i32
        %dma_wait3A = arith.constant 0 : i32
        %dma_wait3A_127 = arith.constant 0 : i32
        %dma_wait3A_128 = tpu.memref_slice %arg7[%rem3A_126, %dma_wait3A, %dma_wait3A_127] : memref<6x128x32xf32, #tpu.memory_space<vmem>> -> memref<1x128x32xf32, #tpu.memory_space<vmem>>
        %dma_wait3A_129 = tpu.memref_squeeze %dma_wait3A_128 : memref<1x128x32xf32, #tpu.memory_space<vmem>> -> memref<128x32xf32, #tpu.memory_space<vmem>>
        %dma_wait3A_130 = arith.constant 0 : i32
        %dma_wait3A_131 = arith.constant 0 : i32
        %dma_wait3A_132 = tpu.memref_slice %arg2[%arg0, %dma_wait3A_130, %dma_wait3A_131] : memref<2x50000x32xf32, #tpu.memory_space<hbm>> -> memref<1x50000x32xf32, #tpu.memory_space<hbm>>
        %dma_wait3A_133 = tpu.memref_squeeze %dma_wait3A_132 : memref<1x50000x32xf32, #tpu.memory_space<hbm>> -> memref<50000x32xf32, #tpu.memory_space<hbm>>
        %dma_wait3A_134 = arith.constant 0 : i32
        %dma_wait3A_135 = arith.constant 0 : i32
        %dma_wait3A_136 = tpu.memref_slice %dma_wait3A_133[%dma_wait3A_134, %dma_wait3A_135] : memref<50000x32xf32, #tpu.memory_space<hbm>> -> memref<128x32xf32, #tpu.memory_space<hbm>>
        %dma_wait3A_137 = tpu.memref_slice %arg12[%rem3A_126] : memref<6x!tpu.dma_semaphore, #tpu.memory_space<semaphore_mem>> -> memref<1x!tpu.dma_semaphore, #tpu.memory_space<semaphore_mem>>
        %dma_wait3A_138 = tpu.memref_squeeze %dma_wait3A_137 : memref<1x!tpu.dma_semaphore, #tpu.memory_space<semaphore_mem>> -> memref<!tpu.dma_semaphore, #tpu.memory_space<semaphore_mem>>
        %dma_wait3A_139 = arith.constant 0 : i32
        %dma_wait3A_140 = arith.constant 0 : i32
        %dma_wait3A_141 = tpu.memref_slice %arg7[%rem3A_126, %dma_wait3A_139, %dma_wait3A_140] : memref<6x128x32xf32, #tpu.memory_space<vmem>> -> memref<1x128x32xf32, #tpu.memory_space<vmem>>
        %dma_wait3A_142 = tpu.memref_squeeze %dma_wait3A_141 : memref<1x128x32xf32, #tpu.memory_space<vmem>> -> memref<128x32xf32, #tpu.memory_space<vmem>>
        %dma_wait3A_143 = arith.constant 0 : i32
        %dma_wait3A_144 = arith.constant 0 : i32
        %dma_wait3A_145 = tpu.memref_slice %arg2[%arg0, %dma_wait3A_143, %dma_wait3A_144] : memref<2x50000x32xf32, #tpu.memory_space<hbm>> -> memref<1x50000x32xf32, #tpu.memory_space<hbm>>
        %dma_wait3A_146 = tpu.memref_squeeze %dma_wait3A_145 : memref<1x50000x32xf32, #tpu.memory_space<hbm>> -> memref<50000x32xf32, #tpu.memory_space<hbm>>
        %dma_wait3A_147 = arith.constant 0 : i32
        %dma_wait3A_148 = arith.constant 0 : i32
        %dma_wait3A_149 = tpu.memref_slice %dma_wait3A_146[%dma_wait3A_147, %dma_wait3A_148] : memref<50000x32xf32, #tpu.memory_space<hbm>> -> memref<128x32xf32, #tpu.memory_space<hbm>>
        tpu.wait_dma2 semaphore(%dma_wait3A_138 : memref<!tpu.dma_semaphore, #tpu.memory_space<semaphore_mem>>) src(%dma_wait3A_149 : memref<128x32xf32, #tpu.memory_space<hbm>>) dst(%dma_wait3A_142 : memref<128x32xf32, #tpu.memory_space<vmem>>)
        %dma_start3A_150 = arith.constant 0 : i32
        %dma_start3A_151 = arith.constant 0 : i32
        %dma_start3A_152 = tpu.memref_slice %arg7[%rem3A_126, %dma_start3A_150, %dma_start3A_151] : memref<6x128x32xf32, #tpu.memory_space<vmem>> -> memref<1x128x32xf32, #tpu.memory_space<vmem>>
        %dma_start3A_153 = tpu.memref_squeeze %dma_start3A_152 : memref<1x128x32xf32, #tpu.memory_space<vmem>> -> memref<128x32xf32, #tpu.memory_space<vmem>>
        %dma_start3A_154 = arith.constant 0 : i32
        %dma_start3A_155 = tpu.memref_slice %arg9[%rem3A_124, %rem3A_122, %dma_start3A_154] : memref<3x5x128xi32, #tpu.memory_space<vmem>> -> memref<1x1x128xi32, #tpu.memory_space<vmem>>
        %dma_start3A_156 = tpu.memref_squeeze %dma_start3A_155 : memref<1x1x128xi32, #tpu.memory_space<vmem>> -> memref<128xi32, #tpu.memory_space<vmem>>
        %dma_start3A_157 = arith.constant 0 : i32
        %dma_start3A_158 = arith.constant 0 : i32
        %dma_start3A_159 = tpu.memref_slice %arg6[%dma_start3A_157, %dma_start3A_158] : memref<50000x32xf32, #tpu.memory_space<vmem_shared>> -> memref<50000x32xf32, #tpu.memory_space<vmem_shared>>
        %dma_start3A_160 = tpu.memref_slice %arg13[%rem3A_126] : memref<6x!tpu.dma_semaphore, #tpu.memory_space<semaphore_mem>> -> memref<1x!tpu.dma_semaphore, #tpu.memory_space<semaphore_mem>>
        %dma_start3A_161 = tpu.memref_squeeze %dma_start3A_160 : memref<1x!tpu.dma_semaphore, #tpu.memory_space<semaphore_mem>> -> memref<!tpu.dma_semaphore, #tpu.memory_space<semaphore_mem>>
        tpu.enqueue_indirect_dma source(%dma_start3A_153 : memref<128x32xf32, #tpu.memory_space<vmem>>) target(%dma_start3A_159 : memref<50000x32xf32, #tpu.memory_space<vmem_shared>>) offsets(%dma_start3A_156 : memref<128xi32, #tpu.memory_space<vmem>>) semaphore(%dma_start3A_161 : memref<!tpu.dma_semaphore, #tpu.memory_space<semaphore_mem>>) {add = true}
      } else {
      }
      %while3A_100 = arith.constant 0 : i32
      scf.yield %while3A_100 : i32
    }
    %scan3A_70 = arith.constant 0 : i32
    %scan3A_71 = arith.constant 0 : i32
    %scan3A_72 = arith.constant 6 : i32
    %scan3A_73 = arith.addi %scan3A_71, %scan3A_72 : i32
    %scan3A_74 = arith.constant 1 : i32
    %scan3A_75 = scf.for %scan3A_92 = %scan3A_71 to %scan3A_73 step %scan3A_74 iter_args(%scan3A_93 = %scan3A_70) -> (i32)  : i32 {
      %dma_wait3A = arith.constant 0 : i32
      %dma_wait3A_94 = arith.constant 0 : i32
      %dma_wait3A_95 = tpu.memref_slice %arg7[%scan3A_92, %dma_wait3A, %dma_wait3A_94] : memref<6x128x32xf32, #tpu.memory_space<vmem>> -> memref<1x128x32xf32, #tpu.memory_space<vmem>>
      %dma_wait3A_96 = tpu.memref_squeeze %dma_wait3A_95 : memref<1x128x32xf32, #tpu.memory_space<vmem>> -> memref<128x32xf32, #tpu.memory_space<vmem>>
      %dma_wait3A_97 = arith.constant 0 : i32
      %dma_wait3A_98 = arith.constant 0 : i32
      %dma_wait3A_99 = tpu.memref_slice %arg6[%dma_wait3A_97, %dma_wait3A_98] : memref<50000x32xf32, #tpu.memory_space<vmem_shared>> -> memref<128x32xf32, #tpu.memory_space<vmem_shared>>
      %dma_wait3A_100 = tpu.memref_slice %arg13[%scan3A_92] : memref<6x!tpu.dma_semaphore, #tpu.memory_space<semaphore_mem>> -> memref<1x!tpu.dma_semaphore, #tpu.memory_space<semaphore_mem>>
      %dma_wait3A_101 = tpu.memref_squeeze %dma_wait3A_100 : memref<1x!tpu.dma_semaphore, #tpu.memory_space<semaphore_mem>> -> memref<!tpu.dma_semaphore, #tpu.memory_space<semaphore_mem>>
      %dma_wait3A_102 = arith.constant 0 : i32
      %dma_wait3A_103 = arith.constant 0 : i32
      %dma_wait3A_104 = tpu.memref_slice %arg6[%dma_wait3A_102, %dma_wait3A_103] : memref<50000x32xf32, #tpu.memory_space<vmem_shared>> -> memref<128x32xf32, #tpu.memory_space<vmem_shared>>
      %dma_wait3A_105 = arith.constant 0 : i32
      %dma_wait3A_106 = arith.constant 0 : i32
      %dma_wait3A_107 = tpu.memref_slice %arg7[%scan3A_92, %dma_wait3A_105, %dma_wait3A_106] : memref<6x128x32xf32, #tpu.memory_space<vmem>> -> memref<1x128x32xf32, #tpu.memory_space<vmem>>
      %dma_wait3A_108 = tpu.memref_squeeze %dma_wait3A_107 : memref<1x128x32xf32, #tpu.memory_space<vmem>> -> memref<128x32xf32, #tpu.memory_space<vmem>>
      tpu.wait_dma2 semaphore(%dma_wait3A_101 : memref<!tpu.dma_semaphore, #tpu.memory_space<semaphore_mem>>) src(%dma_wait3A_108 : memref<128x32xf32, #tpu.memory_space<vmem>>) dst(%dma_wait3A_104 : memref<128x32xf32, #tpu.memory_space<vmem_shared>>)
      %scan3A_109 = arith.constant 0 : i32
      scf.yield %scan3A_109 : i32
    }
    %scan3A_76 = arith.constant 6 : i32
    %barrier3A_77 = arith.constant 0 : index
    tpu.barrier barrier_id(%barrier3A_77)
    %scan3A_78 = arith.constant 0 : i32
    %scan3A_79 = arith.constant 0 : i32
    %scan3A_80 = arith.constant 4 : i32
    %scan3A_81 = arith.addi %scan3A_79, %scan3A_80 : i32
    %scan3A_82 = arith.constant 1 : i32
    %scan3A_83 = scf.for %scan3A_92 = %scan3A_79 to %scan3A_81 step %scan3A_82 iter_args(%scan3A_93 = %scan3A_78) -> (i32)  : i32 {
      %mul3A_94 = arith.constant 16 : i32
      %mul3A_95 = arith.muli %scan3A_92, %mul3A_94 : i32
      %add3A_96 = arith.addi %arg1, %mul3A_95 : i32
      %lt3A_97 = arith.constant 50 : i32
      %lt3A_98 = arith.cmpi slt, %add3A_96, %lt3A_97 : i32
      %convert_element_type3A = arith.extui %lt3A_98 : i1 to i32
      %cond3A = arith.constant 0 : i32
      %cond3A_99 = arith.cmpi ne, %convert_element_type3A, %cond3A : i32
      scf.if %cond3A_99 {
        %mul3A_101 = arith.constant 1000 : i32
        %mul3A_102 = arith.muli %add3A_96, %mul3A_101 : i32
        %mul3A_103 = arith.constant 1000 : i32
        %mul3A_104 = arith.muli %add3A_96, %mul3A_103 : i32
        %dma_start3A_105 = arith.constant 0 : i32
        %dma_start3A_106 = arith.constant 0 : i32
        %dma_start3A_107 = tpu.memref_slice %arg5[%arg0, %dma_start3A_105, %dma_start3A_106] : memref<2x50000x32xf32, #tpu.memory_space<hbm>> -> memref<1x50000x32xf32, #tpu.memory_space<hbm>>
        %dma_start3A_108 = tpu.memref_squeeze %dma_start3A_107 : memref<1x50000x32xf32, #tpu.memory_space<hbm>> -> memref<50000x32xf32, #tpu.memory_space<hbm>>
        %dma_start3A_109 = arith.constant 0 : i32
        %dma_start3A_110 = tpu.memref_slice %dma_start3A_108[%mul3A_104, %dma_start3A_109] : memref<50000x32xf32, #tpu.memory_space<hbm>> -> memref<1000x32xf32, #tpu.memory_space<hbm>>
        %dma_start3A_111 = arith.constant 0 : i32
        %dma_start3A_112 = tpu.memref_slice %arg6[%mul3A_102, %dma_start3A_111] : memref<50000x32xf32, #tpu.memory_space<vmem_shared>> -> memref<1000x32xf32, #tpu.memory_space<vmem_shared>>
        tpu.enqueue_dma source(%dma_start3A_112 : memref<1000x32xf32, #tpu.memory_space<vmem_shared>>) target(%dma_start3A_110 : memref<1000x32xf32, #tpu.memory_space<hbm>>) target_semaphore(%arg14 : memref<!tpu.dma_semaphore, #tpu.memory_space<semaphore_mem>>)
      } else {
      }
      %scan3A_100 = arith.constant 0 : i32
      scf.yield %scan3A_100 : i32
    }
    %scan3A_84 = arith.constant 4 : i32
    %scan3A_85 = arith.constant 0 : i32
    %scan3A_86 = arith.constant 0 : i32
    %scan3A_87 = arith.constant 4 : i32
    %scan3A_88 = arith.addi %scan3A_86, %scan3A_87 : i32
    %scan3A_89 = arith.constant 1 : i32
    %scan3A_90 = scf.for %scan3A_92 = %scan3A_86 to %scan3A_88 step %scan3A_89 iter_args(%scan3A_93 = %scan3A_85) -> (i32)  : i32 {
      %mul3A_94 = arith.constant 16 : i32
      %mul3A_95 = arith.muli %scan3A_92, %mul3A_94 : i32
      %add3A_96 = arith.addi %arg1, %mul3A_95 : i32
      %lt3A_97 = arith.constant 50 : i32
      %lt3A_98 = arith.cmpi slt, %add3A_96, %lt3A_97 : i32
      %convert_element_type3A = arith.extui %lt3A_98 : i1 to i32
      %cond3A = arith.constant 0 : i32
      %cond3A_99 = arith.cmpi ne, %convert_element_type3A, %cond3A : i32
      scf.if %cond3A_99 {
        %dma_wait3A = arith.constant 0 : i32
        %dma_wait3A_101 = arith.constant 0 : i32
        %dma_wait3A_102 = tpu.memref_slice %arg5[%arg0, %dma_wait3A, %dma_wait3A_101] : memref<2x50000x32xf32, #tpu.memory_space<hbm>> -> memref<1x50000x32xf32, #tpu.memory_space<hbm>>
        %dma_wait3A_103 = tpu.memref_squeeze %dma_wait3A_102 : memref<1x50000x32xf32, #tpu.memory_space<hbm>> -> memref<50000x32xf32, #tpu.memory_space<hbm>>
        %dma_wait3A_104 = arith.constant 0 : i32
        %dma_wait3A_105 = arith.constant 0 : i32
        %dma_wait3A_106 = tpu.memref_slice %dma_wait3A_103[%dma_wait3A_104, %dma_wait3A_105] : memref<50000x32xf32, #tpu.memory_space<hbm>> -> memref<1000x32xf32, #tpu.memory_space<hbm>>
        %dma_wait3A_107 = arith.constant 0 : i32
        %dma_wait3A_108 = arith.constant 0 : i32
        %dma_wait3A_109 = tpu.memref_slice %arg6[%dma_wait3A_107, %dma_wait3A_108] : memref<50000x32xf32, #tpu.memory_space<vmem_shared>> -> memref<1000x32xf32, #tpu.memory_space<vmem_shared>>
        tpu.wait_dma2 semaphore(%arg14 : memref<!tpu.dma_semaphore, #tpu.memory_space<semaphore_mem>>) src(%dma_wait3A_109 : memref<1000x32xf32, #tpu.memory_space<vmem_shared>>) dst(%dma_wait3A_106 : memref<1000x32xf32, #tpu.memory_space<hbm>>)
      } else {
      }
      %scan3A_100 = arith.constant 0 : i32
      scf.yield %scan3A_100 : i32
    }
    %scan3A_91 = arith.constant 4 : i32
    return
  }
}

module attributes {stable_mosaic.version = 14 : i64} {
  func.func @_embed_body(%arg0: i32, %arg1: memref<1x500x256xf32, #tpu.memory_space<vmem>>, %arg2: memref<256x256xf32, #tpu.memory_space<vmem>>, %arg3: memref<2x1x500x128xf32, #tpu.memory_space<vmem>>) attributes {dimension_semantics = [#tpu.dimension_semantics<arbitrary>], iteration_bounds = array<i64: 25>, scalar_prefetch = 0 : i64, scratch_operands = 0 : i64, tpu.core_type = #tpu.core_type<tc>, window_params = [{transform_indices = @transform_0, window_bounds = array<i64: 1, 500, 256>}, {pipeline_mode = #tpu.pipeline_mode<synchronous>, transform_indices = @transform_1, window_bounds = array<i64: 256, 256>}, {transform_indices = @transform_2, window_bounds = array<i64: 2, 1, 500, 128>}]} {
    %get3A = arith.constant 0 : index
    %get3A_0 = arith.constant 0 : index
    %get3A_1 = arith.constant 0 : index
    %get3A_2 = vector.load %arg1[%get3A, %get3A_0, %get3A_1] : memref<1x500x256xf32, #tpu.memory_space<vmem>>, vector<1x500x256xf32>
    %get3A_3 = vector.shape_cast %get3A_2 : vector<1x500x256xf32> to vector<500x256xf32>
    %get3A_4 = arith.constant 0 : index
    %get3A_5 = arith.constant 0 : index
    %get3A_6 = vector.load %arg2[%get3A_4, %get3A_5] : memref<256x256xf32, #tpu.memory_space<vmem>>, vector<256x256xf32>
    %dot_general3A = arith.constant dense<0.000000e+00> : vector<500x256xf32>
    %dot_general3A_7 = tpu.matmul %get3A_3, %get3A_6, %dot_general3A {dimension_numbers = #tpu.dot_dimension_numbers<[1], [0], [0], [1], [0, 0, 1, 1], [], []>, transpose_lhs_hint = false} : vector<500x256xf32>, vector<256x256xf32>, vector<500x256xf32> -> vector<500x256xf32>
    %slice3A = vector.extract_strided_slice %dot_general3A_7 {offsets = [0, 0], sizes = [500, 128], strides = [1, 1]} : vector<500x256xf32> to vector<500x128xf32>
    %swap3A = arith.constant 0 : index
    %swap3A_8 = arith.constant 0 : index
    %swap3A_9 = arith.constant 0 : index
    %swap3A_10 = arith.constant 0 : index
    %swap3A_11 = vector.load %arg3[%swap3A, %swap3A_8, %swap3A_9, %swap3A_10] : memref<2x1x500x128xf32, #tpu.memory_space<vmem>>, vector<1x1x500x128xf32>
    %swap3A_12 = vector.shape_cast %swap3A_11 : vector<1x1x500x128xf32> to vector<500x128xf32>
    %swap3A_13 = vector.shape_cast %slice3A : vector<500x128xf32> to vector<1x1x500x128xf32>
    tpu.vector_store %arg3[%swap3A, %swap3A_8, %swap3A_9, %swap3A_10], %swap3A_13 {strides = array<i32>} : memref<2x1x500x128xf32, #tpu.memory_space<vmem>>, vector<1x1x500x128xf32>,
    %slice3A_14 = vector.extract_strided_slice %dot_general3A_7 {offsets = [0, 128], sizes = [500, 128], strides = [1, 1]} : vector<500x256xf32> to vector<500x128xf32>
    %swap3A_15 = arith.constant 1 : index
    %swap3A_16 = arith.constant 0 : index
    %swap3A_17 = arith.constant 0 : index
    %swap3A_18 = arith.constant 0 : index
    %swap3A_19 = vector.load %arg3[%swap3A_15, %swap3A_16, %swap3A_17, %swap3A_18] : memref<2x1x500x128xf32, #tpu.memory_space<vmem>>, vector<1x1x500x128xf32>
    %swap3A_20 = vector.shape_cast %swap3A_19 : vector<1x1x500x128xf32> to vector<500x128xf32>
    %swap3A_21 = vector.shape_cast %slice3A_14 : vector<500x128xf32> to vector<1x1x500x128xf32>
    tpu.vector_store %arg3[%swap3A_15, %swap3A_16, %swap3A_17, %swap3A_18], %swap3A_21 {strides = array<i32>} : memref<2x1x500x128xf32, #tpu.memory_space<vmem>>, vector<1x1x500x128xf32>,
    return
  }
  func.func @transform_0(%arg0: i32) -> (i32, i32, i32) {
    %c0_i32 = arith.constant 0 : i32
    %c0_i32_0 = arith.constant 0 : i32
    %c0_i32_1 = arith.constant 0 : i32
    return %arg0, %c0_i32, %c0_i32_0 : i32, i32, i32
  }
  func.func @transform_1(%arg0: i32) -> (i32, i32) {
    %c0_i32 = arith.constant 0 : i32
    %c0_i32_0 = arith.constant 0 : i32
    %c0_i32_1 = arith.constant 0 : i32
    return %c0_i32, %c0_i32_0 : i32, i32
  }
  func.func @transform_2(%arg0: i32) -> (i32, i32, i32, i32) {
    %c0_i32 = arith.constant 0 : i32
    %c0_i32_0 = arith.constant 0 : i32
    %c0_i32_1 = arith.constant 0 : i32
    %c0_i32_2 = arith.constant 0 : i32
    return %c0_i32, %arg0, %c0_i32_0, %c0_i32_1 : i32, i32, i32, i32
  }
}

module attributes {stable_mosaic.version = 14 : i64} {
  func.func @_layer_body(%arg0: i32, %arg1: memref<2x1x500x128xf32, #tpu.memory_space<vmem>>, %arg2: memref<128x256xf32, #tpu.memory_space<vmem>>, %arg3: memref<128x256xf32, #tpu.memory_space<vmem>>, %arg4: memref<1x256xf32, #tpu.memory_space<vmem>>, %arg5: memref<2x1x500x128xf32, #tpu.memory_space<vmem>>) attributes {dimension_semantics = [#tpu.dimension_semantics<arbitrary>], iteration_bounds = array<i64: 25>, scalar_prefetch = 0 : i64, scratch_operands = 0 : i64, tpu.core_type = #tpu.core_type<tc>, window_params = [{transform_indices = @transform_0, window_bounds = array<i64: 2, 1, 500, 128>}, {pipeline_mode = #tpu.pipeline_mode<synchronous>, transform_indices = @transform_1, window_bounds = array<i64: 128, 256>}, {pipeline_mode = #tpu.pipeline_mode<synchronous>, transform_indices = @transform_2, window_bounds = array<i64: 128, 256>}, {pipeline_mode = #tpu.pipeline_mode<synchronous>, transform_indices = @transform_3, window_bounds = array<i64: 1, 256>}, {transform_indices = @transform_4, window_bounds = array<i64: 2, 1, 500, 128>}]} {
    %get3A = arith.constant 0 : index
    %get3A_0 = arith.constant 0 : index
    %get3A_1 = arith.constant 0 : index
    %get3A_2 = arith.constant 0 : index
    %get3A_3 = vector.load %arg1[%get3A, %get3A_0, %get3A_1, %get3A_2] : memref<2x1x500x128xf32, #tpu.memory_space<vmem>>, vector<1x1x500x128xf32>
    %get3A_4 = vector.shape_cast %get3A_3 : vector<1x1x500x128xf32> to vector<500x128xf32>
    %get3A_5 = arith.constant 0 : index
    %get3A_6 = arith.constant 0 : index
    %get3A_7 = vector.load %arg2[%get3A_5, %get3A_6] : memref<128x256xf32, #tpu.memory_space<vmem>>, vector<128x256xf32>
    %dot_general3A = arith.constant dense<0.000000e+00> : vector<500x256xf32>
    %dot_general3A_8 = tpu.matmul %get3A_4, %get3A_7, %dot_general3A {dimension_numbers = #tpu.dot_dimension_numbers<[1], [0], [0], [1], [0, 0, 1, 1], [], []>, transpose_lhs_hint = false} : vector<500x128xf32>, vector<128x256xf32>, vector<500x256xf32> -> vector<500x256xf32>
    %get3A_9 = arith.constant 1 : index
    %get3A_10 = arith.constant 0 : index
    %get3A_11 = arith.constant 0 : index
    %get3A_12 = arith.constant 0 : index
    %get3A_13 = vector.load %arg1[%get3A_9, %get3A_10, %get3A_11, %get3A_12] : memref<2x1x500x128xf32, #tpu.memory_space<vmem>>, vector<1x1x500x128xf32>
    %get3A_14 = vector.shape_cast %get3A_13 : vector<1x1x500x128xf32> to vector<500x128xf32>
    %get3A_15 = arith.constant 0 : index
    %get3A_16 = arith.constant 0 : index
    %get3A_17 = vector.load %arg3[%get3A_15, %get3A_16] : memref<128x256xf32, #tpu.memory_space<vmem>>, vector<128x256xf32>
    %dot_general3A_18 = arith.constant dense<0.000000e+00> : vector<500x256xf32>
    %dot_general3A_19 = tpu.matmul %get3A_14, %get3A_17, %dot_general3A_18 {dimension_numbers = #tpu.dot_dimension_numbers<[1], [0], [0], [1], [0, 0, 1, 1], [], []>, transpose_lhs_hint = false} : vector<500x128xf32>, vector<128x256xf32>, vector<500x256xf32> -> vector<500x256xf32>
    %add3A = arith.addf %dot_general3A_8, %dot_general3A_19 : vector<500x256xf32>
    %get3A_20 = arith.constant 0 : index
    %get3A_21 = arith.constant 0 : index
    %get3A_22 = vector.load %arg4[%get3A_20, %get3A_21] : memref<1x256xf32, #tpu.memory_space<vmem>>, vector<1x256xf32>
    %add3A_23 = vector.broadcast %get3A_22 : vector<1x256xf32> to vector<500x256xf32>
    %add3A_24 = arith.addf %add3A, %add3A_23 : vector<500x256xf32>
    %max3A = arith.constant 0.000000e+00 : f32
    %max3A_25 = vector.broadcast %max3A : f32 to vector<500x256xf32>
    %max3A_26 = arith.maximumf %add3A_24, %max3A_25 : vector<500x256xf32>
    %slice3A = vector.extract_strided_slice %max3A_26 {offsets = [0, 0], sizes = [500, 128], strides = [1, 1]} : vector<500x256xf32> to vector<500x128xf32>
    %swap3A = arith.constant 0 : index
    %swap3A_27 = arith.constant 0 : index
    %swap3A_28 = arith.constant 0 : index
    %swap3A_29 = arith.constant 0 : index
    %swap3A_30 = vector.load %arg5[%swap3A, %swap3A_27, %swap3A_28, %swap3A_29] : memref<2x1x500x128xf32, #tpu.memory_space<vmem>>, vector<1x1x500x128xf32>
    %swap3A_31 = vector.shape_cast %swap3A_30 : vector<1x1x500x128xf32> to vector<500x128xf32>
    %swap3A_32 = vector.shape_cast %slice3A : vector<500x128xf32> to vector<1x1x500x128xf32>
    tpu.vector_store %arg5[%swap3A, %swap3A_27, %swap3A_28, %swap3A_29], %swap3A_32 {strides = array<i32>} : memref<2x1x500x128xf32, #tpu.memory_space<vmem>>, vector<1x1x500x128xf32>,
    %slice3A_33 = vector.extract_strided_slice %max3A_26 {offsets = [0, 128], sizes = [500, 128], strides = [1, 1]} : vector<500x256xf32> to vector<500x128xf32>
    %swap3A_34 = arith.constant 1 : index
    %swap3A_35 = arith.constant 0 : index
    %swap3A_36 = arith.constant 0 : index
    %swap3A_37 = arith.constant 0 : index
    %swap3A_38 = vector.load %arg5[%swap3A_34, %swap3A_35, %swap3A_36, %swap3A_37] : memref<2x1x500x128xf32, #tpu.memory_space<vmem>>, vector<1x1x500x128xf32>
    %swap3A_39 = vector.shape_cast %swap3A_38 : vector<1x1x500x128xf32> to vector<500x128xf32>
    %swap3A_40 = vector.shape_cast %slice3A_33 : vector<500x128xf32> to vector<1x1x500x128xf32>
    tpu.vector_store %arg5[%swap3A_34, %swap3A_35, %swap3A_36, %swap3A_37], %swap3A_40 {strides = array<i32>} : memref<2x1x500x128xf32, #tpu.memory_space<vmem>>, vector<1x1x500x128xf32>,
    return
  }
  func.func @transform_0(%arg0: i32) -> (i32, i32, i32, i32) {
    %c0_i32 = arith.constant 0 : i32
    %c0_i32_0 = arith.constant 0 : i32
    %c0_i32_1 = arith.constant 0 : i32
    %c0_i32_2 = arith.constant 0 : i32
    return %c0_i32, %arg0, %c0_i32_0, %c0_i32_1 : i32, i32, i32, i32
  }
  func.func @transform_1(%arg0: i32) -> (i32, i32) {
    %c0_i32 = arith.constant 0 : i32
    %c0_i32_0 = arith.constant 0 : i32
    %c0_i32_1 = arith.constant 0 : i32
    return %c0_i32, %c0_i32_0 : i32, i32
  }
  func.func @transform_2(%arg0: i32) -> (i32, i32) {
    %c0_i32 = arith.constant 0 : i32
    %c0_i32_0 = arith.constant 0 : i32
    %c0_i32_1 = arith.constant 0 : i32
    return %c0_i32, %c0_i32_0 : i32, i32
  }
  func.func @transform_3(%arg0: i32) -> (i32, i32) {
    %c0_i32 = arith.constant 0 : i32
    %c0_i32_0 = arith.constant 0 : i32
    %c0_i32_1 = arith.constant 0 : i32
    return %c0_i32, %c0_i32_0 : i32, i32
  }
  func.func @transform_4(%arg0: i32) -> (i32, i32, i32, i32) {
    %c0_i32 = arith.constant 0 : i32
    %c0_i32_0 = arith.constant 0 : i32
    %c0_i32_1 = arith.constant 0 : i32
    %c0_i32_2 = arith.constant 0 : i32
    return %c0_i32, %arg0, %c0_i32_0, %c0_i32_1 : i32, i32, i32, i32
  }
}

module attributes {stable_mosaic.version = 14 : i64} {
  func.func @_final_body(%arg0: i32, %arg1: memref<2x1x500x128xf32, #tpu.memory_space<vmem>>, %arg2: memref<128x256xf32, #tpu.memory_space<vmem>>, %arg3: memref<128x256xf32, #tpu.memory_space<vmem>>, %arg4: memref<1x256xf32, #tpu.memory_space<vmem>>, %arg5: memref<1x64xf32, #tpu.memory_space<vmem>>, %arg6: memref<1x1xf32, #tpu.memory_space<vmem>>, %arg7: memref<1x256xf32, #tpu.memory_space<vmem>>) attributes {dimension_semantics = [#tpu.dimension_semantics<arbitrary>], iteration_bounds = array<i64: 25>, scalar_prefetch = 0 : i64, scratch_operands = 1 : i64, tpu.core_type = #tpu.core_type<tc>, window_params = [{transform_indices = @transform_0, window_bounds = array<i64: 2, 1, 500, 128>}, {pipeline_mode = #tpu.pipeline_mode<synchronous>, transform_indices = @transform_1, window_bounds = array<i64: 128, 256>}, {pipeline_mode = #tpu.pipeline_mode<synchronous>, transform_indices = @transform_2, window_bounds = array<i64: 128, 256>}, {pipeline_mode = #tpu.pipeline_mode<synchronous>, transform_indices = @transform_3, window_bounds = array<i64: 1, 256>}, {pipeline_mode = #tpu.pipeline_mode<synchronous>, transform_indices = @transform_4, window_bounds = array<i64: 1, 64>}, {pipeline_mode = #tpu.pipeline_mode<synchronous>, transform_indices = @transform_5, window_bounds = array<i64: 1, 1>}]} {
    %eq3A = arith.constant 0 : i32
    %eq3A_0 = arith.cmpi eq, %arg0, %eq3A : i32
    %convert_element_type3A = arith.extui %eq3A_0 : i1 to i32
    %cond3A = arith.constant 0 : i32
    %cond3A_1 = arith.cmpi ne, %convert_element_type3A, %cond3A : i32
    scf.if %cond3A_1 {
      %broadcast_in_dim3A_41 = arith.constant 0.000000e+00 : f32
      %broadcast_in_dim3A_42 = vector.broadcast %broadcast_in_dim3A_41 : f32 to vector<1x256xf32>
      %swap3A_43 = arith.constant 0 : index
      %swap3A_44 = arith.constant 0 : index
      %swap3A_45 = vector.load %arg7[%swap3A_43, %swap3A_44] : memref<1x256xf32, #tpu.memory_space<vmem>>, vector<1x256xf32>
      tpu.vector_store %arg7[%swap3A_43, %swap3A_44], %broadcast_in_dim3A_42 {strides = array<i32>} : memref<1x256xf32, #tpu.memory_space<vmem>>, vector<1x256xf32>,
    } else {
    }
    %get3A = arith.constant 0 : index
    %get3A_2 = arith.constant 0 : index
    %get3A_3 = arith.constant 0 : index
    %get3A_4 = arith.constant 0 : index
    %get3A_5 = vector.load %arg1[%get3A, %get3A_2, %get3A_3, %get3A_4] : memref<2x1x500x128xf32, #tpu.memory_space<vmem>>, vector<1x1x500x128xf32>
    %get3A_6 = vector.shape_cast %get3A_5 : vector<1x1x500x128xf32> to vector<500x128xf32>
    %get3A_7 = arith.constant 0 : index
    %get3A_8 = arith.constant 0 : index
    %get3A_9 = vector.load %arg2[%get3A_7, %get3A_8] : memref<128x256xf32, #tpu.memory_space<vmem>>, vector<128x256xf32>
    %dot_general3A = arith.constant dense<0.000000e+00> : vector<500x256xf32>
    %dot_general3A_10 = tpu.matmul %get3A_6, %get3A_9, %dot_general3A {dimension_numbers = #tpu.dot_dimension_numbers<[1], [0], [0], [1], [0, 0, 1, 1], [], []>, transpose_lhs_hint = false} : vector<500x128xf32>, vector<128x256xf32>, vector<500x256xf32> -> vector<500x256xf32>
    %get3A_11 = arith.constant 1 : index
    %get3A_12 = arith.constant 0 : index
    %get3A_13 = arith.constant 0 : index
    %get3A_14 = arith.constant 0 : index
    %get3A_15 = vector.load %arg1[%get3A_11, %get3A_12, %get3A_13, %get3A_14] : memref<2x1x500x128xf32, #tpu.memory_space<vmem>>, vector<1x1x500x128xf32>
    %get3A_16 = vector.shape_cast %get3A_15 : vector<1x1x500x128xf32> to vector<500x128xf32>
    %get3A_17 = arith.constant 0 : index
    %get3A_18 = arith.constant 0 : index
    %get3A_19 = vector.load %arg3[%get3A_17, %get3A_18] : memref<128x256xf32, #tpu.memory_space<vmem>>, vector<128x256xf32>
    %dot_general3A_20 = arith.constant dense<0.000000e+00> : vector<500x256xf32>
    %dot_general3A_21 = tpu.matmul %get3A_16, %get3A_19, %dot_general3A_20 {dimension_numbers = #tpu.dot_dimension_numbers<[1], [0], [0], [1], [0, 0, 1, 1], [], []>, transpose_lhs_hint = false} : vector<500x128xf32>, vector<128x256xf32>, vector<500x256xf32> -> vector<500x256xf32>
    %add3A = arith.addf %dot_general3A_10, %dot_general3A_21 : vector<500x256xf32>
    %get3A_22 = arith.constant 0 : index
    %get3A_23 = arith.constant 0 : index
    %get3A_24 = vector.load %arg4[%get3A_22, %get3A_23] : memref<1x256xf32, #tpu.memory_space<vmem>>, vector<1x256xf32>
    %add3A_25 = vector.broadcast %get3A_24 : vector<1x256xf32> to vector<500x256xf32>
    %add3A_26 = arith.addf %add3A, %add3A_25 : vector<500x256xf32>
    %max3A = arith.constant 0.000000e+00 : f32
    %max3A_27 = vector.broadcast %max3A : f32 to vector<500x256xf32>
    %max3A_28 = arith.maximumf %add3A_26, %max3A_27 : vector<500x256xf32>
    %get3A_29 = arith.constant 0 : index
    %get3A_30 = arith.constant 0 : index
    %get3A_31 = vector.load %arg7[%get3A_29, %get3A_30] : memref<1x256xf32, #tpu.memory_space<vmem>>, vector<1x256xf32>
    %reduce_sum3A = arith.constant dense<0.000000e+00> : vector<256xf32>
    %reduce_sum3A_32 = vector.multi_reduction <add>, %max3A_28, %reduce_sum3A [0] : vector<500x256xf32> to vector<256xf32>
    %broadcast_in_dim3A = vector.shape_cast %reduce_sum3A_32 : vector<256xf32> to vector<1x256xf32>
    %add3A_33 = arith.addf %get3A_31, %broadcast_in_dim3A : vector<1x256xf32>
    %swap3A = arith.constant 0 : index
    %swap3A_34 = arith.constant 0 : index
    %swap3A_35 = vector.load %arg7[%swap3A, %swap3A_34] : memref<1x256xf32, #tpu.memory_space<vmem>>, vector<1x256xf32>
    tpu.vector_store %arg7[%swap3A, %swap3A_34], %add3A_33 {strides = array<i32>} : memref<1x256xf32, #tpu.memory_space<vmem>>, vector<1x256xf32>,
    %eq3A_36 = arith.constant 24 : i32
    %eq3A_37 = arith.cmpi eq, %arg0, %eq3A_36 : i32
    %convert_element_type3A_38 = arith.extui %eq3A_37 : i1 to i32
    %cond3A_39 = arith.constant 0 : i32
    %cond3A_40 = arith.cmpi ne, %convert_element_type3A_38, %cond3A_39 : i32
    scf.if %cond3A_40 {
      %get3A_41 = arith.constant 0 : index
      %get3A_42 = arith.constant 0 : index
      %get3A_43 = vector.load %arg7[%get3A_41, %get3A_42] : memref<1x256xf32, #tpu.memory_space<vmem>>, vector<1x256xf32>
      %slice3A = vector.extract_strided_slice %get3A_43 {offsets = [0, 0], sizes = [1, 32], strides = [1, 1]} : vector<1x256xf32> to vector<1x32xf32>
      %slice3A_44 = vector.extract_strided_slice %get3A_43 {offsets = [0, 32], sizes = [1, 32], strides = [1, 1]} : vector<1x256xf32> to vector<1x32xf32>
      %add3A_45 = arith.addf %slice3A, %slice3A_44 : vector<1x32xf32>
      %slice3A_46 = vector.extract_strided_slice %get3A_43 {offsets = [0, 64], sizes = [1, 32], strides = [1, 1]} : vector<1x256xf32> to vector<1x32xf32>
      %add3A_47 = arith.addf %add3A_45, %slice3A_46 : vector<1x32xf32>
      %slice3A_48 = vector.extract_strided_slice %get3A_43 {offsets = [0, 96], sizes = [1, 32], strides = [1, 1]} : vector<1x256xf32> to vector<1x32xf32>
      %add3A_49 = arith.addf %add3A_47, %slice3A_48 : vector<1x32xf32>
      %slice3A_50 = vector.extract_strided_slice %get3A_43 {offsets = [0, 128], sizes = [1, 32], strides = [1, 1]} : vector<1x256xf32> to vector<1x32xf32>
      %slice3A_51 = vector.extract_strided_slice %get3A_43 {offsets = [0, 160], sizes = [1, 32], strides = [1, 1]} : vector<1x256xf32> to vector<1x32xf32>
      %add3A_52 = arith.addf %slice3A_50, %slice3A_51 : vector<1x32xf32>
      %slice3A_53 = vector.extract_strided_slice %get3A_43 {offsets = [0, 192], sizes = [1, 32], strides = [1, 1]} : vector<1x256xf32> to vector<1x32xf32>
      %add3A_54 = arith.addf %add3A_52, %slice3A_53 : vector<1x32xf32>
      %slice3A_55 = vector.extract_strided_slice %get3A_43 {offsets = [0, 224], sizes = [1, 32], strides = [1, 1]} : vector<1x256xf32> to vector<1x32xf32>
      %add3A_56 = arith.addf %add3A_54, %slice3A_55 : vector<1x32xf32>
      %get3A_57 = arith.constant 0 : index
      %get3A_58 = arith.constant 0 : index
      %get3A_59 = vector.load %arg5[%get3A_57, %get3A_58] : memref<1x64xf32, #tpu.memory_space<vmem>>, vector<1x64xf32>
      %slice3A_60 = vector.extract_strided_slice %get3A_59 {offsets = [0, 0], sizes = [1, 32], strides = [1, 1]} : vector<1x64xf32> to vector<1x32xf32>
      %mul3A = arith.mulf %add3A_49, %slice3A_60 : vector<1x32xf32>
      %reduce_sum3A_61 = vector.shape_cast %mul3A : vector<1x32xf32> to vector<1x1x32xf32>
      %reduce_sum3A_62 = arith.constant dense<0.000000e+00> : vector<1xf32>
      %reduce_sum3A_63 = vector.multi_reduction <add>, %reduce_sum3A_61, %reduce_sum3A_62 [1, 2] : vector<1x1x32xf32> to vector<1xf32>
      %reduce_sum3A_64 = vector.shape_cast %reduce_sum3A_63 : vector<1xf32> to vector<1x1x1xf32>
      %reduce_sum3A_65 = vector.extract %reduce_sum3A_64[0, 0, 0] : f32 from vector<1x1x1xf32>
      %slice3A_66 = vector.extract_strided_slice %get3A_59 {offsets = [0, 32], sizes = [1, 32], strides = [1, 1]} : vector<1x64xf32> to vector<1x32xf32>
      %mul3A_67 = arith.mulf %add3A_56, %slice3A_66 : vector<1x32xf32>
      %reduce_sum3A_68 = vector.shape_cast %mul3A_67 : vector<1x32xf32> to vector<1x1x32xf32>
      %reduce_sum3A_69 = arith.constant dense<0.000000e+00> : vector<1xf32>
      %reduce_sum3A_70 = vector.multi_reduction <add>, %reduce_sum3A_68, %reduce_sum3A_69 [1, 2] : vector<1x1x32xf32> to vector<1xf32>
      %reduce_sum3A_71 = vector.shape_cast %reduce_sum3A_70 : vector<1xf32> to vector<1x1x1xf32>
      %reduce_sum3A_72 = vector.extract %reduce_sum3A_71[0, 0, 0] : f32 from vector<1x1x1xf32>
      %add3A_73 = arith.addf %reduce_sum3A_65, %reduce_sum3A_72 : f32
      %reshape3A = vector.broadcast %add3A_73 : f32 to vector<1x1xf32>
      %swap3A_74 = arith.constant 0 : index
      %swap3A_75 = arith.constant 0 : index
      %swap3A_76 = vector.load %arg6[%swap3A_74, %swap3A_75] : memref<1x1xf32, #tpu.memory_space<vmem>>, vector<1x1xf32>
      tpu.vector_store %arg6[%swap3A_74, %swap3A_75], %reshape3A {strides = array<i32>} : memref<1x1xf32, #tpu.memory_space<vmem>>, vector<1x1xf32>,
    } else {
    }
    return
  }
  func.func @transform_0(%arg0: i32) -> (i32, i32, i32, i32) {
    %c0_i32 = arith.constant 0 : i32
    %c0_i32_0 = arith.constant 0 : i32
    %c0_i32_1 = arith.constant 0 : i32
    %c0_i32_2 = arith.constant 0 : i32
    return %c0_i32, %arg0, %c0_i32_0, %c0_i32_1 : i32, i32, i32, i32
  }
  func.func @transform_1(%arg0: i32) -> (i32, i32) {
    %c0_i32 = arith.constant 0 : i32
    %c0_i32_0 = arith.constant 0 : i32
    %c0_i32_1 = arith.constant 0 : i32
    return %c0_i32, %c0_i32_0 : i32, i32
  }
  func.func @transform_2(%arg0: i32) -> (i32, i32) {
    %c0_i32 = arith.constant 0 : i32
    %c0_i32_0 = arith.constant 0 : i32
    %c0_i32_1 = arith.constant 0 : i32
    return %c0_i32, %c0_i32_0 : i32, i32
  }
  func.func @transform_3(%arg0: i32) -> (i32, i32) {
    %c0_i32 = arith.constant 0 : i32
    %c0_i32_0 = arith.constant 0 : i32
    %c0_i32_1 = arith.constant 0 : i32
    return %c0_i32, %c0_i32_0 : i32, i32
  }
  func.func @transform_4(%arg0: i32) -> (i32, i32) {
    %c0_i32 = arith.constant 0 : i32
    %c0_i32_0 = arith.constant 0 : i32
    %c0_i32_1 = arith.constant 0 : i32
    return %c0_i32, %c0_i32_0 : i32, i32
  }
  func.func @transform_5(%arg0: i32) -> (i32, i32) {
    %c0_i32 = arith.constant 0 : i32
    %c0_i32_0 = arith.constant 0 : i32
    %c0_i32_1 = arith.constant 0 : i32
    return %c0_i32, %c0_i32_0 : i32, i32
  }
}

</mosaic_0001>

<sc_bundles>
// kernel: kernel.11.cloned.1.call-start
scs
__scs_entry_jumppad:
0x0: {  	(pc) =	sbr.rel $0x88, $3  }
0x1: {  	(tag) =	ssettag $0x0;
	lr =	simm.s32 $0x1  }
0x2: {  	[smem:$0x3F9B] =	sst lr;
	_ =	strace $0xD0000000  }
0x3: {  	_ = 	snop  }
0x4: {  	_ = 	snop  }
0x5: {  	_ = 	snop  }
0x6: {  	_ = 	snop  }
0x7: {  	_ = 	snop  }
__scs_overlays_trampoline_lowered:
0x8: {  	[smem:$0x3FAA] =	sst s0  }
0x9: {  	[smem:$0x3FAB] =	sst s1  }
0xa: {  	[smem:$0x3FAC] =	sst s2  }
0xb: {  	[smem:$0x3FAD] =	sst s3  }
0xc: {  	[smem:$0x3FAE] =	sst s4  }
0xd: {  	[smem:$0x3FAF] =	sst s5  }
0xe: {  	[smem:$0x3FB0] =	sst s6  }
0xf: {  	[smem:$0x3FB1] =	sst s7  }
0x10: {  	[smem:$0x3FB2] =	sst s8  }
0x11: {  	[smem:$0x3FB3] =	sst s9;
	s0 =	simm.s32 @!p0 $0x0  }
0x12: {  	s1 =	sld [smem:$0x3F99];
	s0 =	simm.s32 @p0 $0x1  }
0x13: {  	[smem:$0x3FB4] =	sst s0;
	s0 =	simm.s32 @!p1 $0x0  }
0x14: {  	s2 =	sld [smem:$0x3F98];
	s0 =	simm.s32 @p1 $0x1  }
0x15: {  	[smem:$0x3FB5] =	sst s0;
	s0 =	simm.s32 @!p2 $0x0  }
0x16: {  	s3 =	sld [smem:$0x3FDB];
	s0 =	simm.s32 @p2 $0x1  }
0x17: {  	s4 =	simm.s32 $0x1BF5;
	[smem:$0x3FB7] =	sst s0  }
0x18: {  	s0 =	sld [smem:$0x3F9A];
	_ =	swait.ge [sflag:s4], $0x0  }
0x19: {  	s7 =	sld [smem:$0x3F9B]  }
0x1a: {  	s8 =	sadd.s32 $0xFFFFE003, lr  }
0x1b: {  	s9 =	sadd.s32 $0xFFFFFEF7, lr;
	s5 =	simm.s32 $0xFFFFFFFF;
	p2 =	slt.u32 s8, $0xFFFFF086  }
0x1c: {  	p1 =	slt.u32 s9, $0xF7A;
	s5 =	simm.s32 @!p2 $0x0  }
0x1d: {  	s5 =	simm.s32 @p1 $0x1;
	p0 =	seq.s32 s7, s2  }
0x1e: {  	s7 =	smul.u32 @!p0 $0xF7A, s2;
	p2 =	seq.s32 @!p0 s5, $0x0  }
0x1f: {  	s9 =	smul.u32 $0xF7A, s1;
	s8 =	simm.s32 @!p0 $0x1BF5;
	p2 =	por !p2, p0  }
0x20: {  	[sflag:s8] =	ssyncset.s32 @!p0 $0xFFFFF086;
	s6 =	sadd.s32 @!p0 s3, s7;
	s7 =	simm.s32 @!p0 $0x108  }
0x21: {  	s3 =	sadd.s32 s3, s9;
	s6 =	sadd.s32 @!p0 $0x88, s6;
	s7 =	simm.s32 @p2 $0x1082  }
0x22: {  	[simem:s7], [sflag:s8] =	dma.local @!p0 [hbm:s6], $0xF7A  }
0x23: {  	s9 =	sor.u32 $0xD0000000, s2;
	s6 =	simm.s32 $0x108;
	_ =	swait.ge @!p0 [sflag:s8], $0x0  }
0x24: {  	s3 =	sadd.s32 $0x88, s3;
	s6 =	simm.s32 @!p1 $0x1082;
	[sflag:s4] =	ssyncset.s32 $0xFFFFF086  }
0x25: {  	[simem:s6], [sflag:s4] =	dma.local [hbm:s3], $0xF7A  }
0x26: {  	[smem:$0x3F9B] =	sst s1;
	(tag) =	ssettag s2;
	_ =	strace s9  }
0x27: {  	s1 =	sld [smem:$0x3FAB]  }
0x28: {  	s2 =	sld [smem:$0x3FAC]  }
0x29: {  	s4 =	sld [smem:$0x3FAE]  }
0x2a: {  	p0 =	seq.s32 s5, $0x0;
	s5 =	sld [smem:$0x3FAF]  }
0x2b: {  	s6 =	sld [smem:$0x3FB0]  }
0x2c: {  	s7 =	sld [smem:$0x3FB1]  }
0x2d: {  	s3 =	simm.s32 $0x108;
	s8 =	sld [smem:$0x3FB2]  }
0x2e: {  	s3 =	simm.s32 @!p0 $0x1082;
	s9 =	sld [smem:$0x3FB3]  }
0x2f: {  	lr =	sadd.s32 s0, s3;
	s0 =	sld [smem:$0x3FAA]  }
0x30: {  	s3 =	sld [smem:$0x3FAD]  }
0x31: {  	[smem:$0x3FB6] =	sst s10  }
0x32: {  	s10 =	sld [smem:$0x3FB4];
	_ =	sdelay $0x3  }
0x33: {  	p0 =	seq.s32 s10, $0x1;
	s10 =	sld [smem:$0x3FB6];
	_ =	sdelay $0x3  }
0x34: {  	[smem:$0x3FB6] =	sst s10  }
0x35: {  	s10 =	sld [smem:$0x3FB5];
	_ =	sdelay $0x3  }
0x36: {  	p1 =	seq.s32 s10, $0x1;
	s10 =	sld [smem:$0x3FB6];
	_ =	sdelay $0x3  }
0x37: {  	[smem:$0x3FB6] =	sst s10  }
0x38: {  	s10 =	sld [smem:$0x3FB7]  }
0x39: {  	_ = 	snop;
	(pc) =	sbr.ind lr, $3  }
0x3a: {  	_ = 	snop  }
0x3b: {  	_ = 	snop  }
0x3c: {  	p2 =	seq.s32 s10, $0x1;
	s10 =	sld [smem:$0x3FB6]  }
0x3d: {  	_ =	shalt  }
0x3e: {  	_ =	shalt  }
0x3f: {  	_ =	shalt  }
0x40: {  	_ =	shalt  }
0x41: {  	_ =	shalt  }
0x42: {  	_ =	shalt  }
0x43: {  	_ =	shalt  }
0x44: {  	_ =	shalt  }
0x45: {  	_ =	shalt  }
0x46: {  	_ =	shalt  }
0x47: {  	_ =	shalt  }
0x48: {  	_ =	shalt  }
0x49: {  	_ =	shalt  }
0x4a: {  	_ =	shalt  }
0x4b: {  	_ =	shalt  }
0x4c: {  	_ =	shalt  }
0x4d: {  	_ =	shalt  }
0x4e: {  	_ =	shalt  }
0x4f: {  	_ =	shalt  }
0x50: {  	_ =	shalt  }
0x51: {  	_ =	shalt  }
0x52: {  	_ =	shalt  }
0x53: {  	_ =	shalt  }
0x54: {  	_ =	shalt  }
0x55: {  	_ =	shalt  }
0x56: {  	_ =	shalt  }
0x57: {  	_ =	shalt  }
0x58: {  	_ =	shalt  }
0x59: {  	_ =	shalt  }
0x5a: {  	_ =	shalt  }
0x5b: {  	_ =	shalt  }
0x5c: {  	_ =	shalt  }
0x5d: {  	_ =	shalt  }
0x5e: {  	_ =	shalt  }
0x5f: {  	_ =	shalt  }
0x60: {  	_ =	shalt  }
0x61: {  	_ =	shalt  }
0x62: {  	_ =	shalt  }
0x63: {  	_ =	shalt  }
0x64: {  	_ =	shalt  }
0x65: {  	_ =	shalt  }
0x66: {  	_ =	shalt  }
0x67: {  	_ =	shalt  }
0x68: {  	_ =	shalt  }
0x69: {  	_ =	shalt  }
0x6a: {  	_ =	shalt  }
0x6b: {  	_ =	shalt  }
0x6c: {  	_ =	shalt  }
0x6d: {  	_ =	shalt  }
0x6e: {  	_ =	shalt  }
0x6f: {  	_ =	shalt  }
0x70: {  	_ =	shalt  }
0x71: {  	_ =	shalt  }
0x72: {  	_ =	shalt  }
0x73: {  	_ =	shalt  }
0x74: {  	_ =	shalt  }
0x75: {  	_ =	shalt  }
0x76: {  	_ =	shalt  }
0x77: {  	_ =	shalt  }
0x78: {  	_ =	shalt  }
0x79: {  	_ =	shalt  }
0x7a: {  	_ =	shalt  }
0x7b: {  	_ =	shalt  }
0x7c: {  	_ =	shalt  }
0x7d: {  	_ =	shalt  }
0x7e: {  	_ =	shalt  }
0x7f: {  	_ =	shalt  }
0x80: {  	_ =	shalt  }
0x81: {  	_ =	shalt  }
0x82: {  	_ =	shalt  }
0x83: {  	_ =	shalt  }
0x84: {  	_ =	shalt  }
0x85: {  	_ =	shalt  }
0x86: {  	_ =	shalt  }
0x87: {  	_ =	shalt  }
.Lfunc_end0:
.L_simem_size_0:
called_computation_lowered:
.L_overlay_start_0:
0x88: {  	s2 =	sld [smem:$0x3FD9]  }
0x89: {  	s3 =	sld [smem:$0x3FFE];
	_ =	sdelay $0x1  }
0x8a: {  	s1 =	srdreg.scid  }
0x8b: {  	s0 =	sand.u32 $0x1, s1  }
0x8c: {  	s16 =	sshll.u32 s0, $0xA;
	s2 =	sadd.s32 s3, s2  }
0x8d: {  	s2 =	sadd.s32 s2, s16  }
0x8e: {  	[smem:$0x3FC2] =	sst s2  }
0x8f: {  	_ = 	snop  }
0x90: {  	(tm) =	ssettm $0x1  }
0x91: {  	s17 =	sld [smem:$0x3FFB];
	_ =	sdelay $0x3  }
0x92: {  	_ =	strace s17  }
0x93: {  	s2 =	sld [smem:$0x3FFC];
	_ =	sdelay $0x3  }
0x94: {  	_ =	strace s2  }
0x95: {  	s2 =	sld [smem:$0x3FFD];
	_ =	sdelay $0x3  }
0x96: {  	_ =	strace s2  }
0x97: {  	_ =	strace $0x8FFFFFFF  }
0x98: {  	s18 =	sld [smem:$0x3FDB];
	_ =	sdelay $0x1  }
0x99: {  	s19 =	simm.s32 $_scs_section_size  }
0x9a: {  	s4 =	simm.s32 $_size__tile_overlayer_lowered;
	s5 =	simm.s32 $_tile_overlayer_lowered  }
0x9b: {  	s22 =	simm.s32 $0x1BFF;
	s21 =	sshll.u32 s5, $0x1;
	s2 =	sadd.s32 s19, s18  }
0x9c: {  	s6 =	simm.s32 $0x0;
	s20 =	sshll.u32 s4, $0x1;
	s4 =	sadd.s32 s21, s2  }
0x9d: {  	[timem:s6], [sflag:s22] =	dma.local [hbm:s4], s20  }
0x9e: {  	_ =	swait.ge [sflag:s22], s20  }
0x9f: {  	s3 =	ssub.s32 $0x0, s20;
	[sflag:s22] =	ssyncset.done $0x0  }
0xa0: {  	[sflag:s22] =	ssyncadd.s32 s3;
	_ =	sdelay $0x1  }
0xa1: {  	s23 =	simm.s32 $0x1B8B  }
0xa2: {  	_ =	swait.ge [sflag:s23], $0x1  }
0xa3: {  	[sflag:s23] =	ssyncset.done $0x0  }
0xa4: {  	s25 =	simm.s32 $0x1B8E;
	s24 =	sld [smem:$0x3FFE];
	[sflag:s23] =	ssyncadd.s32 $0xFFFFFFFF  }
0xa5: {  	s26 =	simm.s32 $execute0_lowered;
	[smem:$0x3FD2] =	sst s25  }
0xa6: {  	s4 =	sshll.u32 s26, $0x1;
	_ =	strace $0x80000046;
	[dreg:$0x1] =	wrdreg $0xFFFFFFFF  }
0xa7: {  	s28 =	simm.s32 $_size_execute0_lowered;
	s2 =	sadd.s32 s2, s4;
	[dreg:$0x0] =	wrdreg $0x0  }
0xa8: {  	s4 =	sshll.u32 s28, $0x1;
	[dreg:$0x2] =	wrdreg s2  }
0xa9: {  	[dreg:$0x3] =	wrdreg s4  }
0xaa: {  	[dreg:$0x4] =	wrdreg $0xC0  }
0xab: {  	_ =	task [dreg:s6], $0x5FFFF  }
0xac: {  	[dreg:$0x1] =	wrdreg $0xFFFFFFFF  }
0xad: {  	[dreg:$0x0] =	wrdreg $0x60  }
0xae: {  	[dreg:$0x2] =	wrdreg s24  }
0xaf: {  	[dreg:$0x3] =	wrdreg $0x0  }
0xb0: {  	[dreg:$0x4] =	wrdreg $0x9  }
0xb1: {  	_ =	task.clear_ibuf [dreg:s6], $0x5FFFF;
	_ =	strace $0x90000046  }
0xb2: {  	s29 =	simm.s32 $0x9;
	_ =	strace $0x80000048  }
0xb3: {  	_ =	swait.ge [sflag:s29], $0x1  }
0xb4: {  	[sflag:s29] =	ssyncadd.s32 $0xFFFFFFFF  }
0xb5: {  	_ =	strace $0x90000048  }
0xb6: {  	_ =	sfence  }
0xb7: {  	s30 =	sld [smem:$0x0];
	_ =	sdelay $0x2  }
0xb8: {  	s31 =	sshll.u32 s1, $0xD;
	s1 =	sshrl.u32 s1, $0x2  }
0xb9: {  	s3 =	sand.u32 $0x4000, s31;
	s1 =	sadd.s32 s1, s30  }
0xba: {  	s0 =	sor.u32 s3, s0;
	s1 =	sshll.u32 s1, $0x11  }
0xbb: {  	s0 =	sor.u32 s1, s0  }
0xbc: {  	s0 =	sadd.s32 $0x8F2B, s0  }
0xbd: {  	[sflag:s0] =	ssyncadd.remote.s32 $0x1  }
0xbe: {  	_ =	sfence.sel $0xFFFF  }
0xbf: {  	[dreg:$0x0] =	wrdreg $0xFFFFFFFF;
	(pc) =	sbr.abs _section_cstart, $3  }
0xc0: {  	[dreg:$0x1] =	wrdreg $0xFFFFFFFF  }
0xc1: {  	_ =	task.clear_ibuf [dreg:s6], $0x2FFFF;
	_ =	strace $0x9FFFFFFF  }
0xc2: {  	(tm) =	ssettm $0x7FFFFFFF  }
0xc3: {  	_ =	shalt  }
tec
execute0_lowered:
.L_overlay_start_1:
0x0: {  	(tag) =	ssettag $0x1  }
0x1: {  	s0 =	rddreg [dreg:$0x0]  }
0x2: {  	s1 =	rddreg [dreg:$0x1];
	s2 =	simm.s32 $0x0;
	s22 =	srdreg.scid  }
0x3: {  	s3 =	stileid.u32;
	s9 =	simm.s32 $0x628;
	s16 =	simm.s32 $0xB  }
0x4: {  	s28 =	simm.s32 $0xE;
	s29 =	simm.s32 $0xF;
	s30 =	simm.s32 $0x10  }
0x5: {  	s31 =	simm.s32 $0x0;
	[smem:$0x7FF] =	sst s2;
	s4 =	sadd.s32 $0x7AE00, s0  }
0x6: {  	s2 =	sand.u32 $0x1, s22;
	s5 =	sadd.s32 $0x62600, s0;
	s8 =	smul.u32 $0x186, s3  }
0x7: {  	s23 =	smin.u32 s3, $0xA;
	p0 =	slt.u32 s3, $0xA;
	s25 =	smul.u32 $0x7D00, s3  }
0x8: {  	s18 =	sor.u32 $0x30, s3;
	s15 =	smul.u32 $0x1900, s3;
	p1 =	sgt.u32 s3, $0x1  }
0x9: {  	_ =	strace $0x80000047;
	s6 =	smul.u32 $0x30D40, s2;
	s2 =	ssub.s32 $0x2, s2  }
0xa: {  	s9 =	simm.s32 @!p0 $0x624;
	s13 =	smul.u32 $0x7D00, s18;
	s7 =	sshrl.u32 s2, $0x1  }
0xb: {  	[dreg:$0x4] =	wrdreg s9;
	s26 =	sshrl.u32 s25, $0x3;
	s11 =	sadd.s32 s25, s1  }
0xc: {  	s12 =	sadd.s32 $0x7D000, s25;
	s9 =	sadd.s32 $0xFA000, s25;
	s21 =	sshrl.u32 s15, $0x2  }
0xd: {  	s0 =	sadd.s32 s6, s0;
	s2 =	ssub.s32 s2, s7;
	s6 =	sadd.s32 s23, s8  }
0xe: {  	s7 =	simm.s32 $0x187;
	s14 =	sshrl.u32 s12, $0x3;
	s24 =	sadd.s32 $0xA00, s0  }
0xf: {  	s17 =	sadd.s32 s12, s1;
	s2 =	smax.u32 s2, $0x1;
	[dreg:$0x3] =	wrdreg s24  }
0x10: {  	s8 =	sshll.u32 s6, $0x4;
	s25 =	sshrl.u32 s17, $0x3;
	[dreg:$0x7] =	wrdreg s2  }
0x11: {  	s19 =	sshrl.u32 s9, $0x3;
	s10 =	sadd.s32 s4, s8;
	[dreg:$0xd] =	wrdreg s25  }
0x12: {  	s0 =	sadd.s32 $0x93600, s0;
	s8 =	sadd.s32 s5, s8;
	[dreg:$0x5] =	wrdreg s10  }
0x13: {  	s20 =	sshrl.u32 s13, $0x3;
	s2 =	sadd.s32 s26, s0;
	[dreg:$0x6] =	wrdreg s8  }
0x14: {  	s7 =	simm.s32 @!p0 $0x186;
	s22 =	sadd.s32 s14, s0;
	[dreg:$0x8] =	wrdreg s2  }
0x15: {  	p0 =	sgt.u32 s18, $0x31;
	s23 =	sadd.s32 s19, s0;
	[dreg:$0x9] =	wrdreg s22  }
0x16: {  	s9 =	sadd.s32 s9, s1;
	s0 =	sadd.s32 @!p0 s20, s0;
	[dreg:$0xa] =	wrdreg s23  }
0x17: {  	s13 =	sadd.s32 s13, s1;
	s24 =	sshrl.u32 s11, $0x3;
	[dreg:$0xb] =	wrdreg s0  }
0x18: {  	s12 =	sadd.s32 s21, s1;
	s26 =	sshrl.u32 s9, $0x3;
	[dreg:$0xc] =	wrdreg s24  }
0x19: {  	s21 =	simm.s32 $0xC;
	[dreg:$0xe] =	wrdreg s26;
	s0 =	sshrl.u32 @!p0 s13, $0x3  }
0x1a: {  	v0 =	vimm.f32 $0.0e+00;
	s10 =	ssub.s32 $0x3E8, s3;
	s26 =	simm.s32 $0xD;
	[dreg:$0xf] =	wrdreg s0  }
.LBB2_1:
0x1b: {  	s0 =	simm.s32 $0x0;
	s2 =	rddreg [dreg:$0x5];
	s8 =	simm.s32 $0x1E6A0  }
0x1c: {  	[tilespmem:s8], [sflag:$0x1] =	stream.linear.gather [hbm4b:s2+s0], $0x280, $0x38;
	[tilespmem:$0x1FBE0] =	vst v63  }
0x1d: {  	s24 =	rddreg [dreg:$0x6];
	s25 =	simm.s32 $0x1EE20  }
0x1e: {  	[tilespmem:s25], [sflag:$0x1] =	stream.linear.gather [hbm4b:s24+s0], $0x280, $0x38;
	[tilespmem:$0x1FBE0] =	vst v63  }
0x1f: {  	s2 =	simm.s32 $0x0;
	s0 =	simm.s32 $0x80  }
.LBB2_2:
0x20: {  	p2 =	sne.s32 s0, $0x1880;
	[tilespmem:s2+$0x1F5A0] =	vst v0;
	s8 =	smov.u32 s0;
	s0 =	sadd.s32 $0x80, s0  }
.Ltmp0:
0x21: {  	[tilespmem:s2+$0x1F5B0] =	vst v0;
	(pc) =	sbr.rel @p2 .LBB2_2-.Ltmp0, $2  }
0x22: {  	_ =	sdelay $0x2  }
0x23: {  	s2 =	sshra.s32 s8, $0x2  }
0x24: {  	s0 =	sadd.s32 $0x0, s3;
	[tilespmem:s2+$0x1F5A0] =	vst v0  }
0x25: {  	[tilespmem:s2+$0x1F5B0] =	vst v0;
	s2 =	sadd.s32 $0x6400, s12;
	p2 =	sgt.u32 s0, $0x3E7  }
0x26: {  	s8 =	smov.u32 s12;
	s0 =	simm.s32 $0x10;
	s9 =	simm.s32 @!p2 $0x1F5A0  }
.LBB2_4:
0x27: {  	[spmem:s8] =	stream.linear.scatter @!p2 [tilespmem:s9], [sflag:$0x10], $0x640, $0x38;
	[tilespmem:$0x1FBE0] =	vst v63  }
0x28: {  	s9 =	smov.u32 s0;
	s0 =	sadd.s32 $0x10, s0  }
0x29: {  	p3 =	sne.s32 s0, $0x3F0  }
.Ltmp1:
0x2a: {  	(pc) =	sbr.rel @p3 .LBB2_4-.Ltmp1, $4  }
0x2b: {  	s8 =	smov.u32 s2  }
0x2c: {  	s9 =	sadd.s32 s9, s3  }
0x2d: {  	p2 =	sgt.u32 s9, $0x3E7  }
0x2e: {  	s2 =	sadd.s32 $0x6400, s2;
	s9 =	simm.s32 @!p2 $0x1F5A0  }
0x2f: {  	[spmem:s8] =	stream.linear.scatter @!p2 [tilespmem:s9], [sflag:$0x10], $0x640, $0x38;
	[tilespmem:$0x1FBE0] =	vst v63  }
0x30: {  	p2 =	sle.u32 s10, $0x0  }
0x31: {  	s2 =	simm.s32 @!p2 $0x10  }
0x32: {  	_ =	swait.ge @!p2 [sflag:s2], $0x640  }
0x33: {  	s0 =	simm.s32 $0x10;
	[sflag:s2] =	ssyncset.done @!p2 $0x0  }
.LBB2_6:
0x34: {  	[sflag:s2] =	ssyncadd.s32 @!p2 $0xFFFFF9C0;
	s2 =	smov.u32 s0;
	s0 =	sadd.s32 $0x10, s0  }
0x35: {  	p3 =	sne.s32 s0, $0x3F0  }
.Ltmp2:
0x36: {  	(pc) =	sbr.rel @p3 .LBB2_6-.Ltmp2, $4  }
0x37: {  	p2 =	sge.u32 s2, s10  }
0x38: {  	s2 =	simm.s32 @!p2 $0x10  }
0x39: {  	_ =	swait.ge @!p2 [sflag:s2], $0x640  }
0x3a: {  	[sflag:s2] =	ssyncset.done @!p2 $0x0  }
0x3b: {  	[sflag:s2] =	ssyncadd.s32 @!p2 $0xFFFFF9C0;
	s0 =	simm.s32 $0xFFFFFFFD;
	s13 =	simm.s32 $0x0  }
0x3c: {  	s14 =	simm.s32 $0x156A0;
	s2 =	simm.s32 $0x1ECA0;
	s8 =	simm.s32 $0x1E6A0  }
0x3d: {  	s9 =	simm.s32 $0x186A0;
	s11 =	simm.s32 $0x0;
	[bflag:$0x0] =	sbarrier.arrive $0xFFFF  }
.LBB2_8:
0x3e: {  	s18 =	smulhi.u32 $0xCCCCCCCD, s11;
	_ =	sdelay $0x1  }
0x3f: {  	s17 =	sadd.s32 $0x3, s0;
	s18 =	sshrl.u32 s18, $0x2  }
0x40: {  	p2 =	sge.u32 s17, s7;
	s18 =	smul.u32 $0x14, s18  }
0x41: {  	s19 =	smulhi.u32 @!p2 $0xCCCCCCCD, s17  }
0x42: {  	p4 =	sne.s32 @!p2 s18, s13  }
0x43: {  	s18 =	sshrl.u32 @!p2 s19, $0x2;
	p3 =	por p4, p2  }
0x44: {  	s19 =	sadd.s32 @!p3 $0x1, s18  }
0x45: {  	s20 =	smul.u32 @!p3 $0x5, s19;
	_ =	sdelay $0x1  }
0x46: {  	p5 =	sge.u32 @!p3 s20, s7  }
0x47: {  	p4 =	por @!p2 p5, p4  }
0x48: {  	p4 =	por p4, p2  }
0x49: {  	s22 =	smulhi.u32 @!p4 $0x55555556, s19  }
0x4a: {  	s23 =	smulhi.u32 @!p2 $0x55555556, s18  }
0x4b: {  	s22 =	smul.u32 @!p4 $0x3, s22;
	_ =	sdelay $0x1  }
0x4c: {  	s23 =	smul.u32 @!p2 $0x3, s23;
	s20 =	sadd.s32 @!p4 s6, s20;
	s19 =	ssub.s32 @!p4 s19, s22  }
0x4d: {  	s20 =	sshll.u32 @!p4 s20, $0x4;
	s22 =	smul.u32 @!p4 $0x280, s19  }
0x4e: {  	s18 =	ssub.s32 @!p2 s18, s23;
	s15 =	simm.s32 @!p4 $0x0;
	s20 =	sand.u32 @!p4 $0x1FFFFFF0, s20  }
0x4f: {  	s25 =	sadd.s32 @!p4 s4, s20;
	s19 =	sadd.s32 @!p4 $0x1, s19;
	s24 =	sadd.s32 @!p4 $0x1E6A0, s22  }
0x50: {  	[tilespmem:s24], [sflag:s19] =	stream.linear.gather @!p4 [hbm4b:s25+s15], $0x280, $0x38;
	[tilespmem:$0x1FBE0] =	vst v63  }
0x51: {  	s20 =	sadd.s32 @!p4 s5, s20;
	s22 =	sadd.s32 @!p4 $0x1EE20, s22;
	s25 =	smulhi.u32 $0xAAAAAAAB, s0  }
0x52: {  	[tilespmem:s22], [sflag:s19] =	stream.linear.gather @!p4 [hbm4b:s20+s15], $0x280, $0x38;
	[tilespmem:$0x1FBE0] =	vst v63  }
0x53: {  	s18 =	sadd.s32 @!p3 $0x1, s18;
	s22 =	smulhi.u32 $0xAAAAAAAB, s11  }
0x54: {  	s23 =	smulhi.u32 $0x88888889, s11;
	_ =	swait.ge @!p3 [sflag:s18], $0x280  }
0x55: {  	s20 =	sshrl.u32 s25, $0x2;
	s15 =	sshrl.u32 s22, $0x2;
	[sflag:s18] =	ssyncset.done @!p3 $0x0  }
0x56: {  	s19 =	sshrl.u32 s23, $0x3;
	s25 =	smul.u32 $0xFFFFFFE8, s15;
	[sflag:s18] =	ssyncadd.s32 @!p3 $0xFFFFFD80  }
0x57: {  	p4 =	slt.u32 @!p2 s17, $0x6;
	s19 =	smul.u32 $0xFFFFE200, s19;
	_ =	swait.ge @!p3 [sflag:s18], $0x280  }
0x58: {  	p4 =	por p4, p2;
	s22 =	sshra.s32 s25, $0x2;
	[sflag:s18] =	ssyncset.done @!p3 $0x0  }
0x59: {  	s23 =	sadd.s32 $0xA, s22;
	[sflag:s18] =	ssyncadd.s32 @!p3 $0xFFFFFD80;
	s18 =	sshra.s32 @!p4 s13, $0x2  }
0x5a: {  	s19 =	sshra.s32 s19, $0x2;
	s15 =	smul.u32 $0xFFFE8000, s15;
	s18 =	sadd.s32 @!p4 s18, s23  }
0x5b: {  	s24 =	smul.u32 $0xFFFFFFE8, s20;
	s19 =	sadd.s32 s19, s8;
	_ =	swait.ge @!p4 [sflag:s18], $0x1000  }
0x5c: {  	s15 =	sshra.s32 s15, $0x2;
	s22 =	sadd.s32 $0x4, s22;
	[sflag:s18] =	ssyncset.done @!p4 $0x0  }
0x5d: {  	s15 =	sadd.s32 s15, s9;
	[sflag:s18] =	ssyncadd.s32 @!p4 $0xFFFFF000;
	s18 =	sshra.s32 @!p2 s13, $0x2  }
0x5e: {  	s23 =	rddreg [dreg:$0x3];
	s18 =	sadd.s32 @!p2 s18, s22;
	s22 =	simm.s32 @!p2 $0x80  }
0x5f: {  	[tilespmem:s15], [sflag:s18] =	stream.indirect.gather @!p2 [hbm4b:s23+s22], $0x20, s19, s22, $0xb8;
	[tilespmem:$0x1FBE0] =	vst v63  }
0x60: {  	s22 =	sshra.s32 s24, $0x2;
	s23 =	smulhi.u32 $0x88888889, s0;
	p2 =	slt.u32 s17, $0x3  }
0x61: {  	s24 =	smul.u32 $0xFFFE8000, s20;
	s19 =	sor.u32 $0x1, s22;
	s20 =	sshra.s32 @!p2 s13, $0x2  }
0x62: {  	s15 =	sadd.s32 $0x7, s22;
	s13 =	sadd.s32 $0x4, s13;
	s18 =	sshrl.u32 s23, $0x3  }
0x63: {  	s19 =	sadd.s32 @!p2 s20, s19;
	s17 =	sshra.s32 s24, $0x2;
	s18 =	smul.u32 $0xFFFFE200, s18  }
0x64: {  	s15 =	sadd.s32 @!p2 s20, s15;
	_ =	swait.ge @!p2 [sflag:s19], $0x1000;
	s17 =	sadd.s32 s17, s14  }
0x65: {  	[sflag:s19] =	ssyncset.done @!p2 $0x0;
	s25 =	rddreg [dreg:$0x4];
	s18 =	sshra.s32 s18, $0x2  }
0x66: {  	[sflag:s19] =	ssyncadd.s32 @!p2 $0xFFFFF000;
	s19 =	simm.s32 @!p2 $0x80;
	s18 =	sadd.s32 s18, s2  }
0x67: {  	[spmem:s1] =	stream.indirect.scatter.add.f32 @!p2 [tilespmem:s17], [sflag:s15], $0x20, s18, s19, $0xb8;
	[tilespmem:$0x1FBE0] =	vst v63  }
0x68: {  	p2 =	sne.s32 s25, s13  }
.Ltmp3:
0x69: {  	_ = 	snop;
	(pc) =	sbr.rel @p2 .LBB2_8-.Ltmp3, $3  }
0x6a: {  	_ =	sdelay $0x1  }
0x6b: {  	s11 =	sadd.s32 $0x1, s11;
	s8 =	sadd.s32 $0x80, s8;
	s9 =	sadd.s32 $0x1000, s9  }
0x6c: {  	s0 =	sadd.s32 $0x1, s0;
	s14 =	sadd.s32 $0x1000, s14;
	s2 =	sadd.s32 $0x80, s2  }
0x6d: {  	s0 =	simm.s32 $0xA  }
0x6e: {  	_ =	swait.ge [sflag:s0], $0x1000  }
0x6f: {  	[sflag:s0] =	ssyncset.done $0x0  }
0x70: {  	[sflag:s0] =	ssyncadd.s32 $0xFFFFF000  }
0x71: {  	_ =	swait.ge [sflag:s16], $0x1000  }
0x72: {  	[sflag:s16] =	ssyncset.done $0x0  }
0x73: {  	[sflag:s16] =	ssyncadd.s32 $0xFFFFF000  }
0x74: {  	_ =	swait.ge [sflag:s21], $0x1000  }
0x75: {  	[sflag:s21] =	ssyncset.done $0x0  }
0x76: {  	[sflag:s21] =	ssyncadd.s32 $0xFFFFF000  }
0x77: {  	_ =	swait.ge [sflag:s26], $0x1000  }
0x78: {  	[sflag:s26] =	ssyncset.done $0x0  }
0x79: {  	[sflag:s26] =	ssyncadd.s32 $0xFFFFF000  }
0x7a: {  	_ =	swait.ge [sflag:s28], $0x1000  }
0x7b: {  	[sflag:s28] =	ssyncset.done $0x0  }
0x7c: {  	[sflag:s28] =	ssyncadd.s32 $0xFFFFF000  }
0x7d: {  	_ =	swait.ge [sflag:s29], $0x1000  }
0x7e: {  	[sflag:s29] =	ssyncset.done $0x0  }
0x7f: {  	[sflag:s29] =	ssyncadd.s32 $0xFFFFF000  }
0x80: {  	[bflag:$0x0] =	sbarrier.arrive $0xFFFF  }
0x81: {  	s24 =	sshll.u32 s3, $0x6;
	s2 =	rddreg [dreg:$0x8]  }
0x82: {  	s0 =	sor.u32 $0x1C10, s24;
	s8 =	rddreg [dreg:$0xc]  }
0x83: {  	[hbm:s2], [sflag:s0] =	dma.local [spmem:s8], $0xFA0  }
0x84: {  	s2 =	rddreg [dreg:$0x9]  }
0x85: {  	s8 =	rddreg [dreg:$0xd]  }
0x86: {  	[hbm:s2], [sflag:s0] =	dma.local [spmem:s8], $0xFA0  }
0x87: {  	s2 =	rddreg [dreg:$0xa]  }
0x88: {  	s8 =	rddreg [dreg:$0xe]  }
0x89: {  	[hbm:s2], [sflag:s0] =	dma.local [spmem:s8], $0xFA0  }
0x8a: {  	s2 =	rddreg [dreg:$0xb]  }
0x8b: {  	s8 =	rddreg [dreg:$0xf]  }
0x8c: {  	[hbm:s2], [sflag:s0] =	dma.local @!p0 [spmem:s8], $0xFA0  }
0x8d: {  	_ =	swait.ge [sflag:s30], $0xFA0  }
0x8e: {  	[sflag:s30] =	ssyncset.done $0x0  }
0x8f: {  	[sflag:s30] =	ssyncadd.s32 $0xFFFFF060  }
0x90: {  	_ =	swait.ge [sflag:s30], $0xFA0  }
0x91: {  	[sflag:s30] =	ssyncset.done $0x0  }
0x92: {  	[sflag:s30] =	ssyncadd.s32 $0xFFFFF060  }
0x93: {  	_ =	swait.ge [sflag:s30], $0xFA0  }
0x94: {  	[sflag:s30] =	ssyncset.done $0x0  }
0x95: {  	s0 =	simm.s32 @!p1 $0x10;
	[sflag:s30] =	ssyncadd.s32 $0xFFFFF060  }
0x96: {  	_ =	swait.ge @!p1 [sflag:s0], $0xFA0  }
0x97: {  	s31 =	sadd.s32 $0x1, s31;
	s25 =	rddreg [dreg:$0x7]  }
0x98: {  	p2 =	sne.s32 s31, s25  }
.Ltmp4:
0x99: {  	_ = 	snop;
	(pc) =	sbr.rel @p2 .LBB2_1-.Ltmp4, $3  }
0x9a: {  	_ =	sdelay $0x1  }
0x9b: {  	[sflag:s0] =	ssyncset.done @!p1 $0x0  }
0x9c: {  	[sflag:s0] =	ssyncadd.s32 @!p1 $0xFFFFF060  }
0x9d: {  	_ =	sfence.sel $0x180000  }
0x9e: {  	[bflag:$0x0] =	sbarrier.arrive $0xFFFF  }
0x9f: {  	_ =	strace $0x90000047  }
0xa0: {  	[bflag:$0x2] =	sbarrier.arrive $0xFFFF  }
0xa1: {  	p0 =	sne.s32 s3, $0x0;
	s0 =	rddreg [dreg:$0x2]  }
0xa2: {  	s0 =	sadd.s32 @!p0 $0x100000, s0  }
0xa3: {  	[sflag:s0] =	ssyncadd.tile.s32 @!p0 $0x1;
	_ =	shalt  }
.Lfunc_end2:
_tile_overlayer_lowered:
.L_overlay_start_2:
0xa4: {  	(tag) =	ssettag $0x2  }
0xa5: {  	s0 =	rddreg [dreg:$0x0];
	s2 =	stileid.u32  }
0xa6: {  	s1 =	rddreg [dreg:$0x1];
	p0 =	sne.s32 s2, $0x0  }
0xa7: {  	s3 =	rddreg [dreg:$0x2];
	[bflag:$0x3] =	sbarrier.arrive $0xFFFF;
	s2 =	simm.s32 @!p0 $0x1C11  }
0xa8: {  	[timem:s3], [sflag:s2] =	dma.local @!p0 [hbm:s0], s1  }
0xa9: {  	s0 =	simm.s32 @!p0 $0x11  }
0xaa: {  	_ =	swait.ge @!p0 [sflag:s0], s1  }
0xab: {  	s1 =	ssub.s32 @!p0 $0x0, s1;
	[sflag:s0] =	ssyncset.done @!p0 $0x0  }
0xac: {  	[sflag:s0] =	ssyncadd.s32 @!p0 s1  }
0xad: {  	[bflag:$0x3] =	sbarrier.arrive $0xFFFF  }
0xae: {  	_ =	shalt  }

// kernel: kernel.14.cloned.1.call-start
scs
__scs_entry_jumppad:
0x0: {  	(pc) =	sbr.rel $0x88, $3  }
0x1: {  	(tag) =	ssettag $0x0;
	lr =	simm.s32 $0x1  }
0x2: {  	[smem:$0x3F9B] =	sst lr;
	_ =	strace $0xD0000000  }
0x3: {  	_ = 	snop  }
0x4: {  	_ = 	snop  }
0x5: {  	_ = 	snop  }
0x6: {  	_ = 	snop  }
0x7: {  	_ = 	snop  }
__scs_overlays_trampoline_lowered:
0x8: {  	[smem:$0x3FAA] =	sst s0  }
0x9: {  	[smem:$0x3FAB] =	sst s1  }
0xa: {  	[smem:$0x3FAC] =	sst s2  }
0xb: {  	[smem:$0x3FAD] =	sst s3  }
0xc: {  	[smem:$0x3FAE] =	sst s4  }
0xd: {  	[smem:$0x3FAF] =	sst s5  }
0xe: {  	[smem:$0x3FB0] =	sst s6  }
0xf: {  	[smem:$0x3FB1] =	sst s7  }
0x10: {  	[smem:$0x3FB2] =	sst s8  }
0x11: {  	[smem:$0x3FB3] =	sst s9;
	s0 =	simm.s32 @!p0 $0x0  }
0x12: {  	s1 =	sld [smem:$0x3F99];
	s0 =	simm.s32 @p0 $0x1  }
0x13: {  	[smem:$0x3FB4] =	sst s0;
	s0 =	simm.s32 @!p1 $0x0  }
0x14: {  	s2 =	sld [smem:$0x3F98];
	s0 =	simm.s32 @p1 $0x1  }
0x15: {  	[smem:$0x3FB5] =	sst s0;
	s0 =	simm.s32 @!p2 $0x0  }
0x16: {  	s3 =	sld [smem:$0x3FDB];
	s0 =	simm.s32 @p2 $0x1  }
0x17: {  	s4 =	simm.s32 $0x1BF5;
	[smem:$0x3FB7] =	sst s0  }
0x18: {  	s0 =	sld [smem:$0x3F9A];
	_ =	swait.ge [sflag:s4], $0x0  }
0x19: {  	s7 =	sld [smem:$0x3F9B]  }
0x1a: {  	s8 =	sadd.s32 $0xFFFFE003, lr  }
0x1b: {  	s9 =	sadd.s32 $0xFFFFFEF7, lr;
	s5 =	simm.s32 $0xFFFFFFFF;
	p2 =	slt.u32 s8, $0xFFFFF086  }
0x1c: {  	p1 =	slt.u32 s9, $0xF7A;
	s5 =	simm.s32 @!p2 $0x0  }
0x1d: {  	s5 =	simm.s32 @p1 $0x1;
	p0 =	seq.s32 s7, s2  }
0x1e: {  	s7 =	smul.u32 @!p0 $0xF7A, s2;
	p2 =	seq.s32 @!p0 s5, $0x0  }
0x1f: {  	s9 =	smul.u32 $0xF7A, s1;
	s8 =	simm.s32 @!p0 $0x1BF5;
	p2 =	por !p2, p0  }
0x20: {  	[sflag:s8] =	ssyncset.s32 @!p0 $0xFFFFF086;
	s6 =	sadd.s32 @!p0 s3, s7;
	s7 =	simm.s32 @!p0 $0x108  }
0x21: {  	s3 =	sadd.s32 s3, s9;
	s6 =	sadd.s32 @!p0 $0x88, s6;
	s7 =	simm.s32 @p2 $0x1082  }
0x22: {  	[simem:s7], [sflag:s8] =	dma.local @!p0 [hbm:s6], $0xF7A  }
0x23: {  	s9 =	sor.u32 $0xD0000000, s2;
	s6 =	simm.s32 $0x108;
	_ =	swait.ge @!p0 [sflag:s8], $0x0  }
0x24: {  	s3 =	sadd.s32 $0x88, s3;
	s6 =	simm.s32 @!p1 $0x1082;
	[sflag:s4] =	ssyncset.s32 $0xFFFFF086  }
0x25: {  	[simem:s6], [sflag:s4] =	dma.local [hbm:s3], $0xF7A  }
0x26: {  	[smem:$0x3F9B] =	sst s1;
	(tag) =	ssettag s2;
	_ =	strace s9  }
0x27: {  	s1 =	sld [smem:$0x3FAB]  }
0x28: {  	s2 =	sld [smem:$0x3FAC]  }
0x29: {  	s4 =	sld [smem:$0x3FAE]  }
0x2a: {  	p0 =	seq.s32 s5, $0x0;
	s5 =	sld [smem:$0x3FAF]  }
0x2b: {  	s6 =	sld [smem:$0x3FB0]  }
0x2c: {  	s7 =	sld [smem:$0x3FB1]  }
0x2d: {  	s3 =	simm.s32 $0x108;
	s8 =	sld [smem:$0x3FB2]  }
0x2e: {  	s3 =	simm.s32 @!p0 $0x1082;
	s9 =	sld [smem:$0x3FB3]  }
0x2f: {  	lr =	sadd.s32 s0, s3;
	s0 =	sld [smem:$0x3FAA]  }
0x30: {  	s3 =	sld [smem:$0x3FAD]  }
0x31: {  	[smem:$0x3FB6] =	sst s10  }
0x32: {  	s10 =	sld [smem:$0x3FB4];
	_ =	sdelay $0x3  }
0x33: {  	p0 =	seq.s32 s10, $0x1;
	s10 =	sld [smem:$0x3FB6];
	_ =	sdelay $0x3  }
0x34: {  	[smem:$0x3FB6] =	sst s10  }
0x35: {  	s10 =	sld [smem:$0x3FB5];
	_ =	sdelay $0x3  }
0x36: {  	p1 =	seq.s32 s10, $0x1;
	s10 =	sld [smem:$0x3FB6];
	_ =	sdelay $0x3  }
0x37: {  	[smem:$0x3FB6] =	sst s10  }
0x38: {  	s10 =	sld [smem:$0x3FB7]  }
0x39: {  	_ = 	snop;
	(pc) =	sbr.ind lr, $3  }
0x3a: {  	_ = 	snop  }
0x3b: {  	_ = 	snop  }
0x3c: {  	p2 =	seq.s32 s10, $0x1;
	s10 =	sld [smem:$0x3FB6]  }
0x3d: {  	_ =	shalt  }
0x3e: {  	_ =	shalt  }
0x3f: {  	_ =	shalt  }
0x40: {  	_ =	shalt  }
0x41: {  	_ =	shalt  }
0x42: {  	_ =	shalt  }
0x43: {  	_ =	shalt  }
0x44: {  	_ =	shalt  }
0x45: {  	_ =	shalt  }
0x46: {  	_ =	shalt  }
0x47: {  	_ =	shalt  }
0x48: {  	_ =	shalt  }
0x49: {  	_ =	shalt  }
0x4a: {  	_ =	shalt  }
0x4b: {  	_ =	shalt  }
0x4c: {  	_ =	shalt  }
0x4d: {  	_ =	shalt  }
0x4e: {  	_ =	shalt  }
0x4f: {  	_ =	shalt  }
0x50: {  	_ =	shalt  }
0x51: {  	_ =	shalt  }
0x52: {  	_ =	shalt  }
0x53: {  	_ =	shalt  }
0x54: {  	_ =	shalt  }
0x55: {  	_ =	shalt  }
0x56: {  	_ =	shalt  }
0x57: {  	_ =	shalt  }
0x58: {  	_ =	shalt  }
0x59: {  	_ =	shalt  }
0x5a: {  	_ =	shalt  }
0x5b: {  	_ =	shalt  }
0x5c: {  	_ =	shalt  }
0x5d: {  	_ =	shalt  }
0x5e: {  	_ =	shalt  }
0x5f: {  	_ =	shalt  }
0x60: {  	_ =	shalt  }
0x61: {  	_ =	shalt  }
0x62: {  	_ =	shalt  }
0x63: {  	_ =	shalt  }
0x64: {  	_ =	shalt  }
0x65: {  	_ =	shalt  }
0x66: {  	_ =	shalt  }
0x67: {  	_ =	shalt  }
0x68: {  	_ =	shalt  }
0x69: {  	_ =	shalt  }
0x6a: {  	_ =	shalt  }
0x6b: {  	_ =	shalt  }
0x6c: {  	_ =	shalt  }
0x6d: {  	_ =	shalt  }
0x6e: {  	_ =	shalt  }
0x6f: {  	_ =	shalt  }
0x70: {  	_ =	shalt  }
0x71: {  	_ =	shalt  }
0x72: {  	_ =	shalt  }
0x73: {  	_ =	shalt  }
0x74: {  	_ =	shalt  }
0x75: {  	_ =	shalt  }
0x76: {  	_ =	shalt  }
0x77: {  	_ =	shalt  }
0x78: {  	_ =	shalt  }
0x79: {  	_ =	shalt  }
0x7a: {  	_ =	shalt  }
0x7b: {  	_ =	shalt  }
0x7c: {  	_ =	shalt  }
0x7d: {  	_ =	shalt  }
0x7e: {  	_ =	shalt  }
0x7f: {  	_ =	shalt  }
0x80: {  	_ =	shalt  }
0x81: {  	_ =	shalt  }
0x82: {  	_ =	shalt  }
0x83: {  	_ =	shalt  }
0x84: {  	_ =	shalt  }
0x85: {  	_ =	shalt  }
0x86: {  	_ =	shalt  }
0x87: {  	_ =	shalt  }
.Lfunc_end0:
.L_simem_size_0:
called_computation.1_lowered:
.L_overlay_start_0:
0x88: {  	s2 =	sld [smem:$0x3FD9]  }
0x89: {  	s3 =	sld [smem:$0x3FFE];
	_ =	sdelay $0x1  }
0x8a: {  	s1 =	srdreg.scid  }
0x8b: {  	s0 =	sand.u32 $0x1, s1  }
0x8c: {  	s16 =	sshll.u32 s0, $0xA;
	s2 =	sadd.s32 s3, s2  }
0x8d: {  	s2 =	sadd.s32 s2, s16  }
0x8e: {  	[smem:$0x3FC2] =	sst s2  }
0x8f: {  	_ = 	snop  }
0x90: {  	(tm) =	ssettm $0x1  }
0x91: {  	s17 =	sld [smem:$0x3FFB];
	_ =	sdelay $0x3  }
0x92: {  	_ =	strace s17  }
0x93: {  	s2 =	sld [smem:$0x3FFC];
	_ =	sdelay $0x3  }
0x94: {  	_ =	strace s2  }
0x95: {  	s2 =	sld [smem:$0x3FFD];
	_ =	sdelay $0x3  }
0x96: {  	_ =	strace s2  }
0x97: {  	_ =	strace $0x8FFFFFFF  }
0x98: {  	s18 =	sld [smem:$0x3FDB];
	_ =	sdelay $0x1  }
0x99: {  	s19 =	simm.s32 $_scs_section_size  }
0x9a: {  	s4 =	simm.s32 $_size__tile_overlayer_lowered;
	s5 =	simm.s32 $_tile_overlayer_lowered  }
0x9b: {  	s22 =	simm.s32 $0x1BFF;
	s21 =	sshll.u32 s5, $0x1;
	s2 =	sadd.s32 s19, s18  }
0x9c: {  	s6 =	simm.s32 $0x0;
	s20 =	sshll.u32 s4, $0x1;
	s4 =	sadd.s32 s21, s2  }
0x9d: {  	[timem:s6], [sflag:s22] =	dma.local [hbm:s4], s20  }
0x9e: {  	_ =	swait.ge [sflag:s22], s20  }
0x9f: {  	s3 =	ssub.s32 $0x0, s20;
	[sflag:s22] =	ssyncset.done $0x0  }
0xa0: {  	[sflag:s22] =	ssyncadd.s32 s3;
	_ =	sdelay $0x1  }
0xa1: {  	s23 =	simm.s32 $0x1B8B  }
0xa2: {  	_ =	swait.ge [sflag:s23], $0x1  }
0xa3: {  	[sflag:s23] =	ssyncset.done $0x0  }
0xa4: {  	s25 =	simm.s32 $0x1B8E;
	s24 =	sld [smem:$0x3FFE];
	[sflag:s23] =	ssyncadd.s32 $0xFFFFFFFF  }
0xa5: {  	s26 =	simm.s32 $execute0_lowered;
	[smem:$0x3FD2] =	sst s25  }
0xa6: {  	s4 =	sshll.u32 s26, $0x1;
	_ =	strace $0x80000049;
	[dreg:$0x1] =	wrdreg $0xFFFFFFFF  }
0xa7: {  	s28 =	simm.s32 $_size_execute0_lowered;
	s2 =	sadd.s32 s2, s4;
	[dreg:$0x0] =	wrdreg $0x0  }
0xa8: {  	s4 =	sshll.u32 s28, $0x1;
	[dreg:$0x2] =	wrdreg s2  }
0xa9: {  	[dreg:$0x3] =	wrdreg s4  }
0xaa: {  	[dreg:$0x4] =	wrdreg $0xC0  }
0xab: {  	_ =	task [dreg:s6], $0x5FFFF  }
0xac: {  	[dreg:$0x1] =	wrdreg $0xFFFFFFFF  }
0xad: {  	[dreg:$0x0] =	wrdreg $0x60  }
0xae: {  	[dreg:$0x2] =	wrdreg s24  }
0xaf: {  	[dreg:$0x3] =	wrdreg $0x0  }
0xb0: {  	[dreg:$0x4] =	wrdreg $0x9  }
0xb1: {  	_ =	task.clear_ibuf [dreg:s6], $0x5FFFF;
	_ =	strace $0x90000049  }
0xb2: {  	s29 =	simm.s32 $0x9;
	_ =	strace $0x8000004B  }
0xb3: {  	_ =	swait.ge [sflag:s29], $0x1  }
0xb4: {  	[sflag:s29] =	ssyncadd.s32 $0xFFFFFFFF  }
0xb5: {  	_ =	strace $0x9000004B  }
0xb6: {  	_ =	sfence  }
0xb7: {  	s30 =	sld [smem:$0x0];
	_ =	sdelay $0x2  }
0xb8: {  	s31 =	sshll.u32 s1, $0xD;
	s1 =	sshrl.u32 s1, $0x2  }
0xb9: {  	s3 =	sand.u32 $0x4000, s31;
	s1 =	sadd.s32 s1, s30  }
0xba: {  	s0 =	sor.u32 s3, s0;
	s1 =	sshll.u32 s1, $0x11  }
0xbb: {  	s0 =	sor.u32 s1, s0  }
0xbc: {  	s0 =	sadd.s32 $0x8F2B, s0  }
0xbd: {  	[sflag:s0] =	ssyncadd.remote.s32 $0x1  }
0xbe: {  	_ =	sfence.sel $0xFFFF  }
0xbf: {  	[dreg:$0x0] =	wrdreg $0xFFFFFFFF;
	(pc) =	sbr.abs _section_cstart, $3  }
0xc0: {  	[dreg:$0x1] =	wrdreg $0xFFFFFFFF  }
0xc1: {  	_ =	task.clear_ibuf [dreg:s6], $0x2FFFF;
	_ =	strace $0x9FFFFFFF  }
0xc2: {  	(tm) =	ssettm $0x7FFFFFFF  }
0xc3: {  	_ =	shalt  }
tec
execute0_lowered:
.L_overlay_start_1:
0x0: {  	(tag) =	ssettag $0x1  }
0x1: {  	s0 =	rddreg [dreg:$0x0]  }
0x2: {  	s1 =	rddreg [dreg:$0x1];
	s2 =	simm.s32 $0x0;
	s22 =	srdreg.scid  }
0x3: {  	s3 =	stileid.u32;
	s9 =	simm.s32 $0x628;
	s16 =	simm.s32 $0xB  }
0x4: {  	s28 =	simm.s32 $0xE;
	s29 =	simm.s32 $0xF;
	s30 =	simm.s32 $0x10  }
0x5: {  	s31 =	simm.s32 $0x0;
	[smem:$0x7FF] =	sst s2;
	s4 =	sadd.s32 $0x7AE00, s0  }
0x6: {  	s2 =	sand.u32 $0x1, s22;
	s5 =	sadd.s32 $0x62600, s0;
	s8 =	smul.u32 $0x186, s3  }
0x7: {  	s23 =	smin.u32 s3, $0xA;
	p0 =	slt.u32 s3, $0xA;
	s25 =	smul.u32 $0x7D00, s3  }
0x8: {  	s18 =	sor.u32 $0x30, s3;
	s15 =	smul.u32 $0x1900, s3;
	p1 =	sgt.u32 s3, $0x1  }
0x9: {  	_ =	strace $0x8000004A;
	s6 =	smul.u32 $0x30D40, s2;
	s2 =	ssub.s32 $0x2, s2  }
0xa: {  	s9 =	simm.s32 @!p0 $0x624;
	s13 =	smul.u32 $0x7D00, s18;
	s7 =	sshrl.u32 s2, $0x1  }
0xb: {  	[dreg:$0x4] =	wrdreg s9;
	s26 =	sshrl.u32 s25, $0x3;
	s11 =	sadd.s32 s25, s1  }
0xc: {  	s12 =	sadd.s32 $0x7D000, s25;
	s9 =	sadd.s32 $0xFA000, s25;
	s21 =	sshrl.u32 s15, $0x2  }
0xd: {  	s0 =	sadd.s32 s6, s0;
	s2 =	ssub.s32 s2, s7;
	s6 =	sadd.s32 s23, s8  }
0xe: {  	s7 =	simm.s32 $0x187;
	s14 =	sshrl.u32 s12, $0x3;
	s24 =	sadd.s32 $0xA00, s0  }
0xf: {  	s17 =	sadd.s32 s12, s1;
	s2 =	smax.u32 s2, $0x1;
	[dreg:$0x3] =	wrdreg s24  }
0x10: {  	s8 =	sshll.u32 s6, $0x4;
	s25 =	sshrl.u32 s17, $0x3;
	[dreg:$0x7] =	wrdreg s2  }
0x11: {  	s19 =	sshrl.u32 s9, $0x3;
	s10 =	sadd.s32 s4, s8;
	[dreg:$0xd] =	wrdreg s25  }
0x12: {  	s0 =	sadd.s32 $0x93600, s0;
	s8 =	sadd.s32 s5, s8;
	[dreg:$0x5] =	wrdreg s10  }
0x13: {  	s20 =	sshrl.u32 s13, $0x3;
	s2 =	sadd.s32 s26, s0;
	[dreg:$0x6] =	wrdreg s8  }
0x14: {  	s7 =	simm.s32 @!p0 $0x186;
	s22 =	sadd.s32 s14, s0;
	[dreg:$0x8] =	wrdreg s2  }
0x15: {  	p0 =	sgt.u32 s18, $0x31;
	s23 =	sadd.s32 s19, s0;
	[dreg:$0x9] =	wrdreg s22  }
0x16: {  	s9 =	sadd.s32 s9, s1;
	s0 =	sadd.s32 @!p0 s20, s0;
	[dreg:$0xa] =	wrdreg s23  }
0x17: {  	s13 =	sadd.s32 s13, s1;
	s24 =	sshrl.u32 s11, $0x3;
	[dreg:$0xb] =	wrdreg s0  }
0x18: {  	s12 =	sadd.s32 s21, s1;
	s26 =	sshrl.u32 s9, $0x3;
	[dreg:$0xc] =	wrdreg s24  }
0x19: {  	s21 =	simm.s32 $0xC;
	[dreg:$0xe] =	wrdreg s26;
	s0 =	sshrl.u32 @!p0 s13, $0x3  }
0x1a: {  	v0 =	vimm.f32 $0.0e+00;
	s10 =	ssub.s32 $0x3E8, s3;
	s26 =	simm.s32 $0xD;
	[dreg:$0xf] =	wrdreg s0  }
.LBB2_1:
0x1b: {  	s0 =	simm.s32 $0x0;
	s2 =	rddreg [dreg:$0x5];
	s8 =	simm.s32 $0x1E6A0  }
0x1c: {  	[tilespmem:s8], [sflag:$0x1] =	stream.linear.gather [hbm4b:s2+s0], $0x280, $0x38;
	[tilespmem:$0x1FBE0] =	vst v63  }
0x1d: {  	s24 =	rddreg [dreg:$0x6];
	s25 =	simm.s32 $0x1EE20  }
0x1e: {  	[tilespmem:s25], [sflag:$0x1] =	stream.linear.gather [hbm4b:s24+s0], $0x280, $0x38;
	[tilespmem:$0x1FBE0] =	vst v63  }
0x1f: {  	s2 =	simm.s32 $0x0;
	s0 =	simm.s32 $0x80  }
.LBB2_2:
0x20: {  	p2 =	sne.s32 s0, $0x1880;
	[tilespmem:s2+$0x1F5A0] =	vst v0;
	s8 =	smov.u32 s0;
	s0 =	sadd.s32 $0x80, s0  }
.Ltmp0:
0x21: {  	[tilespmem:s2+$0x1F5B0] =	vst v0;
	(pc) =	sbr.rel @p2 .LBB2_2-.Ltmp0, $2  }
0x22: {  	_ =	sdelay $0x2  }
0x23: {  	s2 =	sshra.s32 s8, $0x2  }
0x24: {  	s0 =	sadd.s32 $0x0, s3;
	[tilespmem:s2+$0x1F5A0] =	vst v0  }
0x25: {  	[tilespmem:s2+$0x1F5B0] =	vst v0;
	s2 =	sadd.s32 $0x6400, s12;
	p2 =	sgt.u32 s0, $0x3E7  }
0x26: {  	s8 =	smov.u32 s12;
	s0 =	simm.s32 $0x10;
	s9 =	simm.s32 @!p2 $0x1F5A0  }
.LBB2_4:
0x27: {  	[spmem:s8] =	stream.linear.scatter @!p2 [tilespmem:s9], [sflag:$0x10], $0x640, $0x38;
	[tilespmem:$0x1FBE0] =	vst v63  }
0x28: {  	s9 =	smov.u32 s0;
	s0 =	sadd.s32 $0x10, s0  }
0x29: {  	p3 =	sne.s32 s0, $0x3F0  }
.Ltmp1:
0x2a: {  	(pc) =	sbr.rel @p3 .LBB2_4-.Ltmp1, $4  }
0x2b: {  	s8 =	smov.u32 s2  }
0x2c: {  	s9 =	sadd.s32 s9, s3  }
0x2d: {  	p2 =	sgt.u32 s9, $0x3E7  }
0x2e: {  	s2 =	sadd.s32 $0x6400, s2;
	s9 =	simm.s32 @!p2 $0x1F5A0  }
0x2f: {  	[spmem:s8] =	stream.linear.scatter @!p2 [tilespmem:s9], [sflag:$0x10], $0x640, $0x38;
	[tilespmem:$0x1FBE0] =	vst v63  }
0x30: {  	p2 =	sle.u32 s10, $0x0  }
0x31: {  	s2 =	simm.s32 @!p2 $0x10  }
0x32: {  	_ =	swait.ge @!p2 [sflag:s2], $0x640  }
0x33: {  	s0 =	simm.s32 $0x10;
	[sflag:s2] =	ssyncset.done @!p2 $0x0  }
.LBB2_6:
0x34: {  	[sflag:s2] =	ssyncadd.s32 @!p2 $0xFFFFF9C0;
	s2 =	smov.u32 s0;
	s0 =	sadd.s32 $0x10, s0  }
0x35: {  	p3 =	sne.s32 s0, $0x3F0  }
.Ltmp2:
0x36: {  	(pc) =	sbr.rel @p3 .LBB2_6-.Ltmp2, $4  }
0x37: {  	p2 =	sge.u32 s2, s10  }
0x38: {  	s2 =	simm.s32 @!p2 $0x10  }
0x39: {  	_ =	swait.ge @!p2 [sflag:s2], $0x640  }
0x3a: {  	[sflag:s2] =	ssyncset.done @!p2 $0x0  }
0x3b: {  	[sflag:s2] =	ssyncadd.s32 @!p2 $0xFFFFF9C0;
	s0 =	simm.s32 $0xFFFFFFFD;
	s13 =	simm.s32 $0x0  }
0x3c: {  	s14 =	simm.s32 $0x156A0;
	s2 =	simm.s32 $0x1ECA0;
	s8 =	simm.s32 $0x1E6A0  }
0x3d: {  	s9 =	simm.s32 $0x186A0;
	s11 =	simm.s32 $0x0;
	[bflag:$0x0] =	sbarrier.arrive $0xFFFF  }
.LBB2_8:
0x3e: {  	s18 =	smulhi.u32 $0xCCCCCCCD, s11;
	_ =	sdelay $0x1  }
0x3f: {  	s17 =	sadd.s32 $0x3, s0;
	s18 =	sshrl.u32 s18, $0x2  }
0x40: {  	p2 =	sge.u32 s17, s7;
	s18 =	smul.u32 $0x14, s18  }
0x41: {  	s19 =	smulhi.u32 @!p2 $0xCCCCCCCD, s17  }
0x42: {  	p4 =	sne.s32 @!p2 s18, s13  }
0x43: {  	s18 =	sshrl.u32 @!p2 s19, $0x2;
	p3 =	por p4, p2  }
0x44: {  	s19 =	sadd.s32 @!p3 $0x1, s18  }
0x45: {  	s20 =	smul.u32 @!p3 $0x5, s19;
	_ =	sdelay $0x1  }
0x46: {  	p5 =	sge.u32 @!p3 s20, s7  }
0x47: {  	p4 =	por @!p2 p5, p4  }
0x48: {  	p4 =	por p4, p2  }
0x49: {  	s22 =	smulhi.u32 @!p4 $0x55555556, s19  }
0x4a: {  	s23 =	smulhi.u32 @!p2 $0x55555556, s18  }
0x4b: {  	s22 =	smul.u32 @!p4 $0x3, s22;
	_ =	sdelay $0x1  }
0x4c: {  	s23 =	smul.u32 @!p2 $0x3, s23;
	s20 =	sadd.s32 @!p4 s6, s20;
	s19 =	ssub.s32 @!p4 s19, s22  }
0x4d: {  	s20 =	sshll.u32 @!p4 s20, $0x4;
	s22 =	smul.u32 @!p4 $0x280, s19  }
0x4e: {  	s18 =	ssub.s32 @!p2 s18, s23;
	s15 =	simm.s32 @!p4 $0x0;
	s20 =	sand.u32 @!p4 $0x1FFFFFF0, s20  }
0x4f: {  	s25 =	sadd.s32 @!p4 s4, s20;
	s19 =	sadd.s32 @!p4 $0x1, s19;
	s24 =	sadd.s32 @!p4 $0x1E6A0, s22  }
0x50: {  	[tilespmem:s24], [sflag:s19] =	stream.linear.gather @!p4 [hbm4b:s25+s15], $0x280, $0x38;
	[tilespmem:$0x1FBE0] =	vst v63  }
0x51: {  	s20 =	sadd.s32 @!p4 s5, s20;
	s22 =	sadd.s32 @!p4 $0x1EE20, s22;
	s25 =	smulhi.u32 $0xAAAAAAAB, s0  }
0x52: {  	[tilespmem:s22], [sflag:s19] =	stream.linear.gather @!p4 [hbm4b:s20+s15], $0x280, $0x38;
	[tilespmem:$0x1FBE0] =	vst v63  }
0x53: {  	s18 =	sadd.s32 @!p3 $0x1, s18;
	s22 =	smulhi.u32 $0xAAAAAAAB, s11  }
0x54: {  	s23 =	smulhi.u32 $0x88888889, s11;
	_ =	swait.ge @!p3 [sflag:s18], $0x280  }
0x55: {  	s20 =	sshrl.u32 s25, $0x2;
	s15 =	sshrl.u32 s22, $0x2;
	[sflag:s18] =	ssyncset.done @!p3 $0x0  }
0x56: {  	s19 =	sshrl.u32 s23, $0x3;
	s25 =	smul.u32 $0xFFFFFFE8, s15;
	[sflag:s18] =	ssyncadd.s32 @!p3 $0xFFFFFD80  }
0x57: {  	p4 =	slt.u32 @!p2 s17, $0x6;
	s19 =	smul.u32 $0xFFFFE200, s19;
	_ =	swait.ge @!p3 [sflag:s18], $0x280  }
0x58: {  	p4 =	por p4, p2;
	s22 =	sshra.s32 s25, $0x2;
	[sflag:s18] =	ssyncset.done @!p3 $0x0  }
0x59: {  	s23 =	sadd.s32 $0xA, s22;
	[sflag:s18] =	ssyncadd.s32 @!p3 $0xFFFFFD80;
	s18 =	sshra.s32 @!p4 s13, $0x2  }
0x5a: {  	s19 =	sshra.s32 s19, $0x2;
	s15 =	smul.u32 $0xFFFE8000, s15;
	s18 =	sadd.s32 @!p4 s18, s23  }
0x5b: {  	s24 =	smul.u32 $0xFFFFFFE8, s20;
	s19 =	sadd.s32 s19, s8;
	_ =	swait.ge @!p4 [sflag:s18], $0x1000  }
0x5c: {  	s15 =	sshra.s32 s15, $0x2;
	s22 =	sadd.s32 $0x4, s22;
	[sflag:s18] =	ssyncset.done @!p4 $0x0  }
0x5d: {  	s15 =	sadd.s32 s15, s9;
	[sflag:s18] =	ssyncadd.s32 @!p4 $0xFFFFF000;
	s18 =	sshra.s32 @!p2 s13, $0x2  }
0x5e: {  	s23 =	rddreg [dreg:$0x3];
	s18 =	sadd.s32 @!p2 s18, s22;
	s22 =	simm.s32 @!p2 $0x80  }
0x5f: {  	[tilespmem:s15], [sflag:s18] =	stream.indirect.gather @!p2 [hbm4b:s23+s22], $0x20, s19, s22, $0xb8;
	[tilespmem:$0x1FBE0] =	vst v63  }
0x60: {  	s22 =	sshra.s32 s24, $0x2;
	s23 =	smulhi.u32 $0x88888889, s0;
	p2 =	slt.u32 s17, $0x3  }
0x61: {  	s24 =	smul.u32 $0xFFFE8000, s20;
	s19 =	sor.u32 $0x1, s22;
	s20 =	sshra.s32 @!p2 s13, $0x2  }
0x62: {  	s15 =	sadd.s32 $0x7, s22;
	s13 =	sadd.s32 $0x4, s13;
	s18 =	sshrl.u32 s23, $0x3  }
0x63: {  	s19 =	sadd.s32 @!p2 s20, s19;
	s17 =	sshra.s32 s24, $0x2;
	s18 =	smul.u32 $0xFFFFE200, s18  }
0x64: {  	s15 =	sadd.s32 @!p2 s20, s15;
	_ =	swait.ge @!p2 [sflag:s19], $0x1000;
	s17 =	sadd.s32 s17, s14  }
0x65: {  	[sflag:s19] =	ssyncset.done @!p2 $0x0;
	s25 =	rddreg [dreg:$0x4];
	s18 =	sshra.s32 s18, $0x2  }
0x66: {  	[sflag:s19] =	ssyncadd.s32 @!p2 $0xFFFFF000;
	s19 =	simm.s32 @!p2 $0x80;
	s18 =	sadd.s32 s18, s2  }
0x67: {  	[spmem:s1] =	stream.indirect.scatter.add.f32 @!p2 [tilespmem:s17], [sflag:s15], $0x20, s18, s19, $0xb8;
	[tilespmem:$0x1FBE0] =	vst v63  }
0x68: {  	p2 =	sne.s32 s25, s13  }
.Ltmp3:
0x69: {  	_ = 	snop;
	(pc) =	sbr.rel @p2 .LBB2_8-.Ltmp3, $3  }
0x6a: {  	_ =	sdelay $0x1  }
0x6b: {  	s11 =	sadd.s32 $0x1, s11;
	s8 =	sadd.s32 $0x80, s8;
	s9 =	sadd.s32 $0x1000, s9  }
0x6c: {  	s0 =	sadd.s32 $0x1, s0;
	s14 =	sadd.s32 $0x1000, s14;
	s2 =	sadd.s32 $0x80, s2  }
0x6d: {  	s0 =	simm.s32 $0xA  }
0x6e: {  	_ =	swait.ge [sflag:s0], $0x1000  }
0x6f: {  	[sflag:s0] =	ssyncset.done $0x0  }
0x70: {  	[sflag:s0] =	ssyncadd.s32 $0xFFFFF000  }
0x71: {  	_ =	swait.ge [sflag:s16], $0x1000  }
0x72: {  	[sflag:s16] =	ssyncset.done $0x0  }
0x73: {  	[sflag:s16] =	ssyncadd.s32 $0xFFFFF000  }
0x74: {  	_ =	swait.ge [sflag:s21], $0x1000  }
0x75: {  	[sflag:s21] =	ssyncset.done $0x0  }
0x76: {  	[sflag:s21] =	ssyncadd.s32 $0xFFFFF000  }
0x77: {  	_ =	swait.ge [sflag:s26], $0x1000  }
0x78: {  	[sflag:s26] =	ssyncset.done $0x0  }
0x79: {  	[sflag:s26] =	ssyncadd.s32 $0xFFFFF000  }
0x7a: {  	_ =	swait.ge [sflag:s28], $0x1000  }
0x7b: {  	[sflag:s28] =	ssyncset.done $0x0  }
0x7c: {  	[sflag:s28] =	ssyncadd.s32 $0xFFFFF000  }
0x7d: {  	_ =	swait.ge [sflag:s29], $0x1000  }
0x7e: {  	[sflag:s29] =	ssyncset.done $0x0  }
0x7f: {  	[sflag:s29] =	ssyncadd.s32 $0xFFFFF000  }
0x80: {  	[bflag:$0x0] =	sbarrier.arrive $0xFFFF  }
0x81: {  	s24 =	sshll.u32 s3, $0x6;
	s2 =	rddreg [dreg:$0x8]  }
0x82: {  	s0 =	sor.u32 $0x1C10, s24;
	s8 =	rddreg [dreg:$0xc]  }
0x83: {  	[hbm:s2], [sflag:s0] =	dma.local [spmem:s8], $0xFA0  }
0x84: {  	s2 =	rddreg [dreg:$0x9]  }
0x85: {  	s8 =	rddreg [dreg:$0xd]  }
0x86: {  	[hbm:s2], [sflag:s0] =	dma.local [spmem:s8], $0xFA0  }
0x87: {  	s2 =	rddreg [dreg:$0xa]  }
0x88: {  	s8 =	rddreg [dreg:$0xe]  }
0x89: {  	[hbm:s2], [sflag:s0] =	dma.local [spmem:s8], $0xFA0  }
0x8a: {  	s2 =	rddreg [dreg:$0xb]  }
0x8b: {  	s8 =	rddreg [dreg:$0xf]  }
0x8c: {  	[hbm:s2], [sflag:s0] =	dma.local @!p0 [spmem:s8], $0xFA0  }
0x8d: {  	_ =	swait.ge [sflag:s30], $0xFA0  }
0x8e: {  	[sflag:s30] =	ssyncset.done $0x0  }
0x8f: {  	[sflag:s30] =	ssyncadd.s32 $0xFFFFF060  }
0x90: {  	_ =	swait.ge [sflag:s30], $0xFA0  }
0x91: {  	[sflag:s30] =	ssyncset.done $0x0  }
0x92: {  	[sflag:s30] =	ssyncadd.s32 $0xFFFFF060  }
0x93: {  	_ =	swait.ge [sflag:s30], $0xFA0  }
0x94: {  	[sflag:s30] =	ssyncset.done $0x0  }
0x95: {  	s0 =	simm.s32 @!p1 $0x10;
	[sflag:s30] =	ssyncadd.s32 $0xFFFFF060  }
0x96: {  	_ =	swait.ge @!p1 [sflag:s0], $0xFA0  }
0x97: {  	s31 =	sadd.s32 $0x1, s31;
	s25 =	rddreg [dreg:$0x7]  }
0x98: {  	p2 =	sne.s32 s31, s25  }
.Ltmp4:
0x99: {  	_ = 	snop;
	(pc) =	sbr.rel @p2 .LBB2_1-.Ltmp4, $3  }
0x9a: {  	_ =	sdelay $0x1  }
0x9b: {  	[sflag:s0] =	ssyncset.done @!p1 $0x0  }
0x9c: {  	[sflag:s0] =	ssyncadd.s32 @!p1 $0xFFFFF060  }
0x9d: {  	_ =	sfence.sel $0x180000  }
0x9e: {  	[bflag:$0x0] =	sbarrier.arrive $0xFFFF  }
0x9f: {  	_ =	strace $0x9000004A  }
0xa0: {  	[bflag:$0x2] =	sbarrier.arrive $0xFFFF  }
0xa1: {  	p0 =	sne.s32 s3, $0x0;
	s0 =	rddreg [dreg:$0x2]  }
0xa2: {  	s0 =	sadd.s32 @!p0 $0x100000, s0  }
0xa3: {  	[sflag:s0] =	ssyncadd.tile.s32 @!p0 $0x1;
	_ =	shalt  }
.Lfunc_end2:
_tile_overlayer_lowered:
.L_overlay_start_2:
0xa4: {  	(tag) =	ssettag $0x2  }
0xa5: {  	s0 =	rddreg [dreg:$0x0];
	s2 =	stileid.u32  }
0xa6: {  	s1 =	rddreg [dreg:$0x1];
	p0 =	sne.s32 s2, $0x0  }
0xa7: {  	s3 =	rddreg [dreg:$0x2];
	[bflag:$0x3] =	sbarrier.arrive $0xFFFF;
	s2 =	simm.s32 @!p0 $0x1C11  }
0xa8: {  	[timem:s3], [sflag:s2] =	dma.local @!p0 [hbm:s0], s1  }
0xa9: {  	s0 =	simm.s32 @!p0 $0x11  }
0xaa: {  	_ =	swait.ge @!p0 [sflag:s0], s1  }
0xab: {  	s1 =	ssub.s32 @!p0 $0x0, s1;
	[sflag:s0] =	ssyncset.done @!p0 $0x0  }
0xac: {  	[sflag:s0] =	ssyncadd.s32 @!p0 s1  }
0xad: {  	[bflag:$0x3] =	sbarrier.arrive $0xFFFF  }
0xae: {  	_ =	shalt  }

// kernel: kernel.17.cloned.1.call-start
scs
__scs_entry_jumppad:
0x0: {  	(pc) =	sbr.rel $0x88, $3  }
0x1: {  	(tag) =	ssettag $0x0;
	lr =	simm.s32 $0x1  }
0x2: {  	[smem:$0x3F9B] =	sst lr;
	_ =	strace $0xD0000000  }
0x3: {  	_ = 	snop  }
0x4: {  	_ = 	snop  }
0x5: {  	_ = 	snop  }
0x6: {  	_ = 	snop  }
0x7: {  	_ = 	snop  }
__scs_overlays_trampoline_lowered:
0x8: {  	[smem:$0x3FAA] =	sst s0  }
0x9: {  	[smem:$0x3FAB] =	sst s1  }
0xa: {  	[smem:$0x3FAC] =	sst s2  }
0xb: {  	[smem:$0x3FAD] =	sst s3  }
0xc: {  	[smem:$0x3FAE] =	sst s4  }
0xd: {  	[smem:$0x3FAF] =	sst s5  }
0xe: {  	[smem:$0x3FB0] =	sst s6  }
0xf: {  	[smem:$0x3FB1] =	sst s7  }
0x10: {  	[smem:$0x3FB2] =	sst s8  }
0x11: {  	[smem:$0x3FB3] =	sst s9;
	s0 =	simm.s32 @!p0 $0x0  }
0x12: {  	s1 =	sld [smem:$0x3F99];
	s0 =	simm.s32 @p0 $0x1  }
0x13: {  	[smem:$0x3FB4] =	sst s0;
	s0 =	simm.s32 @!p1 $0x0  }
0x14: {  	s2 =	sld [smem:$0x3F98];
	s0 =	simm.s32 @p1 $0x1  }
0x15: {  	[smem:$0x3FB5] =	sst s0;
	s0 =	simm.s32 @!p2 $0x0  }
0x16: {  	s3 =	sld [smem:$0x3FDB];
	s0 =	simm.s32 @p2 $0x1  }
0x17: {  	s4 =	simm.s32 $0x1BF5;
	[smem:$0x3FB7] =	sst s0  }
0x18: {  	s0 =	sld [smem:$0x3F9A];
	_ =	swait.ge [sflag:s4], $0x0  }
0x19: {  	s7 =	sld [smem:$0x3F9B]  }
0x1a: {  	s8 =	sadd.s32 $0xFFFFE003, lr  }
0x1b: {  	s9 =	sadd.s32 $0xFFFFFEF7, lr;
	s5 =	simm.s32 $0xFFFFFFFF;
	p2 =	slt.u32 s8, $0xFFFFF086  }
0x1c: {  	p1 =	slt.u32 s9, $0xF7A;
	s5 =	simm.s32 @!p2 $0x0  }
0x1d: {  	s5 =	simm.s32 @p1 $0x1;
	p0 =	seq.s32 s7, s2  }
0x1e: {  	s7 =	smul.u32 @!p0 $0xF7A, s2;
	p2 =	seq.s32 @!p0 s5, $0x0  }
0x1f: {  	s9 =	smul.u32 $0xF7A, s1;
	s8 =	simm.s32 @!p0 $0x1BF5;
	p2 =	por !p2, p0  }
0x20: {  	[sflag:s8] =	ssyncset.s32 @!p0 $0xFFFFF086;
	s6 =	sadd.s32 @!p0 s3, s7;
	s7 =	simm.s32 @!p0 $0x108  }
0x21: {  	s3 =	sadd.s32 s3, s9;
	s6 =	sadd.s32 @!p0 $0x88, s6;
	s7 =	simm.s32 @p2 $0x1082  }
0x22: {  	[simem:s7], [sflag:s8] =	dma.local @!p0 [hbm:s6], $0xF7A  }
0x23: {  	s9 =	sor.u32 $0xD0000000, s2;
	s6 =	simm.s32 $0x108;
	_ =	swait.ge @!p0 [sflag:s8], $0x0  }
0x24: {  	s3 =	sadd.s32 $0x88, s3;
	s6 =	simm.s32 @!p1 $0x1082;
	[sflag:s4] =	ssyncset.s32 $0xFFFFF086  }
0x25: {  	[simem:s6], [sflag:s4] =	dma.local [hbm:s3], $0xF7A  }
0x26: {  	[smem:$0x3F9B] =	sst s1;
	(tag) =	ssettag s2;
	_ =	strace s9  }
0x27: {  	s1 =	sld [smem:$0x3FAB]  }
0x28: {  	s2 =	sld [smem:$0x3FAC]  }
0x29: {  	s4 =	sld [smem:$0x3FAE]  }
0x2a: {  	p0 =	seq.s32 s5, $0x0;
	s5 =	sld [smem:$0x3FAF]  }
0x2b: {  	s6 =	sld [smem:$0x3FB0]  }
0x2c: {  	s7 =	sld [smem:$0x3FB1]  }
0x2d: {  	s3 =	simm.s32 $0x108;
	s8 =	sld [smem:$0x3FB2]  }
0x2e: {  	s3 =	simm.s32 @!p0 $0x1082;
	s9 =	sld [smem:$0x3FB3]  }
0x2f: {  	lr =	sadd.s32 s0, s3;
	s0 =	sld [smem:$0x3FAA]  }
0x30: {  	s3 =	sld [smem:$0x3FAD]  }
0x31: {  	[smem:$0x3FB6] =	sst s10  }
0x32: {  	s10 =	sld [smem:$0x3FB4];
	_ =	sdelay $0x3  }
0x33: {  	p0 =	seq.s32 s10, $0x1;
	s10 =	sld [smem:$0x3FB6];
	_ =	sdelay $0x3  }
0x34: {  	[smem:$0x3FB6] =	sst s10  }
0x35: {  	s10 =	sld [smem:$0x3FB5];
	_ =	sdelay $0x3  }
0x36: {  	p1 =	seq.s32 s10, $0x1;
	s10 =	sld [smem:$0x3FB6];
	_ =	sdelay $0x3  }
0x37: {  	[smem:$0x3FB6] =	sst s10  }
0x38: {  	s10 =	sld [smem:$0x3FB7]  }
0x39: {  	_ = 	snop;
	(pc) =	sbr.ind lr, $3  }
0x3a: {  	_ = 	snop  }
0x3b: {  	_ = 	snop  }
0x3c: {  	p2 =	seq.s32 s10, $0x1;
	s10 =	sld [smem:$0x3FB6]  }
0x3d: {  	_ =	shalt  }
0x3e: {  	_ =	shalt  }
0x3f: {  	_ =	shalt  }
0x40: {  	_ =	shalt  }
0x41: {  	_ =	shalt  }
0x42: {  	_ =	shalt  }
0x43: {  	_ =	shalt  }
0x44: {  	_ =	shalt  }
0x45: {  	_ =	shalt  }
0x46: {  	_ =	shalt  }
0x47: {  	_ =	shalt  }
0x48: {  	_ =	shalt  }
0x49: {  	_ =	shalt  }
0x4a: {  	_ =	shalt  }
0x4b: {  	_ =	shalt  }
0x4c: {  	_ =	shalt  }
0x4d: {  	_ =	shalt  }
0x4e: {  	_ =	shalt  }
0x4f: {  	_ =	shalt  }
0x50: {  	_ =	shalt  }
0x51: {  	_ =	shalt  }
0x52: {  	_ =	shalt  }
0x53: {  	_ =	shalt  }
0x54: {  	_ =	shalt  }
0x55: {  	_ =	shalt  }
0x56: {  	_ =	shalt  }
0x57: {  	_ =	shalt  }
0x58: {  	_ =	shalt  }
0x59: {  	_ =	shalt  }
0x5a: {  	_ =	shalt  }
0x5b: {  	_ =	shalt  }
0x5c: {  	_ =	shalt  }
0x5d: {  	_ =	shalt  }
0x5e: {  	_ =	shalt  }
0x5f: {  	_ =	shalt  }
0x60: {  	_ =	shalt  }
0x61: {  	_ =	shalt  }
0x62: {  	_ =	shalt  }
0x63: {  	_ =	shalt  }
0x64: {  	_ =	shalt  }
0x65: {  	_ =	shalt  }
0x66: {  	_ =	shalt  }
0x67: {  	_ =	shalt  }
0x68: {  	_ =	shalt  }
0x69: {  	_ =	shalt  }
0x6a: {  	_ =	shalt  }
0x6b: {  	_ =	shalt  }
0x6c: {  	_ =	shalt  }
0x6d: {  	_ =	shalt  }
0x6e: {  	_ =	shalt  }
0x6f: {  	_ =	shalt  }
0x70: {  	_ =	shalt  }
0x71: {  	_ =	shalt  }
0x72: {  	_ =	shalt  }
0x73: {  	_ =	shalt  }
0x74: {  	_ =	shalt  }
0x75: {  	_ =	shalt  }
0x76: {  	_ =	shalt  }
0x77: {  	_ =	shalt  }
0x78: {  	_ =	shalt  }
0x79: {  	_ =	shalt  }
0x7a: {  	_ =	shalt  }
0x7b: {  	_ =	shalt  }
0x7c: {  	_ =	shalt  }
0x7d: {  	_ =	shalt  }
0x7e: {  	_ =	shalt  }
0x7f: {  	_ =	shalt  }
0x80: {  	_ =	shalt  }
0x81: {  	_ =	shalt  }
0x82: {  	_ =	shalt  }
0x83: {  	_ =	shalt  }
0x84: {  	_ =	shalt  }
0x85: {  	_ =	shalt  }
0x86: {  	_ =	shalt  }
0x87: {  	_ =	shalt  }
.Lfunc_end0:
.L_simem_size_0:
called_computation.2_lowered:
.L_overlay_start_0:
0x88: {  	s2 =	sld [smem:$0x3FD9]  }
0x89: {  	s3 =	sld [smem:$0x3FFE];
	_ =	sdelay $0x1  }
0x8a: {  	s1 =	srdreg.scid  }
0x8b: {  	s0 =	sand.u32 $0x1, s1  }
0x8c: {  	s16 =	sshll.u32 s0, $0xA;
	s2 =	sadd.s32 s3, s2  }
0x8d: {  	s2 =	sadd.s32 s2, s16  }
0x8e: {  	[smem:$0x3FC2] =	sst s2  }
0x8f: {  	_ = 	snop  }
0x90: {  	(tm) =	ssettm $0x1  }
0x91: {  	s17 =	sld [smem:$0x3FFB];
	_ =	sdelay $0x3  }
0x92: {  	_ =	strace s17  }
0x93: {  	s2 =	sld [smem:$0x3FFC];
	_ =	sdelay $0x3  }
0x94: {  	_ =	strace s2  }
0x95: {  	s2 =	sld [smem:$0x3FFD];
	_ =	sdelay $0x3  }
0x96: {  	_ =	strace s2  }
0x97: {  	_ =	strace $0x8FFFFFFF  }
0x98: {  	s18 =	sld [smem:$0x3FDB];
	_ =	sdelay $0x1  }
0x99: {  	s19 =	simm.s32 $_scs_section_size  }
0x9a: {  	s4 =	simm.s32 $_size__tile_overlayer_lowered;
	s5 =	simm.s32 $_tile_overlayer_lowered  }
0x9b: {  	s22 =	simm.s32 $0x1BFF;
	s21 =	sshll.u32 s5, $0x1;
	s2 =	sadd.s32 s19, s18  }
0x9c: {  	s6 =	simm.s32 $0x0;
	s20 =	sshll.u32 s4, $0x1;
	s4 =	sadd.s32 s21, s2  }
0x9d: {  	[timem:s6], [sflag:s22] =	dma.local [hbm:s4], s20  }
0x9e: {  	_ =	swait.ge [sflag:s22], s20  }
0x9f: {  	s3 =	ssub.s32 $0x0, s20;
	[sflag:s22] =	ssyncset.done $0x0  }
0xa0: {  	[sflag:s22] =	ssyncadd.s32 s3;
	_ =	sdelay $0x1  }
0xa1: {  	s23 =	simm.s32 $0x1B8B  }
0xa2: {  	_ =	swait.ge [sflag:s23], $0x1  }
0xa3: {  	[sflag:s23] =	ssyncset.done $0x0  }
0xa4: {  	s25 =	simm.s32 $0x1B8E;
	s24 =	sld [smem:$0x3FFE];
	[sflag:s23] =	ssyncadd.s32 $0xFFFFFFFF  }
0xa5: {  	s26 =	simm.s32 $execute0_lowered;
	[smem:$0x3FD2] =	sst s25  }
0xa6: {  	s4 =	sshll.u32 s26, $0x1;
	_ =	strace $0x8000004C;
	[dreg:$0x1] =	wrdreg $0xFFFFFFFF  }
0xa7: {  	s28 =	simm.s32 $_size_execute0_lowered;
	s2 =	sadd.s32 s2, s4;
	[dreg:$0x0] =	wrdreg $0x0  }
0xa8: {  	s4 =	sshll.u32 s28, $0x1;
	[dreg:$0x2] =	wrdreg s2  }
0xa9: {  	[dreg:$0x3] =	wrdreg s4  }
0xaa: {  	[dreg:$0x4] =	wrdreg $0xC0  }
0xab: {  	_ =	task [dreg:s6], $0x5FFFF  }
0xac: {  	[dreg:$0x1] =	wrdreg $0xFFFFFFFF  }
0xad: {  	[dreg:$0x0] =	wrdreg $0x60  }
0xae: {  	[dreg:$0x2] =	wrdreg s24  }
0xaf: {  	[dreg:$0x3] =	wrdreg $0x0  }
0xb0: {  	[dreg:$0x4] =	wrdreg $0x9  }
0xb1: {  	_ =	task.clear_ibuf [dreg:s6], $0x5FFFF;
	_ =	strace $0x9000004C  }
0xb2: {  	s29 =	simm.s32 $0x9;
	_ =	strace $0x8000004E  }
0xb3: {  	_ =	swait.ge [sflag:s29], $0x1  }
0xb4: {  	[sflag:s29] =	ssyncadd.s32 $0xFFFFFFFF  }
0xb5: {  	_ =	strace $0x9000004E  }
0xb6: {  	_ =	sfence  }
0xb7: {  	s30 =	sld [smem:$0x0];
	_ =	sdelay $0x2  }
0xb8: {  	s31 =	sshll.u32 s1, $0xD;
	s1 =	sshrl.u32 s1, $0x2  }
0xb9: {  	s3 =	sand.u32 $0x4000, s31;
	s1 =	sadd.s32 s1, s30  }
0xba: {  	s0 =	sor.u32 s3, s0;
	s1 =	sshll.u32 s1, $0x11  }
0xbb: {  	s0 =	sor.u32 s1, s0  }
0xbc: {  	s0 =	sadd.s32 $0x8F2B, s0  }
0xbd: {  	[sflag:s0] =	ssyncadd.remote.s32 $0x1  }
0xbe: {  	_ =	sfence.sel $0xFFFF  }
0xbf: {  	[dreg:$0x0] =	wrdreg $0xFFFFFFFF;
	(pc) =	sbr.abs _section_cstart, $3  }
0xc0: {  	[dreg:$0x1] =	wrdreg $0xFFFFFFFF  }
0xc1: {  	_ =	task.clear_ibuf [dreg:s6], $0x2FFFF;
	_ =	strace $0x9FFFFFFF  }
0xc2: {  	(tm) =	ssettm $0x7FFFFFFF  }
0xc3: {  	_ =	shalt  }
tec
execute0_lowered:
.L_overlay_start_1:
0x0: {  	(tag) =	ssettag $0x1  }
0x1: {  	s0 =	rddreg [dreg:$0x0]  }
0x2: {  	s1 =	rddreg [dreg:$0x1];
	s2 =	simm.s32 $0x0;
	s22 =	srdreg.scid  }
0x3: {  	s3 =	stileid.u32;
	s9 =	simm.s32 $0x628;
	s16 =	simm.s32 $0xB  }
0x4: {  	s28 =	simm.s32 $0xE;
	s29 =	simm.s32 $0xF;
	s30 =	simm.s32 $0x10  }
0x5: {  	s31 =	simm.s32 $0x0;
	[smem:$0x7FF] =	sst s2;
	s4 =	sadd.s32 $0x7AE00, s0  }
0x6: {  	s2 =	sand.u32 $0x1, s22;
	s5 =	sadd.s32 $0x62600, s0;
	s8 =	smul.u32 $0x186, s3  }
0x7: {  	s23 =	smin.u32 s3, $0xA;
	p0 =	slt.u32 s3, $0xA;
	s25 =	smul.u32 $0x7D00, s3  }
0x8: {  	s18 =	sor.u32 $0x30, s3;
	s15 =	smul.u32 $0x1900, s3;
	p1 =	sgt.u32 s3, $0x1  }
0x9: {  	_ =	strace $0x8000004D;
	s6 =	smul.u32 $0x30D40, s2;
	s2 =	ssub.s32 $0x2, s2  }
0xa: {  	s9 =	simm.s32 @!p0 $0x624;
	s13 =	smul.u32 $0x7D00, s18;
	s7 =	sshrl.u32 s2, $0x1  }
0xb: {  	[dreg:$0x4] =	wrdreg s9;
	s26 =	sshrl.u32 s25, $0x3;
	s11 =	sadd.s32 s25, s1  }
0xc: {  	s12 =	sadd.s32 $0x7D000, s25;
	s9 =	sadd.s32 $0xFA000, s25;
	s21 =	sshrl.u32 s15, $0x2  }
0xd: {  	s0 =	sadd.s32 s6, s0;
	s2 =	ssub.s32 s2, s7;
	s6 =	sadd.s32 s23, s8  }
0xe: {  	s7 =	simm.s32 $0x187;
	s14 =	sshrl.u32 s12, $0x3;
	s24 =	sadd.s32 $0xA00, s0  }
0xf: {  	s17 =	sadd.s32 s12, s1;
	s2 =	smax.u32 s2, $0x1;
	[dreg:$0x3] =	wrdreg s24  }
0x10: {  	s8 =	sshll.u32 s6, $0x4;
	s25 =	sshrl.u32 s17, $0x3;
	[dreg:$0x7] =	wrdreg s2  }
0x11: {  	s19 =	sshrl.u32 s9, $0x3;
	s10 =	sadd.s32 s4, s8;
	[dreg:$0xd] =	wrdreg s25  }
0x12: {  	s0 =	sadd.s32 $0x93600, s0;
	s8 =	sadd.s32 s5, s8;
	[dreg:$0x5] =	wrdreg s10  }
0x13: {  	s20 =	sshrl.u32 s13, $0x3;
	s2 =	sadd.s32 s26, s0;
	[dreg:$0x6] =	wrdreg s8  }
0x14: {  	s7 =	simm.s32 @!p0 $0x186;
	s22 =	sadd.s32 s14, s0;
	[dreg:$0x8] =	wrdreg s2  }
0x15: {  	p0 =	sgt.u32 s18, $0x31;
	s23 =	sadd.s32 s19, s0;
	[dreg:$0x9] =	wrdreg s22  }
0x16: {  	s9 =	sadd.s32 s9, s1;
	s0 =	sadd.s32 @!p0 s20, s0;
	[dreg:$0xa] =	wrdreg s23  }
0x17: {  	s13 =	sadd.s32 s13, s1;
	s24 =	sshrl.u32 s11, $0x3;
	[dreg:$0xb] =	wrdreg s0  }
0x18: {  	s12 =	sadd.s32 s21, s1;
	s26 =	sshrl.u32 s9, $0x3;
	[dreg:$0xc] =	wrdreg s24  }
0x19: {  	s21 =	simm.s32 $0xC;
	[dreg:$0xe] =	wrdreg s26;
	s0 =	sshrl.u32 @!p0 s13, $0x3  }
0x1a: {  	v0 =	vimm.f32 $0.0e+00;
	s10 =	ssub.s32 $0x3E8, s3;
	s26 =	simm.s32 $0xD;
	[dreg:$0xf] =	wrdreg s0  }
.LBB2_1:
0x1b: {  	s0 =	simm.s32 $0x0;
	s2 =	rddreg [dreg:$0x5];
	s8 =	simm.s32 $0x1E6A0  }
0x1c: {  	[tilespmem:s8], [sflag:$0x1] =	stream.linear.gather [hbm4b:s2+s0], $0x280, $0x38;
	[tilespmem:$0x1FBE0] =	vst v63  }
0x1d: {  	s24 =	rddreg [dreg:$0x6];
	s25 =	simm.s32 $0x1EE20  }
0x1e: {  	[tilespmem:s25], [sflag:$0x1] =	stream.linear.gather [hbm4b:s24+s0], $0x280, $0x38;
	[tilespmem:$0x1FBE0] =	vst v63  }
0x1f: {  	s2 =	simm.s32 $0x0;
	s0 =	simm.s32 $0x80  }
.LBB2_2:
0x20: {  	p2 =	sne.s32 s0, $0x1880;
	[tilespmem:s2+$0x1F5A0] =	vst v0;
	s8 =	smov.u32 s0;
	s0 =	sadd.s32 $0x80, s0  }
.Ltmp0:
0x21: {  	[tilespmem:s2+$0x1F5B0] =	vst v0;
	(pc) =	sbr.rel @p2 .LBB2_2-.Ltmp0, $2  }
0x22: {  	_ =	sdelay $0x2  }
0x23: {  	s2 =	sshra.s32 s8, $0x2  }
0x24: {  	s0 =	sadd.s32 $0x0, s3;
	[tilespmem:s2+$0x1F5A0] =	vst v0  }
0x25: {  	[tilespmem:s2+$0x1F5B0] =	vst v0;
	s2 =	sadd.s32 $0x6400, s12;
	p2 =	sgt.u32 s0, $0x3E7  }
0x26: {  	s8 =	smov.u32 s12;
	s0 =	simm.s32 $0x10;
	s9 =	simm.s32 @!p2 $0x1F5A0  }
.LBB2_4:
0x27: {  	[spmem:s8] =	stream.linear.scatter @!p2 [tilespmem:s9], [sflag:$0x10], $0x640, $0x38;
	[tilespmem:$0x1FBE0] =	vst v63  }
0x28: {  	s9 =	smov.u32 s0;
	s0 =	sadd.s32 $0x10, s0  }
0x29: {  	p3 =	sne.s32 s0, $0x3F0  }
.Ltmp1:
0x2a: {  	(pc) =	sbr.rel @p3 .LBB2_4-.Ltmp1, $4  }
0x2b: {  	s8 =	smov.u32 s2  }
0x2c: {  	s9 =	sadd.s32 s9, s3  }
0x2d: {  	p2 =	sgt.u32 s9, $0x3E7  }
0x2e: {  	s2 =	sadd.s32 $0x6400, s2;
	s9 =	simm.s32 @!p2 $0x1F5A0  }
0x2f: {  	[spmem:s8] =	stream.linear.scatter @!p2 [tilespmem:s9], [sflag:$0x10], $0x640, $0x38;
	[tilespmem:$0x1FBE0] =	vst v63  }
0x30: {  	p2 =	sle.u32 s10, $0x0  }
0x31: {  	s2 =	simm.s32 @!p2 $0x10  }
0x32: {  	_ =	swait.ge @!p2 [sflag:s2], $0x640  }
0x33: {  	s0 =	simm.s32 $0x10;
	[sflag:s2] =	ssyncset.done @!p2 $0x0  }
.LBB2_6:
0x34: {  	[sflag:s2] =	ssyncadd.s32 @!p2 $0xFFFFF9C0;
	s2 =	smov.u32 s0;
	s0 =	sadd.s32 $0x10, s0  }
0x35: {  	p3 =	sne.s32 s0, $0x3F0  }
.Ltmp2:
0x36: {  	(pc) =	sbr.rel @p3 .LBB2_6-.Ltmp2, $4  }
0x37: {  	p2 =	sge.u32 s2, s10  }
0x38: {  	s2 =	simm.s32 @!p2 $0x10  }
0x39: {  	_ =	swait.ge @!p2 [sflag:s2], $0x640  }
0x3a: {  	[sflag:s2] =	ssyncset.done @!p2 $0x0  }
0x3b: {  	[sflag:s2] =	ssyncadd.s32 @!p2 $0xFFFFF9C0;
	s0 =	simm.s32 $0xFFFFFFFD;
	s13 =	simm.s32 $0x0  }
0x3c: {  	s14 =	simm.s32 $0x156A0;
	s2 =	simm.s32 $0x1ECA0;
	s8 =	simm.s32 $0x1E6A0  }
0x3d: {  	s9 =	simm.s32 $0x186A0;
	s11 =	simm.s32 $0x0;
	[bflag:$0x0] =	sbarrier.arrive $0xFFFF  }
.LBB2_8:
0x3e: {  	s18 =	smulhi.u32 $0xCCCCCCCD, s11;
	_ =	sdelay $0x1  }
0x3f: {  	s17 =	sadd.s32 $0x3, s0;
	s18 =	sshrl.u32 s18, $0x2  }
0x40: {  	p2 =	sge.u32 s17, s7;
	s18 =	smul.u32 $0x14, s18  }
0x41: {  	s19 =	smulhi.u32 @!p2 $0xCCCCCCCD, s17  }
0x42: {  	p4 =	sne.s32 @!p2 s18, s13  }
0x43: {  	s18 =	sshrl.u32 @!p2 s19, $0x2;
	p3 =	por p4, p2  }
0x44: {  	s19 =	sadd.s32 @!p3 $0x1, s18  }
0x45: {  	s20 =	smul.u32 @!p3 $0x5, s19;
	_ =	sdelay $0x1  }
0x46: {  	p5 =	sge.u32 @!p3 s20, s7  }
0x47: {  	p4 =	por @!p2 p5, p4  }
0x48: {  	p4 =	por p4, p2  }
0x49: {  	s22 =	smulhi.u32 @!p4 $0x55555556, s19  }
0x4a: {  	s23 =	smulhi.u32 @!p2 $0x55555556, s18  }
0x4b: {  	s22 =	smul.u32 @!p4 $0x3, s22;
	_ =	sdelay $0x1  }
0x4c: {  	s23 =	smul.u32 @!p2 $0x3, s23;
	s20 =	sadd.s32 @!p4 s6, s20;
	s19 =	ssub.s32 @!p4 s19, s22  }
0x4d: {  	s20 =	sshll.u32 @!p4 s20, $0x4;
	s22 =	smul.u32 @!p4 $0x280, s19  }
0x4e: {  	s18 =	ssub.s32 @!p2 s18, s23;
	s15 =	simm.s32 @!p4 $0x0;
	s20 =	sand.u32 @!p4 $0x1FFFFFF0, s20  }
0x4f: {  	s25 =	sadd.s32 @!p4 s4, s20;
	s19 =	sadd.s32 @!p4 $0x1, s19;
	s24 =	sadd.s32 @!p4 $0x1E6A0, s22  }
0x50: {  	[tilespmem:s24], [sflag:s19] =	stream.linear.gather @!p4 [hbm4b:s25+s15], $0x280, $0x38;
	[tilespmem:$0x1FBE0] =	vst v63  }
0x51: {  	s20 =	sadd.s32 @!p4 s5, s20;
	s22 =	sadd.s32 @!p4 $0x1EE20, s22;
	s25 =	smulhi.u32 $0xAAAAAAAB, s0  }
0x52: {  	[tilespmem:s22], [sflag:s19] =	stream.linear.gather @!p4 [hbm4b:s20+s15], $0x280, $0x38;
	[tilespmem:$0x1FBE0] =	vst v63  }
0x53: {  	s18 =	sadd.s32 @!p3 $0x1, s18;
	s22 =	smulhi.u32 $0xAAAAAAAB, s11  }
0x54: {  	s23 =	smulhi.u32 $0x88888889, s11;
	_ =	swait.ge @!p3 [sflag:s18], $0x280  }
0x55: {  	s20 =	sshrl.u32 s25, $0x2;
	s15 =	sshrl.u32 s22, $0x2;
	[sflag:s18] =	ssyncset.done @!p3 $0x0  }
0x56: {  	s19 =	sshrl.u32 s23, $0x3;
	s25 =	smul.u32 $0xFFFFFFE8, s15;
	[sflag:s18] =	ssyncadd.s32 @!p3 $0xFFFFFD80  }
0x57: {  	p4 =	slt.u32 @!p2 s17, $0x6;
	s19 =	smul.u32 $0xFFFFE200, s19;
	_ =	swait.ge @!p3 [sflag:s18], $0x280  }
0x58: {  	p4 =	por p4, p2;
	s22 =	sshra.s32 s25, $0x2;
	[sflag:s18] =	ssyncset.done @!p3 $0x0  }
0x59: {  	s23 =	sadd.s32 $0xA, s22;
	[sflag:s18] =	ssyncadd.s32 @!p3 $0xFFFFFD80;
	s18 =	sshra.s32 @!p4 s13, $0x2  }
0x5a: {  	s19 =	sshra.s32 s19, $0x2;
	s15 =	smul.u32 $0xFFFE8000, s15;
	s18 =	sadd.s32 @!p4 s18, s23  }
0x5b: {  	s24 =	smul.u32 $0xFFFFFFE8, s20;
	s19 =	sadd.s32 s19, s8;
	_ =	swait.ge @!p4 [sflag:s18], $0x1000  }
0x5c: {  	s15 =	sshra.s32 s15, $0x2;
	s22 =	sadd.s32 $0x4, s22;
	[sflag:s18] =	ssyncset.done @!p4 $0x0  }
0x5d: {  	s15 =	sadd.s32 s15, s9;
	[sflag:s18] =	ssyncadd.s32 @!p4 $0xFFFFF000;
	s18 =	sshra.s32 @!p2 s13, $0x2  }
0x5e: {  	s23 =	rddreg [dreg:$0x3];
	s18 =	sadd.s32 @!p2 s18, s22;
	s22 =	simm.s32 @!p2 $0x80  }
0x5f: {  	[tilespmem:s15], [sflag:s18] =	stream.indirect.gather @!p2 [hbm4b:s23+s22], $0x20, s19, s22, $0xb8;
	[tilespmem:$0x1FBE0] =	vst v63  }
0x60: {  	s22 =	sshra.s32 s24, $0x2;
	s23 =	smulhi.u32 $0x88888889, s0;
	p2 =	slt.u32 s17, $0x3  }
0x61: {  	s24 =	smul.u32 $0xFFFE8000, s20;
	s19 =	sor.u32 $0x1, s22;
	s20 =	sshra.s32 @!p2 s13, $0x2  }
0x62: {  	s15 =	sadd.s32 $0x7, s22;
	s13 =	sadd.s32 $0x4, s13;
	s18 =	sshrl.u32 s23, $0x3  }
0x63: {  	s19 =	sadd.s32 @!p2 s20, s19;
	s17 =	sshra.s32 s24, $0x2;
	s18 =	smul.u32 $0xFFFFE200, s18  }
0x64: {  	s15 =	sadd.s32 @!p2 s20, s15;
	_ =	swait.ge @!p2 [sflag:s19], $0x1000;
	s17 =	sadd.s32 s17, s14  }
0x65: {  	[sflag:s19] =	ssyncset.done @!p2 $0x0;
	s25 =	rddreg [dreg:$0x4];
	s18 =	sshra.s32 s18, $0x2  }
0x66: {  	[sflag:s19] =	ssyncadd.s32 @!p2 $0xFFFFF000;
	s19 =	simm.s32 @!p2 $0x80;
	s18 =	sadd.s32 s18, s2  }
0x67: {  	[spmem:s1] =	stream.indirect.scatter.add.f32 @!p2 [tilespmem:s17], [sflag:s15], $0x20, s18, s19, $0xb8;
	[tilespmem:$0x1FBE0] =	vst v63  }
0x68: {  	p2 =	sne.s32 s25, s13  }
.Ltmp3:
0x69: {  	_ = 	snop;
	(pc) =	sbr.rel @p2 .LBB2_8-.Ltmp3, $3  }
0x6a: {  	_ =	sdelay $0x1  }
0x6b: {  	s11 =	sadd.s32 $0x1, s11;
	s8 =	sadd.s32 $0x80, s8;
	s9 =	sadd.s32 $0x1000, s9  }
0x6c: {  	s0 =	sadd.s32 $0x1, s0;
	s14 =	sadd.s32 $0x1000, s14;
	s2 =	sadd.s32 $0x80, s2  }
0x6d: {  	s0 =	simm.s32 $0xA  }
0x6e: {  	_ =	swait.ge [sflag:s0], $0x1000  }
0x6f: {  	[sflag:s0] =	ssyncset.done $0x0  }
0x70: {  	[sflag:s0] =	ssyncadd.s32 $0xFFFFF000  }
0x71: {  	_ =	swait.ge [sflag:s16], $0x1000  }
0x72: {  	[sflag:s16] =	ssyncset.done $0x0  }
0x73: {  	[sflag:s16] =	ssyncadd.s32 $0xFFFFF000  }
0x74: {  	_ =	swait.ge [sflag:s21], $0x1000  }
0x75: {  	[sflag:s21] =	ssyncset.done $0x0  }
0x76: {  	[sflag:s21] =	ssyncadd.s32 $0xFFFFF000  }
0x77: {  	_ =	swait.ge [sflag:s26], $0x1000  }
0x78: {  	[sflag:s26] =	ssyncset.done $0x0  }
0x79: {  	[sflag:s26] =	ssyncadd.s32 $0xFFFFF000  }
0x7a: {  	_ =	swait.ge [sflag:s28], $0x1000  }
0x7b: {  	[sflag:s28] =	ssyncset.done $0x0  }
0x7c: {  	[sflag:s28] =	ssyncadd.s32 $0xFFFFF000  }
0x7d: {  	_ =	swait.ge [sflag:s29], $0x1000  }
0x7e: {  	[sflag:s29] =	ssyncset.done $0x0  }
0x7f: {  	[sflag:s29] =	ssyncadd.s32 $0xFFFFF000  }
0x80: {  	[bflag:$0x0] =	sbarrier.arrive $0xFFFF  }
0x81: {  	s24 =	sshll.u32 s3, $0x6;
	s2 =	rddreg [dreg:$0x8]  }
0x82: {  	s0 =	sor.u32 $0x1C10, s24;
	s8 =	rddreg [dreg:$0xc]  }
0x83: {  	[hbm:s2], [sflag:s0] =	dma.local [spmem:s8], $0xFA0  }
0x84: {  	s2 =	rddreg [dreg:$0x9]  }
0x85: {  	s8 =	rddreg [dreg:$0xd]  }
0x86: {  	[hbm:s2], [sflag:s0] =	dma.local [spmem:s8], $0xFA0  }
0x87: {  	s2 =	rddreg [dreg:$0xa]  }
0x88: {  	s8 =	rddreg [dreg:$0xe]  }
0x89: {  	[hbm:s2], [sflag:s0] =	dma.local [spmem:s8], $0xFA0  }
0x8a: {  	s2 =	rddreg [dreg:$0xb]  }
0x8b: {  	s8 =	rddreg [dreg:$0xf]  }
0x8c: {  	[hbm:s2], [sflag:s0] =	dma.local @!p0 [spmem:s8], $0xFA0  }
0x8d: {  	_ =	swait.ge [sflag:s30], $0xFA0  }
0x8e: {  	[sflag:s30] =	ssyncset.done $0x0  }
0x8f: {  	[sflag:s30] =	ssyncadd.s32 $0xFFFFF060  }
0x90: {  	_ =	swait.ge [sflag:s30], $0xFA0  }
0x91: {  	[sflag:s30] =	ssyncset.done $0x0  }
0x92: {  	[sflag:s30] =	ssyncadd.s32 $0xFFFFF060  }
0x93: {  	_ =	swait.ge [sflag:s30], $0xFA0  }
0x94: {  	[sflag:s30] =	ssyncset.done $0x0  }
0x95: {  	s0 =	simm.s32 @!p1 $0x10;
	[sflag:s30] =	ssyncadd.s32 $0xFFFFF060  }
0x96: {  	_ =	swait.ge @!p1 [sflag:s0], $0xFA0  }
0x97: {  	s31 =	sadd.s32 $0x1, s31;
	s25 =	rddreg [dreg:$0x7]  }
0x98: {  	p2 =	sne.s32 s31, s25  }
.Ltmp4:
0x99: {  	_ = 	snop;
	(pc) =	sbr.rel @p2 .LBB2_1-.Ltmp4, $3  }
0x9a: {  	_ =	sdelay $0x1  }
0x9b: {  	[sflag:s0] =	ssyncset.done @!p1 $0x0  }
0x9c: {  	[sflag:s0] =	ssyncadd.s32 @!p1 $0xFFFFF060  }
0x9d: {  	_ =	sfence.sel $0x180000  }
0x9e: {  	[bflag:$0x0] =	sbarrier.arrive $0xFFFF  }
0x9f: {  	_ =	strace $0x9000004D  }
0xa0: {  	[bflag:$0x2] =	sbarrier.arrive $0xFFFF  }
0xa1: {  	p0 =	sne.s32 s3, $0x0;
	s0 =	rddreg [dreg:$0x2]  }
0xa2: {  	s0 =	sadd.s32 @!p0 $0x100000, s0  }
0xa3: {  	[sflag:s0] =	ssyncadd.tile.s32 @!p0 $0x1;
	_ =	shalt  }
.Lfunc_end2:
_tile_overlayer_lowered:
.L_overlay_start_2:
0xa4: {  	(tag) =	ssettag $0x2  }
0xa5: {  	s0 =	rddreg [dreg:$0x0];
	s2 =	stileid.u32  }
0xa6: {  	s1 =	rddreg [dreg:$0x1];
	p0 =	sne.s32 s2, $0x0  }
0xa7: {  	s3 =	rddreg [dreg:$0x2];
	[bflag:$0x3] =	sbarrier.arrive $0xFFFF;
	s2 =	simm.s32 @!p0 $0x1C11  }
0xa8: {  	[timem:s3], [sflag:s2] =	dma.local @!p0 [hbm:s0], s1  }
0xa9: {  	s0 =	simm.s32 @!p0 $0x11  }
0xaa: {  	_ =	swait.ge @!p0 [sflag:s0], s1  }
0xab: {  	s1 =	ssub.s32 @!p0 $0x0, s1;
	[sflag:s0] =	ssyncset.done @!p0 $0x0  }
0xac: {  	[sflag:s0] =	ssyncadd.s32 @!p0 s1  }
0xad: {  	[bflag:$0x3] =	sbarrier.arrive $0xFFFF  }
0xae: {  	_ =	shalt  }

// kernel: kernel.20.cloned.1.call-start
scs
__scs_entry_jumppad:
0x0: {  	(pc) =	sbr.rel $0x88, $3  }
0x1: {  	(tag) =	ssettag $0x0;
	lr =	simm.s32 $0x1  }
0x2: {  	[smem:$0x3F9B] =	sst lr;
	_ =	strace $0xD0000000  }
0x3: {  	_ = 	snop  }
0x4: {  	_ = 	snop  }
0x5: {  	_ = 	snop  }
0x6: {  	_ = 	snop  }
0x7: {  	_ = 	snop  }
__scs_overlays_trampoline_lowered:
0x8: {  	[smem:$0x3FAA] =	sst s0  }
0x9: {  	[smem:$0x3FAB] =	sst s1  }
0xa: {  	[smem:$0x3FAC] =	sst s2  }
0xb: {  	[smem:$0x3FAD] =	sst s3  }
0xc: {  	[smem:$0x3FAE] =	sst s4  }
0xd: {  	[smem:$0x3FAF] =	sst s5  }
0xe: {  	[smem:$0x3FB0] =	sst s6  }
0xf: {  	[smem:$0x3FB1] =	sst s7  }
0x10: {  	[smem:$0x3FB2] =	sst s8  }
0x11: {  	[smem:$0x3FB3] =	sst s9;
	s0 =	simm.s32 @!p0 $0x0  }
0x12: {  	s1 =	sld [smem:$0x3F99];
	s0 =	simm.s32 @p0 $0x1  }
0x13: {  	[smem:$0x3FB4] =	sst s0;
	s0 =	simm.s32 @!p1 $0x0  }
0x14: {  	s2 =	sld [smem:$0x3F98];
	s0 =	simm.s32 @p1 $0x1  }
0x15: {  	[smem:$0x3FB5] =	sst s0;
	s0 =	simm.s32 @!p2 $0x0  }
0x16: {  	s3 =	sld [smem:$0x3FDB];
	s0 =	simm.s32 @p2 $0x1  }
0x17: {  	s4 =	simm.s32 $0x1BF5;
	[smem:$0x3FB7] =	sst s0  }
0x18: {  	s0 =	sld [smem:$0x3F9A];
	_ =	swait.ge [sflag:s4], $0x0  }
0x19: {  	s7 =	sld [smem:$0x3F9B]  }
0x1a: {  	s8 =	sadd.s32 $0xFFFFE003, lr  }
0x1b: {  	s9 =	sadd.s32 $0xFFFFFEF7, lr;
	s5 =	simm.s32 $0xFFFFFFFF;
	p2 =	slt.u32 s8, $0xFFFFF086  }
0x1c: {  	p1 =	slt.u32 s9, $0xF7A;
	s5 =	simm.s32 @!p2 $0x0  }
0x1d: {  	s5 =	simm.s32 @p1 $0x1;
	p0 =	seq.s32 s7, s2  }
0x1e: {  	s7 =	smul.u32 @!p0 $0xF7A, s2;
	p2 =	seq.s32 @!p0 s5, $0x0  }
0x1f: {  	s9 =	smul.u32 $0xF7A, s1;
	s8 =	simm.s32 @!p0 $0x1BF5;
	p2 =	por !p2, p0  }
0x20: {  	[sflag:s8] =	ssyncset.s32 @!p0 $0xFFFFF086;
	s6 =	sadd.s32 @!p0 s3, s7;
	s7 =	simm.s32 @!p0 $0x108  }
0x21: {  	s3 =	sadd.s32 s3, s9;
	s6 =	sadd.s32 @!p0 $0x88, s6;
	s7 =	simm.s32 @p2 $0x1082  }
0x22: {  	[simem:s7], [sflag:s8] =	dma.local @!p0 [hbm:s6], $0xF7A  }
0x23: {  	s9 =	sor.u32 $0xD0000000, s2;
	s6 =	simm.s32 $0x108;
	_ =	swait.ge @!p0 [sflag:s8], $0x0  }
0x24: {  	s3 =	sadd.s32 $0x88, s3;
	s6 =	simm.s32 @!p1 $0x1082;
	[sflag:s4] =	ssyncset.s32 $0xFFFFF086  }
0x25: {  	[simem:s6], [sflag:s4] =	dma.local [hbm:s3], $0xF7A  }
0x26: {  	[smem:$0x3F9B] =	sst s1;
	(tag) =	ssettag s2;
	_ =	strace s9  }
0x27: {  	s1 =	sld [smem:$0x3FAB]  }
0x28: {  	s2 =	sld [smem:$0x3FAC]  }
0x29: {  	s4 =	sld [smem:$0x3FAE]  }
0x2a: {  	p0 =	seq.s32 s5, $0x0;
	s5 =	sld [smem:$0x3FAF]  }
0x2b: {  	s6 =	sld [smem:$0x3FB0]  }
0x2c: {  	s7 =	sld [smem:$0x3FB1]  }
0x2d: {  	s3 =	simm.s32 $0x108;
	s8 =	sld [smem:$0x3FB2]  }
0x2e: {  	s3 =	simm.s32 @!p0 $0x1082;
	s9 =	sld [smem:$0x3FB3]  }
0x2f: {  	lr =	sadd.s32 s0, s3;
	s0 =	sld [smem:$0x3FAA]  }
0x30: {  	s3 =	sld [smem:$0x3FAD]  }
0x31: {  	[smem:$0x3FB6] =	sst s10  }
0x32: {  	s10 =	sld [smem:$0x3FB4];
	_ =	sdelay $0x3  }
0x33: {  	p0 =	seq.s32 s10, $0x1;
	s10 =	sld [smem:$0x3FB6];
	_ =	sdelay $0x3  }
0x34: {  	[smem:$0x3FB6] =	sst s10  }
0x35: {  	s10 =	sld [smem:$0x3FB5];
	_ =	sdelay $0x3  }
0x36: {  	p1 =	seq.s32 s10, $0x1;
	s10 =	sld [smem:$0x3FB6];
	_ =	sdelay $0x3  }
0x37: {  	[smem:$0x3FB6] =	sst s10  }
0x38: {  	s10 =	sld [smem:$0x3FB7]  }
0x39: {  	_ = 	snop;
	(pc) =	sbr.ind lr, $3  }
0x3a: {  	_ = 	snop  }
0x3b: {  	_ = 	snop  }
0x3c: {  	p2 =	seq.s32 s10, $0x1;
	s10 =	sld [smem:$0x3FB6]  }
0x3d: {  	_ =	shalt  }
0x3e: {  	_ =	shalt  }
0x3f: {  	_ =	shalt  }
0x40: {  	_ =	shalt  }
0x41: {  	_ =	shalt  }
0x42: {  	_ =	shalt  }
0x43: {  	_ =	shalt  }
0x44: {  	_ =	shalt  }
0x45: {  	_ =	shalt  }
0x46: {  	_ =	shalt  }
0x47: {  	_ =	shalt  }
0x48: {  	_ =	shalt  }
0x49: {  	_ =	shalt  }
0x4a: {  	_ =	shalt  }
0x4b: {  	_ =	shalt  }
0x4c: {  	_ =	shalt  }
0x4d: {  	_ =	shalt  }
0x4e: {  	_ =	shalt  }
0x4f: {  	_ =	shalt  }
0x50: {  	_ =	shalt  }
0x51: {  	_ =	shalt  }
0x52: {  	_ =	shalt  }
0x53: {  	_ =	shalt  }
0x54: {  	_ =	shalt  }
0x55: {  	_ =	shalt  }
0x56: {  	_ =	shalt  }
0x57: {  	_ =	shalt  }
0x58: {  	_ =	shalt  }
0x59: {  	_ =	shalt  }
0x5a: {  	_ =	shalt  }
0x5b: {  	_ =	shalt  }
0x5c: {  	_ =	shalt  }
0x5d: {  	_ =	shalt  }
0x5e: {  	_ =	shalt  }
0x5f: {  	_ =	shalt  }
0x60: {  	_ =	shalt  }
0x61: {  	_ =	shalt  }
0x62: {  	_ =	shalt  }
0x63: {  	_ =	shalt  }
0x64: {  	_ =	shalt  }
0x65: {  	_ =	shalt  }
0x66: {  	_ =	shalt  }
0x67: {  	_ =	shalt  }
0x68: {  	_ =	shalt  }
0x69: {  	_ =	shalt  }
0x6a: {  	_ =	shalt  }
0x6b: {  	_ =	shalt  }
0x6c: {  	_ =	shalt  }
0x6d: {  	_ =	shalt  }
0x6e: {  	_ =	shalt  }
0x6f: {  	_ =	shalt  }
0x70: {  	_ =	shalt  }
0x71: {  	_ =	shalt  }
0x72: {  	_ =	shalt  }
0x73: {  	_ =	shalt  }
0x74: {  	_ =	shalt  }
0x75: {  	_ =	shalt  }
0x76: {  	_ =	shalt  }
0x77: {  	_ =	shalt  }
0x78: {  	_ =	shalt  }
0x79: {  	_ =	shalt  }
0x7a: {  	_ =	shalt  }
0x7b: {  	_ =	shalt  }
0x7c: {  	_ =	shalt  }
0x7d: {  	_ =	shalt  }
0x7e: {  	_ =	shalt  }
0x7f: {  	_ =	shalt  }
0x80: {  	_ =	shalt  }
0x81: {  	_ =	shalt  }
0x82: {  	_ =	shalt  }
0x83: {  	_ =	shalt  }
0x84: {  	_ =	shalt  }
0x85: {  	_ =	shalt  }
0x86: {  	_ =	shalt  }
0x87: {  	_ =	shalt  }
.Lfunc_end0:
.L_simem_size_0:
called_computation.3_lowered:
.L_overlay_start_0:
0x88: {  	s2 =	sld [smem:$0x3FD9]  }
0x89: {  	s3 =	sld [smem:$0x3FFE];
	_ =	sdelay $0x1  }
0x8a: {  	s1 =	srdreg.scid  }
0x8b: {  	s0 =	sand.u32 $0x1, s1  }
0x8c: {  	s16 =	sshll.u32 s0, $0xA;
	s2 =	sadd.s32 s3, s2  }
0x8d: {  	s2 =	sadd.s32 s2, s16  }
0x8e: {  	[smem:$0x3FC2] =	sst s2  }
0x8f: {  	_ = 	snop  }
0x90: {  	(tm) =	ssettm $0x1  }
0x91: {  	s17 =	sld [smem:$0x3FFB];
	_ =	sdelay $0x3  }
0x92: {  	_ =	strace s17  }
0x93: {  	s2 =	sld [smem:$0x3FFC];
	_ =	sdelay $0x3  }
0x94: {  	_ =	strace s2  }
0x95: {  	s2 =	sld [smem:$0x3FFD];
	_ =	sdelay $0x3  }
0x96: {  	_ =	strace s2  }
0x97: {  	_ =	strace $0x8FFFFFFF  }
0x98: {  	s18 =	sld [smem:$0x3FDB];
	_ =	sdelay $0x1  }
0x99: {  	s19 =	simm.s32 $_scs_section_size  }
0x9a: {  	s4 =	simm.s32 $_size__tile_overlayer_lowered;
	s5 =	simm.s32 $_tile_overlayer_lowered  }
0x9b: {  	s22 =	simm.s32 $0x1BFF;
	s21 =	sshll.u32 s5, $0x1;
	s2 =	sadd.s32 s19, s18  }
0x9c: {  	s6 =	simm.s32 $0x0;
	s20 =	sshll.u32 s4, $0x1;
	s4 =	sadd.s32 s21, s2  }
0x9d: {  	[timem:s6], [sflag:s22] =	dma.local [hbm:s4], s20  }
0x9e: {  	_ =	swait.ge [sflag:s22], s20  }
0x9f: {  	s3 =	ssub.s32 $0x0, s20;
	[sflag:s22] =	ssyncset.done $0x0  }
0xa0: {  	[sflag:s22] =	ssyncadd.s32 s3;
	_ =	sdelay $0x1  }
0xa1: {  	s23 =	simm.s32 $0x1B8B  }
0xa2: {  	_ =	swait.ge [sflag:s23], $0x1  }
0xa3: {  	[sflag:s23] =	ssyncset.done $0x0  }
0xa4: {  	s25 =	simm.s32 $0x1B8E;
	s24 =	sld [smem:$0x3FFE];
	[sflag:s23] =	ssyncadd.s32 $0xFFFFFFFF  }
0xa5: {  	s26 =	simm.s32 $execute0_lowered;
	[smem:$0x3FD2] =	sst s25  }
0xa6: {  	s4 =	sshll.u32 s26, $0x1;
	_ =	strace $0x8000004F;
	[dreg:$0x1] =	wrdreg $0xFFFFFFFF  }
0xa7: {  	s28 =	simm.s32 $_size_execute0_lowered;
	s2 =	sadd.s32 s2, s4;
	[dreg:$0x0] =	wrdreg $0x0  }
0xa8: {  	s4 =	sshll.u32 s28, $0x1;
	[dreg:$0x2] =	wrdreg s2  }
0xa9: {  	[dreg:$0x3] =	wrdreg s4  }
0xaa: {  	[dreg:$0x4] =	wrdreg $0xC0  }
0xab: {  	_ =	task [dreg:s6], $0x5FFFF  }
0xac: {  	[dreg:$0x1] =	wrdreg $0xFFFFFFFF  }
0xad: {  	[dreg:$0x0] =	wrdreg $0x60  }
0xae: {  	[dreg:$0x2] =	wrdreg s24  }
0xaf: {  	[dreg:$0x3] =	wrdreg $0x0  }
0xb0: {  	[dreg:$0x4] =	wrdreg $0x9  }
0xb1: {  	_ =	task.clear_ibuf [dreg:s6], $0x5FFFF;
	_ =	strace $0x9000004F  }
0xb2: {  	s29 =	simm.s32 $0x9;
	_ =	strace $0x80000051  }
0xb3: {  	_ =	swait.ge [sflag:s29], $0x1  }
0xb4: {  	[sflag:s29] =	ssyncadd.s32 $0xFFFFFFFF  }
0xb5: {  	_ =	strace $0x90000051  }
0xb6: {  	_ =	sfence  }
0xb7: {  	s30 =	sld [smem:$0x0];
	_ =	sdelay $0x2  }
0xb8: {  	s31 =	sshll.u32 s1, $0xD;
	s1 =	sshrl.u32 s1, $0x2  }
0xb9: {  	s3 =	sand.u32 $0x4000, s31;
	s1 =	sadd.s32 s1, s30  }
0xba: {  	s0 =	sor.u32 s3, s0;
	s1 =	sshll.u32 s1, $0x11  }
0xbb: {  	s0 =	sor.u32 s1, s0  }
0xbc: {  	s0 =	sadd.s32 $0x8F2B, s0  }
0xbd: {  	[sflag:s0] =	ssyncadd.remote.s32 $0x1  }
0xbe: {  	_ =	sfence.sel $0xFFFF  }
0xbf: {  	[dreg:$0x0] =	wrdreg $0xFFFFFFFF;
	(pc) =	sbr.abs _section_cstart, $3  }
0xc0: {  	[dreg:$0x1] =	wrdreg $0xFFFFFFFF  }
0xc1: {  	_ =	task.clear_ibuf [dreg:s6], $0x2FFFF;
	_ =	strace $0x9FFFFFFF  }
0xc2: {  	(tm) =	ssettm $0x7FFFFFFF  }
0xc3: {  	_ =	shalt  }
tec
execute0_lowered:
.L_overlay_start_1:
0x0: {  	(tag) =	ssettag $0x1  }
0x1: {  	s0 =	rddreg [dreg:$0x0]  }
0x2: {  	s1 =	rddreg [dreg:$0x1];
	s2 =	simm.s32 $0x0;
	s22 =	srdreg.scid  }
0x3: {  	s3 =	stileid.u32;
	s9 =	simm.s32 $0x628;
	s16 =	simm.s32 $0xB  }
0x4: {  	s28 =	simm.s32 $0xE;
	s29 =	simm.s32 $0xF;
	s30 =	simm.s32 $0x10  }
0x5: {  	s31 =	simm.s32 $0x0;
	[smem:$0x7FF] =	sst s2;
	s4 =	sadd.s32 $0x7AE00, s0  }
0x6: {  	s2 =	sand.u32 $0x1, s22;
	s5 =	sadd.s32 $0x62600, s0;
	s8 =	smul.u32 $0x186, s3  }
0x7: {  	s23 =	smin.u32 s3, $0xA;
	p0 =	slt.u32 s3, $0xA;
	s25 =	smul.u32 $0x7D00, s3  }
0x8: {  	s18 =	sor.u32 $0x30, s3;
	s15 =	smul.u32 $0x1900, s3;
	p1 =	sgt.u32 s3, $0x1  }
0x9: {  	_ =	strace $0x80000050;
	s6 =	smul.u32 $0x30D40, s2;
	s2 =	ssub.s32 $0x2, s2  }
0xa: {  	s9 =	simm.s32 @!p0 $0x624;
	s13 =	smul.u32 $0x7D00, s18;
	s7 =	sshrl.u32 s2, $0x1  }
0xb: {  	[dreg:$0x4] =	wrdreg s9;
	s26 =	sshrl.u32 s25, $0x3;
	s11 =	sadd.s32 s25, s1  }
0xc: {  	s12 =	sadd.s32 $0x7D000, s25;
	s9 =	sadd.s32 $0xFA000, s25;
	s21 =	sshrl.u32 s15, $0x2  }
0xd: {  	s0 =	sadd.s32 s6, s0;
	s2 =	ssub.s32 s2, s7;
	s6 =	sadd.s32 s23, s8  }
0xe: {  	s7 =	simm.s32 $0x187;
	s14 =	sshrl.u32 s12, $0x3;
	s24 =	sadd.s32 $0xA00, s0  }
0xf: {  	s17 =	sadd.s32 s12, s1;
	s2 =	smax.u32 s2, $0x1;
	[dreg:$0x3] =	wrdreg s24  }
0x10: {  	s8 =	sshll.u32 s6, $0x4;
	s25 =	sshrl.u32 s17, $0x3;
	[dreg:$0x7] =	wrdreg s2  }
0x11: {  	s19 =	sshrl.u32 s9, $0x3;
	s10 =	sadd.s32 s4, s8;
	[dreg:$0xd] =	wrdreg s25  }
0x12: {  	s0 =	sadd.s32 $0x93600, s0;
	s8 =	sadd.s32 s5, s8;
	[dreg:$0x5] =	wrdreg s10  }
0x13: {  	s20 =	sshrl.u32 s13, $0x3;
	s2 =	sadd.s32 s26, s0;
	[dreg:$0x6] =	wrdreg s8  }
0x14: {  	s7 =	simm.s32 @!p0 $0x186;
	s22 =	sadd.s32 s14, s0;
	[dreg:$0x8] =	wrdreg s2  }
0x15: {  	p0 =	sgt.u32 s18, $0x31;
	s23 =	sadd.s32 s19, s0;
	[dreg:$0x9] =	wrdreg s22  }
0x16: {  	s9 =	sadd.s32 s9, s1;
	s0 =	sadd.s32 @!p0 s20, s0;
	[dreg:$0xa] =	wrdreg s23  }
0x17: {  	s13 =	sadd.s32 s13, s1;
	s24 =	sshrl.u32 s11, $0x3;
	[dreg:$0xb] =	wrdreg s0  }
0x18: {  	s12 =	sadd.s32 s21, s1;
	s26 =	sshrl.u32 s9, $0x3;
	[dreg:$0xc] =	wrdreg s24  }
0x19: {  	s21 =	simm.s32 $0xC;
	[dreg:$0xe] =	wrdreg s26;
	s0 =	sshrl.u32 @!p0 s13, $0x3  }
0x1a: {  	v0 =	vimm.f32 $0.0e+00;
	s10 =	ssub.s32 $0x3E8, s3;
	s26 =	simm.s32 $0xD;
	[dreg:$0xf] =	wrdreg s0  }
.LBB2_1:
0x1b: {  	s0 =	simm.s32 $0x0;
	s2 =	rddreg [dreg:$0x5];
	s8 =	simm.s32 $0x1E6A0  }
0x1c: {  	[tilespmem:s8], [sflag:$0x1] =	stream.linear.gather [hbm4b:s2+s0], $0x280, $0x38;
	[tilespmem:$0x1FBE0] =	vst v63  }
0x1d: {  	s24 =	rddreg [dreg:$0x6];
	s25 =	simm.s32 $0x1EE20  }
0x1e: {  	[tilespmem:s25], [sflag:$0x1] =	stream.linear.gather [hbm4b:s24+s0], $0x280, $0x38;
	[tilespmem:$0x1FBE0] =	vst v63  }
0x1f: {  	s2 =	simm.s32 $0x0;
	s0 =	simm.s32 $0x80  }
.LBB2_2:
0x20: {  	p2 =	sne.s32 s0, $0x1880;
	[tilespmem:s2+$0x1F5A0] =	vst v0;
	s8 =	smov.u32 s0;
	s0 =	sadd.s32 $0x80, s0  }
.Ltmp0:
0x21: {  	[tilespmem:s2+$0x1F5B0] =	vst v0;
	(pc) =	sbr.rel @p2 .LBB2_2-.Ltmp0, $2  }
0x22: {  	_ =	sdelay $0x2  }
0x23: {  	s2 =	sshra.s32 s8, $0x2  }
0x24: {  	s0 =	sadd.s32 $0x0, s3;
	[tilespmem:s2+$0x1F5A0] =	vst v0  }
0x25: {  	[tilespmem:s2+$0x1F5B0] =	vst v0;
	s2 =	sadd.s32 $0x6400, s12;
	p2 =	sgt.u32 s0, $0x3E7  }
0x26: {  	s8 =	smov.u32 s12;
	s0 =	simm.s32 $0x10;
	s9 =	simm.s32 @!p2 $0x1F5A0  }
.LBB2_4:
0x27: {  	[spmem:s8] =	stream.linear.scatter @!p2 [tilespmem:s9], [sflag:$0x10], $0x640, $0x38;
	[tilespmem:$0x1FBE0] =	vst v63  }
0x28: {  	s9 =	smov.u32 s0;
	s0 =	sadd.s32 $0x10, s0  }
0x29: {  	p3 =	sne.s32 s0, $0x3F0  }
.Ltmp1:
0x2a: {  	(pc) =	sbr.rel @p3 .LBB2_4-.Ltmp1, $4  }
0x2b: {  	s8 =	smov.u32 s2  }
0x2c: {  	s9 =	sadd.s32 s9, s3  }
0x2d: {  	p2 =	sgt.u32 s9, $0x3E7  }
0x2e: {  	s2 =	sadd.s32 $0x6400, s2;
	s9 =	simm.s32 @!p2 $0x1F5A0  }
0x2f: {  	[spmem:s8] =	stream.linear.scatter @!p2 [tilespmem:s9], [sflag:$0x10], $0x640, $0x38;
	[tilespmem:$0x1FBE0] =	vst v63  }
0x30: {  	p2 =	sle.u32 s10, $0x0  }
0x31: {  	s2 =	simm.s32 @!p2 $0x10  }
0x32: {  	_ =	swait.ge @!p2 [sflag:s2], $0x640  }
0x33: {  	s0 =	simm.s32 $0x10;
	[sflag:s2] =	ssyncset.done @!p2 $0x0  }
.LBB2_6:
0x34: {  	[sflag:s2] =	ssyncadd.s32 @!p2 $0xFFFFF9C0;
	s2 =	smov.u32 s0;
	s0 =	sadd.s32 $0x10, s0  }
0x35: {  	p3 =	sne.s32 s0, $0x3F0  }
.Ltmp2:
0x36: {  	(pc) =	sbr.rel @p3 .LBB2_6-.Ltmp2, $4  }
0x37: {  	p2 =	sge.u32 s2, s10  }
0x38: {  	s2 =	simm.s32 @!p2 $0x10  }
0x39: {  	_ =	swait.ge @!p2 [sflag:s2], $0x640  }
0x3a: {  	[sflag:s2] =	ssyncset.done @!p2 $0x0  }
0x3b: {  	[sflag:s2] =	ssyncadd.s32 @!p2 $0xFFFFF9C0;
	s0 =	simm.s32 $0xFFFFFFFD;
	s13 =	simm.s32 $0x0  }
0x3c: {  	s14 =	simm.s32 $0x156A0;
	s2 =	simm.s32 $0x1ECA0;
	s8 =	simm.s32 $0x1E6A0  }
0x3d: {  	s9 =	simm.s32 $0x186A0;
	s11 =	simm.s32 $0x0;
	[bflag:$0x0] =	sbarrier.arrive $0xFFFF  }
.LBB2_8:
0x3e: {  	s18 =	smulhi.u32 $0xCCCCCCCD, s11;
	_ =	sdelay $0x1  }
0x3f: {  	s17 =	sadd.s32 $0x3, s0;
	s18 =	sshrl.u32 s18, $0x2  }
0x40: {  	p2 =	sge.u32 s17, s7;
	s18 =	smul.u32 $0x14, s18  }
0x41: {  	s19 =	smulhi.u32 @!p2 $0xCCCCCCCD, s17  }
0x42: {  	p4 =	sne.s32 @!p2 s18, s13  }
0x43: {  	s18 =	sshrl.u32 @!p2 s19, $0x2;
	p3 =	por p4, p2  }
0x44: {  	s19 =	sadd.s32 @!p3 $0x1, s18  }
0x45: {  	s20 =	smul.u32 @!p3 $0x5, s19;
	_ =	sdelay $0x1  }
0x46: {  	p5 =	sge.u32 @!p3 s20, s7  }
0x47: {  	p4 =	por @!p2 p5, p4  }
0x48: {  	p4 =	por p4, p2  }
0x49: {  	s22 =	smulhi.u32 @!p4 $0x55555556, s19  }
0x4a: {  	s23 =	smulhi.u32 @!p2 $0x55555556, s18  }
0x4b: {  	s22 =	smul.u32 @!p4 $0x3, s22;
	_ =	sdelay $0x1  }
0x4c: {  	s23 =	smul.u32 @!p2 $0x3, s23;
	s20 =	sadd.s32 @!p4 s6, s20;
	s19 =	ssub.s32 @!p4 s19, s22  }
0x4d: {  	s20 =	sshll.u32 @!p4 s20, $0x4;
	s22 =	smul.u32 @!p4 $0x280, s19  }
0x4e: {  	s18 =	ssub.s32 @!p2 s18, s23;
	s15 =	simm.s32 @!p4 $0x0;
	s20 =	sand.u32 @!p4 $0x1FFFFFF0, s20  }
0x4f: {  	s25 =	sadd.s32 @!p4 s4, s20;
	s19 =	sadd.s32 @!p4 $0x1, s19;
	s24 =	sadd.s32 @!p4 $0x1E6A0, s22  }
0x50: {  	[tilespmem:s24], [sflag:s19] =	stream.linear.gather @!p4 [hbm4b:s25+s15], $0x280, $0x38;
	[tilespmem:$0x1FBE0] =	vst v63  }
0x51: {  	s20 =	sadd.s32 @!p4 s5, s20;
	s22 =	sadd.s32 @!p4 $0x1EE20, s22;
	s25 =	smulhi.u32 $0xAAAAAAAB, s0  }
0x52: {  	[tilespmem:s22], [sflag:s19] =	stream.linear.gather @!p4 [hbm4b:s20+s15], $0x280, $0x38;
	[tilespmem:$0x1FBE0] =	vst v63  }
0x53: {  	s18 =	sadd.s32 @!p3 $0x1, s18;
	s22 =	smulhi.u32 $0xAAAAAAAB, s11  }
0x54: {  	s23 =	smulhi.u32 $0x88888889, s11;
	_ =	swait.ge @!p3 [sflag:s18], $0x280  }
0x55: {  	s20 =	sshrl.u32 s25, $0x2;
	s15 =	sshrl.u32 s22, $0x2;
	[sflag:s18] =	ssyncset.done @!p3 $0x0  }
0x56: {  	s19 =	sshrl.u32 s23, $0x3;
	s25 =	smul.u32 $0xFFFFFFE8, s15;
	[sflag:s18] =	ssyncadd.s32 @!p3 $0xFFFFFD80  }
0x57: {  	p4 =	slt.u32 @!p2 s17, $0x6;
	s19 =	smul.u32 $0xFFFFE200, s19;
	_ =	swait.ge @!p3 [sflag:s18], $0x280  }
0x58: {  	p4 =	por p4, p2;
	s22 =	sshra.s32 s25, $0x2;
	[sflag:s18] =	ssyncset.done @!p3 $0x0  }
0x59: {  	s23 =	sadd.s32 $0xA, s22;
	[sflag:s18] =	ssyncadd.s32 @!p3 $0xFFFFFD80;
	s18 =	sshra.s32 @!p4 s13, $0x2  }
0x5a: {  	s19 =	sshra.s32 s19, $0x2;
	s15 =	smul.u32 $0xFFFE8000, s15;
	s18 =	sadd.s32 @!p4 s18, s23  }
0x5b: {  	s24 =	smul.u32 $0xFFFFFFE8, s20;
	s19 =	sadd.s32 s19, s8;
	_ =	swait.ge @!p4 [sflag:s18], $0x1000  }
0x5c: {  	s15 =	sshra.s32 s15, $0x2;
	s22 =	sadd.s32 $0x4, s22;
	[sflag:s18] =	ssyncset.done @!p4 $0x0  }
0x5d: {  	s15 =	sadd.s32 s15, s9;
	[sflag:s18] =	ssyncadd.s32 @!p4 $0xFFFFF000;
	s18 =	sshra.s32 @!p2 s13, $0x2  }
0x5e: {  	s23 =	rddreg [dreg:$0x3];
	s18 =	sadd.s32 @!p2 s18, s22;
	s22 =	simm.s32 @!p2 $0x80  }
0x5f: {  	[tilespmem:s15], [sflag:s18] =	stream.indirect.gather @!p2 [hbm4b:s23+s22], $0x20, s19, s22, $0xb8;
	[tilespmem:$0x1FBE0] =	vst v63  }
0x60: {  	s22 =	sshra.s32 s24, $0x2;
	s23 =	smulhi.u32 $0x88888889, s0;
	p2 =	slt.u32 s17, $0x3  }
0x61: {  	s24 =	smul.u32 $0xFFFE8000, s20;
	s19 =	sor.u32 $0x1, s22;
	s20 =	sshra.s32 @!p2 s13, $0x2  }
0x62: {  	s15 =	sadd.s32 $0x7, s22;
	s13 =	sadd.s32 $0x4, s13;
	s18 =	sshrl.u32 s23, $0x3  }
0x63: {  	s19 =	sadd.s32 @!p2 s20, s19;
	s17 =	sshra.s32 s24, $0x2;
	s18 =	smul.u32 $0xFFFFE200, s18  }
0x64: {  	s15 =	sadd.s32 @!p2 s20, s15;
	_ =	swait.ge @!p2 [sflag:s19], $0x1000;
	s17 =	sadd.s32 s17, s14  }
0x65: {  	[sflag:s19] =	ssyncset.done @!p2 $0x0;
	s25 =	rddreg [dreg:$0x4];
	s18 =	sshra.s32 s18, $0x2  }
0x66: {  	[sflag:s19] =	ssyncadd.s32 @!p2 $0xFFFFF000;
	s19 =	simm.s32 @!p2 $0x80;
	s18 =	sadd.s32 s18, s2  }
0x67: {  	[spmem:s1] =	stream.indirect.scatter.add.f32 @!p2 [tilespmem:s17], [sflag:s15], $0x20, s18, s19, $0xb8;
	[tilespmem:$0x1FBE0] =	vst v63  }
0x68: {  	p2 =	sne.s32 s25, s13  }
.Ltmp3:
0x69: {  	_ = 	snop;
	(pc) =	sbr.rel @p2 .LBB2_8-.Ltmp3, $3  }
0x6a: {  	_ =	sdelay $0x1  }
0x6b: {  	s11 =	sadd.s32 $0x1, s11;
	s8 =	sadd.s32 $0x80, s8;
	s9 =	sadd.s32 $0x1000, s9  }
0x6c: {  	s0 =	sadd.s32 $0x1, s0;
	s14 =	sadd.s32 $0x1000, s14;
	s2 =	sadd.s32 $0x80, s2  }
0x6d: {  	s0 =	simm.s32 $0xA  }
0x6e: {  	_ =	swait.ge [sflag:s0], $0x1000  }
0x6f: {  	[sflag:s0] =	ssyncset.done $0x0  }
0x70: {  	[sflag:s0] =	ssyncadd.s32 $0xFFFFF000  }
0x71: {  	_ =	swait.ge [sflag:s16], $0x1000  }
0x72: {  	[sflag:s16] =	ssyncset.done $0x0  }
0x73: {  	[sflag:s16] =	ssyncadd.s32 $0xFFFFF000  }
0x74: {  	_ =	swait.ge [sflag:s21], $0x1000  }
0x75: {  	[sflag:s21] =	ssyncset.done $0x0  }
0x76: {  	[sflag:s21] =	ssyncadd.s32 $0xFFFFF000  }
0x77: {  	_ =	swait.ge [sflag:s26], $0x1000  }
0x78: {  	[sflag:s26] =	ssyncset.done $0x0  }
0x79: {  	[sflag:s26] =	ssyncadd.s32 $0xFFFFF000  }
0x7a: {  	_ =	swait.ge [sflag:s28], $0x1000  }
0x7b: {  	[sflag:s28] =	ssyncset.done $0x0  }
0x7c: {  	[sflag:s28] =	ssyncadd.s32 $0xFFFFF000  }
0x7d: {  	_ =	swait.ge [sflag:s29], $0x1000  }
0x7e: {  	[sflag:s29] =	ssyncset.done $0x0  }
0x7f: {  	[sflag:s29] =	ssyncadd.s32 $0xFFFFF000  }
0x80: {  	[bflag:$0x0] =	sbarrier.arrive $0xFFFF  }
0x81: {  	s24 =	sshll.u32 s3, $0x6;
	s2 =	rddreg [dreg:$0x8]  }
0x82: {  	s0 =	sor.u32 $0x1C10, s24;
	s8 =	rddreg [dreg:$0xc]  }
0x83: {  	[hbm:s2], [sflag:s0] =	dma.local [spmem:s8], $0xFA0  }
0x84: {  	s2 =	rddreg [dreg:$0x9]  }
0x85: {  	s8 =	rddreg [dreg:$0xd]  }
0x86: {  	[hbm:s2], [sflag:s0] =	dma.local [spmem:s8], $0xFA0  }
0x87: {  	s2 =	rddreg [dreg:$0xa]  }
0x88: {  	s8 =	rddreg [dreg:$0xe]  }
0x89: {  	[hbm:s2], [sflag:s0] =	dma.local [spmem:s8], $0xFA0  }
0x8a: {  	s2 =	rddreg [dreg:$0xb]  }
0x8b: {  	s8 =	rddreg [dreg:$0xf]  }
0x8c: {  	[hbm:s2], [sflag:s0] =	dma.local @!p0 [spmem:s8], $0xFA0  }
0x8d: {  	_ =	swait.ge [sflag:s30], $0xFA0  }
0x8e: {  	[sflag:s30] =	ssyncset.done $0x0  }
0x8f: {  	[sflag:s30] =	ssyncadd.s32 $0xFFFFF060  }
0x90: {  	_ =	swait.ge [sflag:s30], $0xFA0  }
0x91: {  	[sflag:s30] =	ssyncset.done $0x0  }
0x92: {  	[sflag:s30] =	ssyncadd.s32 $0xFFFFF060  }
0x93: {  	_ =	swait.ge [sflag:s30], $0xFA0  }
0x94: {  	[sflag:s30] =	ssyncset.done $0x0  }
0x95: {  	s0 =	simm.s32 @!p1 $0x10;
	[sflag:s30] =	ssyncadd.s32 $0xFFFFF060  }
0x96: {  	_ =	swait.ge @!p1 [sflag:s0], $0xFA0  }
0x97: {  	s31 =	sadd.s32 $0x1, s31;
	s25 =	rddreg [dreg:$0x7]  }
0x98: {  	p2 =	sne.s32 s31, s25  }
.Ltmp4:
0x99: {  	_ = 	snop;
	(pc) =	sbr.rel @p2 .LBB2_1-.Ltmp4, $3  }
0x9a: {  	_ =	sdelay $0x1  }
0x9b: {  	[sflag:s0] =	ssyncset.done @!p1 $0x0  }
0x9c: {  	[sflag:s0] =	ssyncadd.s32 @!p1 $0xFFFFF060  }
0x9d: {  	_ =	sfence.sel $0x180000  }
0x9e: {  	[bflag:$0x0] =	sbarrier.arrive $0xFFFF  }
0x9f: {  	_ =	strace $0x90000050  }
0xa0: {  	[bflag:$0x2] =	sbarrier.arrive $0xFFFF  }
0xa1: {  	p0 =	sne.s32 s3, $0x0;
	s0 =	rddreg [dreg:$0x2]  }
0xa2: {  	s0 =	sadd.s32 @!p0 $0x100000, s0  }
0xa3: {  	[sflag:s0] =	ssyncadd.tile.s32 @!p0 $0x1;
	_ =	shalt  }
.Lfunc_end2:
_tile_overlayer_lowered:
.L_overlay_start_2:
0xa4: {  	(tag) =	ssettag $0x2  }
0xa5: {  	s0 =	rddreg [dreg:$0x0];
	s2 =	stileid.u32  }
0xa6: {  	s1 =	rddreg [dreg:$0x1];
	p0 =	sne.s32 s2, $0x0  }
0xa7: {  	s3 =	rddreg [dreg:$0x2];
	[bflag:$0x3] =	sbarrier.arrive $0xFFFF;
	s2 =	simm.s32 @!p0 $0x1C11  }
0xa8: {  	[timem:s3], [sflag:s2] =	dma.local @!p0 [hbm:s0], s1  }
0xa9: {  	s0 =	simm.s32 @!p0 $0x11  }
0xaa: {  	_ =	swait.ge @!p0 [sflag:s0], s1  }
0xab: {  	s1 =	ssub.s32 @!p0 $0x0, s1;
	[sflag:s0] =	ssyncset.done @!p0 $0x0  }
0xac: {  	[sflag:s0] =	ssyncadd.s32 @!p0 s1  }
0xad: {  	[bflag:$0x3] =	sbarrier.arrive $0xFFFF  }
0xae: {  	_ =	shalt  }

</sc_bundles>
